<compile_context>
chip_gen: v7x
topology: tpu7x:2x2x1
jax: 0.10.2.dev20260603
libtpu: 0.0.44.dev20260713+nightly
codegen_flags: <defaults>
</compile_context>

<pallas_src>
import functools

import jax
import jax.numpy as jnp
from jax import lax
from jax.experimental import pallas as pl
from jax.experimental.pallas import tpu as pltpu
from jax.experimental.pallas import tpu_sc as plsc

B = 16384
D = 64
NC = 2
NS = 16
L = 16
NW = NC * NS
BPW = B // NW
RND = 256
NRND = BPW // RND
GPR = RND // L


def _body(uid_h, pid_h, nid_h, ut_h, it_h, pos_h, neg_h,
          idx_u, idx_p, idx_n, ixw_u, ixw_p, ixw_n,
          u_rows, p_rows, n_rows, pos_v, neg_v, su, sp, sn):
    cid = lax.axis_index("c")
    sid = lax.axis_index("s")
    wid = sid * NC + cid
    base = wid * BPW

    pltpu.sync_copy(uid_h.at[pl.ds(base, BPW)], idx_u)
    pltpu.sync_copy(pid_h.at[pl.ds(base, BPW)], idx_p)
    pltpu.sync_copy(nid_h.at[pl.ds(base, BPW)], idx_n)

    lane = lax.iota(jnp.int32, L)

    ut_flat = ut_h.at[pl.ds(0, 1), :]
    it_flat = it_h.at[pl.ds(0, 1), :]

    for r in range(NRND):

        def build(g, carry, r=r):
            boff = pl.multiple_of(r * RND + g * L, L)
            goff = pl.multiple_of(g * L, L)
            ixw_u[pl.ds(goff, L)] = idx_u[pl.ds(boff, L)] * 2
            ixw_p[pl.ds(goff, L)] = idx_p[pl.ds(boff, L)] * 2
            ixw_n[pl.ds(goff, L)] = idx_n[pl.ds(boff, L)] * 2
            return carry

        lax.fori_loop(0, GPR, build, 0)

        cu = pltpu.async_copy(ut_flat.at[ixw_u], u_rows, su)
        cp = pltpu.async_copy(it_flat.at[ixw_p], p_rows, sp)
        cn = pltpu.async_copy(it_flat.at[ixw_n], n_rows, sn)
        cu.wait()
        cp.wait()
        cn.wait()

        def group(g, carry, r=r):
            iv = lane + g * L
            rvec = jax.lax.shift_right_logical(iv, 1)
            cbase = (iv & 1) * D
            accp = jnp.zeros((L,), jnp.float32)
            accn = jnp.zeros((L,), jnp.float32)
            for d in range(D):
                cvec = cbase + d
                u = plsc.load_gather(u_rows, [rvec, cvec])
                p = plsc.load_gather(p_rows, [rvec, cvec])
                n = plsc.load_gather(n_rows, [rvec, cvec])
                accp = accp + u * p
                accn = accn + u * n
            off = pl.multiple_of(r * RND + g * L, L)
            pos_v[pl.ds(off, L)] = accp
            neg_v[pl.ds(off, L)] = accn
            return carry

        lax.fori_loop(0, GPR, group, 0)

    pltpu.sync_copy(pos_v, pos_h.at[pl.ds(base, BPW)])
    pltpu.sync_copy(neg_v, neg_h.at[pl.ds(base, BPW)])


def kernel(user_ids, pos_item_ids, neg_item_ids, user_table, item_table):
    mesh = plsc.VectorSubcoreMesh(core_axis_name="c", subcore_axis_name="s")
    f = functools.partial(
        pl.kernel,
        mesh=mesh,
        compiler_params=pltpu.CompilerParams(needs_layout_passes=False),
        out_type=(
            jax.ShapeDtypeStruct((B,), jnp.float32),
            jax.ShapeDtypeStruct((B,), jnp.float32),
        ),
        scratch_types=[
            pltpu.VMEM((BPW,), jnp.int32),
            pltpu.VMEM((BPW,), jnp.int32),
            pltpu.VMEM((BPW,), jnp.int32),
            pltpu.VMEM((RND,), jnp.int32),
            pltpu.VMEM((RND,), jnp.int32),
            pltpu.VMEM((RND,), jnp.int32),
            pltpu.VMEM((RND, D), jnp.float32),
            pltpu.VMEM((RND, D), jnp.float32),
            pltpu.VMEM((RND, D), jnp.float32),
            pltpu.VMEM((BPW,), jnp.float32),
            pltpu.VMEM((BPW,), jnp.float32),
            pltpu.SemaphoreType.DMA,
            pltpu.SemaphoreType.DMA,
            pltpu.SemaphoreType.DMA,
        ],
    )(_body)
    return f(
        user_ids.astype(jnp.int32),
        pos_item_ids.astype(jnp.int32),
        neg_item_ids.astype(jnp.int32),
        user_table,
        item_table,
    )

# --- scband reference (transcript-rebuilt; emitter-appended) ---
"""Pipeline reference for scband-bprmatrix-factorization-22239340659173 (READ-ONLY COPY).

The authoritative reference and input builder live on the scoring server;
editing this copy changes nothing except your own understanding.
"""

import jax, jax.numpy as jnp
import numpy as np

NUM_USERS = 1000000
NUM_ITEMS = 1000000
EMBED_DIM = 64
BATCH = 16384

def setup_inputs(seed: int = 0) -> dict:
    key = jax.random.key(seed)
    k1, k2, k3, k4, k5 = jax.random.split(key, 5)
    user_ids = jax.random.randint(k1, (BATCH,), 0, NUM_USERS, dtype=jnp.int64 if jax.config.jax_enable_x64 else jnp.int32)
    pos_item_ids = jax.random.randint(k2, (BATCH,), 0, NUM_ITEMS, dtype=jnp.int64 if jax.config.jax_enable_x64 else jnp.int32)
    neg_item_ids = jax.random.randint(k3, (BATCH,), 0, NUM_ITEMS, dtype=jnp.int64 if jax.config.jax_enable_x64 else jnp.int32)
    user_table = jax.random.normal(k4, (NUM_USERS, EMBED_DIM), dtype=jnp.float32) * 0.01
    item_table = jax.random.normal(k5, (NUM_ITEMS, EMBED_DIM), dtype=jnp.float32) * 0.01
    return {"user_ids": user_ids, "pos_item_ids": pos_item_ids, "neg_item_ids": neg_item_ids, "user_table": user_table, "item_table": item_table}

def reference(user_ids, pos_item_ids, neg_item_ids, user_table, item_table):
    user_emb = jnp.take(user_table, user_ids, axis=0)
    pos_emb = jnp.take(item_table, pos_item_ids, axis=0)
    neg_emb = jnp.take(item_table, neg_item_ids, axis=0)
    pos_score = jnp.sum(user_emb * pos_emb, axis=-1)
    neg_score = jnp.sum(user_emb * neg_emb, axis=-1)
    return (pos_score, neg_score)

if __name__ == "__main__":
    import jax
    _d = setup_inputs()
    print(jax.jit(kernel)(*tuple(_d.values())))

</pallas_src>

<mosaic_0001>
#map = affine_map<(d0, d1) -> (0)>
#map1 = affine_map<(d0, d1) -> (0, 0)>
module attributes {stable_mosaic.version = 14 : i64} {
  func.func @_body(%arg0: i32, %arg1: i32, %arg2: memref<16384xi32, #tpu.memory_space<hbm>>, %arg3: memref<16384xi32, #tpu.memory_space<hbm>>, %arg4: memref<16384xi32, #tpu.memory_space<hbm>>, %arg5: memref<1000000x64xf32, #tpu.memory_space<hbm>>, %arg6: memref<1000000x64xf32, #tpu.memory_space<hbm>>, %arg7: memref<16384xf32, #tpu.memory_space<hbm>>, %arg8: memref<16384xf32, #tpu.memory_space<hbm>>, %arg9: memref<512xi32, #tpu.memory_space<vmem>>, %arg10: memref<512xi32, #tpu.memory_space<vmem>>, %arg11: memref<512xi32, #tpu.memory_space<vmem>>, %arg12: memref<256xi32, #tpu.memory_space<vmem>>, %arg13: memref<256xi32, #tpu.memory_space<vmem>>, %arg14: memref<256xi32, #tpu.memory_space<vmem>>, %arg15: memref<256x64xf32, #tpu.memory_space<vmem>>, %arg16: memref<256x64xf32, #tpu.memory_space<vmem>>, %arg17: memref<256x64xf32, #tpu.memory_space<vmem>>, %arg18: memref<512xf32, #tpu.memory_space<vmem>>, %arg19: memref<512xf32, #tpu.memory_space<vmem>>, %arg20: memref<!tpu.dma_semaphore, #tpu.memory_space<semaphore_mem>>, %arg21: memref<!tpu.dma_semaphore, #tpu.memory_space<semaphore_mem>>, %arg22: memref<!tpu.dma_semaphore, #tpu.memory_space<semaphore_mem>>) attributes {dimension_semantics = [#tpu.dimension_semantics<core_parallel>, #tpu.dimension_semantics<subcore_parallel>], iteration_bounds = array<i64: 2, 16>, scalar_prefetch = 0 : i64, scratch_operands = 14 : i64, tpu.core_type = #tpu.core_type<sc_vector_subcore>, window_params = [{transform_indices = #map}, {transform_indices = #map}, {transform_indices = #map}, {transform_indices = #map1}, {transform_indices = #map1}, {transform_indices = #map}, {transform_indices = #map}]} {
    %mul3A = arith.constant 2 : i32
    %mul3A_0 = arith.muli %arg1, %mul3A : i32
    %add3A = arith.addi %mul3A_0, %arg0 : i32
    %mul3A_1 = arith.constant 512 : i32
    %mul3A_2 = arith.muli %add3A, %mul3A_1 : i32
    "tpu.region"() ({
      %run_scoped3A = tpu.sem_alloc : memref<!tpu.dma_semaphore, #tpu.memory_space<semaphore_mem>>
      %dma_start3A_96 = tpu.memref_slice %arg2[%mul3A_2] : memref<16384xi32, #tpu.memory_space<hbm>> -> memref<512xi32, #tpu.memory_space<hbm>>
      %dma_start3A_97 = tpu.memref_slice %arg2[%mul3A_2] : memref<16384xi32, #tpu.memory_space<hbm>> -> memref<512xi32, #tpu.memory_space<hbm>>
      tpu.enqueue_dma source(%dma_start3A_97 : memref<512xi32, #tpu.memory_space<hbm>>) target(%arg9 : memref<512xi32, #tpu.memory_space<vmem>>) target_semaphore(%run_scoped3A : memref<!tpu.dma_semaphore, #tpu.memory_space<semaphore_mem>>)
      %dma_wait3A_98 = tpu.memref_slice %arg2[%mul3A_2] : memref<16384xi32, #tpu.memory_space<hbm>> -> memref<512xi32, #tpu.memory_space<hbm>>
      %dma_wait3A_99 = tpu.memref_slice %arg2[%mul3A_2] : memref<16384xi32, #tpu.memory_space<hbm>> -> memref<512xi32, #tpu.memory_space<hbm>>
      tpu.wait_dma2 semaphore(%run_scoped3A : memref<!tpu.dma_semaphore, #tpu.memory_space<semaphore_mem>>) src(%dma_wait3A_99 : memref<512xi32, #tpu.memory_space<hbm>>) dst(%arg9 : memref<512xi32, #tpu.memory_space<vmem>>)
      tpu.yield
    }) : () -> ()
    "tpu.region"() ({
      %run_scoped3A = tpu.sem_alloc : memref<!tpu.dma_semaphore, #tpu.memory_space<semaphore_mem>>
      %dma_start3A_96 = tpu.memref_slice %arg3[%mul3A_2] : memref<16384xi32, #tpu.memory_space<hbm>> -> memref<512xi32, #tpu.memory_space<hbm>>
      %dma_start3A_97 = tpu.memref_slice %arg3[%mul3A_2] : memref<16384xi32, #tpu.memory_space<hbm>> -> memref<512xi32, #tpu.memory_space<hbm>>
      tpu.enqueue_dma source(%dma_start3A_97 : memref<512xi32, #tpu.memory_space<hbm>>) target(%arg10 : memref<512xi32, #tpu.memory_space<vmem>>) target_semaphore(%run_scoped3A : memref<!tpu.dma_semaphore, #tpu.memory_space<semaphore_mem>>)
      %dma_wait3A_98 = tpu.memref_slice %arg3[%mul3A_2] : memref<16384xi32, #tpu.memory_space<hbm>> -> memref<512xi32, #tpu.memory_space<hbm>>
      %dma_wait3A_99 = tpu.memref_slice %arg3[%mul3A_2] : memref<16384xi32, #tpu.memory_space<hbm>> -> memref<512xi32, #tpu.memory_space<hbm>>
      tpu.wait_dma2 semaphore(%run_scoped3A : memref<!tpu.dma_semaphore, #tpu.memory_space<semaphore_mem>>) src(%dma_wait3A_99 : memref<512xi32, #tpu.memory_space<hbm>>) dst(%arg10 : memref<512xi32, #tpu.memory_space<vmem>>)
      tpu.yield
    }) : () -> ()
    "tpu.region"() ({
      %run_scoped3A = tpu.sem_alloc : memref<!tpu.dma_semaphore, #tpu.memory_space<semaphore_mem>>
      %dma_start3A_96 = tpu.memref_slice %arg4[%mul3A_2] : memref<16384xi32, #tpu.memory_space<hbm>> -> memref<512xi32, #tpu.memory_space<hbm>>
      %dma_start3A_97 = tpu.memref_slice %arg4[%mul3A_2] : memref<16384xi32, #tpu.memory_space<hbm>> -> memref<512xi32, #tpu.memory_space<hbm>>
      tpu.enqueue_dma source(%dma_start3A_97 : memref<512xi32, #tpu.memory_space<hbm>>) target(%arg11 : memref<512xi32, #tpu.memory_space<vmem>>) target_semaphore(%run_scoped3A : memref<!tpu.dma_semaphore, #tpu.memory_space<semaphore_mem>>)
      %dma_wait3A_98 = tpu.memref_slice %arg4[%mul3A_2] : memref<16384xi32, #tpu.memory_space<hbm>> -> memref<512xi32, #tpu.memory_space<hbm>>
      %dma_wait3A_99 = tpu.memref_slice %arg4[%mul3A_2] : memref<16384xi32, #tpu.memory_space<hbm>> -> memref<512xi32, #tpu.memory_space<hbm>>
      tpu.wait_dma2 semaphore(%run_scoped3A : memref<!tpu.dma_semaphore, #tpu.memory_space<semaphore_mem>>) src(%dma_wait3A_99 : memref<512xi32, #tpu.memory_space<hbm>>) dst(%arg11 : memref<512xi32, #tpu.memory_space<vmem>>)
      tpu.yield
    }) : () -> ()
    %iota3A = tpu.iota {dimensions = array<i32: 0>} : vector<16xi32>
    %scan3A = arith.constant 0 : i32
    %scan3A_3 = arith.constant 0 : i32
    %scan3A_4 = arith.constant 16 : i32
    %scan3A_5 = arith.addi %scan3A_3, %scan3A_4 : i32
    %scan3A_6 = arith.constant 1 : i32
    scf.for %scan3A_96 = %scan3A_3 to %scan3A_5 step %scan3A_6  : i32 {
      %mul3A_97 = arith.constant 16 : i32
      %mul3A_98 = arith.muli %scan3A_96, %mul3A_97 : i32
      %add3A_99 = arith.constant 0 : i32
      %add3A_100 = arith.addi %add3A_99, %mul3A_98 : i32
      %multiple_of3A = tpu.assume_multiple %add3A_100, 16 : i32
      %mul3A_101 = arith.constant 16 : i32
      %mul3A_102 = arith.muli %scan3A_96, %mul3A_101 : i32
      %multiple_of3A_103 = tpu.assume_multiple %mul3A_102, 16 : i32
      %get3A = arith.index_cast %multiple_of3A : i32 to index
      %get3A_104 = tpu.vector_load %arg9[%get3A] {strides = array<i32>} : memref<512xi32, #tpu.memory_space<vmem>>, vector<16xi32>,
      %mul3A_105 = arith.constant 2 : i32
      %mul3A_106 = vector.broadcast %mul3A_105 : i32 to vector<16xi32>
      %mul3A_107 = arith.muli %get3A_104, %mul3A_106 : vector<16xi32>
      %swap3A = arith.index_cast %multiple_of3A_103 : i32 to index
      %swap3A_108 = tpu.vector_load %arg12[%swap3A] {strides = array<i32>} : memref<256xi32, #tpu.memory_space<vmem>>, vector<16xi32>,
      tpu.vector_store %arg12[%swap3A], %mul3A_107 {strides = array<i32>} : memref<256xi32, #tpu.memory_space<vmem>>, vector<16xi32>,
      %get3A_109 = arith.index_cast %multiple_of3A : i32 to index
      %get3A_110 = tpu.vector_load %arg10[%get3A_109] {strides = array<i32>} : memref<512xi32, #tpu.memory_space<vmem>>, vector<16xi32>,
      %mul3A_111 = arith.constant 2 : i32
      %mul3A_112 = vector.broadcast %mul3A_111 : i32 to vector<16xi32>
      %mul3A_113 = arith.muli %get3A_110, %mul3A_112 : vector<16xi32>
      %swap3A_114 = arith.index_cast %multiple_of3A_103 : i32 to index
      %swap3A_115 = tpu.vector_load %arg13[%swap3A_114] {strides = array<i32>} : memref<256xi32, #tpu.memory_space<vmem>>, vector<16xi32>,
      tpu.vector_store %arg13[%swap3A_114], %mul3A_113 {strides = array<i32>} : memref<256xi32, #tpu.memory_space<vmem>>, vector<16xi32>,
      %get3A_116 = arith.index_cast %multiple_of3A : i32 to index
      %get3A_117 = tpu.vector_load %arg11[%get3A_116] {strides = array<i32>} : memref<512xi32, #tpu.memory_space<vmem>>, vector<16xi32>,
      %mul3A_118 = arith.constant 2 : i32
      %mul3A_119 = vector.broadcast %mul3A_118 : i32 to vector<16xi32>
      %mul3A_120 = arith.muli %get3A_117, %mul3A_119 : vector<16xi32>
      %swap3A_121 = arith.index_cast %multiple_of3A_103 : i32 to index
      %swap3A_122 = tpu.vector_load %arg14[%swap3A_121] {strides = array<i32>} : memref<256xi32, #tpu.memory_space<vmem>>, vector<16xi32>,
      tpu.vector_store %arg14[%swap3A_121], %mul3A_120 {strides = array<i32>} : memref<256xi32, #tpu.memory_space<vmem>>, vector<16xi32>,
    }
    %scan3A_7 = arith.constant 16 : i32
    %dma_start3A = arith.constant 0 : i32
    %dma_start3A_8 = arith.constant 0 : i32
    %dma_start3A_9 = tpu.memref_slice %arg5[%dma_start3A, %dma_start3A_8] : memref<1000000x64xf32, #tpu.memory_space<hbm>> -> memref<1x64xf32, #tpu.memory_space<hbm>>
    %dma_start3A_10 = arith.constant 0 : i32
    %dma_start3A_11 = arith.constant 0 : i32
    %dma_start3A_12 = tpu.memref_slice %dma_start3A_9[%dma_start3A_10, %dma_start3A_11] : memref<1x64xf32, #tpu.memory_space<hbm>> -> memref<1x64xf32, #tpu.memory_space<hbm>>
    tpu.enqueue_indirect_dma source(%dma_start3A_12 : memref<1x64xf32, #tpu.memory_space<hbm>>) target(%arg15 : memref<256x64xf32, #tpu.memory_space<vmem>>) offsets(%arg12 : memref<256xi32, #tpu.memory_space<vmem>>) semaphore(%arg20 : memref<!tpu.dma_semaphore, #tpu.memory_space<semaphore_mem>>)
    %dma_start3A_13 = arith.constant 0 : i32
    %dma_start3A_14 = arith.constant 0 : i32
    %dma_start3A_15 = tpu.memref_slice %arg6[%dma_start3A_13, %dma_start3A_14] : memref<1000000x64xf32, #tpu.memory_space<hbm>> -> memref<1x64xf32, #tpu.memory_space<hbm>>
    %dma_start3A_16 = arith.constant 0 : i32
    %dma_start3A_17 = arith.constant 0 : i32
    %dma_start3A_18 = tpu.memref_slice %dma_start3A_15[%dma_start3A_16, %dma_start3A_17] : memref<1x64xf32, #tpu.memory_space<hbm>> -> memref<1x64xf32, #tpu.memory_space<hbm>>
    tpu.enqueue_indirect_dma source(%dma_start3A_18 : memref<1x64xf32, #tpu.memory_space<hbm>>) target(%arg16 : memref<256x64xf32, #tpu.memory_space<vmem>>) offsets(%arg13 : memref<256xi32, #tpu.memory_space<vmem>>) semaphore(%arg21 : memref<!tpu.dma_semaphore, #tpu.memory_space<semaphore_mem>>)
    %dma_start3A_19 = arith.constant 0 : i32
    %dma_start3A_20 = arith.constant 0 : i32
    %dma_start3A_21 = tpu.memref_slice %arg6[%dma_start3A_19, %dma_start3A_20] : memref<1000000x64xf32, #tpu.memory_space<hbm>> -> memref<1x64xf32, #tpu.memory_space<hbm>>
    %dma_start3A_22 = arith.constant 0 : i32
    %dma_start3A_23 = arith.constant 0 : i32
    %dma_start3A_24 = tpu.memref_slice %dma_start3A_21[%dma_start3A_22, %dma_start3A_23] : memref<1x64xf32, #tpu.memory_space<hbm>> -> memref<1x64xf32, #tpu.memory_space<hbm>>
    tpu.enqueue_indirect_dma source(%dma_start3A_24 : memref<1x64xf32, #tpu.memory_space<hbm>>) target(%arg17 : memref<256x64xf32, #tpu.memory_space<vmem>>) offsets(%arg14 : memref<256xi32, #tpu.memory_space<vmem>>) semaphore(%arg22 : memref<!tpu.dma_semaphore, #tpu.memory_space<semaphore_mem>>)
    %dma_wait3A = arith.constant 0 : i32
    %dma_wait3A_25 = arith.constant 0 : i32
    %dma_wait3A_26 = tpu.memref_slice %arg5[%dma_wait3A, %dma_wait3A_25] : memref<1000000x64xf32, #tpu.memory_space<hbm>> -> memref<1x64xf32, #tpu.memory_space<hbm>>
    %dma_wait3A_27 = arith.constant 0 : i32
    %dma_wait3A_28 = arith.constant 0 : i32
    %dma_wait3A_29 = tpu.memref_slice %dma_wait3A_26[%dma_wait3A_27, %dma_wait3A_28] : memref<1x64xf32, #tpu.memory_space<hbm>> -> memref<1x64xf32, #tpu.memory_space<hbm>>
    tpu.wait_indirect_dma semaphore(%arg20 : memref<!tpu.dma_semaphore, #tpu.memory_space<semaphore_mem>>) src(%dma_wait3A_29 : memref<1x64xf32, #tpu.memory_space<hbm>>) dst(%arg15 : memref<256x64xf32, #tpu.memory_space<vmem>>)
    %dma_wait3A_30 = arith.constant 0 : i32
    %dma_wait3A_31 = arith.constant 0 : i32
    %dma_wait3A_32 = tpu.memref_slice %arg6[%dma_wait3A_30, %dma_wait3A_31] : memref<1000000x64xf32, #tpu.memory_space<hbm>> -> memref<1x64xf32, #tpu.memory_space<hbm>>
    %dma_wait3A_33 = arith.constant 0 : i32
    %dma_wait3A_34 = arith.constant 0 : i32
    %dma_wait3A_35 = tpu.memref_slice %dma_wait3A_32[%dma_wait3A_33, %dma_wait3A_34] : memref<1x64xf32, #tpu.memory_space<hbm>> -> memref<1x64xf32, #tpu.memory_space<hbm>>
    tpu.wait_indirect_dma semaphore(%arg21 : memref<!tpu.dma_semaphore, #tpu.memory_space<semaphore_mem>>) src(%dma_wait3A_35 : memref<1x64xf32, #tpu.memory_space<hbm>>) dst(%arg16 : memref<256x64xf32, #tpu.memory_space<vmem>>)
    %dma_wait3A_36 = arith.constant 0 : i32
    %dma_wait3A_37 = arith.constant 0 : i32
    %dma_wait3A_38 = tpu.memref_slice %arg6[%dma_wait3A_36, %dma_wait3A_37] : memref<1000000x64xf32, #tpu.memory_space<hbm>> -> memref<1x64xf32, #tpu.memory_space<hbm>>
    %dma_wait3A_39 = arith.constant 0 : i32
    %dma_wait3A_40 = arith.constant 0 : i32
    %dma_wait3A_41 = tpu.memref_slice %dma_wait3A_38[%dma_wait3A_39, %dma_wait3A_40] : memref<1x64xf32, #tpu.memory_space<hbm>> -> memref<1x64xf32, #tpu.memory_space<hbm>>
    tpu.wait_indirect_dma semaphore(%arg22 : memref<!tpu.dma_semaphore, #tpu.memory_space<semaphore_mem>>) src(%dma_wait3A_41 : memref<1x64xf32, #tpu.memory_space<hbm>>) dst(%arg17 : memref<256x64xf32, #tpu.memory_space<vmem>>)
    %scan3A_42 = arith.constant 0 : i32
    %scan3A_43 = arith.constant 0 : i32
    %scan3A_44 = arith.constant 16 : i32
    %scan3A_45 = arith.addi %scan3A_43, %scan3A_44 : i32
    %scan3A_46 = arith.constant 1 : i32
    scf.for %scan3A_96 = %scan3A_43 to %scan3A_45 step %scan3A_46  : i32 {
      %mul3A_97 = arith.constant 16 : i32
      %mul3A_98 = arith.muli %scan3A_96, %mul3A_97 : i32
      %add3A_99 = vector.broadcast %mul3A_98 : i32 to vector<16xi32>
      %add3A_100 = arith.addi %iota3A, %add3A_99 : vector<16xi32>
      %shift_right_logical3A = arith.constant 1 : i32
      %shift_right_logical3A_101 = vector.broadcast %shift_right_logical3A : i32 to vector<16xi32>
      %shift_right_logical3A_102 = arith.shrui %add3A_100, %shift_right_logical3A_101 : vector<16xi32>
      %and3A = arith.constant 1 : i32
      %and3A_103 = vector.broadcast %and3A : i32 to vector<16xi32>
      %and3A_104 = arith.andi %add3A_100, %and3A_103 : vector<16xi32>
      %mul3A_105 = arith.constant 64 : i32
      %mul3A_106 = vector.broadcast %mul3A_105 : i32 to vector<16xi32>
      %mul3A_107 = arith.muli %and3A_104, %mul3A_106 : vector<16xi32>
      %broadcast_in_dim3A = arith.constant 0.000000e+00 : f32
      %broadcast_in_dim3A_108 = vector.broadcast %broadcast_in_dim3A : f32 to vector<16xf32>
      %broadcast_in_dim3A_109 = arith.constant 0.000000e+00 : f32
      %broadcast_in_dim3A_110 = vector.broadcast %broadcast_in_dim3A_109 : f32 to vector<16xf32>
      %add3A_111 = arith.constant 0 : i32
      %add3A_112 = vector.broadcast %add3A_111 : i32 to vector<16xi32>
      %add3A_113 = arith.addi %mul3A_107, %add3A_112 : vector<16xi32>
      %gather3A = tpu.vector_load_idx %arg15[%shift_right_logical3A_102, %add3A_113] : memref<256x64xf32, #tpu.memory_space<vmem>>[vector<16xi32>, vector<16xi32>], vector<16xf32>,
      %gather3A_114 = tpu.vector_load_idx %arg16[%shift_right_logical3A_102, %add3A_113] : memref<256x64xf32, #tpu.memory_space<vmem>>[vector<16xi32>, vector<16xi32>], vector<16xf32>,
      %gather3A_115 = tpu.vector_load_idx %arg17[%shift_right_logical3A_102, %add3A_113] : memref<256x64xf32, #tpu.memory_space<vmem>>[vector<16xi32>, vector<16xi32>], vector<16xf32>,
      %mul3A_116 = arith.mulf %gather3A, %gather3A_114 : vector<16xf32>
      %add3A_117 = arith.addf %broadcast_in_dim3A_108, %mul3A_116 : vector<16xf32>
      %mul3A_118 = arith.mulf %gather3A, %gather3A_115 : vector<16xf32>
      %add3A_119 = arith.addf %broadcast_in_dim3A_110, %mul3A_118 : vector<16xf32>
      %add3A_120 = arith.constant 1 : i32
      %add3A_121 = vector.broadcast %add3A_120 : i32 to vector<16xi32>
      %add3A_122 = arith.addi %mul3A_107, %add3A_121 : vector<16xi32>
      %gather3A_123 = tpu.vector_load_idx %arg15[%shift_right_logical3A_102, %add3A_122] : memref<256x64xf32, #tpu.memory_space<vmem>>[vector<16xi32>, vector<16xi32>], vector<16xf32>,
      %gather3A_124 = tpu.vector_load_idx %arg16[%shift_right_logical3A_102, %add3A_122] : memref<256x64xf32, #tpu.memory_space<vmem>>[vector<16xi32>, vector<16xi32>], vector<16xf32>,
      %gather3A_125 = tpu.vector_load_idx %arg17[%shift_right_logical3A_102, %add3A_122] : memref<256x64xf32, #tpu.memory_space<vmem>>[vector<16xi32>, vector<16xi32>], vector<16xf32>,
      %mul3A_126 = arith.mulf %gather3A_123, %gather3A_124 : vector<16xf32>
      %add3A_127 = arith.addf %add3A_117, %mul3A_126 : vector<16xf32>
      %mul3A_128 = arith.mulf %gather3A_123, %gather3A_125 : vector<16xf32>
      %add3A_129 = arith.addf %add3A_119, %mul3A_128 : vector<16xf32>
      %add3A_130 = arith.constant 2 : i32
      %add3A_131 = vector.broadcast %add3A_130 : i32 to vector<16xi32>
      %add3A_132 = arith.addi %mul3A_107, %add3A_131 : vector<16xi32>
      %gather3A_133 = tpu.vector_load_idx %arg15[%shift_right_logical3A_102, %add3A_132] : memref<256x64xf32, #tpu.memory_space<vmem>>[vector<16xi32>, vector<16xi32>], vector<16xf32>,
      %gather3A_134 = tpu.vector_load_idx %arg16[%shift_right_logical3A_102, %add3A_132] : memref<256x64xf32, #tpu.memory_space<vmem>>[vector<16xi32>, vector<16xi32>], vector<16xf32>,
      %gather3A_135 = tpu.vector_load_idx %arg17[%shift_right_logical3A_102, %add3A_132] : memref<256x64xf32, #tpu.memory_space<vmem>>[vector<16xi32>, vector<16xi32>], vector<16xf32>,
      %mul3A_136 = arith.mulf %gather3A_133, %gather3A_134 : vector<16xf32>
      %add3A_137 = arith.addf %add3A_127, %mul3A_136 : vector<16xf32>
      %mul3A_138 = arith.mulf %gather3A_133, %gather3A_135 : vector<16xf32>
      %add3A_139 = arith.addf %add3A_129, %mul3A_138 : vector<16xf32>
      %add3A_140 = arith.constant 3 : i32
      %add3A_141 = vector.broadcast %add3A_140 : i32 to vector<16xi32>
      %add3A_142 = arith.addi %mul3A_107, %add3A_141 : vector<16xi32>
      %gather3A_143 = tpu.vector_load_idx %arg15[%shift_right_logical3A_102, %add3A_142] : memref<256x64xf32, #tpu.memory_space<vmem>>[vector<16xi32>, vector<16xi32>], vector<16xf32>,
      %gather3A_144 = tpu.vector_load_idx %arg16[%shift_right_logical3A_102, %add3A_142] : memref<256x64xf32, #tpu.memory_space<vmem>>[vector<16xi32>, vector<16xi32>], vector<16xf32>,
      %gather3A_145 = tpu.vector_load_idx %arg17[%shift_right_logical3A_102, %add3A_142] : memref<256x64xf32, #tpu.memory_space<vmem>>[vector<16xi32>, vector<16xi32>], vector<16xf32>,
      %mul3A_146 = arith.mulf %gather3A_143, %gather3A_144 : vector<16xf32>
      %add3A_147 = arith.addf %add3A_137, %mul3A_146 : vector<16xf32>
      %mul3A_148 = arith.mulf %gather3A_143, %gather3A_145 : vector<16xf32>
      %add3A_149 = arith.addf %add3A_139, %mul3A_148 : vector<16xf32>
      %add3A_150 = arith.constant 4 : i32
      %add3A_151 = vector.broadcast %add3A_150 : i32 to vector<16xi32>
      %add3A_152 = arith.addi %mul3A_107, %add3A_151 : vector<16xi32>
      %gather3A_153 = tpu.vector_load_idx %arg15[%shift_right_logical3A_102, %add3A_152] : memref<256x64xf32, #tpu.memory_space<vmem>>[vector<16xi32>, vector<16xi32>], vector<16xf32>,
      %gather3A_154 = tpu.vector_load_idx %arg16[%shift_right_logical3A_102, %add3A_152] : memref<256x64xf32, #tpu.memory_space<vmem>>[vector<16xi32>, vector<16xi32>], vector<16xf32>,
      %gather3A_155 = tpu.vector_load_idx %arg17[%shift_right_logical3A_102, %add3A_152] : memref<256x64xf32, #tpu.memory_space<vmem>>[vector<16xi32>, vector<16xi32>], vector<16xf32>,
      %mul3A_156 = arith.mulf %gather3A_153, %gather3A_154 : vector<16xf32>
      %add3A_157 = arith.addf %add3A_147, %mul3A_156 : vector<16xf32>
      %mul3A_158 = arith.mulf %gather3A_153, %gather3A_155 : vector<16xf32>
      %add3A_159 = arith.addf %add3A_149, %mul3A_158 : vector<16xf32>
      %add3A_160 = arith.constant 5 : i32
      %add3A_161 = vector.broadcast %add3A_160 : i32 to vector<16xi32>
      %add3A_162 = arith.addi %mul3A_107, %add3A_161 : vector<16xi32>
      %gather3A_163 = tpu.vector_load_idx %arg15[%shift_right_logical3A_102, %add3A_162] : memref<256x64xf32, #tpu.memory_space<vmem>>[vector<16xi32>, vector<16xi32>], vector<16xf32>,
      %gather3A_164 = tpu.vector_load_idx %arg16[%shift_right_logical3A_102, %add3A_162] : memref<256x64xf32, #tpu.memory_space<vmem>>[vector<16xi32>, vector<16xi32>], vector<16xf32>,
      %gather3A_165 = tpu.vector_load_idx %arg17[%shift_right_logical3A_102, %add3A_162] : memref<256x64xf32, #tpu.memory_space<vmem>>[vector<16xi32>, vector<16xi32>], vector<16xf32>,
      %mul3A_166 = arith.mulf %gather3A_163, %gather3A_164 : vector<16xf32>
      %add3A_167 = arith.addf %add3A_157, %mul3A_166 : vector<16xf32>
      %mul3A_168 = arith.mulf %gather3A_163, %gather3A_165 : vector<16xf32>
      %add3A_169 = arith.addf %add3A_159, %mul3A_168 : vector<16xf32>
      %add3A_170 = arith.constant 6 : i32
      %add3A_171 = vector.broadcast %add3A_170 : i32 to vector<16xi32>
      %add3A_172 = arith.addi %mul3A_107, %add3A_171 : vector<16xi32>
      %gather3A_173 = tpu.vector_load_idx %arg15[%shift_right_logical3A_102, %add3A_172] : memref<256x64xf32, #tpu.memory_space<vmem>>[vector<16xi32>, vector<16xi32>], vector<16xf32>,
      %gather3A_174 = tpu.vector_load_idx %arg16[%shift_right_logical3A_102, %add3A_172] : memref<256x64xf32, #tpu.memory_space<vmem>>[vector<16xi32>, vector<16xi32>], vector<16xf32>,
      %gather3A_175 = tpu.vector_load_idx %arg17[%shift_right_logical3A_102, %add3A_172] : memref<256x64xf32, #tpu.memory_space<vmem>>[vector<16xi32>, vector<16xi32>], vector<16xf32>,
      %mul3A_176 = arith.mulf %gather3A_173, %gather3A_174 : vector<16xf32>
      %add3A_177 = arith.addf %add3A_167, %mul3A_176 : vector<16xf32>
      %mul3A_178 = arith.mulf %gather3A_173, %gather3A_175 : vector<16xf32>
      %add3A_179 = arith.addf %add3A_169, %mul3A_178 : vector<16xf32>
      %add3A_180 = arith.constant 7 : i32
      %add3A_181 = vector.broadcast %add3A_180 : i32 to vector<16xi32>
      %add3A_182 = arith.addi %mul3A_107, %add3A_181 : vector<16xi32>
      %gather3A_183 = tpu.vector_load_idx %arg15[%shift_right_logical3A_102, %add3A_182] : memref<256x64xf32, #tpu.memory_space<vmem>>[vector<16xi32>, vector<16xi32>], vector<16xf32>,
      %gather3A_184 = tpu.vector_load_idx %arg16[%shift_right_logical3A_102, %add3A_182] : memref<256x64xf32, #tpu.memory_space<vmem>>[vector<16xi32>, vector<16xi32>], vector<16xf32>,
      %gather3A_185 = tpu.vector_load_idx %arg17[%shift_right_logical3A_102, %add3A_182] : memref<256x64xf32, #tpu.memory_space<vmem>>[vector<16xi32>, vector<16xi32>], vector<16xf32>,
      %mul3A_186 = arith.mulf %gather3A_183, %gather3A_184 : vector<16xf32>
      %add3A_187 = arith.addf %add3A_177, %mul3A_186 : vector<16xf32>
      %mul3A_188 = arith.mulf %gather3A_183, %gather3A_185 : vector<16xf32>
      %add3A_189 = arith.addf %add3A_179, %mul3A_188 : vector<16xf32>
      %add3A_190 = arith.constant 8 : i32
      %add3A_191 = vector.broadcast %add3A_190 : i32 to vector<16xi32>
      %add3A_192 = arith.addi %mul3A_107, %add3A_191 : vector<16xi32>
      %gather3A_193 = tpu.vector_load_idx %arg15[%shift_right_logical3A_102, %add3A_192] : memref<256x64xf32, #tpu.memory_space<vmem>>[vector<16xi32>, vector<16xi32>], vector<16xf32>,
      %gather3A_194 = tpu.vector_load_idx %arg16[%shift_right_logical3A_102, %add3A_192] : memref<256x64xf32, #tpu.memory_space<vmem>>[vector<16xi32>, vector<16xi32>], vector<16xf32>,
      %gather3A_195 = tpu.vector_load_idx %arg17[%shift_right_logical3A_102, %add3A_192] : memref<256x64xf32, #tpu.memory_space<vmem>>[vector<16xi32>, vector<16xi32>], vector<16xf32>,
      %mul3A_196 = arith.mulf %gather3A_193, %gather3A_194 : vector<16xf32>
      %add3A_197 = arith.addf %add3A_187, %mul3A_196 : vector<16xf32>
      %mul3A_198 = arith.mulf %gather3A_193, %gather3A_195 : vector<16xf32>
      %add3A_199 = arith.addf %add3A_189, %mul3A_198 : vector<16xf32>
      %add3A_200 = arith.constant 9 : i32
      %add3A_201 = vector.broadcast %add3A_200 : i32 to vector<16xi32>
      %add3A_202 = arith.addi %mul3A_107, %add3A_201 : vector<16xi32>
      %gather3A_203 = tpu.vector_load_idx %arg15[%shift_right_logical3A_102, %add3A_202] : memref<256x64xf32, #tpu.memory_space<vmem>>[vector<16xi32>, vector<16xi32>], vector<16xf32>,
      %gather3A_204 = tpu.vector_load_idx %arg16[%shift_right_logical3A_102, %add3A_202] : memref<256x64xf32, #tpu.memory_space<vmem>>[vector<16xi32>, vector<16xi32>], vector<16xf32>,
      %gather3A_205 = tpu.vector_load_idx %arg17[%shift_right_logical3A_102, %add3A_202] : memref<256x64xf32, #tpu.memory_space<vmem>>[vector<16xi32>, vector<16xi32>], vector<16xf32>,
      %mul3A_206 = arith.mulf %gather3A_203, %gather3A_204 : vector<16xf32>
      %add3A_207 = arith.addf %add3A_197, %mul3A_206 : vector<16xf32>
      %mul3A_208 = arith.mulf %gather3A_203, %gather3A_205 : vector<16xf32>
      %add3A_209 = arith.addf %add3A_199, %mul3A_208 : vector<16xf32>
      %add3A_210 = arith.constant 10 : i32
      %add3A_211 = vector.broadcast %add3A_210 : i32 to vector<16xi32>
      %add3A_212 = arith.addi %mul3A_107, %add3A_211 : vector<16xi32>
      %gather3A_213 = tpu.vector_load_idx %arg15[%shift_right_logical3A_102, %add3A_212] : memref<256x64xf32, #tpu.memory_space<vmem>>[vector<16xi32>, vector<16xi32>], vector<16xf32>,
      %gather3A_214 = tpu.vector_load_idx %arg16[%shift_right_logical3A_102, %add3A_212] : memref<256x64xf32, #tpu.memory_space<vmem>>[vector<16xi32>, vector<16xi32>], vector<16xf32>,
      %gather3A_215 = tpu.vector_load_idx %arg17[%shift_right_logical3A_102, %add3A_212] : memref<256x64xf32, #tpu.memory_space<vmem>>[vector<16xi32>, vector<16xi32>], vector<16xf32>,
      %mul3A_216 = arith.mulf %gather3A_213, %gather3A_214 : vector<16xf32>
      %add3A_217 = arith.addf %add3A_207, %mul3A_216 : vector<16xf32>
      %mul3A_218 = arith.mulf %gather3A_213, %gather3A_215 : vector<16xf32>
      %add3A_219 = arith.addf %add3A_209, %mul3A_218 : vector<16xf32>
      %add3A_220 = arith.constant 11 : i32
      %add3A_221 = vector.broadcast %add3A_220 : i32 to vector<16xi32>
      %add3A_222 = arith.addi %mul3A_107, %add3A_221 : vector<16xi32>
      %gather3A_223 = tpu.vector_load_idx %arg15[%shift_right_logical3A_102, %add3A_222] : memref<256x64xf32, #tpu.memory_space<vmem>>[vector<16xi32>, vector<16xi32>], vector<16xf32>,
      %gather3A_224 = tpu.vector_load_idx %arg16[%shift_right_logical3A_102, %add3A_222] : memref<256x64xf32, #tpu.memory_space<vmem>>[vector<16xi32>, vector<16xi32>], vector<16xf32>,
      %gather3A_225 = tpu.vector_load_idx %arg17[%shift_right_logical3A_102, %add3A_222] : memref<256x64xf32, #tpu.memory_space<vmem>>[vector<16xi32>, vector<16xi32>], vector<16xf32>,
      %mul3A_226 = arith.mulf %gather3A_223, %gather3A_224 : vector<16xf32>
      %add3A_227 = arith.addf %add3A_217, %mul3A_226 : vector<16xf32>
      %mul3A_228 = arith.mulf %gather3A_223, %gather3A_225 : vector<16xf32>
      %add3A_229 = arith.addf %add3A_219, %mul3A_228 : vector<16xf32>
      %add3A_230 = arith.constant 12 : i32
      %add3A_231 = vector.broadcast %add3A_230 : i32 to vector<16xi32>
      %add3A_232 = arith.addi %mul3A_107, %add3A_231 : vector<16xi32>
      %gather3A_233 = tpu.vector_load_idx %arg15[%shift_right_logical3A_102, %add3A_232] : memref<256x64xf32, #tpu.memory_space<vmem>>[vector<16xi32>, vector<16xi32>], vector<16xf32>,
      %gather3A_234 = tpu.vector_load_idx %arg16[%shift_right_logical3A_102, %add3A_232] : memref<256x64xf32, #tpu.memory_space<vmem>>[vector<16xi32>, vector<16xi32>], vector<16xf32>,
      %gather3A_235 = tpu.vector_load_idx %arg17[%shift_right_logical3A_102, %add3A_232] : memref<256x64xf32, #tpu.memory_space<vmem>>[vector<16xi32>, vector<16xi32>], vector<16xf32>,
      %mul3A_236 = arith.mulf %gather3A_233, %gather3A_234 : vector<16xf32>
      %add3A_237 = arith.addf %add3A_227, %mul3A_236 : vector<16xf32>
      %mul3A_238 = arith.mulf %gather3A_233, %gather3A_235 : vector<16xf32>
      %add3A_239 = arith.addf %add3A_229, %mul3A_238 : vector<16xf32>
      %add3A_240 = arith.constant 13 : i32
      %add3A_241 = vector.broadcast %add3A_240 : i32 to vector<16xi32>
      %add3A_242 = arith.addi %mul3A_107, %add3A_241 : vector<16xi32>
      %gather3A_243 = tpu.vector_load_idx %arg15[%shift_right_logical3A_102, %add3A_242] : memref<256x64xf32, #tpu.memory_space<vmem>>[vector<16xi32>, vector<16xi32>], vector<16xf32>,
      %gather3A_244 = tpu.vector_load_idx %arg16[%shift_right_logical3A_102, %add3A_242] : memref<256x64xf32, #tpu.memory_space<vmem>>[vector<16xi32>, vector<16xi32>], vector<16xf32>,
      %gather3A_245 = tpu.vector_load_idx %arg17[%shift_right_logical3A_102, %add3A_242] : memref<256x64xf32, #tpu.memory_space<vmem>>[vector<16xi32>, vector<16xi32>], vector<16xf32>,
      %mul3A_246 = arith.mulf %gather3A_243, %gather3A_244 : vector<16xf32>
      %add3A_247 = arith.addf %add3A_237, %mul3A_246 : vector<16xf32>
      %mul3A_248 = arith.mulf %gather3A_243, %gather3A_245 : vector<16xf32>
      %add3A_249 = arith.addf %add3A_239, %mul3A_248 : vector<16xf32>
      %add3A_250 = arith.constant 14 : i32
      %add3A_251 = vector.broadcast %add3A_250 : i32 to vector<16xi32>
      %add3A_252 = arith.addi %mul3A_107, %add3A_251 : vector<16xi32>
      %gather3A_253 = tpu.vector_load_idx %arg15[%shift_right_logical3A_102, %add3A_252] : memref<256x64xf32, #tpu.memory_space<vmem>>[vector<16xi32>, vector<16xi32>], vector<16xf32>,
      %gather3A_254 = tpu.vector_load_idx %arg16[%shift_right_logical3A_102, %add3A_252] : memref<256x64xf32, #tpu.memory_space<vmem>>[vector<16xi32>, vector<16xi32>], vector<16xf32>,
      %gather3A_255 = tpu.vector_load_idx %arg17[%shift_right_logical3A_102, %add3A_252] : memref<256x64xf32, #tpu.memory_space<vmem>>[vector<16xi32>, vector<16xi32>], vector<16xf32>,
      %mul3A_256 = arith.mulf %gather3A_253, %gather3A_254 : vector<16xf32>
      %add3A_257 = arith.addf %add3A_247, %mul3A_256 : vector<16xf32>
      %mul3A_258 = arith.mulf %gather3A_253, %gather3A_255 : vector<16xf32>
      %add3A_259 = arith.addf %add3A_249, %mul3A_258 : vector<16xf32>
      %add3A_260 = arith.constant 15 : i32
      %add3A_261 = vector.broadcast %add3A_260 : i32 to vector<16xi32>
      %add3A_262 = arith.addi %mul3A_107, %add3A_261 : vector<16xi32>
      %gather3A_263 = tpu.vector_load_idx %arg15[%shift_right_logical3A_102, %add3A_262] : memref<256x64xf32, #tpu.memory_space<vmem>>[vector<16xi32>, vector<16xi32>], vector<16xf32>,
      %gather3A_264 = tpu.vector_load_idx %arg16[%shift_right_logical3A_102, %add3A_262] : memref<256x64xf32, #tpu.memory_space<vmem>>[vector<16xi32>, vector<16xi32>], vector<16xf32>,
      %gather3A_265 = tpu.vector_load_idx %arg17[%shift_right_logical3A_102, %add3A_262] : memref<256x64xf32, #tpu.memory_space<vmem>>[vector<16xi32>, vector<16xi32>], vector<16xf32>,
      %mul3A_266 = arith.mulf %gather3A_263, %gather3A_264 : vector<16xf32>
      %add3A_267 = arith.addf %add3A_257, %mul3A_266 : vector<16xf32>
      %mul3A_268 = arith.mulf %gather3A_263, %gather3A_265 : vector<16xf32>
      %add3A_269 = arith.addf %add3A_259, %mul3A_268 : vector<16xf32>
      %add3A_270 = arith.constant 16 : i32
      %add3A_271 = vector.broadcast %add3A_270 : i32 to vector<16xi32>
      %add3A_272 = arith.addi %mul3A_107, %add3A_271 : vector<16xi32>
      %gather3A_273 = tpu.vector_load_idx %arg15[%shift_right_logical3A_102, %add3A_272] : memref<256x64xf32, #tpu.memory_space<vmem>>[vector<16xi32>, vector<16xi32>], vector<16xf32>,
      %gather3A_274 = tpu.vector_load_idx %arg16[%shift_right_logical3A_102, %add3A_272] : memref<256x64xf32, #tpu.memory_space<vmem>>[vector<16xi32>, vector<16xi32>], vector<16xf32>,
      %gather3A_275 = tpu.vector_load_idx %arg17[%shift_right_logical3A_102, %add3A_272] : memref<256x64xf32, #tpu.memory_space<vmem>>[vector<16xi32>, vector<16xi32>], vector<16xf32>,
      %mul3A_276 = arith.mulf %gather3A_273, %gather3A_274 : vector<16xf32>
      %add3A_277 = arith.addf %add3A_267, %mul3A_276 : vector<16xf32>
      %mul3A_278 = arith.mulf %gather3A_273, %gather3A_275 : vector<16xf32>
      %add3A_279 = arith.addf %add3A_269, %mul3A_278 : vector<16xf32>
      %add3A_280 = arith.constant 17 : i32
      %add3A_281 = vector.broadcast %add3A_280 : i32 to vector<16xi32>
      %add3A_282 = arith.addi %mul3A_107, %add3A_281 : vector<16xi32>
      %gather3A_283 = tpu.vector_load_idx %arg15[%shift_right_logical3A_102, %add3A_282] : memref<256x64xf32, #tpu.memory_space<vmem>>[vector<16xi32>, vector<16xi32>], vector<16xf32>,
      %gather3A_284 = tpu.vector_load_idx %arg16[%shift_right_logical3A_102, %add3A_282] : memref<256x64xf32, #tpu.memory_space<vmem>>[vector<16xi32>, vector<16xi32>], vector<16xf32>,
      %gather3A_285 = tpu.vector_load_idx %arg17[%shift_right_logical3A_102, %add3A_282] : memref<256x64xf32, #tpu.memory_space<vmem>>[vector<16xi32>, vector<16xi32>], vector<16xf32>,
      %mul3A_286 = arith.mulf %gather3A_283, %gather3A_284 : vector<16xf32>
      %add3A_287 = arith.addf %add3A_277, %mul3A_286 : vector<16xf32>
      %mul3A_288 = arith.mulf %gather3A_283, %gather3A_285 : vector<16xf32>
      %add3A_289 = arith.addf %add3A_279, %mul3A_288 : vector<16xf32>
      %add3A_290 = arith.constant 18 : i32
      %add3A_291 = vector.broadcast %add3A_290 : i32 to vector<16xi32>
      %add3A_292 = arith.addi %mul3A_107, %add3A_291 : vector<16xi32>
      %gather3A_293 = tpu.vector_load_idx %arg15[%shift_right_logical3A_102, %add3A_292] : memref<256x64xf32, #tpu.memory_space<vmem>>[vector<16xi32>, vector<16xi32>], vector<16xf32>,
      %gather3A_294 = tpu.vector_load_idx %arg16[%shift_right_logical3A_102, %add3A_292] : memref<256x64xf32, #tpu.memory_space<vmem>>[vector<16xi32>, vector<16xi32>], vector<16xf32>,
      %gather3A_295 = tpu.vector_load_idx %arg17[%shift_right_logical3A_102, %add3A_292] : memref<256x64xf32, #tpu.memory_space<vmem>>[vector<16xi32>, vector<16xi32>], vector<16xf32>,
      %mul3A_296 = arith.mulf %gather3A_293, %gather3A_294 : vector<16xf32>
      %add3A_297 = arith.addf %add3A_287, %mul3A_296 : vector<16xf32>
      %mul3A_298 = arith.mulf %gather3A_293, %gather3A_295 : vector<16xf32>
      %add3A_299 = arith.addf %add3A_289, %mul3A_298 : vector<16xf32>
      %add3A_300 = arith.constant 19 : i32
      %add3A_301 = vector.broadcast %add3A_300 : i32 to vector<16xi32>
      %add3A_302 = arith.addi %mul3A_107, %add3A_301 : vector<16xi32>
      %gather3A_303 = tpu.vector_load_idx %arg15[%shift_right_logical3A_102, %add3A_302] : memref<256x64xf32, #tpu.memory_space<vmem>>[vector<16xi32>, vector<16xi32>], vector<16xf32>,
      %gather3A_304 = tpu.vector_load_idx %arg16[%shift_right_logical3A_102, %add3A_302] : memref<256x64xf32, #tpu.memory_space<vmem>>[vector<16xi32>, vector<16xi32>], vector<16xf32>,
      %gather3A_305 = tpu.vector_load_idx %arg17[%shift_right_logical3A_102, %add3A_302] : memref<256x64xf32, #tpu.memory_space<vmem>>[vector<16xi32>, vector<16xi32>], vector<16xf32>,
      %mul3A_306 = arith.mulf %gather3A_303, %gather3A_304 : vector<16xf32>
      %add3A_307 = arith.addf %add3A_297, %mul3A_306 : vector<16xf32>
      %mul3A_308 = arith.mulf %gather3A_303, %gather3A_305 : vector<16xf32>
      %add3A_309 = arith.addf %add3A_299, %mul3A_308 : vector<16xf32>
      %add3A_310 = arith.constant 20 : i32
      %add3A_311 = vector.broadcast %add3A_310 : i32 to vector<16xi32>
      %add3A_312 = arith.addi %mul3A_107, %add3A_311 : vector<16xi32>
      %gather3A_313 = tpu.vector_load_idx %arg15[%shift_right_logical3A_102, %add3A_312] : memref<256x64xf32, #tpu.memory_space<vmem>>[vector<16xi32>, vector<16xi32>], vector<16xf32>,
      %gather3A_314 = tpu.vector_load_idx %arg16[%shift_right_logical3A_102, %add3A_312] : memref<256x64xf32, #tpu.memory_space<vmem>>[vector<16xi32>, vector<16xi32>], vector<16xf32>,
      %gather3A_315 = tpu.vector_load_idx %arg17[%shift_right_logical3A_102, %add3A_312] : memref<256x64xf32, #tpu.memory_space<vmem>>[vector<16xi32>, vector<16xi32>], vector<16xf32>,
      %mul3A_316 = arith.mulf %gather3A_313, %gather3A_314 : vector<16xf32>
      %add3A_317 = arith.addf %add3A_307, %mul3A_316 : vector<16xf32>
      %mul3A_318 = arith.mulf %gather3A_313, %gather3A_315 : vector<16xf32>
      %add3A_319 = arith.addf %add3A_309, %mul3A_318 : vector<16xf32>
      %add3A_320 = arith.constant 21 : i32
      %add3A_321 = vector.broadcast %add3A_320 : i32 to vector<16xi32>
      %add3A_322 = arith.addi %mul3A_107, %add3A_321 : vector<16xi32>
      %gather3A_323 = tpu.vector_load_idx %arg15[%shift_right_logical3A_102, %add3A_322] : memref<256x64xf32, #tpu.memory_space<vmem>>[vector<16xi32>, vector<16xi32>], vector<16xf32>,
      %gather3A_324 = tpu.vector_load_idx %arg16[%shift_right_logical3A_102, %add3A_322] : memref<256x64xf32, #tpu.memory_space<vmem>>[vector<16xi32>, vector<16xi32>], vector<16xf32>,
      %gather3A_325 = tpu.vector_load_idx %arg17[%shift_right_logical3A_102, %add3A_322] : memref<256x64xf32, #tpu.memory_space<vmem>>[vector<16xi32>, vector<16xi32>], vector<16xf32>,
      %mul3A_326 = arith.mulf %gather3A_323, %gather3A_324 : vector<16xf32>
      %add3A_327 = arith.addf %add3A_317, %mul3A_326 : vector<16xf32>
      %mul3A_328 = arith.mulf %gather3A_323, %gather3A_325 : vector<16xf32>
      %add3A_329 = arith.addf %add3A_319, %mul3A_328 : vector<16xf32>
      %add3A_330 = arith.constant 22 : i32
      %add3A_331 = vector.broadcast %add3A_330 : i32 to vector<16xi32>
      %add3A_332 = arith.addi %mul3A_107, %add3A_331 : vector<16xi32>
      %gather3A_333 = tpu.vector_load_idx %arg15[%shift_right_logical3A_102, %add3A_332] : memref<256x64xf32, #tpu.memory_space<vmem>>[vector<16xi32>, vector<16xi32>], vector<16xf32>,
      %gather3A_334 = tpu.vector_load_idx %arg16[%shift_right_logical3A_102, %add3A_332] : memref<256x64xf32, #tpu.memory_space<vmem>>[vector<16xi32>, vector<16xi32>], vector<16xf32>,
      %gather3A_335 = tpu.vector_load_idx %arg17[%shift_right_logical3A_102, %add3A_332] : memref<256x64xf32, #tpu.memory_space<vmem>>[vector<16xi32>, vector<16xi32>], vector<16xf32>,
      %mul3A_336 = arith.mulf %gather3A_333, %gather3A_334 : vector<16xf32>
      %add3A_337 = arith.addf %add3A_327, %mul3A_336 : vector<16xf32>
      %mul3A_338 = arith.mulf %gather3A_333, %gather3A_335 : vector<16xf32>
      %add3A_339 = arith.addf %add3A_329, %mul3A_338 : vector<16xf32>
      %add3A_340 = arith.constant 23 : i32
      %add3A_341 = vector.broadcast %add3A_340 : i32 to vector<16xi32>
      %add3A_342 = arith.addi %mul3A_107, %add3A_341 : vector<16xi32>
      %gather3A_343 = tpu.vector_load_idx %arg15[%shift_right_logical3A_102, %add3A_342] : memref<256x64xf32, #tpu.memory_space<vmem>>[vector<16xi32>, vector<16xi32>], vector<16xf32>,
      %gather3A_344 = tpu.vector_load_idx %arg16[%shift_right_logical3A_102, %add3A_342] : memref<256x64xf32, #tpu.memory_space<vmem>>[vector<16xi32>, vector<16xi32>], vector<16xf32>,
      %gather3A_345 = tpu.vector_load_idx %arg17[%shift_right_logical3A_102, %add3A_342] : memref<256x64xf32, #tpu.memory_space<vmem>>[vector<16xi32>, vector<16xi32>], vector<16xf32>,
      %mul3A_346 = arith.mulf %gather3A_343, %gather3A_344 : vector<16xf32>
      %add3A_347 = arith.addf %add3A_337, %mul3A_346 : vector<16xf32>
      %mul3A_348 = arith.mulf %gather3A_343, %gather3A_345 : vector<16xf32>
      %add3A_349 = arith.addf %add3A_339, %mul3A_348 : vector<16xf32>
      %add3A_350 = arith.constant 24 : i32
      %add3A_351 = vector.broadcast %add3A_350 : i32 to vector<16xi32>
      %add3A_352 = arith.addi %mul3A_107, %add3A_351 : vector<16xi32>
      %gather3A_353 = tpu.vector_load_idx %arg15[%shift_right_logical3A_102, %add3A_352] : memref<256x64xf32, #tpu.memory_space<vmem>>[vector<16xi32>, vector<16xi32>], vector<16xf32>,
      %gather3A_354 = tpu.vector_load_idx %arg16[%shift_right_logical3A_102, %add3A_352] : memref<256x64xf32, #tpu.memory_space<vmem>>[vector<16xi32>, vector<16xi32>], vector<16xf32>,
      %gather3A_355 = tpu.vector_load_idx %arg17[%shift_right_logical3A_102, %add3A_352] : memref<256x64xf32, #tpu.memory_space<vmem>>[vector<16xi32>, vector<16xi32>], vector<16xf32>,
      %mul3A_356 = arith.mulf %gather3A_353, %gather3A_354 : vector<16xf32>
      %add3A_357 = arith.addf %add3A_347, %mul3A_356 : vector<16xf32>
      %mul3A_358 = arith.mulf %gather3A_353, %gather3A_355 : vector<16xf32>
      %add3A_359 = arith.addf %add3A_349, %mul3A_358 : vector<16xf32>
      %add3A_360 = arith.constant 25 : i32
      %add3A_361 = vector.broadcast %add3A_360 : i32 to vector<16xi32>
      %add3A_362 = arith.addi %mul3A_107, %add3A_361 : vector<16xi32>
      %gather3A_363 = tpu.vector_load_idx %arg15[%shift_right_logical3A_102, %add3A_362] : memref<256x64xf32, #tpu.memory_space<vmem>>[vector<16xi32>, vector<16xi32>], vector<16xf32>,
      %gather3A_364 = tpu.vector_load_idx %arg16[%shift_right_logical3A_102, %add3A_362] : memref<256x64xf32, #tpu.memory_space<vmem>>[vector<16xi32>, vector<16xi32>], vector<16xf32>,
      %gather3A_365 = tpu.vector_load_idx %arg17[%shift_right_logical3A_102, %add3A_362] : memref<256x64xf32, #tpu.memory_space<vmem>>[vector<16xi32>, vector<16xi32>], vector<16xf32>,
      %mul3A_366 = arith.mulf %gather3A_363, %gather3A_364 : vector<16xf32>
      %add3A_367 = arith.addf %add3A_357, %mul3A_366 : vector<16xf32>
      %mul3A_368 = arith.mulf %gather3A_363, %gather3A_365 : vector<16xf32>
      %add3A_369 = arith.addf %add3A_359, %mul3A_368 : vector<16xf32>
      %add3A_370 = arith.constant 26 : i32
      %add3A_371 = vector.broadcast %add3A_370 : i32 to vector<16xi32>
      %add3A_372 = arith.addi %mul3A_107, %add3A_371 : vector<16xi32>
      %gather3A_373 = tpu.vector_load_idx %arg15[%shift_right_logical3A_102, %add3A_372] : memref<256x64xf32, #tpu.memory_space<vmem>>[vector<16xi32>, vector<16xi32>], vector<16xf32>,
      %gather3A_374 = tpu.vector_load_idx %arg16[%shift_right_logical3A_102, %add3A_372] : memref<256x64xf32, #tpu.memory_space<vmem>>[vector<16xi32>, vector<16xi32>], vector<16xf32>,
      %gather3A_375 = tpu.vector_load_idx %arg17[%shift_right_logical3A_102, %add3A_372] : memref<256x64xf32, #tpu.memory_space<vmem>>[vector<16xi32>, vector<16xi32>], vector<16xf32>,
      %mul3A_376 = arith.mulf %gather3A_373, %gather3A_374 : vector<16xf32>
      %add3A_377 = arith.addf %add3A_367, %mul3A_376 : vector<16xf32>
      %mul3A_378 = arith.mulf %gather3A_373, %gather3A_375 : vector<16xf32>
      %add3A_379 = arith.addf %add3A_369, %mul3A_378 : vector<16xf32>
      %add3A_380 = arith.constant 27 : i32
      %add3A_381 = vector.broadcast %add3A_380 : i32 to vector<16xi32>
      %add3A_382 = arith.addi %mul3A_107, %add3A_381 : vector<16xi32>
      %gather3A_383 = tpu.vector_load_idx %arg15[%shift_right_logical3A_102, %add3A_382] : memref<256x64xf32, #tpu.memory_space<vmem>>[vector<16xi32>, vector<16xi32>], vector<16xf32>,
      %gather3A_384 = tpu.vector_load_idx %arg16[%shift_right_logical3A_102, %add3A_382] : memref<256x64xf32, #tpu.memory_space<vmem>>[vector<16xi32>, vector<16xi32>], vector<16xf32>,
      %gather3A_385 = tpu.vector_load_idx %arg17[%shift_right_logical3A_102, %add3A_382] : memref<256x64xf32, #tpu.memory_space<vmem>>[vector<16xi32>, vector<16xi32>], vector<16xf32>,
      %mul3A_386 = arith.mulf %gather3A_383, %gather3A_384 : vector<16xf32>
      %add3A_387 = arith.addf %add3A_377, %mul3A_386 : vector<16xf32>
      %mul3A_388 = arith.mulf %gather3A_383, %gather3A_385 : vector<16xf32>
      %add3A_389 = arith.addf %add3A_379, %mul3A_388 : vector<16xf32>
      %add3A_390 = arith.constant 28 : i32
      %add3A_391 = vector.broadcast %add3A_390 : i32 to vector<16xi32>
      %add3A_392 = arith.addi %mul3A_107, %add3A_391 : vector<16xi32>
      %gather3A_393 = tpu.vector_load_idx %arg15[%shift_right_logical3A_102, %add3A_392] : memref<256x64xf32, #tpu.memory_space<vmem>>[vector<16xi32>, vector<16xi32>], vector<16xf32>,
      %gather3A_394 = tpu.vector_load_idx %arg16[%shift_right_logical3A_102, %add3A_392] : memref<256x64xf32, #tpu.memory_space<vmem>>[vector<16xi32>, vector<16xi32>], vector<16xf32>,
      %gather3A_395 = tpu.vector_load_idx %arg17[%shift_right_logical3A_102, %add3A_392] : memref<256x64xf32, #tpu.memory_space<vmem>>[vector<16xi32>, vector<16xi32>], vector<16xf32>,
      %mul3A_396 = arith.mulf %gather3A_393, %gather3A_394 : vector<16xf32>
      %add3A_397 = arith.addf %add3A_387, %mul3A_396 : vector<16xf32>
      %mul3A_398 = arith.mulf %gather3A_393, %gather3A_395 : vector<16xf32>
      %add3A_399 = arith.addf %add3A_389, %mul3A_398 : vector<16xf32>
      %add3A_400 = arith.constant 29 : i32
      %add3A_401 = vector.broadcast %add3A_400 : i32 to vector<16xi32>
      %add3A_402 = arith.addi %mul3A_107, %add3A_401 : vector<16xi32>
      %gather3A_403 = tpu.vector_load_idx %arg15[%shift_right_logical3A_102, %add3A_402] : memref<256x64xf32, #tpu.memory_space<vmem>>[vector<16xi32>, vector<16xi32>], vector<16xf32>,
      %gather3A_404 = tpu.vector_load_idx %arg16[%shift_right_logical3A_102, %add3A_402] : memref<256x64xf32, #tpu.memory_space<vmem>>[vector<16xi32>, vector<16xi32>], vector<16xf32>,
      %gather3A_405 = tpu.vector_load_idx %arg17[%shift_right_logical3A_102, %add3A_402] : memref<256x64xf32, #tpu.memory_space<vmem>>[vector<16xi32>, vector<16xi32>], vector<16xf32>,
      %mul3A_406 = arith.mulf %gather3A_403, %gather3A_404 : vector<16xf32>
      %add3A_407 = arith.addf %add3A_397, %mul3A_406 : vector<16xf32>
      %mul3A_408 = arith.mulf %gather3A_403, %gather3A_405 : vector<16xf32>
      %add3A_409 = arith.addf %add3A_399, %mul3A_408 : vector<16xf32>
      %add3A_410 = arith.constant 30 : i32
      %add3A_411 = vector.broadcast %add3A_410 : i32 to vector<16xi32>
      %add3A_412 = arith.addi %mul3A_107, %add3A_411 : vector<16xi32>
      %gather3A_413 = tpu.vector_load_idx %arg15[%shift_right_logical3A_102, %add3A_412] : memref<256x64xf32, #tpu.memory_space<vmem>>[vector<16xi32>, vector<16xi32>], vector<16xf32>,
      %gather3A_414 = tpu.vector_load_idx %arg16[%shift_right_logical3A_102, %add3A_412] : memref<256x64xf32, #tpu.memory_space<vmem>>[vector<16xi32>, vector<16xi32>], vector<16xf32>,
      %gather3A_415 = tpu.vector_load_idx %arg17[%shift_right_logical3A_102, %add3A_412] : memref<256x64xf32, #tpu.memory_space<vmem>>[vector<16xi32>, vector<16xi32>], vector<16xf32>,
      %mul3A_416 = arith.mulf %gather3A_413, %gather3A_414 : vector<16xf32>
      %add3A_417 = arith.addf %add3A_407, %mul3A_416 : vector<16xf32>
      %mul3A_418 = arith.mulf %gather3A_413, %gather3A_415 : vector<16xf32>
      %add3A_419 = arith.addf %add3A_409, %mul3A_418 : vector<16xf32>
      %add3A_420 = arith.constant 31 : i32
      %add3A_421 = vector.broadcast %add3A_420 : i32 to vector<16xi32>
      %add3A_422 = arith.addi %mul3A_107, %add3A_421 : vector<16xi32>
      %gather3A_423 = tpu.vector_load_idx %arg15[%shift_right_logical3A_102, %add3A_422] : memref<256x64xf32, #tpu.memory_space<vmem>>[vector<16xi32>, vector<16xi32>], vector<16xf32>,
      %gather3A_424 = tpu.vector_load_idx %arg16[%shift_right_logical3A_102, %add3A_422] : memref<256x64xf32, #tpu.memory_space<vmem>>[vector<16xi32>, vector<16xi32>], vector<16xf32>,
      %gather3A_425 = tpu.vector_load_idx %arg17[%shift_right_logical3A_102, %add3A_422] : memref<256x64xf32, #tpu.memory_space<vmem>>[vector<16xi32>, vector<16xi32>], vector<16xf32>,
      %mul3A_426 = arith.mulf %gather3A_423, %gather3A_424 : vector<16xf32>
      %add3A_427 = arith.addf %add3A_417, %mul3A_426 : vector<16xf32>
      %mul3A_428 = arith.mulf %gather3A_423, %gather3A_425 : vector<16xf32>
      %add3A_429 = arith.addf %add3A_419, %mul3A_428 : vector<16xf32>
      %add3A_430 = arith.constant 32 : i32
      %add3A_431 = vector.broadcast %add3A_430 : i32 to vector<16xi32>
      %add3A_432 = arith.addi %mul3A_107, %add3A_431 : vector<16xi32>
      %gather3A_433 = tpu.vector_load_idx %arg15[%shift_right_logical3A_102, %add3A_432] : memref<256x64xf32, #tpu.memory_space<vmem>>[vector<16xi32>, vector<16xi32>], vector<16xf32>,
      %gather3A_434 = tpu.vector_load_idx %arg16[%shift_right_logical3A_102, %add3A_432] : memref<256x64xf32, #tpu.memory_space<vmem>>[vector<16xi32>, vector<16xi32>], vector<16xf32>,
      %gather3A_435 = tpu.vector_load_idx %arg17[%shift_right_logical3A_102, %add3A_432] : memref<256x64xf32, #tpu.memory_space<vmem>>[vector<16xi32>, vector<16xi32>], vector<16xf32>,
      %mul3A_436 = arith.mulf %gather3A_433, %gather3A_434 : vector<16xf32>
      %add3A_437 = arith.addf %add3A_427, %mul3A_436 : vector<16xf32>
      %mul3A_438 = arith.mulf %gather3A_433, %gather3A_435 : vector<16xf32>
      %add3A_439 = arith.addf %add3A_429, %mul3A_438 : vector<16xf32>
      %add3A_440 = arith.constant 33 : i32
      %add3A_441 = vector.broadcast %add3A_440 : i32 to vector<16xi32>
      %add3A_442 = arith.addi %mul3A_107, %add3A_441 : vector<16xi32>
      %gather3A_443 = tpu.vector_load_idx %arg15[%shift_right_logical3A_102, %add3A_442] : memref<256x64xf32, #tpu.memory_space<vmem>>[vector<16xi32>, vector<16xi32>], vector<16xf32>,
      %gather3A_444 = tpu.vector_load_idx %arg16[%shift_right_logical3A_102, %add3A_442] : memref<256x64xf32, #tpu.memory_space<vmem>>[vector<16xi32>, vector<16xi32>], vector<16xf32>,
      %gather3A_445 = tpu.vector_load_idx %arg17[%shift_right_logical3A_102, %add3A_442] : memref<256x64xf32, #tpu.memory_space<vmem>>[vector<16xi32>, vector<16xi32>], vector<16xf32>,
      %mul3A_446 = arith.mulf %gather3A_443, %gather3A_444 : vector<16xf32>
      %add3A_447 = arith.addf %add3A_437, %mul3A_446 : vector<16xf32>
      %mul3A_448 = arith.mulf %gather3A_443, %gather3A_445 : vector<16xf32>
      %add3A_449 = arith.addf %add3A_439, %mul3A_448 : vector<16xf32>
      %add3A_450 = arith.constant 34 : i32
      %add3A_451 = vector.broadcast %add3A_450 : i32 to vector<16xi32>
      %add3A_452 = arith.addi %mul3A_107, %add3A_451 : vector<16xi32>
      %gather3A_453 = tpu.vector_load_idx %arg15[%shift_right_logical3A_102, %add3A_452] : memref<256x64xf32, #tpu.memory_space<vmem>>[vector<16xi32>, vector<16xi32>], vector<16xf32>,
      %gather3A_454 = tpu.vector_load_idx %arg16[%shift_right_logical3A_102, %add3A_452] : memref<256x64xf32, #tpu.memory_space<vmem>>[vector<16xi32>, vector<16xi32>], vector<16xf32>,
      %gather3A_455 = tpu.vector_load_idx %arg17[%shift_right_logical3A_102, %add3A_452] : memref<256x64xf32, #tpu.memory_space<vmem>>[vector<16xi32>, vector<16xi32>], vector<16xf32>,
      %mul3A_456 = arith.mulf %gather3A_453, %gather3A_454 : vector<16xf32>
      %add3A_457 = arith.addf %add3A_447, %mul3A_456 : vector<16xf32>
      %mul3A_458 = arith.mulf %gather3A_453, %gather3A_455 : vector<16xf32>
      %add3A_459 = arith.addf %add3A_449, %mul3A_458 : vector<16xf32>
      %add3A_460 = arith.constant 35 : i32
      %add3A_461 = vector.broadcast %add3A_460 : i32 to vector<16xi32>
      %add3A_462 = arith.addi %mul3A_107, %add3A_461 : vector<16xi32>
      %gather3A_463 = tpu.vector_load_idx %arg15[%shift_right_logical3A_102, %add3A_462] : memref<256x64xf32, #tpu.memory_space<vmem>>[vector<16xi32>, vector<16xi32>], vector<16xf32>,
      %gather3A_464 = tpu.vector_load_idx %arg16[%shift_right_logical3A_102, %add3A_462] : memref<256x64xf32, #tpu.memory_space<vmem>>[vector<16xi32>, vector<16xi32>], vector<16xf32>,
      %gather3A_465 = tpu.vector_load_idx %arg17[%shift_right_logical3A_102, %add3A_462] : memref<256x64xf32, #tpu.memory_space<vmem>>[vector<16xi32>, vector<16xi32>], vector<16xf32>,
      %mul3A_466 = arith.mulf %gather3A_463, %gather3A_464 : vector<16xf32>
      %add3A_467 = arith.addf %add3A_457, %mul3A_466 : vector<16xf32>
      %mul3A_468 = arith.mulf %gather3A_463, %gather3A_465 : vector<16xf32>
      %add3A_469 = arith.addf %add3A_459, %mul3A_468 : vector<16xf32>
      %add3A_470 = arith.constant 36 : i32
      %add3A_471 = vector.broadcast %add3A_470 : i32 to vector<16xi32>
      %add3A_472 = arith.addi %mul3A_107, %add3A_471 : vector<16xi32>
      %gather3A_473 = tpu.vector_load_idx %arg15[%shift_right_logical3A_102, %add3A_472] : memref<256x64xf32, #tpu.memory_space<vmem>>[vector<16xi32>, vector<16xi32>], vector<16xf32>,
      %gather3A_474 = tpu.vector_load_idx %arg16[%shift_right_logical3A_102, %add3A_472] : memref<256x64xf32, #tpu.memory_space<vmem>>[vector<16xi32>, vector<16xi32>], vector<16xf32>,
      %gather3A_475 = tpu.vector_load_idx %arg17[%shift_right_logical3A_102, %add3A_472] : memref<256x64xf32, #tpu.memory_space<vmem>>[vector<16xi32>, vector<16xi32>], vector<16xf32>,
      %mul3A_476 = arith.mulf %gather3A_473, %gather3A_474 : vector<16xf32>
      %add3A_477 = arith.addf %add3A_467, %mul3A_476 : vector<16xf32>
      %mul3A_478 = arith.mulf %gather3A_473, %gather3A_475 : vector<16xf32>
      %add3A_479 = arith.addf %add3A_469, %mul3A_478 : vector<16xf32>
      %add3A_480 = arith.constant 37 : i32
      %add3A_481 = vector.broadcast %add3A_480 : i32 to vector<16xi32>
      %add3A_482 = arith.addi %mul3A_107, %add3A_481 : vector<16xi32>
      %gather3A_483 = tpu.vector_load_idx %arg15[%shift_right_logical3A_102, %add3A_482] : memref<256x64xf32, #tpu.memory_space<vmem>>[vector<16xi32>, vector<16xi32>], vector<16xf32>,
      %gather3A_484 = tpu.vector_load_idx %arg16[%shift_right_logical3A_102, %add3A_482] : memref<256x64xf32, #tpu.memory_space<vmem>>[vector<16xi32>, vector<16xi32>], vector<16xf32>,
      %gather3A_485 = tpu.vector_load_idx %arg17[%shift_right_logical3A_102, %add3A_482] : memref<256x64xf32, #tpu.memory_space<vmem>>[vector<16xi32>, vector<16xi32>], vector<16xf32>,
      %mul3A_486 = arith.mulf %gather3A_483, %gather3A_484 : vector<16xf32>
      %add3A_487 = arith.addf %add3A_477, %mul3A_486 : vector<16xf32>
      %mul3A_488 = arith.mulf %gather3A_483, %gather3A_485 : vector<16xf32>
      %add3A_489 = arith.addf %add3A_479, %mul3A_488 : vector<16xf32>
      %add3A_490 = arith.constant 38 : i32
      %add3A_491 = vector.broadcast %add3A_490 : i32 to vector<16xi32>
      %add3A_492 = arith.addi %mul3A_107, %add3A_491 : vector<16xi32>
      %gather3A_493 = tpu.vector_load_idx %arg15[%shift_right_logical3A_102, %add3A_492] : memref<256x64xf32, #tpu.memory_space<vmem>>[vector<16xi32>, vector<16xi32>], vector<16xf32>,
      %gather3A_494 = tpu.vector_load_idx %arg16[%shift_right_logical3A_102, %add3A_492] : memref<256x64xf32, #tpu.memory_space<vmem>>[vector<16xi32>, vector<16xi32>], vector<16xf32>,
      %gather3A_495 = tpu.vector_load_idx %arg17[%shift_right_logical3A_102, %add3A_492] : memref<256x64xf32, #tpu.memory_space<vmem>>[vector<16xi32>, vector<16xi32>], vector<16xf32>,
      %mul3A_496 = arith.mulf %gather3A_493, %gather3A_494 : vector<16xf32>
      %add3A_497 = arith.addf %add3A_487, %mul3A_496 : vector<16xf32>
      %mul3A_498 = arith.mulf %gather3A_493, %gather3A_495 : vector<16xf32>
      %add3A_499 = arith.addf %add3A_489, %mul3A_498 : vector<16xf32>
      %add3A_500 = arith.constant 39 : i32
      %add3A_501 = vector.broadcast %add3A_500 : i32 to vector<16xi32>
      %add3A_502 = arith.addi %mul3A_107, %add3A_501 : vector<16xi32>
      %gather3A_503 = tpu.vector_load_idx %arg15[%shift_right_logical3A_102, %add3A_502] : memref<256x64xf32, #tpu.memory_space<vmem>>[vector<16xi32>, vector<16xi32>], vector<16xf32>,
      %gather3A_504 = tpu.vector_load_idx %arg16[%shift_right_logical3A_102, %add3A_502] : memref<256x64xf32, #tpu.memory_space<vmem>>[vector<16xi32>, vector<16xi32>], vector<16xf32>,
      %gather3A_505 = tpu.vector_load_idx %arg17[%shift_right_logical3A_102, %add3A_502] : memref<256x64xf32, #tpu.memory_space<vmem>>[vector<16xi32>, vector<16xi32>], vector<16xf32>,
      %mul3A_506 = arith.mulf %gather3A_503, %gather3A_504 : vector<16xf32>
      %add3A_507 = arith.addf %add3A_497, %mul3A_506 : vector<16xf32>
      %mul3A_508 = arith.mulf %gather3A_503, %gather3A_505 : vector<16xf32>
      %add3A_509 = arith.addf %add3A_499, %mul3A_508 : vector<16xf32>
      %add3A_510 = arith.constant 40 : i32
      %add3A_511 = vector.broadcast %add3A_510 : i32 to vector<16xi32>
      %add3A_512 = arith.addi %mul3A_107, %add3A_511 : vector<16xi32>
      %gather3A_513 = tpu.vector_load_idx %arg15[%shift_right_logical3A_102, %add3A_512] : memref<256x64xf32, #tpu.memory_space<vmem>>[vector<16xi32>, vector<16xi32>], vector<16xf32>,
      %gather3A_514 = tpu.vector_load_idx %arg16[%shift_right_logical3A_102, %add3A_512] : memref<256x64xf32, #tpu.memory_space<vmem>>[vector<16xi32>, vector<16xi32>], vector<16xf32>,
      %gather3A_515 = tpu.vector_load_idx %arg17[%shift_right_logical3A_102, %add3A_512] : memref<256x64xf32, #tpu.memory_space<vmem>>[vector<16xi32>, vector<16xi32>], vector<16xf32>,
      %mul3A_516 = arith.mulf %gather3A_513, %gather3A_514 : vector<16xf32>
      %add3A_517 = arith.addf %add3A_507, %mul3A_516 : vector<16xf32>
      %mul3A_518 = arith.mulf %gather3A_513, %gather3A_515 : vector<16xf32>
      %add3A_519 = arith.addf %add3A_509, %mul3A_518 : vector<16xf32>
      %add3A_520 = arith.constant 41 : i32
      %add3A_521 = vector.broadcast %add3A_520 : i32 to vector<16xi32>
      %add3A_522 = arith.addi %mul3A_107, %add3A_521 : vector<16xi32>
      %gather3A_523 = tpu.vector_load_idx %arg15[%shift_right_logical3A_102, %add3A_522] : memref<256x64xf32, #tpu.memory_space<vmem>>[vector<16xi32>, vector<16xi32>], vector<16xf32>,
      %gather3A_524 = tpu.vector_load_idx %arg16[%shift_right_logical3A_102, %add3A_522] : memref<256x64xf32, #tpu.memory_space<vmem>>[vector<16xi32>, vector<16xi32>], vector<16xf32>,
      %gather3A_525 = tpu.vector_load_idx %arg17[%shift_right_logical3A_102, %add3A_522] : memref<256x64xf32, #tpu.memory_space<vmem>>[vector<16xi32>, vector<16xi32>], vector<16xf32>,
      %mul3A_526 = arith.mulf %gather3A_523, %gather3A_524 : vector<16xf32>
      %add3A_527 = arith.addf %add3A_517, %mul3A_526 : vector<16xf32>
      %mul3A_528 = arith.mulf %gather3A_523, %gather3A_525 : vector<16xf32>
      %add3A_529 = arith.addf %add3A_519, %mul3A_528 : vector<16xf32>
      %add3A_530 = arith.constant 42 : i32
      %add3A_531 = vector.broadcast %add3A_530 : i32 to vector<16xi32>
      %add3A_532 = arith.addi %mul3A_107, %add3A_531 : vector<16xi32>
      %gather3A_533 = tpu.vector_load_idx %arg15[%shift_right_logical3A_102, %add3A_532] : memref<256x64xf32, #tpu.memory_space<vmem>>[vector<16xi32>, vector<16xi32>], vector<16xf32>,
      %gather3A_534 = tpu.vector_load_idx %arg16[%shift_right_logical3A_102, %add3A_532] : memref<256x64xf32, #tpu.memory_space<vmem>>[vector<16xi32>, vector<16xi32>], vector<16xf32>,
      %gather3A_535 = tpu.vector_load_idx %arg17[%shift_right_logical3A_102, %add3A_532] : memref<256x64xf32, #tpu.memory_space<vmem>>[vector<16xi32>, vector<16xi32>], vector<16xf32>,
      %mul3A_536 = arith.mulf %gather3A_533, %gather3A_534 : vector<16xf32>
      %add3A_537 = arith.addf %add3A_527, %mul3A_536 : vector<16xf32>
      %mul3A_538 = arith.mulf %gather3A_533, %gather3A_535 : vector<16xf32>
      %add3A_539 = arith.addf %add3A_529, %mul3A_538 : vector<16xf32>
      %add3A_540 = arith.constant 43 : i32
      %add3A_541 = vector.broadcast %add3A_540 : i32 to vector<16xi32>
      %add3A_542 = arith.addi %mul3A_107, %add3A_541 : vector<16xi32>
      %gather3A_543 = tpu.vector_load_idx %arg15[%shift_right_logical3A_102, %add3A_542] : memref<256x64xf32, #tpu.memory_space<vmem>>[vector<16xi32>, vector<16xi32>], vector<16xf32>,
      %gather3A_544 = tpu.vector_load_idx %arg16[%shift_right_logical3A_102, %add3A_542] : memref<256x64xf32, #tpu.memory_space<vmem>>[vector<16xi32>, vector<16xi32>], vector<16xf32>,
      %gather3A_545 = tpu.vector_load_idx %arg17[%shift_right_logical3A_102, %add3A_542] : memref<256x64xf32, #tpu.memory_space<vmem>>[vector<16xi32>, vector<16xi32>], vector<16xf32>,
      %mul3A_546 = arith.mulf %gather3A_543, %gather3A_544 : vector<16xf32>
      %add3A_547 = arith.addf %add3A_537, %mul3A_546 : vector<16xf32>
      %mul3A_548 = arith.mulf %gather3A_543, %gather3A_545 : vector<16xf32>
      %add3A_549 = arith.addf %add3A_539, %mul3A_548 : vector<16xf32>
      %add3A_550 = arith.constant 44 : i32
      %add3A_551 = vector.broadcast %add3A_550 : i32 to vector<16xi32>
      %add3A_552 = arith.addi %mul3A_107, %add3A_551 : vector<16xi32>
      %gather3A_553 = tpu.vector_load_idx %arg15[%shift_right_logical3A_102, %add3A_552] : memref<256x64xf32, #tpu.memory_space<vmem>>[vector<16xi32>, vector<16xi32>], vector<16xf32>,
      %gather3A_554 = tpu.vector_load_idx %arg16[%shift_right_logical3A_102, %add3A_552] : memref<256x64xf32, #tpu.memory_space<vmem>>[vector<16xi32>, vector<16xi32>], vector<16xf32>,
      %gather3A_555 = tpu.vector_load_idx %arg17[%shift_right_logical3A_102, %add3A_552] : memref<256x64xf32, #tpu.memory_space<vmem>>[vector<16xi32>, vector<16xi32>], vector<16xf32>,
      %mul3A_556 = arith.mulf %gather3A_553, %gather3A_554 : vector<16xf32>
      %add3A_557 = arith.addf %add3A_547, %mul3A_556 : vector<16xf32>
      %mul3A_558 = arith.mulf %gather3A_553, %gather3A_555 : vector<16xf32>
      %add3A_559 = arith.addf %add3A_549, %mul3A_558 : vector<16xf32>
      %add3A_560 = arith.constant 45 : i32
      %add3A_561 = vector.broadcast %add3A_560 : i32 to vector<16xi32>
      %add3A_562 = arith.addi %mul3A_107, %add3A_561 : vector<16xi32>
      %gather3A_563 = tpu.vector_load_idx %arg15[%shift_right_logical3A_102, %add3A_562] : memref<256x64xf32, #tpu.memory_space<vmem>>[vector<16xi32>, vector<16xi32>], vector<16xf32>,
      %gather3A_564 = tpu.vector_load_idx %arg16[%shift_right_logical3A_102, %add3A_562] : memref<256x64xf32, #tpu.memory_space<vmem>>[vector<16xi32>, vector<16xi32>], vector<16xf32>,
      %gather3A_565 = tpu.vector_load_idx %arg17[%shift_right_logical3A_102, %add3A_562] : memref<256x64xf32, #tpu.memory_space<vmem>>[vector<16xi32>, vector<16xi32>], vector<16xf32>,
      %mul3A_566 = arith.mulf %gather3A_563, %gather3A_564 : vector<16xf32>
      %add3A_567 = arith.addf %add3A_557, %mul3A_566 : vector<16xf32>
      %mul3A_568 = arith.mulf %gather3A_563, %gather3A_565 : vector<16xf32>
      %add3A_569 = arith.addf %add3A_559, %mul3A_568 : vector<16xf32>
      %add3A_570 = arith.constant 46 : i32
      %add3A_571 = vector.broadcast %add3A_570 : i32 to vector<16xi32>
      %add3A_572 = arith.addi %mul3A_107, %add3A_571 : vector<16xi32>
      %gather3A_573 = tpu.vector_load_idx %arg15[%shift_right_logical3A_102, %add3A_572] : memref<256x64xf32, #tpu.memory_space<vmem>>[vector<16xi32>, vector<16xi32>], vector<16xf32>,
      %gather3A_574 = tpu.vector_load_idx %arg16[%shift_right_logical3A_102, %add3A_572] : memref<256x64xf32, #tpu.memory_space<vmem>>[vector<16xi32>, vector<16xi32>], vector<16xf32>,
      %gather3A_575 = tpu.vector_load_idx %arg17[%shift_right_logical3A_102, %add3A_572] : memref<256x64xf32, #tpu.memory_space<vmem>>[vector<16xi32>, vector<16xi32>], vector<16xf32>,
      %mul3A_576 = arith.mulf %gather3A_573, %gather3A_574 : vector<16xf32>
      %add3A_577 = arith.addf %add3A_567, %mul3A_576 : vector<16xf32>
      %mul3A_578 = arith.mulf %gather3A_573, %gather3A_575 : vector<16xf32>
      %add3A_579 = arith.addf %add3A_569, %mul3A_578 : vector<16xf32>
      %add3A_580 = arith.constant 47 : i32
      %add3A_581 = vector.broadcast %add3A_580 : i32 to vector<16xi32>
      %add3A_582 = arith.addi %mul3A_107, %add3A_581 : vector<16xi32>
      %gather3A_583 = tpu.vector_load_idx %arg15[%shift_right_logical3A_102, %add3A_582] : memref<256x64xf32, #tpu.memory_space<vmem>>[vector<16xi32>, vector<16xi32>], vector<16xf32>,
      %gather3A_584 = tpu.vector_load_idx %arg16[%shift_right_logical3A_102, %add3A_582] : memref<256x64xf32, #tpu.memory_space<vmem>>[vector<16xi32>, vector<16xi32>], vector<16xf32>,
      %gather3A_585 = tpu.vector_load_idx %arg17[%shift_right_logical3A_102, %add3A_582] : memref<256x64xf32, #tpu.memory_space<vmem>>[vector<16xi32>, vector<16xi32>], vector<16xf32>,
      %mul3A_586 = arith.mulf %gather3A_583, %gather3A_584 : vector<16xf32>
      %add3A_587 = arith.addf %add3A_577, %mul3A_586 : vector<16xf32>
      %mul3A_588 = arith.mulf %gather3A_583, %gather3A_585 : vector<16xf32>
      %add3A_589 = arith.addf %add3A_579, %mul3A_588 : vector<16xf32>
      %add3A_590 = arith.constant 48 : i32
      %add3A_591 = vector.broadcast %add3A_590 : i32 to vector<16xi32>
      %add3A_592 = arith.addi %mul3A_107, %add3A_591 : vector<16xi32>
      %gather3A_593 = tpu.vector_load_idx %arg15[%shift_right_logical3A_102, %add3A_592] : memref<256x64xf32, #tpu.memory_space<vmem>>[vector<16xi32>, vector<16xi32>], vector<16xf32>,
      %gather3A_594 = tpu.vector_load_idx %arg16[%shift_right_logical3A_102, %add3A_592] : memref<256x64xf32, #tpu.memory_space<vmem>>[vector<16xi32>, vector<16xi32>], vector<16xf32>,
      %gather3A_595 = tpu.vector_load_idx %arg17[%shift_right_logical3A_102, %add3A_592] : memref<256x64xf32, #tpu.memory_space<vmem>>[vector<16xi32>, vector<16xi32>], vector<16xf32>,
      %mul3A_596 = arith.mulf %gather3A_593, %gather3A_594 : vector<16xf32>
      %add3A_597 = arith.addf %add3A_587, %mul3A_596 : vector<16xf32>
      %mul3A_598 = arith.mulf %gather3A_593, %gather3A_595 : vector<16xf32>
      %add3A_599 = arith.addf %add3A_589, %mul3A_598 : vector<16xf32>
      %add3A_600 = arith.constant 49 : i32
      %add3A_601 = vector.broadcast %add3A_600 : i32 to vector<16xi32>
      %add3A_602 = arith.addi %mul3A_107, %add3A_601 : vector<16xi32>
      %gather3A_603 = tpu.vector_load_idx %arg15[%shift_right_logical3A_102, %add3A_602] : memref<256x64xf32, #tpu.memory_space<vmem>>[vector<16xi32>, vector<16xi32>], vector<16xf32>,
      %gather3A_604 = tpu.vector_load_idx %arg16[%shift_right_logical3A_102, %add3A_602] : memref<256x64xf32, #tpu.memory_space<vmem>>[vector<16xi32>, vector<16xi32>], vector<16xf32>,
      %gather3A_605 = tpu.vector_load_idx %arg17[%shift_right_logical3A_102, %add3A_602] : memref<256x64xf32, #tpu.memory_space<vmem>>[vector<16xi32>, vector<16xi32>], vector<16xf32>,
      %mul3A_606 = arith.mulf %gather3A_603, %gather3A_604 : vector<16xf32>
      %add3A_607 = arith.addf %add3A_597, %mul3A_606 : vector<16xf32>
      %mul3A_608 = arith.mulf %gather3A_603, %gather3A_605 : vector<16xf32>
      %add3A_609 = arith.addf %add3A_599, %mul3A_608 : vector<16xf32>
      %add3A_610 = arith.constant 50 : i32
      %add3A_611 = vector.broadcast %add3A_610 : i32 to vector<16xi32>
      %add3A_612 = arith.addi %mul3A_107, %add3A_611 : vector<16xi32>
      %gather3A_613 = tpu.vector_load_idx %arg15[%shift_right_logical3A_102, %add3A_612] : memref<256x64xf32, #tpu.memory_space<vmem>>[vector<16xi32>, vector<16xi32>], vector<16xf32>,
      %gather3A_614 = tpu.vector_load_idx %arg16[%shift_right_logical3A_102, %add3A_612] : memref<256x64xf32, #tpu.memory_space<vmem>>[vector<16xi32>, vector<16xi32>], vector<16xf32>,
      %gather3A_615 = tpu.vector_load_idx %arg17[%shift_right_logical3A_102, %add3A_612] : memref<256x64xf32, #tpu.memory_space<vmem>>[vector<16xi32>, vector<16xi32>], vector<16xf32>,
      %mul3A_616 = arith.mulf %gather3A_613, %gather3A_614 : vector<16xf32>
      %add3A_617 = arith.addf %add3A_607, %mul3A_616 : vector<16xf32>
      %mul3A_618 = arith.mulf %gather3A_613, %gather3A_615 : vector<16xf32>
      %add3A_619 = arith.addf %add3A_609, %mul3A_618 : vector<16xf32>
      %add3A_620 = arith.constant 51 : i32
      %add3A_621 = vector.broadcast %add3A_620 : i32 to vector<16xi32>
      %add3A_622 = arith.addi %mul3A_107, %add3A_621 : vector<16xi32>
      %gather3A_623 = tpu.vector_load_idx %arg15[%shift_right_logical3A_102, %add3A_622] : memref<256x64xf32, #tpu.memory_space<vmem>>[vector<16xi32>, vector<16xi32>], vector<16xf32>,
      %gather3A_624 = tpu.vector_load_idx %arg16[%shift_right_logical3A_102, %add3A_622] : memref<256x64xf32, #tpu.memory_space<vmem>>[vector<16xi32>, vector<16xi32>], vector<16xf32>,
      %gather3A_625 = tpu.vector_load_idx %arg17[%shift_right_logical3A_102, %add3A_622] : memref<256x64xf32, #tpu.memory_space<vmem>>[vector<16xi32>, vector<16xi32>], vector<16xf32>,
      %mul3A_626 = arith.mulf %gather3A_623, %gather3A_624 : vector<16xf32>
      %add3A_627 = arith.addf %add3A_617, %mul3A_626 : vector<16xf32>
      %mul3A_628 = arith.mulf %gather3A_623, %gather3A_625 : vector<16xf32>
      %add3A_629 = arith.addf %add3A_619, %mul3A_628 : vector<16xf32>
      %add3A_630 = arith.constant 52 : i32
      %add3A_631 = vector.broadcast %add3A_630 : i32 to vector<16xi32>
      %add3A_632 = arith.addi %mul3A_107, %add3A_631 : vector<16xi32>
      %gather3A_633 = tpu.vector_load_idx %arg15[%shift_right_logical3A_102, %add3A_632] : memref<256x64xf32, #tpu.memory_space<vmem>>[vector<16xi32>, vector<16xi32>], vector<16xf32>,
      %gather3A_634 = tpu.vector_load_idx %arg16[%shift_right_logical3A_102, %add3A_632] : memref<256x64xf32, #tpu.memory_space<vmem>>[vector<16xi32>, vector<16xi32>], vector<16xf32>,
      %gather3A_635 = tpu.vector_load_idx %arg17[%shift_right_logical3A_102, %add3A_632] : memref<256x64xf32, #tpu.memory_space<vmem>>[vector<16xi32>, vector<16xi32>], vector<16xf32>,
      %mul3A_636 = arith.mulf %gather3A_633, %gather3A_634 : vector<16xf32>
      %add3A_637 = arith.addf %add3A_627, %mul3A_636 : vector<16xf32>
      %mul3A_638 = arith.mulf %gather3A_633, %gather3A_635 : vector<16xf32>
      %add3A_639 = arith.addf %add3A_629, %mul3A_638 : vector<16xf32>
      %add3A_640 = arith.constant 53 : i32
      %add3A_641 = vector.broadcast %add3A_640 : i32 to vector<16xi32>
      %add3A_642 = arith.addi %mul3A_107, %add3A_641 : vector<16xi32>
      %gather3A_643 = tpu.vector_load_idx %arg15[%shift_right_logical3A_102, %add3A_642] : memref<256x64xf32, #tpu.memory_space<vmem>>[vector<16xi32>, vector<16xi32>], vector<16xf32>,
      %gather3A_644 = tpu.vector_load_idx %arg16[%shift_right_logical3A_102, %add3A_642] : memref<256x64xf32, #tpu.memory_space<vmem>>[vector<16xi32>, vector<16xi32>], vector<16xf32>,
      %gather3A_645 = tpu.vector_load_idx %arg17[%shift_right_logical3A_102, %add3A_642] : memref<256x64xf32, #tpu.memory_space<vmem>>[vector<16xi32>, vector<16xi32>], vector<16xf32>,
      %mul3A_646 = arith.mulf %gather3A_643, %gather3A_644 : vector<16xf32>
      %add3A_647 = arith.addf %add3A_637, %mul3A_646 : vector<16xf32>
      %mul3A_648 = arith.mulf %gather3A_643, %gather3A_645 : vector<16xf32>
      %add3A_649 = arith.addf %add3A_639, %mul3A_648 : vector<16xf32>
      %add3A_650 = arith.constant 54 : i32
      %add3A_651 = vector.broadcast %add3A_650 : i32 to vector<16xi32>
      %add3A_652 = arith.addi %mul3A_107, %add3A_651 : vector<16xi32>
      %gather3A_653 = tpu.vector_load_idx %arg15[%shift_right_logical3A_102, %add3A_652] : memref<256x64xf32, #tpu.memory_space<vmem>>[vector<16xi32>, vector<16xi32>], vector<16xf32>,
      %gather3A_654 = tpu.vector_load_idx %arg16[%shift_right_logical3A_102, %add3A_652] : memref<256x64xf32, #tpu.memory_space<vmem>>[vector<16xi32>, vector<16xi32>], vector<16xf32>,
      %gather3A_655 = tpu.vector_load_idx %arg17[%shift_right_logical3A_102, %add3A_652] : memref<256x64xf32, #tpu.memory_space<vmem>>[vector<16xi32>, vector<16xi32>], vector<16xf32>,
      %mul3A_656 = arith.mulf %gather3A_653, %gather3A_654 : vector<16xf32>
      %add3A_657 = arith.addf %add3A_647, %mul3A_656 : vector<16xf32>
      %mul3A_658 = arith.mulf %gather3A_653, %gather3A_655 : vector<16xf32>
      %add3A_659 = arith.addf %add3A_649, %mul3A_658 : vector<16xf32>
      %add3A_660 = arith.constant 55 : i32
      %add3A_661 = vector.broadcast %add3A_660 : i32 to vector<16xi32>
      %add3A_662 = arith.addi %mul3A_107, %add3A_661 : vector<16xi32>
      %gather3A_663 = tpu.vector_load_idx %arg15[%shift_right_logical3A_102, %add3A_662] : memref<256x64xf32, #tpu.memory_space<vmem>>[vector<16xi32>, vector<16xi32>], vector<16xf32>,
      %gather3A_664 = tpu.vector_load_idx %arg16[%shift_right_logical3A_102, %add3A_662] : memref<256x64xf32, #tpu.memory_space<vmem>>[vector<16xi32>, vector<16xi32>], vector<16xf32>,
      %gather3A_665 = tpu.vector_load_idx %arg17[%shift_right_logical3A_102, %add3A_662] : memref<256x64xf32, #tpu.memory_space<vmem>>[vector<16xi32>, vector<16xi32>], vector<16xf32>,
      %mul3A_666 = arith.mulf %gather3A_663, %gather3A_664 : vector<16xf32>
      %add3A_667 = arith.addf %add3A_657, %mul3A_666 : vector<16xf32>
      %mul3A_668 = arith.mulf %gather3A_663, %gather3A_665 : vector<16xf32>
      %add3A_669 = arith.addf %add3A_659, %mul3A_668 : vector<16xf32>
      %add3A_670 = arith.constant 56 : i32
      %add3A_671 = vector.broadcast %add3A_670 : i32 to vector<16xi32>
      %add3A_672 = arith.addi %mul3A_107, %add3A_671 : vector<16xi32>
      %gather3A_673 = tpu.vector_load_idx %arg15[%shift_right_logical3A_102, %add3A_672] : memref<256x64xf32, #tpu.memory_space<vmem>>[vector<16xi32>, vector<16xi32>], vector<16xf32>,
      %gather3A_674 = tpu.vector_load_idx %arg16[%shift_right_logical3A_102, %add3A_672] : memref<256x64xf32, #tpu.memory_space<vmem>>[vector<16xi32>, vector<16xi32>], vector<16xf32>,
      %gather3A_675 = tpu.vector_load_idx %arg17[%shift_right_logical3A_102, %add3A_672] : memref<256x64xf32, #tpu.memory_space<vmem>>[vector<16xi32>, vector<16xi32>], vector<16xf32>,
      %mul3A_676 = arith.mulf %gather3A_673, %gather3A_674 : vector<16xf32>
      %add3A_677 = arith.addf %add3A_667, %mul3A_676 : vector<16xf32>
      %mul3A_678 = arith.mulf %gather3A_673, %gather3A_675 : vector<16xf32>
      %add3A_679 = arith.addf %add3A_669, %mul3A_678 : vector<16xf32>
      %add3A_680 = arith.constant 57 : i32
      %add3A_681 = vector.broadcast %add3A_680 : i32 to vector<16xi32>
      %add3A_682 = arith.addi %mul3A_107, %add3A_681 : vector<16xi32>
      %gather3A_683 = tpu.vector_load_idx %arg15[%shift_right_logical3A_102, %add3A_682] : memref<256x64xf32, #tpu.memory_space<vmem>>[vector<16xi32>, vector<16xi32>], vector<16xf32>,
      %gather3A_684 = tpu.vector_load_idx %arg16[%shift_right_logical3A_102, %add3A_682] : memref<256x64xf32, #tpu.memory_space<vmem>>[vector<16xi32>, vector<16xi32>], vector<16xf32>,
      %gather3A_685 = tpu.vector_load_idx %arg17[%shift_right_logical3A_102, %add3A_682] : memref<256x64xf32, #tpu.memory_space<vmem>>[vector<16xi32>, vector<16xi32>], vector<16xf32>,
      %mul3A_686 = arith.mulf %gather3A_683, %gather3A_684 : vector<16xf32>
      %add3A_687 = arith.addf %add3A_677, %mul3A_686 : vector<16xf32>
      %mul3A_688 = arith.mulf %gather3A_683, %gather3A_685 : vector<16xf32>
      %add3A_689 = arith.addf %add3A_679, %mul3A_688 : vector<16xf32>
      %add3A_690 = arith.constant 58 : i32
      %add3A_691 = vector.broadcast %add3A_690 : i32 to vector<16xi32>
      %add3A_692 = arith.addi %mul3A_107, %add3A_691 : vector<16xi32>
      %gather3A_693 = tpu.vector_load_idx %arg15[%shift_right_logical3A_102, %add3A_692] : memref<256x64xf32, #tpu.memory_space<vmem>>[vector<16xi32>, vector<16xi32>], vector<16xf32>,
      %gather3A_694 = tpu.vector_load_idx %arg16[%shift_right_logical3A_102, %add3A_692] : memref<256x64xf32, #tpu.memory_space<vmem>>[vector<16xi32>, vector<16xi32>], vector<16xf32>,
      %gather3A_695 = tpu.vector_load_idx %arg17[%shift_right_logical3A_102, %add3A_692] : memref<256x64xf32, #tpu.memory_space<vmem>>[vector<16xi32>, vector<16xi32>], vector<16xf32>,
      %mul3A_696 = arith.mulf %gather3A_693, %gather3A_694 : vector<16xf32>
      %add3A_697 = arith.addf %add3A_687, %mul3A_696 : vector<16xf32>
      %mul3A_698 = arith.mulf %gather3A_693, %gather3A_695 : vector<16xf32>
      %add3A_699 = arith.addf %add3A_689, %mul3A_698 : vector<16xf32>
      %add3A_700 = arith.constant 59 : i32
      %add3A_701 = vector.broadcast %add3A_700 : i32 to vector<16xi32>
      %add3A_702 = arith.addi %mul3A_107, %add3A_701 : vector<16xi32>
      %gather3A_703 = tpu.vector_load_idx %arg15[%shift_right_logical3A_102, %add3A_702] : memref<256x64xf32, #tpu.memory_space<vmem>>[vector<16xi32>, vector<16xi32>], vector<16xf32>,
      %gather3A_704 = tpu.vector_load_idx %arg16[%shift_right_logical3A_102, %add3A_702] : memref<256x64xf32, #tpu.memory_space<vmem>>[vector<16xi32>, vector<16xi32>], vector<16xf32>,
      %gather3A_705 = tpu.vector_load_idx %arg17[%shift_right_logical3A_102, %add3A_702] : memref<256x64xf32, #tpu.memory_space<vmem>>[vector<16xi32>, vector<16xi32>], vector<16xf32>,
      %mul3A_706 = arith.mulf %gather3A_703, %gather3A_704 : vector<16xf32>
      %add3A_707 = arith.addf %add3A_697, %mul3A_706 : vector<16xf32>
      %mul3A_708 = arith.mulf %gather3A_703, %gather3A_705 : vector<16xf32>
      %add3A_709 = arith.addf %add3A_699, %mul3A_708 : vector<16xf32>
      %add3A_710 = arith.constant 60 : i32
      %add3A_711 = vector.broadcast %add3A_710 : i32 to vector<16xi32>
      %add3A_712 = arith.addi %mul3A_107, %add3A_711 : vector<16xi32>
      %gather3A_713 = tpu.vector_load_idx %arg15[%shift_right_logical3A_102, %add3A_712] : memref<256x64xf32, #tpu.memory_space<vmem>>[vector<16xi32>, vector<16xi32>], vector<16xf32>,
      %gather3A_714 = tpu.vector_load_idx %arg16[%shift_right_logical3A_102, %add3A_712] : memref<256x64xf32, #tpu.memory_space<vmem>>[vector<16xi32>, vector<16xi32>], vector<16xf32>,
      %gather3A_715 = tpu.vector_load_idx %arg17[%shift_right_logical3A_102, %add3A_712] : memref<256x64xf32, #tpu.memory_space<vmem>>[vector<16xi32>, vector<16xi32>], vector<16xf32>,
      %mul3A_716 = arith.mulf %gather3A_713, %gather3A_714 : vector<16xf32>
      %add3A_717 = arith.addf %add3A_707, %mul3A_716 : vector<16xf32>
      %mul3A_718 = arith.mulf %gather3A_713, %gather3A_715 : vector<16xf32>
      %add3A_719 = arith.addf %add3A_709, %mul3A_718 : vector<16xf32>
      %add3A_720 = arith.constant 61 : i32
      %add3A_721 = vector.broadcast %add3A_720 : i32 to vector<16xi32>
      %add3A_722 = arith.addi %mul3A_107, %add3A_721 : vector<16xi32>
      %gather3A_723 = tpu.vector_load_idx %arg15[%shift_right_logical3A_102, %add3A_722] : memref<256x64xf32, #tpu.memory_space<vmem>>[vector<16xi32>, vector<16xi32>], vector<16xf32>,
      %gather3A_724 = tpu.vector_load_idx %arg16[%shift_right_logical3A_102, %add3A_722] : memref<256x64xf32, #tpu.memory_space<vmem>>[vector<16xi32>, vector<16xi32>], vector<16xf32>,
      %gather3A_725 = tpu.vector_load_idx %arg17[%shift_right_logical3A_102, %add3A_722] : memref<256x64xf32, #tpu.memory_space<vmem>>[vector<16xi32>, vector<16xi32>], vector<16xf32>,
      %mul3A_726 = arith.mulf %gather3A_723, %gather3A_724 : vector<16xf32>
      %add3A_727 = arith.addf %add3A_717, %mul3A_726 : vector<16xf32>
      %mul3A_728 = arith.mulf %gather3A_723, %gather3A_725 : vector<16xf32>
      %add3A_729 = arith.addf %add3A_719, %mul3A_728 : vector<16xf32>
      %add3A_730 = arith.constant 62 : i32
      %add3A_731 = vector.broadcast %add3A_730 : i32 to vector<16xi32>
      %add3A_732 = arith.addi %mul3A_107, %add3A_731 : vector<16xi32>
      %gather3A_733 = tpu.vector_load_idx %arg15[%shift_right_logical3A_102, %add3A_732] : memref<256x64xf32, #tpu.memory_space<vmem>>[vector<16xi32>, vector<16xi32>], vector<16xf32>,
      %gather3A_734 = tpu.vector_load_idx %arg16[%shift_right_logical3A_102, %add3A_732] : memref<256x64xf32, #tpu.memory_space<vmem>>[vector<16xi32>, vector<16xi32>], vector<16xf32>,
      %gather3A_735 = tpu.vector_load_idx %arg17[%shift_right_logical3A_102, %add3A_732] : memref<256x64xf32, #tpu.memory_space<vmem>>[vector<16xi32>, vector<16xi32>], vector<16xf32>,
      %mul3A_736 = arith.mulf %gather3A_733, %gather3A_734 : vector<16xf32>
      %add3A_737 = arith.addf %add3A_727, %mul3A_736 : vector<16xf32>
      %mul3A_738 = arith.mulf %gather3A_733, %gather3A_735 : vector<16xf32>
      %add3A_739 = arith.addf %add3A_729, %mul3A_738 : vector<16xf32>
      %add3A_740 = arith.constant 63 : i32
      %add3A_741 = vector.broadcast %add3A_740 : i32 to vector<16xi32>
      %add3A_742 = arith.addi %mul3A_107, %add3A_741 : vector<16xi32>
      %gather3A_743 = tpu.vector_load_idx %arg15[%shift_right_logical3A_102, %add3A_742] : memref<256x64xf32, #tpu.memory_space<vmem>>[vector<16xi32>, vector<16xi32>], vector<16xf32>,
      %gather3A_744 = tpu.vector_load_idx %arg16[%shift_right_logical3A_102, %add3A_742] : memref<256x64xf32, #tpu.memory_space<vmem>>[vector<16xi32>, vector<16xi32>], vector<16xf32>,
      %gather3A_745 = tpu.vector_load_idx %arg17[%shift_right_logical3A_102, %add3A_742] : memref<256x64xf32, #tpu.memory_space<vmem>>[vector<16xi32>, vector<16xi32>], vector<16xf32>,
      %mul3A_746 = arith.mulf %gather3A_743, %gather3A_744 : vector<16xf32>
      %add3A_747 = arith.addf %add3A_737, %mul3A_746 : vector<16xf32>
      %mul3A_748 = arith.mulf %gather3A_743, %gather3A_745 : vector<16xf32>
      %add3A_749 = arith.addf %add3A_739, %mul3A_748 : vector<16xf32>
      %mul3A_750 = arith.constant 16 : i32
      %mul3A_751 = arith.muli %scan3A_96, %mul3A_750 : i32
      %add3A_752 = arith.constant 0 : i32
      %add3A_753 = arith.addi %add3A_752, %mul3A_751 : i32
      %multiple_of3A = tpu.assume_multiple %add3A_753, 16 : i32
      %swap3A = arith.index_cast %multiple_of3A : i32 to index
      %swap3A_754 = tpu.vector_load %arg18[%swap3A] {strides = array<i32>} : memref<512xf32, #tpu.memory_space<vmem>>, vector<16xf32>,
      tpu.vector_store %arg18[%swap3A], %add3A_747 {strides = array<i32>} : memref<512xf32, #tpu.memory_space<vmem>>, vector<16xf32>,
      %swap3A_755 = arith.index_cast %multiple_of3A : i32 to index
      %swap3A_756 = tpu.vector_load %arg19[%swap3A_755] {strides = array<i32>} : memref<512xf32, #tpu.memory_space<vmem>>, vector<16xf32>,
      tpu.vector_store %arg19[%swap3A_755], %add3A_749 {strides = array<i32>} : memref<512xf32, #tpu.memory_space<vmem>>, vector<16xf32>,
    }
    %scan3A_47 = arith.constant 16 : i32
    %scan3A_48 = arith.constant 0 : i32
    %scan3A_49 = arith.constant 0 : i32
    %scan3A_50 = arith.constant 16 : i32
    %scan3A_51 = arith.addi %scan3A_49, %scan3A_50 : i32
    %scan3A_52 = arith.constant 1 : i32
    scf.for %scan3A_96 = %scan3A_49 to %scan3A_51 step %scan3A_52  : i32 {
      %mul3A_97 = arith.constant 16 : i32
      %mul3A_98 = arith.muli %scan3A_96, %mul3A_97 : i32
      %add3A_99 = arith.constant 256 : i32
      %add3A_100 = arith.addi %add3A_99, %mul3A_98 : i32
      %multiple_of3A = tpu.assume_multiple %add3A_100, 16 : i32
      %mul3A_101 = arith.constant 16 : i32
      %mul3A_102 = arith.muli %scan3A_96, %mul3A_101 : i32
      %multiple_of3A_103 = tpu.assume_multiple %mul3A_102, 16 : i32
      %get3A = arith.index_cast %multiple_of3A : i32 to index
      %get3A_104 = tpu.vector_load %arg9[%get3A] {strides = array<i32>} : memref<512xi32, #tpu.memory_space<vmem>>, vector<16xi32>,
      %mul3A_105 = arith.constant 2 : i32
      %mul3A_106 = vector.broadcast %mul3A_105 : i32 to vector<16xi32>
      %mul3A_107 = arith.muli %get3A_104, %mul3A_106 : vector<16xi32>
      %swap3A = arith.index_cast %multiple_of3A_103 : i32 to index
      %swap3A_108 = tpu.vector_load %arg12[%swap3A] {strides = array<i32>} : memref<256xi32, #tpu.memory_space<vmem>>, vector<16xi32>,
      tpu.vector_store %arg12[%swap3A], %mul3A_107 {strides = array<i32>} : memref<256xi32, #tpu.memory_space<vmem>>, vector<16xi32>,
      %get3A_109 = arith.index_cast %multiple_of3A : i32 to index
      %get3A_110 = tpu.vector_load %arg10[%get3A_109] {strides = array<i32>} : memref<512xi32, #tpu.memory_space<vmem>>, vector<16xi32>,
      %mul3A_111 = arith.constant 2 : i32
      %mul3A_112 = vector.broadcast %mul3A_111 : i32 to vector<16xi32>
      %mul3A_113 = arith.muli %get3A_110, %mul3A_112 : vector<16xi32>
      %swap3A_114 = arith.index_cast %multiple_of3A_103 : i32 to index
      %swap3A_115 = tpu.vector_load %arg13[%swap3A_114] {strides = array<i32>} : memref<256xi32, #tpu.memory_space<vmem>>, vector<16xi32>,
      tpu.vector_store %arg13[%swap3A_114], %mul3A_113 {strides = array<i32>} : memref<256xi32, #tpu.memory_space<vmem>>, vector<16xi32>,
      %get3A_116 = arith.index_cast %multiple_of3A : i32 to index
      %get3A_117 = tpu.vector_load %arg11[%get3A_116] {strides = array<i32>} : memref<512xi32, #tpu.memory_space<vmem>>, vector<16xi32>,
      %mul3A_118 = arith.constant 2 : i32
      %mul3A_119 = vector.broadcast %mul3A_118 : i32 to vector<16xi32>
      %mul3A_120 = arith.muli %get3A_117, %mul3A_119 : vector<16xi32>
      %swap3A_121 = arith.index_cast %multiple_of3A_103 : i32 to index
      %swap3A_122 = tpu.vector_load %arg14[%swap3A_121] {strides = array<i32>} : memref<256xi32, #tpu.memory_space<vmem>>, vector<16xi32>,
      tpu.vector_store %arg14[%swap3A_121], %mul3A_120 {strides = array<i32>} : memref<256xi32, #tpu.memory_space<vmem>>, vector<16xi32>,
    }
    %scan3A_53 = arith.constant 16 : i32
    %dma_start3A_54 = arith.constant 0 : i32
    %dma_start3A_55 = arith.constant 0 : i32
    %dma_start3A_56 = tpu.memref_slice %arg5[%dma_start3A_54, %dma_start3A_55] : memref<1000000x64xf32, #tpu.memory_space<hbm>> -> memref<1x64xf32, #tpu.memory_space<hbm>>
    %dma_start3A_57 = arith.constant 0 : i32
    %dma_start3A_58 = arith.constant 0 : i32
    %dma_start3A_59 = tpu.memref_slice %dma_start3A_56[%dma_start3A_57, %dma_start3A_58] : memref<1x64xf32, #tpu.memory_space<hbm>> -> memref<1x64xf32, #tpu.memory_space<hbm>>
    tpu.enqueue_indirect_dma source(%dma_start3A_59 : memref<1x64xf32, #tpu.memory_space<hbm>>) target(%arg15 : memref<256x64xf32, #tpu.memory_space<vmem>>) offsets(%arg12 : memref<256xi32, #tpu.memory_space<vmem>>) semaphore(%arg20 : memref<!tpu.dma_semaphore, #tpu.memory_space<semaphore_mem>>)
    %dma_start3A_60 = arith.constant 0 : i32
    %dma_start3A_61 = arith.constant 0 : i32
    %dma_start3A_62 = tpu.memref_slice %arg6[%dma_start3A_60, %dma_start3A_61] : memref<1000000x64xf32, #tpu.memory_space<hbm>> -> memref<1x64xf32, #tpu.memory_space<hbm>>
    %dma_start3A_63 = arith.constant 0 : i32
    %dma_start3A_64 = arith.constant 0 : i32
    %dma_start3A_65 = tpu.memref_slice %dma_start3A_62[%dma_start3A_63, %dma_start3A_64] : memref<1x64xf32, #tpu.memory_space<hbm>> -> memref<1x64xf32, #tpu.memory_space<hbm>>
    tpu.enqueue_indirect_dma source(%dma_start3A_65 : memref<1x64xf32, #tpu.memory_space<hbm>>) target(%arg16 : memref<256x64xf32, #tpu.memory_space<vmem>>) offsets(%arg13 : memref<256xi32, #tpu.memory_space<vmem>>) semaphore(%arg21 : memref<!tpu.dma_semaphore, #tpu.memory_space<semaphore_mem>>)
    %dma_start3A_66 = arith.constant 0 : i32
    %dma_start3A_67 = arith.constant 0 : i32
    %dma_start3A_68 = tpu.memref_slice %arg6[%dma_start3A_66, %dma_start3A_67] : memref<1000000x64xf32, #tpu.memory_space<hbm>> -> memref<1x64xf32, #tpu.memory_space<hbm>>
    %dma_start3A_69 = arith.constant 0 : i32
    %dma_start3A_70 = arith.constant 0 : i32
    %dma_start3A_71 = tpu.memref_slice %dma_start3A_68[%dma_start3A_69, %dma_start3A_70] : memref<1x64xf32, #tpu.memory_space<hbm>> -> memref<1x64xf32, #tpu.memory_space<hbm>>
    tpu.enqueue_indirect_dma source(%dma_start3A_71 : memref<1x64xf32, #tpu.memory_space<hbm>>) target(%arg17 : memref<256x64xf32, #tpu.memory_space<vmem>>) offsets(%arg14 : memref<256xi32, #tpu.memory_space<vmem>>) semaphore(%arg22 : memref<!tpu.dma_semaphore, #tpu.memory_space<semaphore_mem>>)
    %dma_wait3A_72 = arith.constant 0 : i32
    %dma_wait3A_73 = arith.constant 0 : i32
    %dma_wait3A_74 = tpu.memref_slice %arg5[%dma_wait3A_72, %dma_wait3A_73] : memref<1000000x64xf32, #tpu.memory_space<hbm>> -> memref<1x64xf32, #tpu.memory_space<hbm>>
    %dma_wait3A_75 = arith.constant 0 : i32
    %dma_wait3A_76 = arith.constant 0 : i32
    %dma_wait3A_77 = tpu.memref_slice %dma_wait3A_74[%dma_wait3A_75, %dma_wait3A_76] : memref<1x64xf32, #tpu.memory_space<hbm>> -> memref<1x64xf32, #tpu.memory_space<hbm>>
    tpu.wait_indirect_dma semaphore(%arg20 : memref<!tpu.dma_semaphore, #tpu.memory_space<semaphore_mem>>) src(%dma_wait3A_77 : memref<1x64xf32, #tpu.memory_space<hbm>>) dst(%arg15 : memref<256x64xf32, #tpu.memory_space<vmem>>)
    %dma_wait3A_78 = arith.constant 0 : i32
    %dma_wait3A_79 = arith.constant 0 : i32
    %dma_wait3A_80 = tpu.memref_slice %arg6[%dma_wait3A_78, %dma_wait3A_79] : memref<1000000x64xf32, #tpu.memory_space<hbm>> -> memref<1x64xf32, #tpu.memory_space<hbm>>
    %dma_wait3A_81 = arith.constant 0 : i32
    %dma_wait3A_82 = arith.constant 0 : i32
    %dma_wait3A_83 = tpu.memref_slice %dma_wait3A_80[%dma_wait3A_81, %dma_wait3A_82] : memref<1x64xf32, #tpu.memory_space<hbm>> -> memref<1x64xf32, #tpu.memory_space<hbm>>
    tpu.wait_indirect_dma semaphore(%arg21 : memref<!tpu.dma_semaphore, #tpu.memory_space<semaphore_mem>>) src(%dma_wait3A_83 : memref<1x64xf32, #tpu.memory_space<hbm>>) dst(%arg16 : memref<256x64xf32, #tpu.memory_space<vmem>>)
    %dma_wait3A_84 = arith.constant 0 : i32
    %dma_wait3A_85 = arith.constant 0 : i32
    %dma_wait3A_86 = tpu.memref_slice %arg6[%dma_wait3A_84, %dma_wait3A_85] : memref<1000000x64xf32, #tpu.memory_space<hbm>> -> memref<1x64xf32, #tpu.memory_space<hbm>>
    %dma_wait3A_87 = arith.constant 0 : i32
    %dma_wait3A_88 = arith.constant 0 : i32
    %dma_wait3A_89 = tpu.memref_slice %dma_wait3A_86[%dma_wait3A_87, %dma_wait3A_88] : memref<1x64xf32, #tpu.memory_space<hbm>> -> memref<1x64xf32, #tpu.memory_space<hbm>>
    tpu.wait_indirect_dma semaphore(%arg22 : memref<!tpu.dma_semaphore, #tpu.memory_space<semaphore_mem>>) src(%dma_wait3A_89 : memref<1x64xf32, #tpu.memory_space<hbm>>) dst(%arg17 : memref<256x64xf32, #tpu.memory_space<vmem>>)
    %scan3A_90 = arith.constant 0 : i32
    %scan3A_91 = arith.constant 0 : i32
    %scan3A_92 = arith.constant 16 : i32
    %scan3A_93 = arith.addi %scan3A_91, %scan3A_92 : i32
    %scan3A_94 = arith.constant 1 : i32
    scf.for %scan3A_96 = %scan3A_91 to %scan3A_93 step %scan3A_94  : i32 {
      %mul3A_97 = arith.constant 16 : i32
      %mul3A_98 = arith.muli %scan3A_96, %mul3A_97 : i32
      %add3A_99 = vector.broadcast %mul3A_98 : i32 to vector<16xi32>
      %add3A_100 = arith.addi %iota3A, %add3A_99 : vector<16xi32>
      %shift_right_logical3A = arith.constant 1 : i32
      %shift_right_logical3A_101 = vector.broadcast %shift_right_logical3A : i32 to vector<16xi32>
      %shift_right_logical3A_102 = arith.shrui %add3A_100, %shift_right_logical3A_101 : vector<16xi32>
      %and3A = arith.constant 1 : i32
      %and3A_103 = vector.broadcast %and3A : i32 to vector<16xi32>
      %and3A_104 = arith.andi %add3A_100, %and3A_103 : vector<16xi32>
      %mul3A_105 = arith.constant 64 : i32
      %mul3A_106 = vector.broadcast %mul3A_105 : i32 to vector<16xi32>
      %mul3A_107 = arith.muli %and3A_104, %mul3A_106 : vector<16xi32>
      %broadcast_in_dim3A = arith.constant 0.000000e+00 : f32
      %broadcast_in_dim3A_108 = vector.broadcast %broadcast_in_dim3A : f32 to vector<16xf32>
      %broadcast_in_dim3A_109 = arith.constant 0.000000e+00 : f32
      %broadcast_in_dim3A_110 = vector.broadcast %broadcast_in_dim3A_109 : f32 to vector<16xf32>
      %add3A_111 = arith.constant 0 : i32
      %add3A_112 = vector.broadcast %add3A_111 : i32 to vector<16xi32>
      %add3A_113 = arith.addi %mul3A_107, %add3A_112 : vector<16xi32>
      %gather3A = tpu.vector_load_idx %arg15[%shift_right_logical3A_102, %add3A_113] : memref<256x64xf32, #tpu.memory_space<vmem>>[vector<16xi32>, vector<16xi32>], vector<16xf32>,
      %gather3A_114 = tpu.vector_load_idx %arg16[%shift_right_logical3A_102, %add3A_113] : memref<256x64xf32, #tpu.memory_space<vmem>>[vector<16xi32>, vector<16xi32>], vector<16xf32>,
      %gather3A_115 = tpu.vector_load_idx %arg17[%shift_right_logical3A_102, %add3A_113] : memref<256x64xf32, #tpu.memory_space<vmem>>[vector<16xi32>, vector<16xi32>], vector<16xf32>,
      %mul3A_116 = arith.mulf %gather3A, %gather3A_114 : vector<16xf32>
      %add3A_117 = arith.addf %broadcast_in_dim3A_108, %mul3A_116 : vector<16xf32>
      %mul3A_118 = arith.mulf %gather3A, %gather3A_115 : vector<16xf32>
      %add3A_119 = arith.addf %broadcast_in_dim3A_110, %mul3A_118 : vector<16xf32>
      %add3A_120 = arith.constant 1 : i32
      %add3A_121 = vector.broadcast %add3A_120 : i32 to vector<16xi32>
      %add3A_122 = arith.addi %mul3A_107, %add3A_121 : vector<16xi32>
      %gather3A_123 = tpu.vector_load_idx %arg15[%shift_right_logical3A_102, %add3A_122] : memref<256x64xf32, #tpu.memory_space<vmem>>[vector<16xi32>, vector<16xi32>], vector<16xf32>,
      %gather3A_124 = tpu.vector_load_idx %arg16[%shift_right_logical3A_102, %add3A_122] : memref<256x64xf32, #tpu.memory_space<vmem>>[vector<16xi32>, vector<16xi32>], vector<16xf32>,
      %gather3A_125 = tpu.vector_load_idx %arg17[%shift_right_logical3A_102, %add3A_122] : memref<256x64xf32, #tpu.memory_space<vmem>>[vector<16xi32>, vector<16xi32>], vector<16xf32>,
      %mul3A_126 = arith.mulf %gather3A_123, %gather3A_124 : vector<16xf32>
      %add3A_127 = arith.addf %add3A_117, %mul3A_126 : vector<16xf32>
      %mul3A_128 = arith.mulf %gather3A_123, %gather3A_125 : vector<16xf32>
      %add3A_129 = arith.addf %add3A_119, %mul3A_128 : vector<16xf32>
      %add3A_130 = arith.constant 2 : i32
      %add3A_131 = vector.broadcast %add3A_130 : i32 to vector<16xi32>
      %add3A_132 = arith.addi %mul3A_107, %add3A_131 : vector<16xi32>
      %gather3A_133 = tpu.vector_load_idx %arg15[%shift_right_logical3A_102, %add3A_132] : memref<256x64xf32, #tpu.memory_space<vmem>>[vector<16xi32>, vector<16xi32>], vector<16xf32>,
      %gather3A_134 = tpu.vector_load_idx %arg16[%shift_right_logical3A_102, %add3A_132] : memref<256x64xf32, #tpu.memory_space<vmem>>[vector<16xi32>, vector<16xi32>], vector<16xf32>,
      %gather3A_135 = tpu.vector_load_idx %arg17[%shift_right_logical3A_102, %add3A_132] : memref<256x64xf32, #tpu.memory_space<vmem>>[vector<16xi32>, vector<16xi32>], vector<16xf32>,
      %mul3A_136 = arith.mulf %gather3A_133, %gather3A_134 : vector<16xf32>
      %add3A_137 = arith.addf %add3A_127, %mul3A_136 : vector<16xf32>
      %mul3A_138 = arith.mulf %gather3A_133, %gather3A_135 : vector<16xf32>
      %add3A_139 = arith.addf %add3A_129, %mul3A_138 : vector<16xf32>
      %add3A_140 = arith.constant 3 : i32
      %add3A_141 = vector.broadcast %add3A_140 : i32 to vector<16xi32>
      %add3A_142 = arith.addi %mul3A_107, %add3A_141 : vector<16xi32>
      %gather3A_143 = tpu.vector_load_idx %arg15[%shift_right_logical3A_102, %add3A_142] : memref<256x64xf32, #tpu.memory_space<vmem>>[vector<16xi32>, vector<16xi32>], vector<16xf32>,
      %gather3A_144 = tpu.vector_load_idx %arg16[%shift_right_logical3A_102, %add3A_142] : memref<256x64xf32, #tpu.memory_space<vmem>>[vector<16xi32>, vector<16xi32>], vector<16xf32>,
      %gather3A_145 = tpu.vector_load_idx %arg17[%shift_right_logical3A_102, %add3A_142] : memref<256x64xf32, #tpu.memory_space<vmem>>[vector<16xi32>, vector<16xi32>], vector<16xf32>,
      %mul3A_146 = arith.mulf %gather3A_143, %gather3A_144 : vector<16xf32>
      %add3A_147 = arith.addf %add3A_137, %mul3A_146 : vector<16xf32>
      %mul3A_148 = arith.mulf %gather3A_143, %gather3A_145 : vector<16xf32>
      %add3A_149 = arith.addf %add3A_139, %mul3A_148 : vector<16xf32>
      %add3A_150 = arith.constant 4 : i32
      %add3A_151 = vector.broadcast %add3A_150 : i32 to vector<16xi32>
      %add3A_152 = arith.addi %mul3A_107, %add3A_151 : vector<16xi32>
      %gather3A_153 = tpu.vector_load_idx %arg15[%shift_right_logical3A_102, %add3A_152] : memref<256x64xf32, #tpu.memory_space<vmem>>[vector<16xi32>, vector<16xi32>], vector<16xf32>,
      %gather3A_154 = tpu.vector_load_idx %arg16[%shift_right_logical3A_102, %add3A_152] : memref<256x64xf32, #tpu.memory_space<vmem>>[vector<16xi32>, vector<16xi32>], vector<16xf32>,
      %gather3A_155 = tpu.vector_load_idx %arg17[%shift_right_logical3A_102, %add3A_152] : memref<256x64xf32, #tpu.memory_space<vmem>>[vector<16xi32>, vector<16xi32>], vector<16xf32>,
      %mul3A_156 = arith.mulf %gather3A_153, %gather3A_154 : vector<16xf32>
      %add3A_157 = arith.addf %add3A_147, %mul3A_156 : vector<16xf32>
      %mul3A_158 = arith.mulf %gather3A_153, %gather3A_155 : vector<16xf32>
      %add3A_159 = arith.addf %add3A_149, %mul3A_158 : vector<16xf32>
      %add3A_160 = arith.constant 5 : i32
      %add3A_161 = vector.broadcast %add3A_160 : i32 to vector<16xi32>
      %add3A_162 = arith.addi %mul3A_107, %add3A_161 : vector<16xi32>
      %gather3A_163 = tpu.vector_load_idx %arg15[%shift_right_logical3A_102, %add3A_162] : memref<256x64xf32, #tpu.memory_space<vmem>>[vector<16xi32>, vector<16xi32>], vector<16xf32>,
      %gather3A_164 = tpu.vector_load_idx %arg16[%shift_right_logical3A_102, %add3A_162] : memref<256x64xf32, #tpu.memory_space<vmem>>[vector<16xi32>, vector<16xi32>], vector<16xf32>,
      %gather3A_165 = tpu.vector_load_idx %arg17[%shift_right_logical3A_102, %add3A_162] : memref<256x64xf32, #tpu.memory_space<vmem>>[vector<16xi32>, vector<16xi32>], vector<16xf32>,
      %mul3A_166 = arith.mulf %gather3A_163, %gather3A_164 : vector<16xf32>
      %add3A_167 = arith.addf %add3A_157, %mul3A_166 : vector<16xf32>
      %mul3A_168 = arith.mulf %gather3A_163, %gather3A_165 : vector<16xf32>
      %add3A_169 = arith.addf %add3A_159, %mul3A_168 : vector<16xf32>
      %add3A_170 = arith.constant 6 : i32
      %add3A_171 = vector.broadcast %add3A_170 : i32 to vector<16xi32>
      %add3A_172 = arith.addi %mul3A_107, %add3A_171 : vector<16xi32>
      %gather3A_173 = tpu.vector_load_idx %arg15[%shift_right_logical3A_102, %add3A_172] : memref<256x64xf32, #tpu.memory_space<vmem>>[vector<16xi32>, vector<16xi32>], vector<16xf32>,
      %gather3A_174 = tpu.vector_load_idx %arg16[%shift_right_logical3A_102, %add3A_172] : memref<256x64xf32, #tpu.memory_space<vmem>>[vector<16xi32>, vector<16xi32>], vector<16xf32>,
      %gather3A_175 = tpu.vector_load_idx %arg17[%shift_right_logical3A_102, %add3A_172] : memref<256x64xf32, #tpu.memory_space<vmem>>[vector<16xi32>, vector<16xi32>], vector<16xf32>,
      %mul3A_176 = arith.mulf %gather3A_173, %gather3A_174 : vector<16xf32>
      %add3A_177 = arith.addf %add3A_167, %mul3A_176 : vector<16xf32>
      %mul3A_178 = arith.mulf %gather3A_173, %gather3A_175 : vector<16xf32>
      %add3A_179 = arith.addf %add3A_169, %mul3A_178 : vector<16xf32>
      %add3A_180 = arith.constant 7 : i32
      %add3A_181 = vector.broadcast %add3A_180 : i32 to vector<16xi32>
      %add3A_182 = arith.addi %mul3A_107, %add3A_181 : vector<16xi32>
      %gather3A_183 = tpu.vector_load_idx %arg15[%shift_right_logical3A_102, %add3A_182] : memref<256x64xf32, #tpu.memory_space<vmem>>[vector<16xi32>, vector<16xi32>], vector<16xf32>,
      %gather3A_184 = tpu.vector_load_idx %arg16[%shift_right_logical3A_102, %add3A_182] : memref<256x64xf32, #tpu.memory_space<vmem>>[vector<16xi32>, vector<16xi32>], vector<16xf32>,
      %gather3A_185 = tpu.vector_load_idx %arg17[%shift_right_logical3A_102, %add3A_182] : memref<256x64xf32, #tpu.memory_space<vmem>>[vector<16xi32>, vector<16xi32>], vector<16xf32>,
      %mul3A_186 = arith.mulf %gather3A_183, %gather3A_184 : vector<16xf32>
      %add3A_187 = arith.addf %add3A_177, %mul3A_186 : vector<16xf32>
      %mul3A_188 = arith.mulf %gather3A_183, %gather3A_185 : vector<16xf32>
      %add3A_189 = arith.addf %add3A_179, %mul3A_188 : vector<16xf32>
      %add3A_190 = arith.constant 8 : i32
      %add3A_191 = vector.broadcast %add3A_190 : i32 to vector<16xi32>
      %add3A_192 = arith.addi %mul3A_107, %add3A_191 : vector<16xi32>
      %gather3A_193 = tpu.vector_load_idx %arg15[%shift_right_logical3A_102, %add3A_192] : memref<256x64xf32, #tpu.memory_space<vmem>>[vector<16xi32>, vector<16xi32>], vector<16xf32>,
      %gather3A_194 = tpu.vector_load_idx %arg16[%shift_right_logical3A_102, %add3A_192] : memref<256x64xf32, #tpu.memory_space<vmem>>[vector<16xi32>, vector<16xi32>], vector<16xf32>,
      %gather3A_195 = tpu.vector_load_idx %arg17[%shift_right_logical3A_102, %add3A_192] : memref<256x64xf32, #tpu.memory_space<vmem>>[vector<16xi32>, vector<16xi32>], vector<16xf32>,
      %mul3A_196 = arith.mulf %gather3A_193, %gather3A_194 : vector<16xf32>
      %add3A_197 = arith.addf %add3A_187, %mul3A_196 : vector<16xf32>
      %mul3A_198 = arith.mulf %gather3A_193, %gather3A_195 : vector<16xf32>
      %add3A_199 = arith.addf %add3A_189, %mul3A_198 : vector<16xf32>
      %add3A_200 = arith.constant 9 : i32
      %add3A_201 = vector.broadcast %add3A_200 : i32 to vector<16xi32>
      %add3A_202 = arith.addi %mul3A_107, %add3A_201 : vector<16xi32>
      %gather3A_203 = tpu.vector_load_idx %arg15[%shift_right_logical3A_102, %add3A_202] : memref<256x64xf32, #tpu.memory_space<vmem>>[vector<16xi32>, vector<16xi32>], vector<16xf32>,
      %gather3A_204 = tpu.vector_load_idx %arg16[%shift_right_logical3A_102, %add3A_202] : memref<256x64xf32, #tpu.memory_space<vmem>>[vector<16xi32>, vector<16xi32>], vector<16xf32>,
      %gather3A_205 = tpu.vector_load_idx %arg17[%shift_right_logical3A_102, %add3A_202] : memref<256x64xf32, #tpu.memory_space<vmem>>[vector<16xi32>, vector<16xi32>], vector<16xf32>,
      %mul3A_206 = arith.mulf %gather3A_203, %gather3A_204 : vector<16xf32>
      %add3A_207 = arith.addf %add3A_197, %mul3A_206 : vector<16xf32>
      %mul3A_208 = arith.mulf %gather3A_203, %gather3A_205 : vector<16xf32>
      %add3A_209 = arith.addf %add3A_199, %mul3A_208 : vector<16xf32>
      %add3A_210 = arith.constant 10 : i32
      %add3A_211 = vector.broadcast %add3A_210 : i32 to vector<16xi32>
      %add3A_212 = arith.addi %mul3A_107, %add3A_211 : vector<16xi32>
      %gather3A_213 = tpu.vector_load_idx %arg15[%shift_right_logical3A_102, %add3A_212] : memref<256x64xf32, #tpu.memory_space<vmem>>[vector<16xi32>, vector<16xi32>], vector<16xf32>,
      %gather3A_214 = tpu.vector_load_idx %arg16[%shift_right_logical3A_102, %add3A_212] : memref<256x64xf32, #tpu.memory_space<vmem>>[vector<16xi32>, vector<16xi32>], vector<16xf32>,
      %gather3A_215 = tpu.vector_load_idx %arg17[%shift_right_logical3A_102, %add3A_212] : memref<256x64xf32, #tpu.memory_space<vmem>>[vector<16xi32>, vector<16xi32>], vector<16xf32>,
      %mul3A_216 = arith.mulf %gather3A_213, %gather3A_214 : vector<16xf32>
      %add3A_217 = arith.addf %add3A_207, %mul3A_216 : vector<16xf32>
      %mul3A_218 = arith.mulf %gather3A_213, %gather3A_215 : vector<16xf32>
      %add3A_219 = arith.addf %add3A_209, %mul3A_218 : vector<16xf32>
      %add3A_220 = arith.constant 11 : i32
      %add3A_221 = vector.broadcast %add3A_220 : i32 to vector<16xi32>
      %add3A_222 = arith.addi %mul3A_107, %add3A_221 : vector<16xi32>
      %gather3A_223 = tpu.vector_load_idx %arg15[%shift_right_logical3A_102, %add3A_222] : memref<256x64xf32, #tpu.memory_space<vmem>>[vector<16xi32>, vector<16xi32>], vector<16xf32>,
      %gather3A_224 = tpu.vector_load_idx %arg16[%shift_right_logical3A_102, %add3A_222] : memref<256x64xf32, #tpu.memory_space<vmem>>[vector<16xi32>, vector<16xi32>], vector<16xf32>,
      %gather3A_225 = tpu.vector_load_idx %arg17[%shift_right_logical3A_102, %add3A_222] : memref<256x64xf32, #tpu.memory_space<vmem>>[vector<16xi32>, vector<16xi32>], vector<16xf32>,
      %mul3A_226 = arith.mulf %gather3A_223, %gather3A_224 : vector<16xf32>
      %add3A_227 = arith.addf %add3A_217, %mul3A_226 : vector<16xf32>
      %mul3A_228 = arith.mulf %gather3A_223, %gather3A_225 : vector<16xf32>
      %add3A_229 = arith.addf %add3A_219, %mul3A_228 : vector<16xf32>
      %add3A_230 = arith.constant 12 : i32
      %add3A_231 = vector.broadcast %add3A_230 : i32 to vector<16xi32>
      %add3A_232 = arith.addi %mul3A_107, %add3A_231 : vector<16xi32>
      %gather3A_233 = tpu.vector_load_idx %arg15[%shift_right_logical3A_102, %add3A_232] : memref<256x64xf32, #tpu.memory_space<vmem>>[vector<16xi32>, vector<16xi32>], vector<16xf32>,
      %gather3A_234 = tpu.vector_load_idx %arg16[%shift_right_logical3A_102, %add3A_232] : memref<256x64xf32, #tpu.memory_space<vmem>>[vector<16xi32>, vector<16xi32>], vector<16xf32>,
      %gather3A_235 = tpu.vector_load_idx %arg17[%shift_right_logical3A_102, %add3A_232] : memref<256x64xf32, #tpu.memory_space<vmem>>[vector<16xi32>, vector<16xi32>], vector<16xf32>,
      %mul3A_236 = arith.mulf %gather3A_233, %gather3A_234 : vector<16xf32>
      %add3A_237 = arith.addf %add3A_227, %mul3A_236 : vector<16xf32>
      %mul3A_238 = arith.mulf %gather3A_233, %gather3A_235 : vector<16xf32>
      %add3A_239 = arith.addf %add3A_229, %mul3A_238 : vector<16xf32>
      %add3A_240 = arith.constant 13 : i32
      %add3A_241 = vector.broadcast %add3A_240 : i32 to vector<16xi32>
      %add3A_242 = arith.addi %mul3A_107, %add3A_241 : vector<16xi32>
      %gather3A_243 = tpu.vector_load_idx %arg15[%shift_right_logical3A_102, %add3A_242] : memref<256x64xf32, #tpu.memory_space<vmem>>[vector<16xi32>, vector<16xi32>], vector<16xf32>,
      %gather3A_244 = tpu.vector_load_idx %arg16[%shift_right_logical3A_102, %add3A_242] : memref<256x64xf32, #tpu.memory_space<vmem>>[vector<16xi32>, vector<16xi32>], vector<16xf32>,
      %gather3A_245 = tpu.vector_load_idx %arg17[%shift_right_logical3A_102, %add3A_242] : memref<256x64xf32, #tpu.memory_space<vmem>>[vector<16xi32>, vector<16xi32>], vector<16xf32>,
      %mul3A_246 = arith.mulf %gather3A_243, %gather3A_244 : vector<16xf32>
      %add3A_247 = arith.addf %add3A_237, %mul3A_246 : vector<16xf32>
      %mul3A_248 = arith.mulf %gather3A_243, %gather3A_245 : vector<16xf32>
      %add3A_249 = arith.addf %add3A_239, %mul3A_248 : vector<16xf32>
      %add3A_250 = arith.constant 14 : i32
      %add3A_251 = vector.broadcast %add3A_250 : i32 to vector<16xi32>
      %add3A_252 = arith.addi %mul3A_107, %add3A_251 : vector<16xi32>
      %gather3A_253 = tpu.vector_load_idx %arg15[%shift_right_logical3A_102, %add3A_252] : memref<256x64xf32, #tpu.memory_space<vmem>>[vector<16xi32>, vector<16xi32>], vector<16xf32>,
      %gather3A_254 = tpu.vector_load_idx %arg16[%shift_right_logical3A_102, %add3A_252] : memref<256x64xf32, #tpu.memory_space<vmem>>[vector<16xi32>, vector<16xi32>], vector<16xf32>,
      %gather3A_255 = tpu.vector_load_idx %arg17[%shift_right_logical3A_102, %add3A_252] : memref<256x64xf32, #tpu.memory_space<vmem>>[vector<16xi32>, vector<16xi32>], vector<16xf32>,
      %mul3A_256 = arith.mulf %gather3A_253, %gather3A_254 : vector<16xf32>
      %add3A_257 = arith.addf %add3A_247, %mul3A_256 : vector<16xf32>
      %mul3A_258 = arith.mulf %gather3A_253, %gather3A_255 : vector<16xf32>
      %add3A_259 = arith.addf %add3A_249, %mul3A_258 : vector<16xf32>
      %add3A_260 = arith.constant 15 : i32
      %add3A_261 = vector.broadcast %add3A_260 : i32 to vector<16xi32>
      %add3A_262 = arith.addi %mul3A_107, %add3A_261 : vector<16xi32>
      %gather3A_263 = tpu.vector_load_idx %arg15[%shift_right_logical3A_102, %add3A_262] : memref<256x64xf32, #tpu.memory_space<vmem>>[vector<16xi32>, vector<16xi32>], vector<16xf32>,
      %gather3A_264 = tpu.vector_load_idx %arg16[%shift_right_logical3A_102, %add3A_262] : memref<256x64xf32, #tpu.memory_space<vmem>>[vector<16xi32>, vector<16xi32>], vector<16xf32>,
      %gather3A_265 = tpu.vector_load_idx %arg17[%shift_right_logical3A_102, %add3A_262] : memref<256x64xf32, #tpu.memory_space<vmem>>[vector<16xi32>, vector<16xi32>], vector<16xf32>,
      %mul3A_266 = arith.mulf %gather3A_263, %gather3A_264 : vector<16xf32>
      %add3A_267 = arith.addf %add3A_257, %mul3A_266 : vector<16xf32>
      %mul3A_268 = arith.mulf %gather3A_263, %gather3A_265 : vector<16xf32>
      %add3A_269 = arith.addf %add3A_259, %mul3A_268 : vector<16xf32>
      %add3A_270 = arith.constant 16 : i32
      %add3A_271 = vector.broadcast %add3A_270 : i32 to vector<16xi32>
      %add3A_272 = arith.addi %mul3A_107, %add3A_271 : vector<16xi32>
      %gather3A_273 = tpu.vector_load_idx %arg15[%shift_right_logical3A_102, %add3A_272] : memref<256x64xf32, #tpu.memory_space<vmem>>[vector<16xi32>, vector<16xi32>], vector<16xf32>,
      %gather3A_274 = tpu.vector_load_idx %arg16[%shift_right_logical3A_102, %add3A_272] : memref<256x64xf32, #tpu.memory_space<vmem>>[vector<16xi32>, vector<16xi32>], vector<16xf32>,
      %gather3A_275 = tpu.vector_load_idx %arg17[%shift_right_logical3A_102, %add3A_272] : memref<256x64xf32, #tpu.memory_space<vmem>>[vector<16xi32>, vector<16xi32>], vector<16xf32>,
      %mul3A_276 = arith.mulf %gather3A_273, %gather3A_274 : vector<16xf32>
      %add3A_277 = arith.addf %add3A_267, %mul3A_276 : vector<16xf32>
      %mul3A_278 = arith.mulf %gather3A_273, %gather3A_275 : vector<16xf32>
      %add3A_279 = arith.addf %add3A_269, %mul3A_278 : vector<16xf32>
      %add3A_280 = arith.constant 17 : i32
      %add3A_281 = vector.broadcast %add3A_280 : i32 to vector<16xi32>
      %add3A_282 = arith.addi %mul3A_107, %add3A_281 : vector<16xi32>
      %gather3A_283 = tpu.vector_load_idx %arg15[%shift_right_logical3A_102, %add3A_282] : memref<256x64xf32, #tpu.memory_space<vmem>>[vector<16xi32>, vector<16xi32>], vector<16xf32>,
      %gather3A_284 = tpu.vector_load_idx %arg16[%shift_right_logical3A_102, %add3A_282] : memref<256x64xf32, #tpu.memory_space<vmem>>[vector<16xi32>, vector<16xi32>], vector<16xf32>,
      %gather3A_285 = tpu.vector_load_idx %arg17[%shift_right_logical3A_102, %add3A_282] : memref<256x64xf32, #tpu.memory_space<vmem>>[vector<16xi32>, vector<16xi32>], vector<16xf32>,
      %mul3A_286 = arith.mulf %gather3A_283, %gather3A_284 : vector<16xf32>
      %add3A_287 = arith.addf %add3A_277, %mul3A_286 : vector<16xf32>
      %mul3A_288 = arith.mulf %gather3A_283, %gather3A_285 : vector<16xf32>
      %add3A_289 = arith.addf %add3A_279, %mul3A_288 : vector<16xf32>
      %add3A_290 = arith.constant 18 : i32
      %add3A_291 = vector.broadcast %add3A_290 : i32 to vector<16xi32>
      %add3A_292 = arith.addi %mul3A_107, %add3A_291 : vector<16xi32>
      %gather3A_293 = tpu.vector_load_idx %arg15[%shift_right_logical3A_102, %add3A_292] : memref<256x64xf32, #tpu.memory_space<vmem>>[vector<16xi32>, vector<16xi32>], vector<16xf32>,
      %gather3A_294 = tpu.vector_load_idx %arg16[%shift_right_logical3A_102, %add3A_292] : memref<256x64xf32, #tpu.memory_space<vmem>>[vector<16xi32>, vector<16xi32>], vector<16xf32>,
      %gather3A_295 = tpu.vector_load_idx %arg17[%shift_right_logical3A_102, %add3A_292] : memref<256x64xf32, #tpu.memory_space<vmem>>[vector<16xi32>, vector<16xi32>], vector<16xf32>,
      %mul3A_296 = arith.mulf %gather3A_293, %gather3A_294 : vector<16xf32>
      %add3A_297 = arith.addf %add3A_287, %mul3A_296 : vector<16xf32>
      %mul3A_298 = arith.mulf %gather3A_293, %gather3A_295 : vector<16xf32>
      %add3A_299 = arith.addf %add3A_289, %mul3A_298 : vector<16xf32>
      %add3A_300 = arith.constant 19 : i32
      %add3A_301 = vector.broadcast %add3A_300 : i32 to vector<16xi32>
      %add3A_302 = arith.addi %mul3A_107, %add3A_301 : vector<16xi32>
      %gather3A_303 = tpu.vector_load_idx %arg15[%shift_right_logical3A_102, %add3A_302] : memref<256x64xf32, #tpu.memory_space<vmem>>[vector<16xi32>, vector<16xi32>], vector<16xf32>,
      %gather3A_304 = tpu.vector_load_idx %arg16[%shift_right_logical3A_102, %add3A_302] : memref<256x64xf32, #tpu.memory_space<vmem>>[vector<16xi32>, vector<16xi32>], vector<16xf32>,
      %gather3A_305 = tpu.vector_load_idx %arg17[%shift_right_logical3A_102, %add3A_302] : memref<256x64xf32, #tpu.memory_space<vmem>>[vector<16xi32>, vector<16xi32>], vector<16xf32>,
      %mul3A_306 = arith.mulf %gather3A_303, %gather3A_304 : vector<16xf32>
      %add3A_307 = arith.addf %add3A_297, %mul3A_306 : vector<16xf32>
      %mul3A_308 = arith.mulf %gather3A_303, %gather3A_305 : vector<16xf32>
      %add3A_309 = arith.addf %add3A_299, %mul3A_308 : vector<16xf32>
      %add3A_310 = arith.constant 20 : i32
      %add3A_311 = vector.broadcast %add3A_310 : i32 to vector<16xi32>
      %add3A_312 = arith.addi %mul3A_107, %add3A_311 : vector<16xi32>
      %gather3A_313 = tpu.vector_load_idx %arg15[%shift_right_logical3A_102, %add3A_312] : memref<256x64xf32, #tpu.memory_space<vmem>>[vector<16xi32>, vector<16xi32>], vector<16xf32>,
      %gather3A_314 = tpu.vector_load_idx %arg16[%shift_right_logical3A_102, %add3A_312] : memref<256x64xf32, #tpu.memory_space<vmem>>[vector<16xi32>, vector<16xi32>], vector<16xf32>,
      %gather3A_315 = tpu.vector_load_idx %arg17[%shift_right_logical3A_102, %add3A_312] : memref<256x64xf32, #tpu.memory_space<vmem>>[vector<16xi32>, vector<16xi32>], vector<16xf32>,
      %mul3A_316 = arith.mulf %gather3A_313, %gather3A_314 : vector<16xf32>
      %add3A_317 = arith.addf %add3A_307, %mul3A_316 : vector<16xf32>
      %mul3A_318 = arith.mulf %gather3A_313, %gather3A_315 : vector<16xf32>
      %add3A_319 = arith.addf %add3A_309, %mul3A_318 : vector<16xf32>
      %add3A_320 = arith.constant 21 : i32
      %add3A_321 = vector.broadcast %add3A_320 : i32 to vector<16xi32>
      %add3A_322 = arith.addi %mul3A_107, %add3A_321 : vector<16xi32>
      %gather3A_323 = tpu.vector_load_idx %arg15[%shift_right_logical3A_102, %add3A_322] : memref<256x64xf32, #tpu.memory_space<vmem>>[vector<16xi32>, vector<16xi32>], vector<16xf32>,
      %gather3A_324 = tpu.vector_load_idx %arg16[%shift_right_logical3A_102, %add3A_322] : memref<256x64xf32, #tpu.memory_space<vmem>>[vector<16xi32>, vector<16xi32>], vector<16xf32>,
      %gather3A_325 = tpu.vector_load_idx %arg17[%shift_right_logical3A_102, %add3A_322] : memref<256x64xf32, #tpu.memory_space<vmem>>[vector<16xi32>, vector<16xi32>], vector<16xf32>,
      %mul3A_326 = arith.mulf %gather3A_323, %gather3A_324 : vector<16xf32>
      %add3A_327 = arith.addf %add3A_317, %mul3A_326 : vector<16xf32>
      %mul3A_328 = arith.mulf %gather3A_323, %gather3A_325 : vector<16xf32>
      %add3A_329 = arith.addf %add3A_319, %mul3A_328 : vector<16xf32>
      %add3A_330 = arith.constant 22 : i32
      %add3A_331 = vector.broadcast %add3A_330 : i32 to vector<16xi32>
      %add3A_332 = arith.addi %mul3A_107, %add3A_331 : vector<16xi32>
      %gather3A_333 = tpu.vector_load_idx %arg15[%shift_right_logical3A_102, %add3A_332] : memref<256x64xf32, #tpu.memory_space<vmem>>[vector<16xi32>, vector<16xi32>], vector<16xf32>,
      %gather3A_334 = tpu.vector_load_idx %arg16[%shift_right_logical3A_102, %add3A_332] : memref<256x64xf32, #tpu.memory_space<vmem>>[vector<16xi32>, vector<16xi32>], vector<16xf32>,
      %gather3A_335 = tpu.vector_load_idx %arg17[%shift_right_logical3A_102, %add3A_332] : memref<256x64xf32, #tpu.memory_space<vmem>>[vector<16xi32>, vector<16xi32>], vector<16xf32>,
      %mul3A_336 = arith.mulf %gather3A_333, %gather3A_334 : vector<16xf32>
      %add3A_337 = arith.addf %add3A_327, %mul3A_336 : vector<16xf32>
      %mul3A_338 = arith.mulf %gather3A_333, %gather3A_335 : vector<16xf32>
      %add3A_339 = arith.addf %add3A_329, %mul3A_338 : vector<16xf32>
      %add3A_340 = arith.constant 23 : i32
      %add3A_341 = vector.broadcast %add3A_340 : i32 to vector<16xi32>
      %add3A_342 = arith.addi %mul3A_107, %add3A_341 : vector<16xi32>
      %gather3A_343 = tpu.vector_load_idx %arg15[%shift_right_logical3A_102, %add3A_342] : memref<256x64xf32, #tpu.memory_space<vmem>>[vector<16xi32>, vector<16xi32>], vector<16xf32>,
      %gather3A_344 = tpu.vector_load_idx %arg16[%shift_right_logical3A_102, %add3A_342] : memref<256x64xf32, #tpu.memory_space<vmem>>[vector<16xi32>, vector<16xi32>], vector<16xf32>,
      %gather3A_345 = tpu.vector_load_idx %arg17[%shift_right_logical3A_102, %add3A_342] : memref<256x64xf32, #tpu.memory_space<vmem>>[vector<16xi32>, vector<16xi32>], vector<16xf32>,
      %mul3A_346 = arith.mulf %gather3A_343, %gather3A_344 : vector<16xf32>
      %add3A_347 = arith.addf %add3A_337, %mul3A_346 : vector<16xf32>
      %mul3A_348 = arith.mulf %gather3A_343, %gather3A_345 : vector<16xf32>
      %add3A_349 = arith.addf %add3A_339, %mul3A_348 : vector<16xf32>
      %add3A_350 = arith.constant 24 : i32
      %add3A_351 = vector.broadcast %add3A_350 : i32 to vector<16xi32>
      %add3A_352 = arith.addi %mul3A_107, %add3A_351 : vector<16xi32>
      %gather3A_353 = tpu.vector_load_idx %arg15[%shift_right_logical3A_102, %add3A_352] : memref<256x64xf32, #tpu.memory_space<vmem>>[vector<16xi32>, vector<16xi32>], vector<16xf32>,
      %gather3A_354 = tpu.vector_load_idx %arg16[%shift_right_logical3A_102, %add3A_352] : memref<256x64xf32, #tpu.memory_space<vmem>>[vector<16xi32>, vector<16xi32>], vector<16xf32>,
      %gather3A_355 = tpu.vector_load_idx %arg17[%shift_right_logical3A_102, %add3A_352] : memref<256x64xf32, #tpu.memory_space<vmem>>[vector<16xi32>, vector<16xi32>], vector<16xf32>,
      %mul3A_356 = arith.mulf %gather3A_353, %gather3A_354 : vector<16xf32>
      %add3A_357 = arith.addf %add3A_347, %mul3A_356 : vector<16xf32>
      %mul3A_358 = arith.mulf %gather3A_353, %gather3A_355 : vector<16xf32>
      %add3A_359 = arith.addf %add3A_349, %mul3A_358 : vector<16xf32>
      %add3A_360 = arith.constant 25 : i32
      %add3A_361 = vector.broadcast %add3A_360 : i32 to vector<16xi32>
      %add3A_362 = arith.addi %mul3A_107, %add3A_361 : vector<16xi32>
      %gather3A_363 = tpu.vector_load_idx %arg15[%shift_right_logical3A_102, %add3A_362] : memref<256x64xf32, #tpu.memory_space<vmem>>[vector<16xi32>, vector<16xi32>], vector<16xf32>,
      %gather3A_364 = tpu.vector_load_idx %arg16[%shift_right_logical3A_102, %add3A_362] : memref<256x64xf32, #tpu.memory_space<vmem>>[vector<16xi32>, vector<16xi32>], vector<16xf32>,
      %gather3A_365 = tpu.vector_load_idx %arg17[%shift_right_logical3A_102, %add3A_362] : memref<256x64xf32, #tpu.memory_space<vmem>>[vector<16xi32>, vector<16xi32>], vector<16xf32>,
      %mul3A_366 = arith.mulf %gather3A_363, %gather3A_364 : vector<16xf32>
      %add3A_367 = arith.addf %add3A_357, %mul3A_366 : vector<16xf32>
      %mul3A_368 = arith.mulf %gather3A_363, %gather3A_365 : vector<16xf32>
      %add3A_369 = arith.addf %add3A_359, %mul3A_368 : vector<16xf32>
      %add3A_370 = arith.constant 26 : i32
      %add3A_371 = vector.broadcast %add3A_370 : i32 to vector<16xi32>
      %add3A_372 = arith.addi %mul3A_107, %add3A_371 : vector<16xi32>
      %gather3A_373 = tpu.vector_load_idx %arg15[%shift_right_logical3A_102, %add3A_372] : memref<256x64xf32, #tpu.memory_space<vmem>>[vector<16xi32>, vector<16xi32>], vector<16xf32>,
      %gather3A_374 = tpu.vector_load_idx %arg16[%shift_right_logical3A_102, %add3A_372] : memref<256x64xf32, #tpu.memory_space<vmem>>[vector<16xi32>, vector<16xi32>], vector<16xf32>,
      %gather3A_375 = tpu.vector_load_idx %arg17[%shift_right_logical3A_102, %add3A_372] : memref<256x64xf32, #tpu.memory_space<vmem>>[vector<16xi32>, vector<16xi32>], vector<16xf32>,
      %mul3A_376 = arith.mulf %gather3A_373, %gather3A_374 : vector<16xf32>
      %add3A_377 = arith.addf %add3A_367, %mul3A_376 : vector<16xf32>
      %mul3A_378 = arith.mulf %gather3A_373, %gather3A_375 : vector<16xf32>
      %add3A_379 = arith.addf %add3A_369, %mul3A_378 : vector<16xf32>
      %add3A_380 = arith.constant 27 : i32
      %add3A_381 = vector.broadcast %add3A_380 : i32 to vector<16xi32>
      %add3A_382 = arith.addi %mul3A_107, %add3A_381 : vector<16xi32>
      %gather3A_383 = tpu.vector_load_idx %arg15[%shift_right_logical3A_102, %add3A_382] : memref<256x64xf32, #tpu.memory_space<vmem>>[vector<16xi32>, vector<16xi32>], vector<16xf32>,
      %gather3A_384 = tpu.vector_load_idx %arg16[%shift_right_logical3A_102, %add3A_382] : memref<256x64xf32, #tpu.memory_space<vmem>>[vector<16xi32>, vector<16xi32>], vector<16xf32>,
      %gather3A_385 = tpu.vector_load_idx %arg17[%shift_right_logical3A_102, %add3A_382] : memref<256x64xf32, #tpu.memory_space<vmem>>[vector<16xi32>, vector<16xi32>], vector<16xf32>,
      %mul3A_386 = arith.mulf %gather3A_383, %gather3A_384 : vector<16xf32>
      %add3A_387 = arith.addf %add3A_377, %mul3A_386 : vector<16xf32>
      %mul3A_388 = arith.mulf %gather3A_383, %gather3A_385 : vector<16xf32>
      %add3A_389 = arith.addf %add3A_379, %mul3A_388 : vector<16xf32>
      %add3A_390 = arith.constant 28 : i32
      %add3A_391 = vector.broadcast %add3A_390 : i32 to vector<16xi32>
      %add3A_392 = arith.addi %mul3A_107, %add3A_391 : vector<16xi32>
      %gather3A_393 = tpu.vector_load_idx %arg15[%shift_right_logical3A_102, %add3A_392] : memref<256x64xf32, #tpu.memory_space<vmem>>[vector<16xi32>, vector<16xi32>], vector<16xf32>,
      %gather3A_394 = tpu.vector_load_idx %arg16[%shift_right_logical3A_102, %add3A_392] : memref<256x64xf32, #tpu.memory_space<vmem>>[vector<16xi32>, vector<16xi32>], vector<16xf32>,
      %gather3A_395 = tpu.vector_load_idx %arg17[%shift_right_logical3A_102, %add3A_392] : memref<256x64xf32, #tpu.memory_space<vmem>>[vector<16xi32>, vector<16xi32>], vector<16xf32>,
      %mul3A_396 = arith.mulf %gather3A_393, %gather3A_394 : vector<16xf32>
      %add3A_397 = arith.addf %add3A_387, %mul3A_396 : vector<16xf32>
      %mul3A_398 = arith.mulf %gather3A_393, %gather3A_395 : vector<16xf32>
      %add3A_399 = arith.addf %add3A_389, %mul3A_398 : vector<16xf32>
      %add3A_400 = arith.constant 29 : i32
      %add3A_401 = vector.broadcast %add3A_400 : i32 to vector<16xi32>
      %add3A_402 = arith.addi %mul3A_107, %add3A_401 : vector<16xi32>
      %gather3A_403 = tpu.vector_load_idx %arg15[%shift_right_logical3A_102, %add3A_402] : memref<256x64xf32, #tpu.memory_space<vmem>>[vector<16xi32>, vector<16xi32>], vector<16xf32>,
      %gather3A_404 = tpu.vector_load_idx %arg16[%shift_right_logical3A_102, %add3A_402] : memref<256x64xf32, #tpu.memory_space<vmem>>[vector<16xi32>, vector<16xi32>], vector<16xf32>,
      %gather3A_405 = tpu.vector_load_idx %arg17[%shift_right_logical3A_102, %add3A_402] : memref<256x64xf32, #tpu.memory_space<vmem>>[vector<16xi32>, vector<16xi32>], vector<16xf32>,
      %mul3A_406 = arith.mulf %gather3A_403, %gather3A_404 : vector<16xf32>
      %add3A_407 = arith.addf %add3A_397, %mul3A_406 : vector<16xf32>
      %mul3A_408 = arith.mulf %gather3A_403, %gather3A_405 : vector<16xf32>
      %add3A_409 = arith.addf %add3A_399, %mul3A_408 : vector<16xf32>
      %add3A_410 = arith.constant 30 : i32
      %add3A_411 = vector.broadcast %add3A_410 : i32 to vector<16xi32>
      %add3A_412 = arith.addi %mul3A_107, %add3A_411 : vector<16xi32>
      %gather3A_413 = tpu.vector_load_idx %arg15[%shift_right_logical3A_102, %add3A_412] : memref<256x64xf32, #tpu.memory_space<vmem>>[vector<16xi32>, vector<16xi32>], vector<16xf32>,
      %gather3A_414 = tpu.vector_load_idx %arg16[%shift_right_logical3A_102, %add3A_412] : memref<256x64xf32, #tpu.memory_space<vmem>>[vector<16xi32>, vector<16xi32>], vector<16xf32>,
      %gather3A_415 = tpu.vector_load_idx %arg17[%shift_right_logical3A_102, %add3A_412] : memref<256x64xf32, #tpu.memory_space<vmem>>[vector<16xi32>, vector<16xi32>], vector<16xf32>,
      %mul3A_416 = arith.mulf %gather3A_413, %gather3A_414 : vector<16xf32>
      %add3A_417 = arith.addf %add3A_407, %mul3A_416 : vector<16xf32>
      %mul3A_418 = arith.mulf %gather3A_413, %gather3A_415 : vector<16xf32>
      %add3A_419 = arith.addf %add3A_409, %mul3A_418 : vector<16xf32>
      %add3A_420 = arith.constant 31 : i32
      %add3A_421 = vector.broadcast %add3A_420 : i32 to vector<16xi32>
      %add3A_422 = arith.addi %mul3A_107, %add3A_421 : vector<16xi32>
      %gather3A_423 = tpu.vector_load_idx %arg15[%shift_right_logical3A_102, %add3A_422] : memref<256x64xf32, #tpu.memory_space<vmem>>[vector<16xi32>, vector<16xi32>], vector<16xf32>,
      %gather3A_424 = tpu.vector_load_idx %arg16[%shift_right_logical3A_102, %add3A_422] : memref<256x64xf32, #tpu.memory_space<vmem>>[vector<16xi32>, vector<16xi32>], vector<16xf32>,
      %gather3A_425 = tpu.vector_load_idx %arg17[%shift_right_logical3A_102, %add3A_422] : memref<256x64xf32, #tpu.memory_space<vmem>>[vector<16xi32>, vector<16xi32>], vector<16xf32>,
      %mul3A_426 = arith.mulf %gather3A_423, %gather3A_424 : vector<16xf32>
      %add3A_427 = arith.addf %add3A_417, %mul3A_426 : vector<16xf32>
      %mul3A_428 = arith.mulf %gather3A_423, %gather3A_425 : vector<16xf32>
      %add3A_429 = arith.addf %add3A_419, %mul3A_428 : vector<16xf32>
      %add3A_430 = arith.constant 32 : i32
      %add3A_431 = vector.broadcast %add3A_430 : i32 to vector<16xi32>
      %add3A_432 = arith.addi %mul3A_107, %add3A_431 : vector<16xi32>
      %gather3A_433 = tpu.vector_load_idx %arg15[%shift_right_logical3A_102, %add3A_432] : memref<256x64xf32, #tpu.memory_space<vmem>>[vector<16xi32>, vector<16xi32>], vector<16xf32>,
      %gather3A_434 = tpu.vector_load_idx %arg16[%shift_right_logical3A_102, %add3A_432] : memref<256x64xf32, #tpu.memory_space<vmem>>[vector<16xi32>, vector<16xi32>], vector<16xf32>,
      %gather3A_435 = tpu.vector_load_idx %arg17[%shift_right_logical3A_102, %add3A_432] : memref<256x64xf32, #tpu.memory_space<vmem>>[vector<16xi32>, vector<16xi32>], vector<16xf32>,
      %mul3A_436 = arith.mulf %gather3A_433, %gather3A_434 : vector<16xf32>
      %add3A_437 = arith.addf %add3A_427, %mul3A_436 : vector<16xf32>
      %mul3A_438 = arith.mulf %gather3A_433, %gather3A_435 : vector<16xf32>
      %add3A_439 = arith.addf %add3A_429, %mul3A_438 : vector<16xf32>
      %add3A_440 = arith.constant 33 : i32
      %add3A_441 = vector.broadcast %add3A_440 : i32 to vector<16xi32>
      %add3A_442 = arith.addi %mul3A_107, %add3A_441 : vector<16xi32>
      %gather3A_443 = tpu.vector_load_idx %arg15[%shift_right_logical3A_102, %add3A_442] : memref<256x64xf32, #tpu.memory_space<vmem>>[vector<16xi32>, vector<16xi32>], vector<16xf32>,
      %gather3A_444 = tpu.vector_load_idx %arg16[%shift_right_logical3A_102, %add3A_442] : memref<256x64xf32, #tpu.memory_space<vmem>>[vector<16xi32>, vector<16xi32>], vector<16xf32>,
      %gather3A_445 = tpu.vector_load_idx %arg17[%shift_right_logical3A_102, %add3A_442] : memref<256x64xf32, #tpu.memory_space<vmem>>[vector<16xi32>, vector<16xi32>], vector<16xf32>,
      %mul3A_446 = arith.mulf %gather3A_443, %gather3A_444 : vector<16xf32>
      %add3A_447 = arith.addf %add3A_437, %mul3A_446 : vector<16xf32>
      %mul3A_448 = arith.mulf %gather3A_443, %gather3A_445 : vector<16xf32>
      %add3A_449 = arith.addf %add3A_439, %mul3A_448 : vector<16xf32>
      %add3A_450 = arith.constant 34 : i32
      %add3A_451 = vector.broadcast %add3A_450 : i32 to vector<16xi32>
      %add3A_452 = arith.addi %mul3A_107, %add3A_451 : vector<16xi32>
      %gather3A_453 = tpu.vector_load_idx %arg15[%shift_right_logical3A_102, %add3A_452] : memref<256x64xf32, #tpu.memory_space<vmem>>[vector<16xi32>, vector<16xi32>], vector<16xf32>,
      %gather3A_454 = tpu.vector_load_idx %arg16[%shift_right_logical3A_102, %add3A_452] : memref<256x64xf32, #tpu.memory_space<vmem>>[vector<16xi32>, vector<16xi32>], vector<16xf32>,
      %gather3A_455 = tpu.vector_load_idx %arg17[%shift_right_logical3A_102, %add3A_452] : memref<256x64xf32, #tpu.memory_space<vmem>>[vector<16xi32>, vector<16xi32>], vector<16xf32>,
      %mul3A_456 = arith.mulf %gather3A_453, %gather3A_454 : vector<16xf32>
      %add3A_457 = arith.addf %add3A_447, %mul3A_456 : vector<16xf32>
      %mul3A_458 = arith.mulf %gather3A_453, %gather3A_455 : vector<16xf32>
      %add3A_459 = arith.addf %add3A_449, %mul3A_458 : vector<16xf32>
      %add3A_460 = arith.constant 35 : i32
      %add3A_461 = vector.broadcast %add3A_460 : i32 to vector<16xi32>
      %add3A_462 = arith.addi %mul3A_107, %add3A_461 : vector<16xi32>
      %gather3A_463 = tpu.vector_load_idx %arg15[%shift_right_logical3A_102, %add3A_462] : memref<256x64xf32, #tpu.memory_space<vmem>>[vector<16xi32>, vector<16xi32>], vector<16xf32>,
      %gather3A_464 = tpu.vector_load_idx %arg16[%shift_right_logical3A_102, %add3A_462] : memref<256x64xf32, #tpu.memory_space<vmem>>[vector<16xi32>, vector<16xi32>], vector<16xf32>,
      %gather3A_465 = tpu.vector_load_idx %arg17[%shift_right_logical3A_102, %add3A_462] : memref<256x64xf32, #tpu.memory_space<vmem>>[vector<16xi32>, vector<16xi32>], vector<16xf32>,
      %mul3A_466 = arith.mulf %gather3A_463, %gather3A_464 : vector<16xf32>
      %add3A_467 = arith.addf %add3A_457, %mul3A_466 : vector<16xf32>
      %mul3A_468 = arith.mulf %gather3A_463, %gather3A_465 : vector<16xf32>
      %add3A_469 = arith.addf %add3A_459, %mul3A_468 : vector<16xf32>
      %add3A_470 = arith.constant 36 : i32
      %add3A_471 = vector.broadcast %add3A_470 : i32 to vector<16xi32>
      %add3A_472 = arith.addi %mul3A_107, %add3A_471 : vector<16xi32>
      %gather3A_473 = tpu.vector_load_idx %arg15[%shift_right_logical3A_102, %add3A_472] : memref<256x64xf32, #tpu.memory_space<vmem>>[vector<16xi32>, vector<16xi32>], vector<16xf32>,
      %gather3A_474 = tpu.vector_load_idx %arg16[%shift_right_logical3A_102, %add3A_472] : memref<256x64xf32, #tpu.memory_space<vmem>>[vector<16xi32>, vector<16xi32>], vector<16xf32>,
      %gather3A_475 = tpu.vector_load_idx %arg17[%shift_right_logical3A_102, %add3A_472] : memref<256x64xf32, #tpu.memory_space<vmem>>[vector<16xi32>, vector<16xi32>], vector<16xf32>,
      %mul3A_476 = arith.mulf %gather3A_473, %gather3A_474 : vector<16xf32>
      %add3A_477 = arith.addf %add3A_467, %mul3A_476 : vector<16xf32>
      %mul3A_478 = arith.mulf %gather3A_473, %gather3A_475 : vector<16xf32>
      %add3A_479 = arith.addf %add3A_469, %mul3A_478 : vector<16xf32>
      %add3A_480 = arith.constant 37 : i32
      %add3A_481 = vector.broadcast %add3A_480 : i32 to vector<16xi32>
      %add3A_482 = arith.addi %mul3A_107, %add3A_481 : vector<16xi32>
      %gather3A_483 = tpu.vector_load_idx %arg15[%shift_right_logical3A_102, %add3A_482] : memref<256x64xf32, #tpu.memory_space<vmem>>[vector<16xi32>, vector<16xi32>], vector<16xf32>,
      %gather3A_484 = tpu.vector_load_idx %arg16[%shift_right_logical3A_102, %add3A_482] : memref<256x64xf32, #tpu.memory_space<vmem>>[vector<16xi32>, vector<16xi32>], vector<16xf32>,
      %gather3A_485 = tpu.vector_load_idx %arg17[%shift_right_logical3A_102, %add3A_482] : memref<256x64xf32, #tpu.memory_space<vmem>>[vector<16xi32>, vector<16xi32>], vector<16xf32>,
      %mul3A_486 = arith.mulf %gather3A_483, %gather3A_484 : vector<16xf32>
      %add3A_487 = arith.addf %add3A_477, %mul3A_486 : vector<16xf32>
      %mul3A_488 = arith.mulf %gather3A_483, %gather3A_485 : vector<16xf32>
      %add3A_489 = arith.addf %add3A_479, %mul3A_488 : vector<16xf32>
      %add3A_490 = arith.constant 38 : i32
      %add3A_491 = vector.broadcast %add3A_490 : i32 to vector<16xi32>
      %add3A_492 = arith.addi %mul3A_107, %add3A_491 : vector<16xi32>
      %gather3A_493 = tpu.vector_load_idx %arg15[%shift_right_logical3A_102, %add3A_492] : memref<256x64xf32, #tpu.memory_space<vmem>>[vector<16xi32>, vector<16xi32>], vector<16xf32>,
      %gather3A_494 = tpu.vector_load_idx %arg16[%shift_right_logical3A_102, %add3A_492] : memref<256x64xf32, #tpu.memory_space<vmem>>[vector<16xi32>, vector<16xi32>], vector<16xf32>,
      %gather3A_495 = tpu.vector_load_idx %arg17[%shift_right_logical3A_102, %add3A_492] : memref<256x64xf32, #tpu.memory_space<vmem>>[vector<16xi32>, vector<16xi32>], vector<16xf32>,
      %mul3A_496 = arith.mulf %gather3A_493, %gather3A_494 : vector<16xf32>
      %add3A_497 = arith.addf %add3A_487, %mul3A_496 : vector<16xf32>
      %mul3A_498 = arith.mulf %gather3A_493, %gather3A_495 : vector<16xf32>
      %add3A_499 = arith.addf %add3A_489, %mul3A_498 : vector<16xf32>
      %add3A_500 = arith.constant 39 : i32
      %add3A_501 = vector.broadcast %add3A_500 : i32 to vector<16xi32>
      %add3A_502 = arith.addi %mul3A_107, %add3A_501 : vector<16xi32>
      %gather3A_503 = tpu.vector_load_idx %arg15[%shift_right_logical3A_102, %add3A_502] : memref<256x64xf32, #tpu.memory_space<vmem>>[vector<16xi32>, vector<16xi32>], vector<16xf32>,
      %gather3A_504 = tpu.vector_load_idx %arg16[%shift_right_logical3A_102, %add3A_502] : memref<256x64xf32, #tpu.memory_space<vmem>>[vector<16xi32>, vector<16xi32>], vector<16xf32>,
      %gather3A_505 = tpu.vector_load_idx %arg17[%shift_right_logical3A_102, %add3A_502] : memref<256x64xf32, #tpu.memory_space<vmem>>[vector<16xi32>, vector<16xi32>], vector<16xf32>,
      %mul3A_506 = arith.mulf %gather3A_503, %gather3A_504 : vector<16xf32>
      %add3A_507 = arith.addf %add3A_497, %mul3A_506 : vector<16xf32>
      %mul3A_508 = arith.mulf %gather3A_503, %gather3A_505 : vector<16xf32>
      %add3A_509 = arith.addf %add3A_499, %mul3A_508 : vector<16xf32>
      %add3A_510 = arith.constant 40 : i32
      %add3A_511 = vector.broadcast %add3A_510 : i32 to vector<16xi32>
      %add3A_512 = arith.addi %mul3A_107, %add3A_511 : vector<16xi32>
      %gather3A_513 = tpu.vector_load_idx %arg15[%shift_right_logical3A_102, %add3A_512] : memref<256x64xf32, #tpu.memory_space<vmem>>[vector<16xi32>, vector<16xi32>], vector<16xf32>,
      %gather3A_514 = tpu.vector_load_idx %arg16[%shift_right_logical3A_102, %add3A_512] : memref<256x64xf32, #tpu.memory_space<vmem>>[vector<16xi32>, vector<16xi32>], vector<16xf32>,
      %gather3A_515 = tpu.vector_load_idx %arg17[%shift_right_logical3A_102, %add3A_512] : memref<256x64xf32, #tpu.memory_space<vmem>>[vector<16xi32>, vector<16xi32>], vector<16xf32>,
      %mul3A_516 = arith.mulf %gather3A_513, %gather3A_514 : vector<16xf32>
      %add3A_517 = arith.addf %add3A_507, %mul3A_516 : vector<16xf32>
      %mul3A_518 = arith.mulf %gather3A_513, %gather3A_515 : vector<16xf32>
      %add3A_519 = arith.addf %add3A_509, %mul3A_518 : vector<16xf32>
      %add3A_520 = arith.constant 41 : i32
      %add3A_521 = vector.broadcast %add3A_520 : i32 to vector<16xi32>
      %add3A_522 = arith.addi %mul3A_107, %add3A_521 : vector<16xi32>
      %gather3A_523 = tpu.vector_load_idx %arg15[%shift_right_logical3A_102, %add3A_522] : memref<256x64xf32, #tpu.memory_space<vmem>>[vector<16xi32>, vector<16xi32>], vector<16xf32>,
      %gather3A_524 = tpu.vector_load_idx %arg16[%shift_right_logical3A_102, %add3A_522] : memref<256x64xf32, #tpu.memory_space<vmem>>[vector<16xi32>, vector<16xi32>], vector<16xf32>,
      %gather3A_525 = tpu.vector_load_idx %arg17[%shift_right_logical3A_102, %add3A_522] : memref<256x64xf32, #tpu.memory_space<vmem>>[vector<16xi32>, vector<16xi32>], vector<16xf32>,
      %mul3A_526 = arith.mulf %gather3A_523, %gather3A_524 : vector<16xf32>
      %add3A_527 = arith.addf %add3A_517, %mul3A_526 : vector<16xf32>
      %mul3A_528 = arith.mulf %gather3A_523, %gather3A_525 : vector<16xf32>
      %add3A_529 = arith.addf %add3A_519, %mul3A_528 : vector<16xf32>
      %add3A_530 = arith.constant 42 : i32
      %add3A_531 = vector.broadcast %add3A_530 : i32 to vector<16xi32>
      %add3A_532 = arith.addi %mul3A_107, %add3A_531 : vector<16xi32>
      %gather3A_533 = tpu.vector_load_idx %arg15[%shift_right_logical3A_102, %add3A_532] : memref<256x64xf32, #tpu.memory_space<vmem>>[vector<16xi32>, vector<16xi32>], vector<16xf32>,
      %gather3A_534 = tpu.vector_load_idx %arg16[%shift_right_logical3A_102, %add3A_532] : memref<256x64xf32, #tpu.memory_space<vmem>>[vector<16xi32>, vector<16xi32>], vector<16xf32>,
      %gather3A_535 = tpu.vector_load_idx %arg17[%shift_right_logical3A_102, %add3A_532] : memref<256x64xf32, #tpu.memory_space<vmem>>[vector<16xi32>, vector<16xi32>], vector<16xf32>,
      %mul3A_536 = arith.mulf %gather3A_533, %gather3A_534 : vector<16xf32>
      %add3A_537 = arith.addf %add3A_527, %mul3A_536 : vector<16xf32>
      %mul3A_538 = arith.mulf %gather3A_533, %gather3A_535 : vector<16xf32>
      %add3A_539 = arith.addf %add3A_529, %mul3A_538 : vector<16xf32>
      %add3A_540 = arith.constant 43 : i32
      %add3A_541 = vector.broadcast %add3A_540 : i32 to vector<16xi32>
      %add3A_542 = arith.addi %mul3A_107, %add3A_541 : vector<16xi32>
      %gather3A_543 = tpu.vector_load_idx %arg15[%shift_right_logical3A_102, %add3A_542] : memref<256x64xf32, #tpu.memory_space<vmem>>[vector<16xi32>, vector<16xi32>], vector<16xf32>,
      %gather3A_544 = tpu.vector_load_idx %arg16[%shift_right_logical3A_102, %add3A_542] : memref<256x64xf32, #tpu.memory_space<vmem>>[vector<16xi32>, vector<16xi32>], vector<16xf32>,
      %gather3A_545 = tpu.vector_load_idx %arg17[%shift_right_logical3A_102, %add3A_542] : memref<256x64xf32, #tpu.memory_space<vmem>>[vector<16xi32>, vector<16xi32>], vector<16xf32>,
      %mul3A_546 = arith.mulf %gather3A_543, %gather3A_544 : vector<16xf32>
      %add3A_547 = arith.addf %add3A_537, %mul3A_546 : vector<16xf32>
      %mul3A_548 = arith.mulf %gather3A_543, %gather3A_545 : vector<16xf32>
      %add3A_549 = arith.addf %add3A_539, %mul3A_548 : vector<16xf32>
      %add3A_550 = arith.constant 44 : i32
      %add3A_551 = vector.broadcast %add3A_550 : i32 to vector<16xi32>
      %add3A_552 = arith.addi %mul3A_107, %add3A_551 : vector<16xi32>
      %gather3A_553 = tpu.vector_load_idx %arg15[%shift_right_logical3A_102, %add3A_552] : memref<256x64xf32, #tpu.memory_space<vmem>>[vector<16xi32>, vector<16xi32>], vector<16xf32>,
      %gather3A_554 = tpu.vector_load_idx %arg16[%shift_right_logical3A_102, %add3A_552] : memref<256x64xf32, #tpu.memory_space<vmem>>[vector<16xi32>, vector<16xi32>], vector<16xf32>,
      %gather3A_555 = tpu.vector_load_idx %arg17[%shift_right_logical3A_102, %add3A_552] : memref<256x64xf32, #tpu.memory_space<vmem>>[vector<16xi32>, vector<16xi32>], vector<16xf32>,
      %mul3A_556 = arith.mulf %gather3A_553, %gather3A_554 : vector<16xf32>
      %add3A_557 = arith.addf %add3A_547, %mul3A_556 : vector<16xf32>
      %mul3A_558 = arith.mulf %gather3A_553, %gather3A_555 : vector<16xf32>
      %add3A_559 = arith.addf %add3A_549, %mul3A_558 : vector<16xf32>
      %add3A_560 = arith.constant 45 : i32
      %add3A_561 = vector.broadcast %add3A_560 : i32 to vector<16xi32>
      %add3A_562 = arith.addi %mul3A_107, %add3A_561 : vector<16xi32>
      %gather3A_563 = tpu.vector_load_idx %arg15[%shift_right_logical3A_102, %add3A_562] : memref<256x64xf32, #tpu.memory_space<vmem>>[vector<16xi32>, vector<16xi32>], vector<16xf32>,
      %gather3A_564 = tpu.vector_load_idx %arg16[%shift_right_logical3A_102, %add3A_562] : memref<256x64xf32, #tpu.memory_space<vmem>>[vector<16xi32>, vector<16xi32>], vector<16xf32>,
      %gather3A_565 = tpu.vector_load_idx %arg17[%shift_right_logical3A_102, %add3A_562] : memref<256x64xf32, #tpu.memory_space<vmem>>[vector<16xi32>, vector<16xi32>], vector<16xf32>,
      %mul3A_566 = arith.mulf %gather3A_563, %gather3A_564 : vector<16xf32>
      %add3A_567 = arith.addf %add3A_557, %mul3A_566 : vector<16xf32>
      %mul3A_568 = arith.mulf %gather3A_563, %gather3A_565 : vector<16xf32>
      %add3A_569 = arith.addf %add3A_559, %mul3A_568 : vector<16xf32>
      %add3A_570 = arith.constant 46 : i32
      %add3A_571 = vector.broadcast %add3A_570 : i32 to vector<16xi32>
      %add3A_572 = arith.addi %mul3A_107, %add3A_571 : vector<16xi32>
      %gather3A_573 = tpu.vector_load_idx %arg15[%shift_right_logical3A_102, %add3A_572] : memref<256x64xf32, #tpu.memory_space<vmem>>[vector<16xi32>, vector<16xi32>], vector<16xf32>,
      %gather3A_574 = tpu.vector_load_idx %arg16[%shift_right_logical3A_102, %add3A_572] : memref<256x64xf32, #tpu.memory_space<vmem>>[vector<16xi32>, vector<16xi32>], vector<16xf32>,
      %gather3A_575 = tpu.vector_load_idx %arg17[%shift_right_logical3A_102, %add3A_572] : memref<256x64xf32, #tpu.memory_space<vmem>>[vector<16xi32>, vector<16xi32>], vector<16xf32>,
      %mul3A_576 = arith.mulf %gather3A_573, %gather3A_574 : vector<16xf32>
      %add3A_577 = arith.addf %add3A_567, %mul3A_576 : vector<16xf32>
      %mul3A_578 = arith.mulf %gather3A_573, %gather3A_575 : vector<16xf32>
      %add3A_579 = arith.addf %add3A_569, %mul3A_578 : vector<16xf32>
      %add3A_580 = arith.constant 47 : i32
      %add3A_581 = vector.broadcast %add3A_580 : i32 to vector<16xi32>
      %add3A_582 = arith.addi %mul3A_107, %add3A_581 : vector<16xi32>
      %gather3A_583 = tpu.vector_load_idx %arg15[%shift_right_logical3A_102, %add3A_582] : memref<256x64xf32, #tpu.memory_space<vmem>>[vector<16xi32>, vector<16xi32>], vector<16xf32>,
      %gather3A_584 = tpu.vector_load_idx %arg16[%shift_right_logical3A_102, %add3A_582] : memref<256x64xf32, #tpu.memory_space<vmem>>[vector<16xi32>, vector<16xi32>], vector<16xf32>,
      %gather3A_585 = tpu.vector_load_idx %arg17[%shift_right_logical3A_102, %add3A_582] : memref<256x64xf32, #tpu.memory_space<vmem>>[vector<16xi32>, vector<16xi32>], vector<16xf32>,
      %mul3A_586 = arith.mulf %gather3A_583, %gather3A_584 : vector<16xf32>
      %add3A_587 = arith.addf %add3A_577, %mul3A_586 : vector<16xf32>
      %mul3A_588 = arith.mulf %gather3A_583, %gather3A_585 : vector<16xf32>
      %add3A_589 = arith.addf %add3A_579, %mul3A_588 : vector<16xf32>
      %add3A_590 = arith.constant 48 : i32
      %add3A_591 = vector.broadcast %add3A_590 : i32 to vector<16xi32>
      %add3A_592 = arith.addi %mul3A_107, %add3A_591 : vector<16xi32>
      %gather3A_593 = tpu.vector_load_idx %arg15[%shift_right_logical3A_102, %add3A_592] : memref<256x64xf32, #tpu.memory_space<vmem>>[vector<16xi32>, vector<16xi32>], vector<16xf32>,
      %gather3A_594 = tpu.vector_load_idx %arg16[%shift_right_logical3A_102, %add3A_592] : memref<256x64xf32, #tpu.memory_space<vmem>>[vector<16xi32>, vector<16xi32>], vector<16xf32>,
      %gather3A_595 = tpu.vector_load_idx %arg17[%shift_right_logical3A_102, %add3A_592] : memref<256x64xf32, #tpu.memory_space<vmem>>[vector<16xi32>, vector<16xi32>], vector<16xf32>,
      %mul3A_596 = arith.mulf %gather3A_593, %gather3A_594 : vector<16xf32>
      %add3A_597 = arith.addf %add3A_587, %mul3A_596 : vector<16xf32>
      %mul3A_598 = arith.mulf %gather3A_593, %gather3A_595 : vector<16xf32>
      %add3A_599 = arith.addf %add3A_589, %mul3A_598 : vector<16xf32>
      %add3A_600 = arith.constant 49 : i32
      %add3A_601 = vector.broadcast %add3A_600 : i32 to vector<16xi32>
      %add3A_602 = arith.addi %mul3A_107, %add3A_601 : vector<16xi32>
      %gather3A_603 = tpu.vector_load_idx %arg15[%shift_right_logical3A_102, %add3A_602] : memref<256x64xf32, #tpu.memory_space<vmem>>[vector<16xi32>, vector<16xi32>], vector<16xf32>,
      %gather3A_604 = tpu.vector_load_idx %arg16[%shift_right_logical3A_102, %add3A_602] : memref<256x64xf32, #tpu.memory_space<vmem>>[vector<16xi32>, vector<16xi32>], vector<16xf32>,
      %gather3A_605 = tpu.vector_load_idx %arg17[%shift_right_logical3A_102, %add3A_602] : memref<256x64xf32, #tpu.memory_space<vmem>>[vector<16xi32>, vector<16xi32>], vector<16xf32>,
      %mul3A_606 = arith.mulf %gather3A_603, %gather3A_604 : vector<16xf32>
      %add3A_607 = arith.addf %add3A_597, %mul3A_606 : vector<16xf32>
      %mul3A_608 = arith.mulf %gather3A_603, %gather3A_605 : vector<16xf32>
      %add3A_609 = arith.addf %add3A_599, %mul3A_608 : vector<16xf32>
      %add3A_610 = arith.constant 50 : i32
      %add3A_611 = vector.broadcast %add3A_610 : i32 to vector<16xi32>
      %add3A_612 = arith.addi %mul3A_107, %add3A_611 : vector<16xi32>
      %gather3A_613 = tpu.vector_load_idx %arg15[%shift_right_logical3A_102, %add3A_612] : memref<256x64xf32, #tpu.memory_space<vmem>>[vector<16xi32>, vector<16xi32>], vector<16xf32>,
      %gather3A_614 = tpu.vector_load_idx %arg16[%shift_right_logical3A_102, %add3A_612] : memref<256x64xf32, #tpu.memory_space<vmem>>[vector<16xi32>, vector<16xi32>], vector<16xf32>,
      %gather3A_615 = tpu.vector_load_idx %arg17[%shift_right_logical3A_102, %add3A_612] : memref<256x64xf32, #tpu.memory_space<vmem>>[vector<16xi32>, vector<16xi32>], vector<16xf32>,
      %mul3A_616 = arith.mulf %gather3A_613, %gather3A_614 : vector<16xf32>
      %add3A_617 = arith.addf %add3A_607, %mul3A_616 : vector<16xf32>
      %mul3A_618 = arith.mulf %gather3A_613, %gather3A_615 : vector<16xf32>
      %add3A_619 = arith.addf %add3A_609, %mul3A_618 : vector<16xf32>
      %add3A_620 = arith.constant 51 : i32
      %add3A_621 = vector.broadcast %add3A_620 : i32 to vector<16xi32>
      %add3A_622 = arith.addi %mul3A_107, %add3A_621 : vector<16xi32>
      %gather3A_623 = tpu.vector_load_idx %arg15[%shift_right_logical3A_102, %add3A_622] : memref<256x64xf32, #tpu.memory_space<vmem>>[vector<16xi32>, vector<16xi32>], vector<16xf32>,
      %gather3A_624 = tpu.vector_load_idx %arg16[%shift_right_logical3A_102, %add3A_622] : memref<256x64xf32, #tpu.memory_space<vmem>>[vector<16xi32>, vector<16xi32>], vector<16xf32>,
      %gather3A_625 = tpu.vector_load_idx %arg17[%shift_right_logical3A_102, %add3A_622] : memref<256x64xf32, #tpu.memory_space<vmem>>[vector<16xi32>, vector<16xi32>], vector<16xf32>,
      %mul3A_626 = arith.mulf %gather3A_623, %gather3A_624 : vector<16xf32>
      %add3A_627 = arith.addf %add3A_617, %mul3A_626 : vector<16xf32>
      %mul3A_628 = arith.mulf %gather3A_623, %gather3A_625 : vector<16xf32>
      %add3A_629 = arith.addf %add3A_619, %mul3A_628 : vector<16xf32>
      %add3A_630 = arith.constant 52 : i32
      %add3A_631 = vector.broadcast %add3A_630 : i32 to vector<16xi32>
      %add3A_632 = arith.addi %mul3A_107, %add3A_631 : vector<16xi32>
      %gather3A_633 = tpu.vector_load_idx %arg15[%shift_right_logical3A_102, %add3A_632] : memref<256x64xf32, #tpu.memory_space<vmem>>[vector<16xi32>, vector<16xi32>], vector<16xf32>,
      %gather3A_634 = tpu.vector_load_idx %arg16[%shift_right_logical3A_102, %add3A_632] : memref<256x64xf32, #tpu.memory_space<vmem>>[vector<16xi32>, vector<16xi32>], vector<16xf32>,
      %gather3A_635 = tpu.vector_load_idx %arg17[%shift_right_logical3A_102, %add3A_632] : memref<256x64xf32, #tpu.memory_space<vmem>>[vector<16xi32>, vector<16xi32>], vector<16xf32>,
      %mul3A_636 = arith.mulf %gather3A_633, %gather3A_634 : vector<16xf32>
      %add3A_637 = arith.addf %add3A_627, %mul3A_636 : vector<16xf32>
      %mul3A_638 = arith.mulf %gather3A_633, %gather3A_635 : vector<16xf32>
      %add3A_639 = arith.addf %add3A_629, %mul3A_638 : vector<16xf32>
      %add3A_640 = arith.constant 53 : i32
      %add3A_641 = vector.broadcast %add3A_640 : i32 to vector<16xi32>
      %add3A_642 = arith.addi %mul3A_107, %add3A_641 : vector<16xi32>
      %gather3A_643 = tpu.vector_load_idx %arg15[%shift_right_logical3A_102, %add3A_642] : memref<256x64xf32, #tpu.memory_space<vmem>>[vector<16xi32>, vector<16xi32>], vector<16xf32>,
      %gather3A_644 = tpu.vector_load_idx %arg16[%shift_right_logical3A_102, %add3A_642] : memref<256x64xf32, #tpu.memory_space<vmem>>[vector<16xi32>, vector<16xi32>], vector<16xf32>,
      %gather3A_645 = tpu.vector_load_idx %arg17[%shift_right_logical3A_102, %add3A_642] : memref<256x64xf32, #tpu.memory_space<vmem>>[vector<16xi32>, vector<16xi32>], vector<16xf32>,
      %mul3A_646 = arith.mulf %gather3A_643, %gather3A_644 : vector<16xf32>
      %add3A_647 = arith.addf %add3A_637, %mul3A_646 : vector<16xf32>
      %mul3A_648 = arith.mulf %gather3A_643, %gather3A_645 : vector<16xf32>
      %add3A_649 = arith.addf %add3A_639, %mul3A_648 : vector<16xf32>
      %add3A_650 = arith.constant 54 : i32
      %add3A_651 = vector.broadcast %add3A_650 : i32 to vector<16xi32>
      %add3A_652 = arith.addi %mul3A_107, %add3A_651 : vector<16xi32>
      %gather3A_653 = tpu.vector_load_idx %arg15[%shift_right_logical3A_102, %add3A_652] : memref<256x64xf32, #tpu.memory_space<vmem>>[vector<16xi32>, vector<16xi32>], vector<16xf32>,
      %gather3A_654 = tpu.vector_load_idx %arg16[%shift_right_logical3A_102, %add3A_652] : memref<256x64xf32, #tpu.memory_space<vmem>>[vector<16xi32>, vector<16xi32>], vector<16xf32>,
      %gather3A_655 = tpu.vector_load_idx %arg17[%shift_right_logical3A_102, %add3A_652] : memref<256x64xf32, #tpu.memory_space<vmem>>[vector<16xi32>, vector<16xi32>], vector<16xf32>,
      %mul3A_656 = arith.mulf %gather3A_653, %gather3A_654 : vector<16xf32>
      %add3A_657 = arith.addf %add3A_647, %mul3A_656 : vector<16xf32>
      %mul3A_658 = arith.mulf %gather3A_653, %gather3A_655 : vector<16xf32>
      %add3A_659 = arith.addf %add3A_649, %mul3A_658 : vector<16xf32>
      %add3A_660 = arith.constant 55 : i32
      %add3A_661 = vector.broadcast %add3A_660 : i32 to vector<16xi32>
      %add3A_662 = arith.addi %mul3A_107, %add3A_661 : vector<16xi32>
      %gather3A_663 = tpu.vector_load_idx %arg15[%shift_right_logical3A_102, %add3A_662] : memref<256x64xf32, #tpu.memory_space<vmem>>[vector<16xi32>, vector<16xi32>], vector<16xf32>,
      %gather3A_664 = tpu.vector_load_idx %arg16[%shift_right_logical3A_102, %add3A_662] : memref<256x64xf32, #tpu.memory_space<vmem>>[vector<16xi32>, vector<16xi32>], vector<16xf32>,
      %gather3A_665 = tpu.vector_load_idx %arg17[%shift_right_logical3A_102, %add3A_662] : memref<256x64xf32, #tpu.memory_space<vmem>>[vector<16xi32>, vector<16xi32>], vector<16xf32>,
      %mul3A_666 = arith.mulf %gather3A_663, %gather3A_664 : vector<16xf32>
      %add3A_667 = arith.addf %add3A_657, %mul3A_666 : vector<16xf32>
      %mul3A_668 = arith.mulf %gather3A_663, %gather3A_665 : vector<16xf32>
      %add3A_669 = arith.addf %add3A_659, %mul3A_668 : vector<16xf32>
      %add3A_670 = arith.constant 56 : i32
      %add3A_671 = vector.broadcast %add3A_670 : i32 to vector<16xi32>
      %add3A_672 = arith.addi %mul3A_107, %add3A_671 : vector<16xi32>
      %gather3A_673 = tpu.vector_load_idx %arg15[%shift_right_logical3A_102, %add3A_672] : memref<256x64xf32, #tpu.memory_space<vmem>>[vector<16xi32>, vector<16xi32>], vector<16xf32>,
      %gather3A_674 = tpu.vector_load_idx %arg16[%shift_right_logical3A_102, %add3A_672] : memref<256x64xf32, #tpu.memory_space<vmem>>[vector<16xi32>, vector<16xi32>], vector<16xf32>,
      %gather3A_675 = tpu.vector_load_idx %arg17[%shift_right_logical3A_102, %add3A_672] : memref<256x64xf32, #tpu.memory_space<vmem>>[vector<16xi32>, vector<16xi32>], vector<16xf32>,
      %mul3A_676 = arith.mulf %gather3A_673, %gather3A_674 : vector<16xf32>
      %add3A_677 = arith.addf %add3A_667, %mul3A_676 : vector<16xf32>
      %mul3A_678 = arith.mulf %gather3A_673, %gather3A_675 : vector<16xf32>
      %add3A_679 = arith.addf %add3A_669, %mul3A_678 : vector<16xf32>
      %add3A_680 = arith.constant 57 : i32
      %add3A_681 = vector.broadcast %add3A_680 : i32 to vector<16xi32>
      %add3A_682 = arith.addi %mul3A_107, %add3A_681 : vector<16xi32>
      %gather3A_683 = tpu.vector_load_idx %arg15[%shift_right_logical3A_102, %add3A_682] : memref<256x64xf32, #tpu.memory_space<vmem>>[vector<16xi32>, vector<16xi32>], vector<16xf32>,
      %gather3A_684 = tpu.vector_load_idx %arg16[%shift_right_logical3A_102, %add3A_682] : memref<256x64xf32, #tpu.memory_space<vmem>>[vector<16xi32>, vector<16xi32>], vector<16xf32>,
      %gather3A_685 = tpu.vector_load_idx %arg17[%shift_right_logical3A_102, %add3A_682] : memref<256x64xf32, #tpu.memory_space<vmem>>[vector<16xi32>, vector<16xi32>], vector<16xf32>,
      %mul3A_686 = arith.mulf %gather3A_683, %gather3A_684 : vector<16xf32>
      %add3A_687 = arith.addf %add3A_677, %mul3A_686 : vector<16xf32>
      %mul3A_688 = arith.mulf %gather3A_683, %gather3A_685 : vector<16xf32>
      %add3A_689 = arith.addf %add3A_679, %mul3A_688 : vector<16xf32>
      %add3A_690 = arith.constant 58 : i32
      %add3A_691 = vector.broadcast %add3A_690 : i32 to vector<16xi32>
      %add3A_692 = arith.addi %mul3A_107, %add3A_691 : vector<16xi32>
      %gather3A_693 = tpu.vector_load_idx %arg15[%shift_right_logical3A_102, %add3A_692] : memref<256x64xf32, #tpu.memory_space<vmem>>[vector<16xi32>, vector<16xi32>], vector<16xf32>,
      %gather3A_694 = tpu.vector_load_idx %arg16[%shift_right_logical3A_102, %add3A_692] : memref<256x64xf32, #tpu.memory_space<vmem>>[vector<16xi32>, vector<16xi32>], vector<16xf32>,
      %gather3A_695 = tpu.vector_load_idx %arg17[%shift_right_logical3A_102, %add3A_692] : memref<256x64xf32, #tpu.memory_space<vmem>>[vector<16xi32>, vector<16xi32>], vector<16xf32>,
      %mul3A_696 = arith.mulf %gather3A_693, %gather3A_694 : vector<16xf32>
      %add3A_697 = arith.addf %add3A_687, %mul3A_696 : vector<16xf32>
      %mul3A_698 = arith.mulf %gather3A_693, %gather3A_695 : vector<16xf32>
      %add3A_699 = arith.addf %add3A_689, %mul3A_698 : vector<16xf32>
      %add3A_700 = arith.constant 59 : i32
      %add3A_701 = vector.broadcast %add3A_700 : i32 to vector<16xi32>
      %add3A_702 = arith.addi %mul3A_107, %add3A_701 : vector<16xi32>
      %gather3A_703 = tpu.vector_load_idx %arg15[%shift_right_logical3A_102, %add3A_702] : memref<256x64xf32, #tpu.memory_space<vmem>>[vector<16xi32>, vector<16xi32>], vector<16xf32>,
      %gather3A_704 = tpu.vector_load_idx %arg16[%shift_right_logical3A_102, %add3A_702] : memref<256x64xf32, #tpu.memory_space<vmem>>[vector<16xi32>, vector<16xi32>], vector<16xf32>,
      %gather3A_705 = tpu.vector_load_idx %arg17[%shift_right_logical3A_102, %add3A_702] : memref<256x64xf32, #tpu.memory_space<vmem>>[vector<16xi32>, vector<16xi32>], vector<16xf32>,
      %mul3A_706 = arith.mulf %gather3A_703, %gather3A_704 : vector<16xf32>
      %add3A_707 = arith.addf %add3A_697, %mul3A_706 : vector<16xf32>
      %mul3A_708 = arith.mulf %gather3A_703, %gather3A_705 : vector<16xf32>
      %add3A_709 = arith.addf %add3A_699, %mul3A_708 : vector<16xf32>
      %add3A_710 = arith.constant 60 : i32
      %add3A_711 = vector.broadcast %add3A_710 : i32 to vector<16xi32>
      %add3A_712 = arith.addi %mul3A_107, %add3A_711 : vector<16xi32>
      %gather3A_713 = tpu.vector_load_idx %arg15[%shift_right_logical3A_102, %add3A_712] : memref<256x64xf32, #tpu.memory_space<vmem>>[vector<16xi32>, vector<16xi32>], vector<16xf32>,
      %gather3A_714 = tpu.vector_load_idx %arg16[%shift_right_logical3A_102, %add3A_712] : memref<256x64xf32, #tpu.memory_space<vmem>>[vector<16xi32>, vector<16xi32>], vector<16xf32>,
      %gather3A_715 = tpu.vector_load_idx %arg17[%shift_right_logical3A_102, %add3A_712] : memref<256x64xf32, #tpu.memory_space<vmem>>[vector<16xi32>, vector<16xi32>], vector<16xf32>,
      %mul3A_716 = arith.mulf %gather3A_713, %gather3A_714 : vector<16xf32>
      %add3A_717 = arith.addf %add3A_707, %mul3A_716 : vector<16xf32>
      %mul3A_718 = arith.mulf %gather3A_713, %gather3A_715 : vector<16xf32>
      %add3A_719 = arith.addf %add3A_709, %mul3A_718 : vector<16xf32>
      %add3A_720 = arith.constant 61 : i32
      %add3A_721 = vector.broadcast %add3A_720 : i32 to vector<16xi32>
      %add3A_722 = arith.addi %mul3A_107, %add3A_721 : vector<16xi32>
      %gather3A_723 = tpu.vector_load_idx %arg15[%shift_right_logical3A_102, %add3A_722] : memref<256x64xf32, #tpu.memory_space<vmem>>[vector<16xi32>, vector<16xi32>], vector<16xf32>,
      %gather3A_724 = tpu.vector_load_idx %arg16[%shift_right_logical3A_102, %add3A_722] : memref<256x64xf32, #tpu.memory_space<vmem>>[vector<16xi32>, vector<16xi32>], vector<16xf32>,
      %gather3A_725 = tpu.vector_load_idx %arg17[%shift_right_logical3A_102, %add3A_722] : memref<256x64xf32, #tpu.memory_space<vmem>>[vector<16xi32>, vector<16xi32>], vector<16xf32>,
      %mul3A_726 = arith.mulf %gather3A_723, %gather3A_724 : vector<16xf32>
      %add3A_727 = arith.addf %add3A_717, %mul3A_726 : vector<16xf32>
      %mul3A_728 = arith.mulf %gather3A_723, %gather3A_725 : vector<16xf32>
      %add3A_729 = arith.addf %add3A_719, %mul3A_728 : vector<16xf32>
      %add3A_730 = arith.constant 62 : i32
      %add3A_731 = vector.broadcast %add3A_730 : i32 to vector<16xi32>
      %add3A_732 = arith.addi %mul3A_107, %add3A_731 : vector<16xi32>
      %gather3A_733 = tpu.vector_load_idx %arg15[%shift_right_logical3A_102, %add3A_732] : memref<256x64xf32, #tpu.memory_space<vmem>>[vector<16xi32>, vector<16xi32>], vector<16xf32>,
      %gather3A_734 = tpu.vector_load_idx %arg16[%shift_right_logical3A_102, %add3A_732] : memref<256x64xf32, #tpu.memory_space<vmem>>[vector<16xi32>, vector<16xi32>], vector<16xf32>,
      %gather3A_735 = tpu.vector_load_idx %arg17[%shift_right_logical3A_102, %add3A_732] : memref<256x64xf32, #tpu.memory_space<vmem>>[vector<16xi32>, vector<16xi32>], vector<16xf32>,
      %mul3A_736 = arith.mulf %gather3A_733, %gather3A_734 : vector<16xf32>
      %add3A_737 = arith.addf %add3A_727, %mul3A_736 : vector<16xf32>
      %mul3A_738 = arith.mulf %gather3A_733, %gather3A_735 : vector<16xf32>
      %add3A_739 = arith.addf %add3A_729, %mul3A_738 : vector<16xf32>
      %add3A_740 = arith.constant 63 : i32
      %add3A_741 = vector.broadcast %add3A_740 : i32 to vector<16xi32>
      %add3A_742 = arith.addi %mul3A_107, %add3A_741 : vector<16xi32>
      %gather3A_743 = tpu.vector_load_idx %arg15[%shift_right_logical3A_102, %add3A_742] : memref<256x64xf32, #tpu.memory_space<vmem>>[vector<16xi32>, vector<16xi32>], vector<16xf32>,
      %gather3A_744 = tpu.vector_load_idx %arg16[%shift_right_logical3A_102, %add3A_742] : memref<256x64xf32, #tpu.memory_space<vmem>>[vector<16xi32>, vector<16xi32>], vector<16xf32>,
      %gather3A_745 = tpu.vector_load_idx %arg17[%shift_right_logical3A_102, %add3A_742] : memref<256x64xf32, #tpu.memory_space<vmem>>[vector<16xi32>, vector<16xi32>], vector<16xf32>,
      %mul3A_746 = arith.mulf %gather3A_743, %gather3A_744 : vector<16xf32>
      %add3A_747 = arith.addf %add3A_737, %mul3A_746 : vector<16xf32>
      %mul3A_748 = arith.mulf %gather3A_743, %gather3A_745 : vector<16xf32>
      %add3A_749 = arith.addf %add3A_739, %mul3A_748 : vector<16xf32>
      %mul3A_750 = arith.constant 16 : i32
      %mul3A_751 = arith.muli %scan3A_96, %mul3A_750 : i32
      %add3A_752 = arith.constant 256 : i32
      %add3A_753 = arith.addi %add3A_752, %mul3A_751 : i32
      %multiple_of3A = tpu.assume_multiple %add3A_753, 16 : i32
      %swap3A = arith.index_cast %multiple_of3A : i32 to index
      %swap3A_754 = tpu.vector_load %arg18[%swap3A] {strides = array<i32>} : memref<512xf32, #tpu.memory_space<vmem>>, vector<16xf32>,
      tpu.vector_store %arg18[%swap3A], %add3A_747 {strides = array<i32>} : memref<512xf32, #tpu.memory_space<vmem>>, vector<16xf32>,
      %swap3A_755 = arith.index_cast %multiple_of3A : i32 to index
      %swap3A_756 = tpu.vector_load %arg19[%swap3A_755] {strides = array<i32>} : memref<512xf32, #tpu.memory_space<vmem>>, vector<16xf32>,
      tpu.vector_store %arg19[%swap3A_755], %add3A_749 {strides = array<i32>} : memref<512xf32, #tpu.memory_space<vmem>>, vector<16xf32>,
    }
    %scan3A_95 = arith.constant 16 : i32
    "tpu.region"() ({
      %run_scoped3A = tpu.sem_alloc : memref<!tpu.dma_semaphore, #tpu.memory_space<semaphore_mem>>
      %dma_start3A_96 = tpu.memref_slice %arg7[%mul3A_2] : memref<16384xf32, #tpu.memory_space<hbm>> -> memref<512xf32, #tpu.memory_space<hbm>>
      %dma_start3A_97 = tpu.memref_slice %arg7[%mul3A_2] : memref<16384xf32, #tpu.memory_space<hbm>> -> memref<512xf32, #tpu.memory_space<hbm>>
      tpu.enqueue_dma source(%arg18 : memref<512xf32, #tpu.memory_space<vmem>>) target(%dma_start3A_97 : memref<512xf32, #tpu.memory_space<hbm>>) target_semaphore(%run_scoped3A : memref<!tpu.dma_semaphore, #tpu.memory_space<semaphore_mem>>)
      %dma_wait3A_98 = tpu.memref_slice %arg7[%mul3A_2] : memref<16384xf32, #tpu.memory_space<hbm>> -> memref<512xf32, #tpu.memory_space<hbm>>
      %dma_wait3A_99 = tpu.memref_slice %arg7[%mul3A_2] : memref<16384xf32, #tpu.memory_space<hbm>> -> memref<512xf32, #tpu.memory_space<hbm>>
      tpu.wait_dma2 semaphore(%run_scoped3A : memref<!tpu.dma_semaphore, #tpu.memory_space<semaphore_mem>>) src(%arg18 : memref<512xf32, #tpu.memory_space<vmem>>) dst(%dma_wait3A_99 : memref<512xf32, #tpu.memory_space<hbm>>)
      tpu.yield
    }) : () -> ()
    "tpu.region"() ({
      %run_scoped3A = tpu.sem_alloc : memref<!tpu.dma_semaphore, #tpu.memory_space<semaphore_mem>>
      %dma_start3A_96 = tpu.memref_slice %arg8[%mul3A_2] : memref<16384xf32, #tpu.memory_space<hbm>> -> memref<512xf32, #tpu.memory_space<hbm>>
      %dma_start3A_97 = tpu.memref_slice %arg8[%mul3A_2] : memref<16384xf32, #tpu.memory_space<hbm>> -> memref<512xf32, #tpu.memory_space<hbm>>
      tpu.enqueue_dma source(%arg19 : memref<512xf32, #tpu.memory_space<vmem>>) target(%dma_start3A_97 : memref<512xf32, #tpu.memory_space<hbm>>) target_semaphore(%run_scoped3A : memref<!tpu.dma_semaphore, #tpu.memory_space<semaphore_mem>>)
      %dma_wait3A_98 = tpu.memref_slice %arg8[%mul3A_2] : memref<16384xf32, #tpu.memory_space<hbm>> -> memref<512xf32, #tpu.memory_space<hbm>>
      %dma_wait3A_99 = tpu.memref_slice %arg8[%mul3A_2] : memref<16384xf32, #tpu.memory_space<hbm>> -> memref<512xf32, #tpu.memory_space<hbm>>
      tpu.wait_dma2 semaphore(%run_scoped3A : memref<!tpu.dma_semaphore, #tpu.memory_space<semaphore_mem>>) src(%arg19 : memref<512xf32, #tpu.memory_space<vmem>>) dst(%dma_wait3A_99 : memref<512xf32, #tpu.memory_space<hbm>>)
      tpu.yield
    }) : () -> ()
    return
  }
}

</mosaic_0001>

<sc_bundles>
// kernel: kernel.3.cloned.1.call-start
scs
__scs_entry_jumppad:
0x0: {  	(pc) =	sbr.rel $0x88, $3  }
0x1: {  	(tag) =	ssettag $0x0;
	lr =	simm.s32 $0x1  }
0x2: {  	[smem:$0x3F9C] =	sst lr;
	_ =	strace $0xD0000000  }
0x3: {  	_ = 	snop  }
0x4: {  	_ = 	snop  }
0x5: {  	_ = 	snop  }
0x6: {  	_ = 	snop  }
0x7: {  	_ = 	snop  }
__scs_overlays_trampoline_lowered:
0x8: {  	[smem:$0x3FAB] =	sst s0  }
0x9: {  	[smem:$0x3FAC] =	sst s1  }
0xa: {  	[smem:$0x3FAD] =	sst s2  }
0xb: {  	[smem:$0x3FAE] =	sst s3  }
0xc: {  	[smem:$0x3FAF] =	sst s4  }
0xd: {  	[smem:$0x3FB0] =	sst s5  }
0xe: {  	[smem:$0x3FB1] =	sst s6  }
0xf: {  	[smem:$0x3FB2] =	sst s7  }
0x10: {  	[smem:$0x3FB3] =	sst s8  }
0x11: {  	[smem:$0x3FB4] =	sst s9;
	s0 =	simm.s32 @!p0 $0x0  }
0x12: {  	s1 =	sld [smem:$0x3F9A];
	s0 =	simm.s32 @p0 $0x1  }
0x13: {  	[smem:$0x3FB5] =	sst s0;
	s0 =	simm.s32 @!p1 $0x0  }
0x14: {  	s2 =	sld [smem:$0x3F99];
	s0 =	simm.s32 @p1 $0x1  }
0x15: {  	[smem:$0x3FB6] =	sst s0;
	s0 =	simm.s32 @!p2 $0x0  }
0x16: {  	s3 =	sld [smem:$0x3FDB];
	s0 =	simm.s32 @p2 $0x1  }
0x17: {  	s4 =	simm.s32 $0x1BF5;
	[smem:$0x3FB8] =	sst s0  }
0x18: {  	s0 =	sld [smem:$0x3F9B];
	_ =	swait.ge [sflag:s4], $0x0  }
0x19: {  	s7 =	sld [smem:$0x3F9C]  }
0x1a: {  	s8 =	sadd.s32 $0xFFFFE003, lr  }
0x1b: {  	s9 =	sadd.s32 $0xFFFFFEF7, lr;
	s5 =	simm.s32 $0xFFFFFFFF;
	p2 =	slt.u32 s8, $0xFFFFF086  }
0x1c: {  	p1 =	slt.u32 s9, $0xF7A;
	s5 =	simm.s32 @!p2 $0x0  }
0x1d: {  	s5 =	simm.s32 @p1 $0x1;
	p0 =	seq.s32 s7, s2  }
0x1e: {  	s7 =	smul.u32 @!p0 $0xF7A, s2;
	p2 =	seq.s32 @!p0 s5, $0x0  }
0x1f: {  	s9 =	smul.u32 $0xF7A, s1;
	s8 =	simm.s32 @!p0 $0x1BF5;
	p2 =	por !p2, p0  }
0x20: {  	[sflag:s8] =	ssyncset.s32 @!p0 $0xFFFFF086;
	s6 =	sadd.s32 @!p0 s3, s7;
	s7 =	simm.s32 @!p0 $0x108  }
0x21: {  	s3 =	sadd.s32 s3, s9;
	s6 =	sadd.s32 @!p0 $0x88, s6;
	s7 =	simm.s32 @p2 $0x1082  }
0x22: {  	[simem:s7], [sflag:s8] =	dma.local @!p0 [hbm:s6], $0xF7A  }
0x23: {  	s9 =	sor.u32 $0xD0000000, s2;
	s6 =	simm.s32 $0x108;
	_ =	swait.ge @!p0 [sflag:s8], $0x0  }
0x24: {  	s3 =	sadd.s32 $0x88, s3;
	s6 =	simm.s32 @!p1 $0x1082;
	[sflag:s4] =	ssyncset.s32 $0xFFFFF086  }
0x25: {  	[simem:s6], [sflag:s4] =	dma.local [hbm:s3], $0xF7A  }
0x26: {  	[smem:$0x3F9C] =	sst s1;
	(tag) =	ssettag s2;
	_ =	strace s9  }
0x27: {  	s1 =	sld [smem:$0x3FAC]  }
0x28: {  	s2 =	sld [smem:$0x3FAD]  }
0x29: {  	s4 =	sld [smem:$0x3FAF]  }
0x2a: {  	p0 =	seq.s32 s5, $0x0;
	s5 =	sld [smem:$0x3FB0]  }
0x2b: {  	s6 =	sld [smem:$0x3FB1]  }
0x2c: {  	s7 =	sld [smem:$0x3FB2]  }
0x2d: {  	s3 =	simm.s32 $0x108;
	s8 =	sld [smem:$0x3FB3]  }
0x2e: {  	s3 =	simm.s32 @!p0 $0x1082;
	s9 =	sld [smem:$0x3FB4]  }
0x2f: {  	lr =	sadd.s32 s0, s3;
	s0 =	sld [smem:$0x3FAB]  }
0x30: {  	s3 =	sld [smem:$0x3FAE]  }
0x31: {  	[smem:$0x3FB7] =	sst s10  }
0x32: {  	s10 =	sld [smem:$0x3FB5];
	_ =	sdelay $0x3  }
0x33: {  	p0 =	seq.s32 s10, $0x1;
	s10 =	sld [smem:$0x3FB7];
	_ =	sdelay $0x3  }
0x34: {  	[smem:$0x3FB7] =	sst s10  }
0x35: {  	s10 =	sld [smem:$0x3FB6];
	_ =	sdelay $0x3  }
0x36: {  	p1 =	seq.s32 s10, $0x1;
	s10 =	sld [smem:$0x3FB7];
	_ =	sdelay $0x3  }
0x37: {  	[smem:$0x3FB7] =	sst s10  }
0x38: {  	s10 =	sld [smem:$0x3FB8]  }
0x39: {  	_ = 	snop;
	(pc) =	sbr.ind lr, $3  }
0x3a: {  	_ = 	snop  }
0x3b: {  	_ = 	snop  }
0x3c: {  	p2 =	seq.s32 s10, $0x1;
	s10 =	sld [smem:$0x3FB7]  }
0x3d: {  	_ =	shalt  }
0x3e: {  	_ =	shalt  }
0x3f: {  	_ =	shalt  }
0x40: {  	_ =	shalt  }
0x41: {  	_ =	shalt  }
0x42: {  	_ =	shalt  }
0x43: {  	_ =	shalt  }
0x44: {  	_ =	shalt  }
0x45: {  	_ =	shalt  }
0x46: {  	_ =	shalt  }
0x47: {  	_ =	shalt  }
0x48: {  	_ =	shalt  }
0x49: {  	_ =	shalt  }
0x4a: {  	_ =	shalt  }
0x4b: {  	_ =	shalt  }
0x4c: {  	_ =	shalt  }
0x4d: {  	_ =	shalt  }
0x4e: {  	_ =	shalt  }
0x4f: {  	_ =	shalt  }
0x50: {  	_ =	shalt  }
0x51: {  	_ =	shalt  }
0x52: {  	_ =	shalt  }
0x53: {  	_ =	shalt  }
0x54: {  	_ =	shalt  }
0x55: {  	_ =	shalt  }
0x56: {  	_ =	shalt  }
0x57: {  	_ =	shalt  }
0x58: {  	_ =	shalt  }
0x59: {  	_ =	shalt  }
0x5a: {  	_ =	shalt  }
0x5b: {  	_ =	shalt  }
0x5c: {  	_ =	shalt  }
0x5d: {  	_ =	shalt  }
0x5e: {  	_ =	shalt  }
0x5f: {  	_ =	shalt  }
0x60: {  	_ =	shalt  }
0x61: {  	_ =	shalt  }
0x62: {  	_ =	shalt  }
0x63: {  	_ =	shalt  }
0x64: {  	_ =	shalt  }
0x65: {  	_ =	shalt  }
0x66: {  	_ =	shalt  }
0x67: {  	_ =	shalt  }
0x68: {  	_ =	shalt  }
0x69: {  	_ =	shalt  }
0x6a: {  	_ =	shalt  }
0x6b: {  	_ =	shalt  }
0x6c: {  	_ =	shalt  }
0x6d: {  	_ =	shalt  }
0x6e: {  	_ =	shalt  }
0x6f: {  	_ =	shalt  }
0x70: {  	_ =	shalt  }
0x71: {  	_ =	shalt  }
0x72: {  	_ =	shalt  }
0x73: {  	_ =	shalt  }
0x74: {  	_ =	shalt  }
0x75: {  	_ =	shalt  }
0x76: {  	_ =	shalt  }
0x77: {  	_ =	shalt  }
0x78: {  	_ =	shalt  }
0x79: {  	_ =	shalt  }
0x7a: {  	_ =	shalt  }
0x7b: {  	_ =	shalt  }
0x7c: {  	_ =	shalt  }
0x7d: {  	_ =	shalt  }
0x7e: {  	_ =	shalt  }
0x7f: {  	_ =	shalt  }
0x80: {  	_ =	shalt  }
0x81: {  	_ =	shalt  }
0x82: {  	_ =	shalt  }
0x83: {  	_ =	shalt  }
0x84: {  	_ =	shalt  }
0x85: {  	_ =	shalt  }
0x86: {  	_ =	shalt  }
0x87: {  	_ =	shalt  }
.Lfunc_end0:
.L_simem_size_0:
called_computation_lowered:
.L_overlay_start_0:
0x88: {  	s2 =	sld [smem:$0x3FD9]  }
0x89: {  	s3 =	sld [smem:$0x3FFE];
	_ =	sdelay $0x1  }
0x8a: {  	s1 =	srdreg.scid  }
0x8b: {  	s0 =	sand.u32 $0x1, s1  }
0x8c: {  	s14 =	sshll.u32 s0, $0xA;
	s2 =	sadd.s32 s3, s2  }
0x8d: {  	s2 =	sadd.s32 s2, s14  }
0x8e: {  	[smem:$0x3FC3] =	sst s2  }
0x8f: {  	_ = 	snop  }
0x90: {  	s2 =	sld [smem:$0x3FD0]  }
0x91: {  	s15 =	sld [smem:$0x3FC9]  }
0x92: {  	s4 =	sld [smem:$0x3FC8]  }
0x93: {  	s6 =	simm.s32 $0xA;
	s7 =	simm.s32 $0x10;
	s5 =	sld [smem:$0x3FC7]  }
0x94: {  	[smem:s7], [sflag:s6] =	dma.local [hbm:s2], $0x1  }
0x95: {  	_ =	swait.eq [sflag:s6], $0x1  }
0x96: {  	[sflag:s6] =	ssyncset.done $0x0  }
0x97: {  	s16 =	sld [smem:$0x10];
	[sflag:s6] =	ssyncadd.s32 $0xFFFFFFFF  }
0x98: {  	s17 =	sld [smem:$0x11];
	(tm) =	ssettm $0x1  }
0x99: {  	s18 =	sld [smem:$0x3FFB];
	_ =	sdelay $0x3  }
0x9a: {  	_ =	strace s18  }
0x9b: {  	s7 =	sld [smem:$0x3FFC];
	_ =	sdelay $0x3  }
0x9c: {  	_ =	strace s7  }
0x9d: {  	s7 =	sld [smem:$0x3FFD];
	_ =	sdelay $0x3  }
0x9e: {  	_ =	strace s7  }
0x9f: {  	_ =	strace $0x8FFFFFFF  }
0xa0: {  	s19 =	sld [smem:$0x3FDB];
	_ =	sdelay $0x1  }
0xa1: {  	s8 =	simm.s32 $_scs_section_size  }
0xa2: {  	s9 =	simm.s32 $_size__tile_overlayer_lowered;
	s10 =	simm.s32 $_tile_overlayer_lowered  }
0xa3: {  	s22 =	simm.s32 $0x1BFF;
	s21 =	sshll.u32 s10, $0x1;
	s7 =	sadd.s32 s8, s19  }
0xa4: {  	s11 =	simm.s32 $0x0;
	s20 =	sshll.u32 s9, $0x1;
	s9 =	sadd.s32 s21, s7  }
0xa5: {  	[timem:s11], [sflag:s22] =	dma.local [hbm:s9], s20  }
0xa6: {  	_ =	swait.ge [sflag:s22], s20  }
0xa7: {  	s8 =	ssub.s32 $0x0, s20;
	[sflag:s22] =	ssyncset.done $0x0  }
0xa8: {  	[sflag:s22] =	ssyncadd.s32 s8;
	_ =	sdelay $0x1  }
0xa9: {  	s23 =	simm.s32 $0x1B8B  }
0xaa: {  	_ =	swait.ge [sflag:s23], $0x1  }
0xab: {  	[sflag:s23] =	ssyncset.done $0x0  }
0xac: {  	s25 =	simm.s32 $0x1B8E;
	s24 =	sld [smem:$0x3FFE];
	[sflag:s23] =	ssyncadd.s32 $0xFFFFFFFF  }
0xad: {  	s26 =	simm.s32 $execute0_lowered;
	[smem:$0x3FD2] =	sst s25  }
0xae: {  	s9 =	sshll.u32 s26, $0x1;
	_ =	strace $0x80000046;
	[dreg:$0x1] =	wrdreg $0xFFFFFFFF  }
0xaf: {  	s28 =	simm.s32 $_size_execute0_lowered;
	s7 =	sadd.s32 s7, s9;
	[dreg:$0x0] =	wrdreg $0x0  }
0xb0: {  	s9 =	sshll.u32 s28, $0x1;
	[dreg:$0x2] =	wrdreg s7  }
0xb1: {  	[dreg:$0x3] =	wrdreg s9  }
0xb2: {  	[dreg:$0x4] =	wrdreg $0xC0  }
0xb3: {  	_ =	task [dreg:s11], $0x5FFFF  }
0xb4: {  	[dreg:$0x1] =	wrdreg $0xFFFFFFFF  }
0xb5: {  	[dreg:$0x0] =	wrdreg $0x60  }
0xb6: {  	[dreg:$0x2] =	wrdreg s15  }
0xb7: {  	[dreg:$0x3] =	wrdreg s4  }
0xb8: {  	[dreg:$0x4] =	wrdreg s5  }
0xb9: {  	[dreg:$0x5] =	wrdreg s24  }
0xba: {  	[dreg:$0x6] =	wrdreg s16  }
0xbb: {  	[dreg:$0x7] =	wrdreg s17  }
0xbc: {  	[dreg:$0x8] =	wrdreg $0x9  }
0xbd: {  	_ =	task.clear_ibuf [dreg:s11], $0x9FFFF;
	_ =	strace $0x90000046  }
0xbe: {  	s29 =	simm.s32 $0x9;
	_ =	strace $0x80000048  }
0xbf: {  	_ =	swait.ge [sflag:s29], $0x1  }
0xc0: {  	[sflag:s29] =	ssyncadd.s32 $0xFFFFFFFF  }
0xc1: {  	_ =	strace $0x90000048  }
0xc2: {  	_ =	sfence  }
0xc3: {  	s30 =	sld [smem:$0x0];
	_ =	sdelay $0x2  }
0xc4: {  	s31 =	sshll.u32 s1, $0xD;
	s1 =	sshrl.u32 s1, $0x2  }
0xc5: {  	s3 =	sand.u32 $0x4000, s31;
	s1 =	sadd.s32 s1, s30  }
0xc6: {  	s0 =	sor.u32 s3, s0;
	s1 =	sshll.u32 s1, $0x11  }
0xc7: {  	s0 =	sor.u32 s1, s0  }
0xc8: {  	s0 =	sadd.s32 $0x8F2B, s0  }
0xc9: {  	[sflag:s0] =	ssyncadd.remote.s32 $0x1  }
0xca: {  	_ =	sfence.sel $0xFFFF  }
0xcb: {  	[dreg:$0x0] =	wrdreg $0xFFFFFFFF;
	(pc) =	sbr.abs _section_cstart, $3  }
0xcc: {  	[dreg:$0x1] =	wrdreg $0xFFFFFFFF  }
0xcd: {  	_ =	task.clear_ibuf [dreg:s11], $0x2FFFF;
	_ =	strace $0x9FFFFFFF  }
0xce: {  	(tm) =	ssettm $0x7FFFFFFF  }
0xcf: {  	_ =	shalt  }
tec
execute0_lowered:
.L_overlay_start_1:
0x0: {  	(tag) =	ssettag $0x1  }
0x1: {  	v0 =	vlaneseq.u32  }
0x2: {  	v1 =	vand.u32 $0x1, v0  }
0x3: {  	v5 =	vmul.u32 $0x40, v1;
	_ =	sdelay $0x1  }
0x4: {  	v52 =	vor.u32 $0x15, v5  }
0x5: {  	v53 =	vor.u32 $0x16, v5;
	[tilespmem:$0x1FC10] =	vst v52  }
0x6: {  	s5 =	rddreg [dreg:$0x0];
	v57 =	vor.u32 $0x17, v5;
	[tilespmem:$0x1FC20] =	vst v53  }
0x7: {  	s6 =	rddreg [dreg:$0x1];
	v58 =	vor.u32 $0x18, v5;
	[tilespmem:$0x1FC30] =	vst v57  }
0x8: {  	s7 =	rddreg [dreg:$0x2];
	v59 =	vor.u32 $0x19, v5;
	[tilespmem:$0x1FC40] =	vst v58  }
0x9: {  	s4 =	rddreg [dreg:$0x3];
	v60 =	vor.u32 $0x1A, v5;
	[tilespmem:$0x1FC50] =	vst v59  }
0xa: {  	s8 =	rddreg [dreg:$0x4];
	v61 =	vor.u32 $0x1B, v5;
	[tilespmem:$0x1FC60] =	vst v60  }
0xb: {  	s9 =	rddreg [dreg:$0x5];
	s1 =	simm.s32 $0x0;
	v62 =	vor.u32 $0x1C, v5;
	[tilespmem:$0x1FC70] =	vst v61  }
0xc: {  	[smem:$0x7FF] =	sst s1;
	v63 =	vor.u32 $0x1D, v5;
	[tilespmem:$0x1FC80] =	vst v62  }
0xd: {  	s0 =	rddreg [dreg:$0x6];
	v28 =	vor.u32 $0x1E, v5;
	_ =	strace $0x80000047;
	[tilespmem:$0x1FC90] =	vst v63  }
0xe: {  	v29 =	vor.u32 $0x1F, v5;
	[tilespmem:$0x1FCA0] =	vst v28  }
0xf: {  	v30 =	vor.u32 $0x20, v5;
	[tilespmem:$0x1FCB0] =	vst v29  }
0x10: {  	v31 =	vor.u32 $0x21, v5;
	[tilespmem:$0x1FCC0] =	vst v30  }
0x11: {  	v32 =	vor.u32 $0x22, v5;
	[tilespmem:$0x1FCD0] =	vst v31  }
0x12: {  	v33 =	vor.u32 $0x23, v5;
	[tilespmem:$0x1FCE0] =	vst v32  }
0x13: {  	v34 =	vor.u32 $0x24, v5;
	[tilespmem:$0x1FCF0] =	vst v33  }
0x14: {  	v35 =	vor.u32 $0x25, v5;
	[tilespmem:$0x1FD00] =	vst v34  }
0x15: {  	v36 =	vor.u32 $0x26, v5;
	[tilespmem:$0x1FD10] =	vst v35  }
0x16: {  	v37 =	vor.u32 $0x27, v5;
	[tilespmem:$0x1FD20] =	vst v36  }
0x17: {  	v38 =	vor.u32 $0x28, v5;
	[tilespmem:$0x1FD30] =	vst v37  }
0x18: {  	v39 =	vor.u32 $0x29, v5;
	[tilespmem:$0x1FD40] =	vst v38  }
0x19: {  	v40 =	vor.u32 $0x2A, v5;
	[tilespmem:$0x1FD50] =	vst v39  }
0x1a: {  	v41 =	vor.u32 $0x2B, v5;
	[tilespmem:$0x1FD60] =	vst v40  }
0x1b: {  	v42 =	vor.u32 $0x2C, v5;
	[tilespmem:$0x1FD70] =	vst v41  }
0x1c: {  	v43 =	vor.u32 $0x2D, v5;
	[tilespmem:$0x1FD80] =	vst v42  }
0x1d: {  	v44 =	vor.u32 $0x2E, v5;
	[tilespmem:$0x1FD90] =	vst v43  }
0x1e: {  	v45 =	vor.u32 $0x2F, v5;
	[tilespmem:$0x1FDA0] =	vst v44  }
0x1f: {  	v46 =	vor.u32 $0x30, v5;
	[tilespmem:$0x1FDB0] =	vst v45  }
0x20: {  	v47 =	vor.u32 $0x31, v5;
	[tilespmem:$0x1FDC0] =	vst v46  }
0x21: {  	v48 =	vor.u32 $0x32, v5;
	[tilespmem:$0x1FDD0] =	vst v47  }
0x22: {  	v49 =	vor.u32 $0x33, v5;
	[tilespmem:$0x1FDE0] =	vst v48  }
0x23: {  	v51 =	vor.u32 $0x34, v5;
	[tilespmem:$0x1FDF0] =	vst v49  }
0x24: {  	v52 =	vor.u32 $0x35, v5;
	[tilespmem:$0x1FE00] =	vst v51  }
0x25: {  	v53 =	vor.u32 $0x36, v5;
	[tilespmem:$0x1FE10] =	vst v52  }
0x26: {  	v57 =	vor.u32 $0x37, v5;
	[tilespmem:$0x1FE20] =	vst v53  }
0x27: {  	v58 =	vor.u32 $0x38, v5;
	[tilespmem:$0x1FE30] =	vst v57  }
0x28: {  	v59 =	vor.u32 $0x39, v5;
	[tilespmem:$0x1FE40] =	vst v58  }
0x29: {  	v60 =	vor.u32 $0x3A, v5;
	[tilespmem:$0x1FE50] =	vst v59  }
0x2a: {  	v61 =	vor.u32 $0x3B, v5;
	[tilespmem:$0x1FE60] =	vst v60  }
0x2b: {  	v54 =	vmul.u32 $0x40, v0;
	v62 =	vor.u32 $0x3C, v5;
	[tilespmem:$0x1FE70] =	vst v61  }
0x2c: {  	[tilespmem:$0x1FE80] =	vst v62  }
0x2d: {  	v56 =	vor.u32 $0x2, v5;
	[tilespmem:$0x1FEA0] =	vst v54  }
0x2e: {  	v55 =	vor.u32 $0x3, v5;
	[tilespmem:$0x1FEB0] =	vst v56  }
0x2f: {  	v7 =	vor.u32 $0x4, v5;
	[tilespmem:$0x1FEC0] =	vst v55  }
0x30: {  	v8 =	vor.u32 $0x5, v5;
	[tilespmem:$0x1FED0] =	vst v7  }
0x31: {  	v9 =	vor.u32 $0x6, v5;
	[tilespmem:$0x1FEE0] =	vst v8  }
0x32: {  	v10 =	vor.u32 $0x7, v5;
	[tilespmem:$0x1FEF0] =	vst v9  }
0x33: {  	v11 =	vor.u32 $0x8, v5;
	[tilespmem:$0x1FF00] =	vst v10  }
0x34: {  	v23 =	vor.u32 $0x9, v5;
	[tilespmem:$0x1FF10] =	vst v11  }
0x35: {  	v22 =	vor.u32 $0xA, v5;
	[tilespmem:$0x1FF20] =	vst v23  }
0x36: {  	v24 =	vor.u32 $0xB, v5;
	[tilespmem:$0x1FF30] =	vst v22  }
0x37: {  	v20 =	vor.u32 $0xC, v5;
	[tilespmem:$0x1FF40] =	vst v24  }
0x38: {  	v19 =	vor.u32 $0xD, v5;
	[tilespmem:$0x1FF50] =	vst v20  }
0x39: {  	s3 =	srdreg.scid;
	s2 =	stileid.u32;
	s14 =	simm.s32 $0x100;
	v18 =	vor.u32 $0xE, v5;
	[tilespmem:$0x1FF60] =	vst v19  }
0x3a: {  	s15 =	simm.s32 $0x600;
	s16 =	simm.s32 $0x900;
	s17 =	simm.s32 $0x700;
	v26 =	vor.u32 $0xF, v5;
	[tilespmem:$0x1FF70] =	vst v18  }
0x3b: {  	s18 =	simm.s32 $0x8900;
	s19 =	simm.s32 $0x800;
	s20 =	simm.s32 $0x10900;
	v16 =	vor.u32 $0x10, v5;
	[tilespmem:$0x1FF80] =	vst v26  }
0x3c: {  	s21 =	simm.s32 $0x1;
	s22 =	simm.s32 $0x2;
	s23 =	simm.s32 $0x3;
	v13 =	vor.u32 $0x11, v5;
	[tilespmem:$0x1FF90] =	vst v16  }
0x3d: {  	s24 =	simm.s32 $0x18900;
	s25 =	simm.s32 $0x18B00;
	s3 =	sand.u32 $0x1, s3;
	v15 =	vor.u32 $0x12, v5;
	[tilespmem:$0x1FFA0] =	vst v13  }
0x3e: {  	s26 =	simm.s32 $0x0;
	s11 =	sshll.u32 s2, $0x7;
	s10 =	ssub.s32 $0x2, s3;
	v12 =	vor.u32 $0x13, v5;
	[tilespmem:$0x1FFB0] =	vst v15  }
0x3f: {  	s12 =	sshll.u32 s3, $0x6;
	s3 =	sadd.s32 $0x600, s4;
	s4 =	sadd.s32 $0xF42A00, s4;
	v14 =	vor.u32 $0x14, v5;
	[tilespmem:$0x1FFC0] =	vst v12  }
0x40: {  	s13 =	sshrl.u32 s10, $0x1;
	s11 =	sor.u32 s12, s11;
	s12 =	simm.s32 $0x200;
	[tilespmem:$0x1FFD0] =	vst v14  }
0x41: {  	v50 =	vor.u32 $0x1, v5;
	s10 =	ssub.s32 s10, s13;
	s5 =	sadd.s32 s5, s11;
	s6 =	sadd.s32 s6, s11;
	[tilespmem:$0x1FFE0] =	vst v5  }
0x42: {  	s7 =	sadd.s32 s7, s11;
	s8 =	sadd.s32 s8, s11;
	s9 =	sadd.s32 s9, s11;
	v63 =	vor.u32 $0x3D, v5;
	[tilespmem:$0x1FFF0] =	vst v50  }
0x43: {  	s11 =	simm.s32 $0x4;
	s13 =	simm.s32 $0x400;
	s10 =	smax.u32 s10, $0x1;
	[tilespmem:$0x1FE90] =	vst v63  }
.LBB2_1:
0x44: {  	[tilespmem:s1], [sflag:$0x4] =	stream.linear.gather [hbm4b:s5+s1], $0x200, $0x38;
	[tilespmem:$0x18D00] =	vst v63  }
0x45: {  	_ =	swait.ge [sflag:s11], $0x200  }
0x46: {  	[sflag:s11] =	ssyncset.done $0x0  }
0x47: {  	[sflag:s11] =	ssyncadd.s32 $0xFFFFFE00  }
0x48: {  	[tilespmem:s12], [sflag:$0x4] =	stream.linear.gather [hbm4b:s6+s1], $0x200, $0x38;
	[tilespmem:$0x18D00] =	vst v63  }
0x49: {  	_ =	swait.ge [sflag:s11], $0x200  }
0x4a: {  	[sflag:s11] =	ssyncset.done $0x0  }
0x4b: {  	[sflag:s11] =	ssyncadd.s32 $0xFFFFFE00  }
0x4c: {  	[tilespmem:s13], [sflag:$0x4] =	stream.linear.gather [hbm4b:s7+s1], $0x200, $0x38;
	[tilespmem:$0x18D00] =	vst v63  }
0x4d: {  	_ =	swait.ge [sflag:s11], $0x200  }
0x4e: {  	[sflag:s11] =	ssyncset.done $0x0  }
0x4f: {  	s28 =	simm.s32 $0x0;
	[sflag:s11] =	ssyncadd.s32 $0xFFFFFE00  }
0x50: {  	v1 =	vld [tilespmem:s28+$0x400]  }
0x51: {  	v2 =	vld [tilespmem:s28+$0x0]  }
0x52: {  	s29 =	simm.s32 $0x40;
	v0 =	vld [tilespmem:s28+$0x200]  }
.LBB2_2:
0x53: {  	p0 =	sne.s32 s29, $0x3C0  }
.Ltmp0:
0x54: {  	_ = 	snop;
	(pc) =	sbr.rel @p0 .LBB2_2-.Ltmp0, $4  }
0x55: {  	s30 =	sshra.s32 s29, $0x2;
	v3 =	vshll.u32 v1, $0x1  }
0x56: {  	v1 =	vld [tilespmem:s30+$0x400];
	v4 =	vshll.u32 v2, $0x1;
	[tilespmem:s28+$0x800] =	vst v3  }
0x57: {  	v2 =	vld [tilespmem:s30+$0x0];
	[tilespmem:s28+$0x600] =	vst v4;
	v3 =	vshll.u32 v0, $0x1  }
0x58: {  	s29 =	sadd.s32 $0x40, s29;
	v0 =	vld [tilespmem:s30+$0x200];
	[tilespmem:s28+$0x700] =	vst v3;
	s28 =	smov.u32 s30  }
0x59: {  	_ =	sdelay $0x1  }
0x5a: {  	v1 =	vshll.u32 v1, $0x1  }
0x5b: {  	v2 =	vshll.u32 v2, $0x1;
	[tilespmem:s28+$0x800] =	vst v1  }
0x5c: {  	[tilespmem:s28+$0x600] =	vst v2;
	v0 =	vshll.u32 v0, $0x1  }
0x5d: {  	[tilespmem:s28+$0x700] =	vst v0  }
0x5e: {  	[tilespmem:s16], [sflag:$0x1] =	stream.indirect.gather [hbm4b:s3+s14], $0x40, s15, s14, $0xb8;
	[tilespmem:$0x18D00] =	vst v63  }
0x5f: {  	_ = 	snop  }
0x60: {  	[tilespmem:s18], [sflag:$0x2] =	stream.indirect.gather [hbm4b:s4+s14], $0x40, s17, s14, $0xb8;
	[tilespmem:$0x18D00] =	vst v63  }
0x61: {  	s28 =	simm.s32 $0x0  }
0x62: {  	[tilespmem:s20], [sflag:$0x3] =	stream.indirect.gather [hbm4b:s4+s14], $0x40, s19, s14, $0xb8;
	[tilespmem:$0x18D00] =	vst v63  }
0x63: {  	v0 =	vmov s28;
	_ =	swait.ge [sflag:s21], $0x4000  }
0x64: {  	v0 =	vshll.u32 v0, $0x6;
	[sflag:s21] =	ssyncset.done $0x0  }
0x65: {  	v0 =	vor.u32 v54, v0;
	[sflag:s21] =	ssyncadd.s32 $0xFFFFC000  }
0x66: {  	v0 =	vand.u32 $0x3F80, v0;
	_ =	swait.ge [sflag:s22], $0x4000  }
0x67: {  	v14 =	vor.u32 v14, v0;
	[sflag:s22] =	ssyncset.done $0x0  }
0x68: {  	[sflag:s22] =	ssyncadd.s32 $0xFFFFC000  }
0x69: {  	_ =	swait.ge [sflag:s23], $0x4000  }
0x6a: {  	[sflag:s23] =	ssyncset.done $0x0  }
0x6b: {  	[sflag:s23] =	ssyncadd.s32 $0xFFFFC000  }
0x6c: {  	v12 =	vor.u32 v12, v0;
	v1 =	vld.idx.msk [tilespmem:v14+s18+$0x0], $0xffff;
	_ =	sdelay $0x4  }
0x6d: {  	v15 =	vor.u32 v15, v0;
	[tilespmem:$0x1F6C0] =	vst v1;
	v1 =	vld.idx.msk [tilespmem:v12+s18+$0x0], $0xffff;
	_ =	sdelay $0x4  }
0x6e: {  	v13 =	vor.u32 v13, v0;
	[tilespmem:$0x1F6B0] =	vst v1;
	v1 =	vld.idx.msk [tilespmem:v15+s18+$0x0], $0xffff;
	_ =	sdelay $0x4  }
0x6f: {  	v16 =	vor.u32 v16, v0;
	[tilespmem:$0x1F6A0] =	vst v1;
	v1 =	vld.idx.msk [tilespmem:v13+s18+$0x0], $0xffff;
	_ =	sdelay $0x4  }
0x70: {  	v17 =	vor.u32 v26, v0;
	[tilespmem:$0x1F690] =	vst v1;
	v1 =	vld.idx.msk [tilespmem:v16+s18+$0x0], $0xffff;
	_ =	sdelay $0x4  }
0x71: {  	v18 =	vor.u32 v18, v0;
	[tilespmem:$0x1F680] =	vst v1;
	v1 =	vld.idx.msk [tilespmem:v17+s18+$0x0], $0xffff;
	_ =	sdelay $0x2  }
0x72: {  	v22 =	vor.u32 v22, v0  }
0x73: {  	v23 =	vor.u32 v23, v0  }
0x74: {  	v19 =	vor.u32 v19, v0;
	[tilespmem:$0x1F670] =	vst v1;
	v1 =	vld.idx.msk [tilespmem:v18+s18+$0x0], $0xffff  }
0x75: {  	v21 =	vor.u32 v24, v0;
	v24 =	vor.u32 v11, v0  }
0x76: {  	v25 =	vor.u32 v10, v0  }
0x77: {  	v26 =	vor.u32 v9, v0;
	v52 =	vld.idx.msk [tilespmem:v22+s18+$0x0], $0xffff  }
0x78: {  	v27 =	vor.u32 v8, v0;
	v41 =	vld.idx.msk [tilespmem:v23+s18+$0x0], $0xffff  }
0x79: {  	v20 =	vor.u32 v20, v0;
	[tilespmem:$0x1F660] =	vst v1;
	v1 =	vld.idx.msk [tilespmem:v19+s18+$0x0], $0xffff  }
0x7a: {  	v28 =	vor.u32 v7, v0;
	v37 =	vld.idx.msk [tilespmem:v24+s18+$0x0], $0xffff  }
0x7b: {  	v29 =	vor.u32 v55, v0;
	v36 =	vld.idx.msk [tilespmem:v25+s18+$0x0], $0xffff  }
0x7c: {  	v30 =	vor.u32 v56, v0;
	v34 =	vld.idx.msk [tilespmem:v26+s18+$0x0], $0xffff  }
0x7d: {  	v31 =	vor.u32 v50, v0;
	v33 =	vld.idx.msk [tilespmem:v27+s18+$0x0], $0xffff  }
0x7e: {  	[tilespmem:$0x1F650] =	vst v1;
	v1 =	vld.idx.msk [tilespmem:v20+s18+$0x0], $0xffff  }
0x7f: {  	v32 =	vor.u32 v5, v0;
	v35 =	vld.idx.msk [tilespmem:v28+s18+$0x0], $0xffff  }
0x80: {  	v38 =	vld.idx.msk [tilespmem:v29+s18+$0x0], $0xffff  }
0x81: {  	v39 =	vld.idx.msk [tilespmem:v30+s18+$0x0], $0xffff  }
0x82: {  	v40 =	vld.idx.msk [tilespmem:v31+s18+$0x0], $0xffff  }
0x83: {  	[tilespmem:$0x1F640] =	vst v1;
	v1 =	vld.idx.msk [tilespmem:v21+s18+$0x0], $0xffff  }
0x84: {  	v42 =	vld.idx.msk [tilespmem:v32+s18+$0x0], $0xffff  }
0x85: {  	v43 =	vld.idx.msk [tilespmem:v32+s16+$0x0], $0xffff  }
0x86: {  	v32 =	vld.idx.msk [tilespmem:v32+s20+$0x0], $0xffff  }
0x87: {  	v44 =	vld.idx.msk [tilespmem:v31+s16+$0x0], $0xffff  }
0x88: {  	[tilespmem:$0x1F630] =	vst v1;
	v1 =	vld [tilespmem:$0x1FC10]  }
0x89: {  	v31 =	vld.idx.msk [tilespmem:v31+s20+$0x0], $0xffff  }
0x8a: {  	v45 =	vld.idx.msk [tilespmem:v30+s16+$0x0], $0xffff  }
0x8b: {  	v3 =	vld.idx.msk [tilespmem:v20+s16+$0x0], $0xffff  }
0x8c: {  	v9 =	vld.idx.msk [tilespmem:v20+s20+$0x0], $0xffff  }
0x8d: {  	v20 =	vor.u32 v1, v0;
	v1 =	vld [tilespmem:$0x1FC20]  }
0x8e: {  	v30 =	vld.idx.msk [tilespmem:v30+s20+$0x0], $0xffff  }
0x8f: {  	v46 =	vld.idx.msk [tilespmem:v29+s16+$0x0], $0xffff  }
0x90: {  	v61 =	vld.idx.msk [tilespmem:v23+s16+$0x0], $0xffff  }
0x91: {  	v62 =	vld.idx.msk [tilespmem:v23+s20+$0x0], $0xffff  }
0x92: {  	v23 =	vor.u32 v1, v0;
	v1 =	vld.idx.msk [tilespmem:v20+s18+$0x0], $0xffff  }
0x93: {  	v29 =	vld.idx.msk [tilespmem:v29+s20+$0x0], $0xffff  }
0x94: {  	v47 =	vld.idx.msk [tilespmem:v28+s16+$0x0], $0xffff  }
0x95: {  	v48 =	vld.idx.msk [tilespmem:v28+s20+$0x0], $0xffff  }
0x96: {  	v49 =	vld.idx.msk [tilespmem:v27+s16+$0x0], $0xffff  }
0x97: {  	[tilespmem:$0x1F6D0] =	vst v1;
	v1 =	vld [tilespmem:$0x1FC30]  }
0x98: {  	v53 =	vld.idx.msk [tilespmem:v26+s16+$0x0], $0xffff  }
0x99: {  	v54 =	vld.idx.msk [tilespmem:v26+s20+$0x0], $0xffff  }
0x9a: {  	v57 =	vld.idx.msk [tilespmem:v25+s16+$0x0], $0xffff  }
0x9b: {  	v58 =	vld.idx.msk [tilespmem:v25+s20+$0x0], $0xffff  }
0x9c: {  	v25 =	vor.u32 v1, v0;
	v1 =	vld.idx.msk [tilespmem:v20+s20+$0x0], $0xffff  }
0x9d: {  	v63 =	vld.idx.msk [tilespmem:v22+s16+$0x0], $0xffff  }
0x9e: {  	v7 =	vld.idx.msk [tilespmem:v22+s20+$0x0], $0xffff  }
0x9f: {  	v6 =	vld.idx.msk [tilespmem:v18+s16+$0x0], $0xffff  }
0xa0: {  	v11 =	vld.idx.msk [tilespmem:v18+s20+$0x0], $0xffff  }
0xa1: {  	[tilespmem:$0x1F6E0] =	vst v1;
	v1 =	vld.idx.msk [tilespmem:v23+s18+$0x0], $0xffff  }
0xa2: {  	v10 =	vld.idx.msk [tilespmem:v17+s16+$0x0], $0xffff  }
0xa3: {  	v22 =	vld.idx.msk [tilespmem:v12+s20+$0x0], $0xffff  }
0xa4: {  	v26 =	vld.idx.msk [tilespmem:v14+s20+$0x0], $0xffff  }
0xa5: {  	v18 =	vld.idx.msk [tilespmem:v17+s20+$0x0], $0xffff  }
0xa6: {  	[tilespmem:$0x1F6F0] =	vst v1;
	v1 =	vld [tilespmem:$0x1FC40]  }
0xa7: {  	v17 =	vld.idx.msk [tilespmem:v12+s16+$0x0], $0xffff  }
0xa8: {  	v12 =	vld.idx.msk [tilespmem:v14+s16+$0x0], $0xffff  }
0xa9: {  	v14 =	vld.idx.msk [tilespmem:v25+s18+$0x0], $0xffff  }
0xaa: {  	v59 =	vld.idx.msk [tilespmem:v24+s16+$0x0], $0xffff  }
0xab: {  	v60 =	vld.idx.msk [tilespmem:v24+s20+$0x0], $0xffff;
	v24 =	vmul.f32 v42, v43;
	v1 =	vor.u32 v1, v0  }
0xac: {  	v51 =	vld.idx.msk [tilespmem:v27+s20+$0x0], $0xffff;
	v27 =	vmul.f32 v32, v43  }
0xad: {  	v28 =	vadd.f32 $0.0e+00, v24;
	v24 =	vld.idx.msk [tilespmem:v25+s16+$0x0], $0xffff  }
0xae: {  	v31 =	vmul.f32 v31, v44;
	v42 =	vadd.f32 $0.0e+00, v27;
	[tilespmem:$0x1F700] =	vst v14;
	v14 =	vld [tilespmem:$0x1FC50]  }
0xaf: {  	v32 =	vmul.f32 v40, v44;
	v27 =	vld.idx.msk [tilespmem:v25+s20+$0x0], $0xffff  }
0xb0: {  	v39 =	vmul.f32 v39, v45;
	v45 =	vmul.f32 v30, v45;
	v31 =	vadd.f32 v31, v42;
	v25 =	vld.idx.msk [tilespmem:v1+s18+$0x0], $0xffff  }
0xb1: {  	v32 =	vadd.f32 v32, v28;
	v28 =	vld.idx.msk [tilespmem:v1+s16+$0x0], $0xffff  }
0xb2: {  	v30 =	vld.idx.msk [tilespmem:v1+s20+$0x0], $0xffff;
	v1 =	vadd.f32 v45, v31;
	v45 =	vmul.f32 v29, v46  }
0xb3: {  	v38 =	vmul.f32 v38, v46;
	v40 =	vor.u32 v14, v0  }
0xb4: {  	v14 =	vld [tilespmem:$0x1FC60];
	v46 =	vmul.f32 v35, v47;
	v47 =	vmul.f32 v48, v47;
	v1 =	vadd.f32 v45, v1;
	_ =	sdelay $0x1  }
0xb5: {  	v51 =	vmul.f32 v51, v49;
	v1 =	vadd.f32 v47, v1;
	_ =	sdelay $0x1  }
0xb6: {  	v48 =	vmul.f32 v33, v49;
	v49 =	vmul.f32 v54, v53;
	v1 =	vadd.f32 v51, v1  }
0xb7: {  	v43 =	vor.u32 v14, v0;
	v14 =	vld [tilespmem:$0x1FC70]  }
0xb8: {  	v2 =	vld.idx.msk [tilespmem:v21+s16+$0x0], $0xffff;
	v54 =	vmul.f32 v58, v57;
	v1 =	vadd.f32 v49, v1  }
0xb9: {  	v8 =	vld.idx.msk [tilespmem:v21+s20+$0x0], $0xffff  }
0xba: {  	v4 =	vld.idx.msk [tilespmem:v19+s16+$0x0], $0xffff;
	v58 =	vmul.f32 v37, v59;
	v59 =	vmul.f32 v60, v59;
	v1 =	vadd.f32 v54, v1  }
0xbb: {  	v29 =	vld.idx.msk [tilespmem:v40+s18+$0x0], $0xffff  }
0xbc: {  	v62 =	vmul.f32 v62, v61;
	v42 =	vor.u32 v14, v0;
	v14 =	vld [tilespmem:$0x1FC80];
	v1 =	vadd.f32 v59, v1  }
0xbd: {  	v31 =	vld.idx.msk [tilespmem:v40+s16+$0x0], $0xffff  }
0xbe: {  	v7 =	vmul.f32 v7, v63;
	v32 =	vadd.f32 v39, v32;
	v35 =	vld.idx.msk [tilespmem:v40+s20+$0x0], $0xffff;
	v1 =	vadd.f32 v62, v1  }
0xbf: {  	v60 =	vmul.f32 v41, v61;
	v61 =	vld [tilespmem:$0x1F630]  }
0xc0: {  	v32 =	vadd.f32 v38, v32;
	v7 =	vadd.f32 v7, v1;
	v1 =	vld [tilespmem:$0x1F640]  }
0xc1: {  	v44 =	vor.u32 v14, v0;
	v14 =	vld [tilespmem:$0x1FC90]  }
0xc2: {  	v38 =	vadd.f32 v46, v32;
	v32 =	vld.idx.msk [tilespmem:v43+s18+$0x0], $0xffff  }
0xc3: {  	v33 =	vld.idx.msk [tilespmem:v43+s16+$0x0], $0xffff  }
0xc4: {  	v40 =	vadd.f32 v48, v38;
	v48 =	vmul.f32 v34, v53;
	v38 =	vld.idx.msk [tilespmem:v43+s20+$0x0], $0xffff  }
0xc5: {  	v49 =	vmul.f32 v52, v63;
	v63 =	vmul.f32 v1, v3;
	v1 =	vld [tilespmem:$0x1FCE0]  }
0xc6: {  	v53 =	vmul.f32 v36, v57;
	v51 =	vadd.f32 v48, v40;
	v34 =	vld.idx.msk [tilespmem:v42+s18+$0x0], $0xffff;
	v46 =	vor.u32 v14, v0  }
0xc7: {  	v14 =	vld [tilespmem:$0x1FCA0]  }
0xc8: {  	v57 =	vadd.f32 v53, v51;
	v36 =	vld.idx.msk [tilespmem:v42+s16+$0x0], $0xffff  }
0xc9: {  	v40 =	vld.idx.msk [tilespmem:v42+s20+$0x0], $0xffff  }
0xca: {  	v42 =	vadd.f32 v58, v57;
	v58 =	vor.u32 v1, v0;
	v1 =	vld [tilespmem:$0x1FCD0]  }
0xcb: {  	v41 =	vld.idx.msk [tilespmem:v46+s18+$0x0], $0xffff  }
0xcc: {  	v48 =	vor.u32 v14, v0;
	v14 =	vld [tilespmem:$0x1FCB0]  }
0xcd: {  	v43 =	vadd.f32 v60, v42;
	v42 =	vld.idx.msk [tilespmem:v46+s16+$0x0], $0xffff  }
0xce: {  	v57 =	vld.idx.msk [tilespmem:v46+s20+$0x0], $0xffff  }
0xcf: {  	v46 =	vor.u32 v1, v0;
	v1 =	vld [tilespmem:$0x1F650]  }
0xd0: {  	v43 =	vadd.f32 v49, v43;
	v62 =	vmul.f32 v61, v2  }
0xd1: {  	v2 =	vmul.f32 v8, v2  }
0xd2: {  	v8 =	vadd.f32 v62, v43  }
0xd3: {  	v2 =	vadd.f32 v2, v7;
	v60 =	vor.u32 v14, v0;
	v14 =	vor.u32 $0x3F, v5  }
0xd4: {  	v7 =	vadd.f32 v63, v8;
	[tilespmem:$0x1F7B0] =	vst v14;
	v14 =	vor.u32 v14, v0;
	v8 =	vmul.f32 v1, v4;
	v1 =	vld [tilespmem:$0x1FCC0];
	_ =	sdelay $0x4  }
0xd5: {  	v3 =	vmul.f32 v9, v3;
	v9 =	vor.u32 v1, v0;
	v1 =	vld.idx.msk [tilespmem:v14+s18+$0x0], $0xffff;
	_ =	sdelay $0x2  }
0xd6: {  	v5 =	vor.u32 $0x3E, v5  }
0xd7: {  	[tilespmem:$0x1F7C0] =	vst v5  }
0xd8: {  	v5 =	vor.u32 v5, v0;
	[tilespmem:$0x1F7A0] =	vst v1;
	v1 =	vld [tilespmem:$0x1F660];
	_ =	sdelay $0x4  }
0xd9: {  	v7 =	vadd.f32 v8, v7;
	v8 =	vmul.f32 v1, v6;
	v1 =	vld.idx.msk [tilespmem:v5+s18+$0x0], $0xffff;
	_ =	sdelay $0x4  }
0xda: {  	[tilespmem:$0x1F790] =	vst v1;
	v1 =	vld [tilespmem:$0x1F670];
	_ =	sdelay $0x3  }
0xdb: {  	v55 =	vld.idx.msk [tilespmem:v16+s16+$0x0], $0xffff  }
0xdc: {  	v7 =	vadd.f32 v8, v7;
	v8 =	vmul.f32 v1, v10;
	v1 =	vld [tilespmem:$0x1F680];
	_ =	sdelay $0x4  }
0xdd: {  	[tilespmem:$0x1F750] =	vst v5;
	v5 =	vmul.f32 v11, v6;
	v6 =	vadd.f32 v8, v7;
	v7 =	vmul.f32 v1, v55;
	v1 =	vld [tilespmem:$0x1FE90];
	_ =	sdelay $0x4  }
0xde: {  	v63 =	vadd.f32 v3, v2;
	v2 =	vor.u32 v1, v0;
	v1 =	vld [tilespmem:$0x1FE80]  }
0xdf: {  	v19 =	vld.idx.msk [tilespmem:v19+s20+$0x0], $0xffff;
	_ =	sdelay $0x2  }
0xe0: {  	v50 =	vld.idx.msk [tilespmem:v13+s16+$0x0], $0xffff  }
0xe1: {  	v6 =	vadd.f32 v7, v6;
	v7 =	vor.u32 v1, v0;
	v1 =	vld [tilespmem:$0x1F690]  }
0xe2: {  	v4 =	vmul.f32 v19, v4  }
0xe3: {  	v56 =	vld.idx.msk [tilespmem:v16+s20+$0x0], $0xffff  }
0xe4: {  	v49 =	vld.idx.msk [tilespmem:v60+s18+$0x0], $0xffff;
	v4 =	vadd.f32 v4, v63  }
0xe5: {  	v51 =	vld.idx.msk [tilespmem:v60+s16+$0x0], $0xffff  }
0xe6: {  	v4 =	vadd.f32 v5, v4;
	v5 =	vmul.f32 v18, v10;
	v10 =	vmul.f32 v1, v50;
	v1 =	vld [tilespmem:$0x1FE70]  }
0xe7: {  	v53 =	vld.idx.msk [tilespmem:v60+s20+$0x0], $0xffff  }
0xe8: {  	v52 =	vld.idx.msk [tilespmem:v9+s18+$0x0], $0xffff  }
0xe9: {  	v60 =	vld.idx.msk [tilespmem:v9+s16+$0x0], $0xffff  }
0xea: {  	v8 =	vmul.f32 v56, v55;
	v55 =	vld.idx.msk [tilespmem:v9+s20+$0x0], $0xffff  }
0xeb: {  	v9 =	vor.u32 v1, v0;
	v1 =	vld [tilespmem:$0x1FE60];
	_ =	sdelay $0x2  }
0xec: {  	v21 =	vld.idx.msk [tilespmem:v13+s20+$0x0], $0xffff  }
0xed: {  	v13 =	vld.idx.msk [tilespmem:v15+s16+$0x0], $0xffff  }
0xee: {  	v11 =	vor.u32 v1, v0;
	v1 =	vld [tilespmem:$0x1F6A0];
	_ =	sdelay $0x3  }
0xef: {  	v15 =	vld.idx.msk [tilespmem:v15+s20+$0x0], $0xffff  }
0xf0: {  	v6 =	vadd.f32 v10, v6;
	v10 =	vmul.f32 v1, v13;
	v1 =	vld [tilespmem:$0x1FE50]  }
0xf1: {  	v4 =	vadd.f32 v5, v4;
	_ =	sdelay $0x1  }
0xf2: {  	v4 =	vadd.f32 v8, v4;
	v8 =	vmul.f32 v21, v50;
	_ =	sdelay $0x1  }
0xf3: {  	v4 =	vadd.f32 v8, v4;
	v8 =	vmul.f32 v15, v13;
	v13 =	vor.u32 v1, v0;
	v1 =	vld [tilespmem:$0x1FE40];
	_ =	sdelay $0x4  }
0xf4: {  	v15 =	vor.u32 v1, v0;
	v1 =	vld [tilespmem:$0x1F6B0];
	_ =	sdelay $0x4  }
0xf5: {  	v18 =	vmul.f32 v1, v17;
	v1 =	vld.idx.msk [tilespmem:v2+s18+$0x0], $0xffff;
	_ =	sdelay $0x4  }
0xf6: {  	[tilespmem:$0x1F780] =	vst v1;
	v1 =	vld [tilespmem:$0x1FE30];
	_ =	sdelay $0x4  }
0xf7: {  	v21 =	vmul.f32 v22, v17;
	v17 =	vor.u32 v1, v0;
	v1 =	vld.idx.msk [tilespmem:v7+s18+$0x0], $0xffff;
	_ =	sdelay $0x4  }
0xf8: {  	[tilespmem:$0x1F760] =	vst v1;
	v1 =	vld [tilespmem:$0x1F6C0];
	_ =	sdelay $0x1  }
0xf9: {  	v54 =	vld.idx.msk [tilespmem:v46+s18+$0x0], $0xffff  }
0xfa: {  	v56 =	vld.idx.msk [tilespmem:v46+s16+$0x0], $0xffff  }
0xfb: {  	v50 =	vld.idx.msk [tilespmem:v46+s20+$0x0], $0xffff  }
0xfc: {  	v46 =	vmul.f32 v1, v12;
	v1 =	vld [tilespmem:$0x1FE20];
	_ =	sdelay $0x4  }
0xfd: {  	v19 =	vor.u32 v1, v0;
	v1 =	vld.idx.msk [tilespmem:v9+s18+$0x0], $0xffff;
	_ =	sdelay $0x4  }
0xfe: {  	[tilespmem:$0x1F740] =	vst v1;
	v1 =	vld [tilespmem:$0x1FE10];
	_ =	sdelay $0x2  }
0xff: {  	v4 =	vadd.f32 v8, v4;
	_ =	sdelay $0x1  }
0x100: {  	v4 =	vadd.f32 v21, v4;
	v21 =	vor.u32 v1, v0;
	v1 =	vld.idx.msk [tilespmem:v11+s18+$0x0], $0xffff;
	_ =	sdelay $0x3  }
0x101: {  	v16 =	vld.idx.msk [tilespmem:v20+s16+$0x0], $0xffff  }
0x102: {  	[tilespmem:$0x1F720] =	vst v1;
	v1 =	vld [tilespmem:$0x1F6D0];
	_ =	sdelay $0x4  }
0x103: {  	v22 =	vmul.f32 v1, v16;
	v1 =	vld.idx.msk [tilespmem:v13+s18+$0x0], $0xffff;
	_ =	sdelay $0x4  }
0x104: {  	[tilespmem:$0x1F710] =	vst v1;
	v1 =	vld [tilespmem:$0x1FD10];
	_ =	sdelay $0x3  }
0x105: {  	v20 =	vld.idx.msk [tilespmem:v23+s16+$0x0], $0xffff  }
0x106: {  	v61 =	vor.u32 v1, v0;
	v1 =	vld [tilespmem:$0x1F6E0]  }
0x107: {  	v23 =	vld.idx.msk [tilespmem:v23+s20+$0x0], $0xffff  }
0x108: {  	v43 =	vld.idx.msk [tilespmem:v58+s18+$0x0], $0xffff  }
0x109: {  	v59 =	vld.idx.msk [tilespmem:v58+s16+$0x0], $0xffff  }
0x10a: {  	v5 =	vld.idx.msk [tilespmem:v58+s20+$0x0], $0xffff  }
0x10b: {  	v58 =	vmul.f32 v26, v12;
	v26 =	vmul.f32 v1, v16;
	v1 =	vld [tilespmem:$0x1FD00];
	_ =	sdelay $0x1  }
0x10c: {  	v37 =	vld.idx.msk [tilespmem:v44+s18+$0x0], $0xffff  }
0x10d: {  	v39 =	vld.idx.msk [tilespmem:v44+s16+$0x0], $0xffff;
	v4 =	vadd.f32 v58, v4  }
0x10e: {  	v44 =	vld.idx.msk [tilespmem:v44+s20+$0x0], $0xffff  }
0x10f: {  	v23 =	vmul.f32 v23, v20;
	v4 =	vadd.f32 v26, v4;
	v62 =	vor.u32 v1, v0;
	v1 =	vld [tilespmem:$0x1F6F0]  }
0x110: {  	v3 =	vld [tilespmem:$0x1FE00];
	v10 =	vadd.f32 v10, v6  }
0x111: {  	v45 =	vld.idx.msk [tilespmem:v48+s18+$0x0], $0xffff;
	v4 =	vadd.f32 v23, v4;
	v23 =	vmul.f32 v27, v24  }
0x112: {  	v47 =	vld.idx.msk [tilespmem:v48+s16+$0x0], $0xffff;
	v18 =	vadd.f32 v18, v10  }
0x113: {  	v48 =	vld.idx.msk [tilespmem:v48+s20+$0x0], $0xffff;
	v4 =	vadd.f32 v23, v4;
	v23 =	vmul.f32 v30, v28  }
0x114: {  	v18 =	vadd.f32 v46, v18;
	v46 =	vmul.f32 v1, v20;
	v1 =	vld [tilespmem:$0x1FCF0]  }
0x115: {  	[tilespmem:$0x1F730] =	vst v2;
	v2 =	vld [tilespmem:$0x1F700];
	v27 =	vmul.f32 v35, v31;
	v4 =	vadd.f32 v23, v4  }
0x116: {  	[tilespmem:$0x1F770] =	vst v14;
	v14 =	vld [tilespmem:$0x1FD40]  }
0x117: {  	v25 =	vmul.f32 v25, v28;
	v10 =	vld.idx.msk [tilespmem:v17+s18+$0x0], $0xffff;
	v28 =	vmul.f32 v38, v33;
	v4 =	vadd.f32 v27, v4  }
0x118: {  	v37 =	vmul.f32 v37, v39;
	v12 =	vld [tilespmem:$0x1FD30];
	v22 =	vadd.f32 v22, v18  }
0x119: {  	v18 =	vld [tilespmem:$0x1FD50];
	v4 =	vadd.f32 v28, v4;
	v28 =	vmul.f32 v40, v36;
	v1 =	vor.u32 v1, v0  }
0x11a: {  	v39 =	vmul.f32 v44, v39;
	v58 =	vmul.f32 v2, v24;
	v2 =	vld.idx.msk [tilespmem:v61+s18+$0x0], $0xffff  }
0x11b: {  	v23 =	vor.u32 v3, v0;
	v3 =	vld [tilespmem:$0x1FDF0];
	v26 =	vadd.f32 v46, v22;
	v4 =	vadd.f32 v28, v4  }
0x11c: {  	v63 =	vld.idx.msk [tilespmem:v62+s18+$0x0], $0xffff  }
0x11d: {  	v24 =	vadd.f32 v58, v26;
	v4 =	vadd.f32 v39, v4;
	v39 =	vmul.f32 v57, v42;
	v57 =	vld [tilespmem:$0x1FD70]  }
0x11e: {  	v30 =	vld.idx.msk [tilespmem:v1+s18+$0x0], $0xffff  }
0x11f: {  	v24 =	vadd.f32 v25, v24;
	v25 =	vmul.f32 v29, v31;
	v26 =	vld.idx.msk [tilespmem:v1+s16+$0x0], $0xffff  }
0x120: {  	v31 =	vld.idx.msk [tilespmem:v1+s20+$0x0], $0xffff  }
0x121: {  	v1 =	vadd.f32 v25, v24;
	v24 =	vmul.f32 v32, v33;
	v32 =	vld.idx.msk [tilespmem:v62+s16+$0x0], $0xffff  }
0x122: {  	v25 =	vor.u32 v3, v0;
	v3 =	vld [tilespmem:$0x1FDE0]  }
0x123: {  	v33 =	vld.idx.msk [tilespmem:v62+s20+$0x0], $0xffff  }
0x124: {  	v1 =	vadd.f32 v24, v1;
	v24 =	vmul.f32 v34, v36;
	v34 =	vld.idx.msk [tilespmem:v61+s16+$0x0], $0xffff  }
0x125: {  	v36 =	vld.idx.msk [tilespmem:v61+s20+$0x0], $0xffff  }
0x126: {  	v61 =	vld [tilespmem:$0x1FD90]  }
0x127: {  	v62 =	vadd.f32 v24, v1;
	v1 =	vld [tilespmem:$0x1FDB0]  }
0x128: {  	v27 =	vor.u32 v3, v0;
	v3 =	vld [tilespmem:$0x1FDD0]  }
0x129: {  	v46 =	vmul.f32 v41, v42;
	v58 =	vld [tilespmem:$0x1FD80];
	v37 =	vadd.f32 v37, v62  }
0x12a: {  	v16 =	vld.idx.msk [tilespmem:v15+s18+$0x0], $0xffff;
	v62 =	vmul.f32 v45, v47;
	v45 =	vor.u32 v57, v0  }
0x12b: {  	v4 =	vadd.f32 v39, v4;
	v39 =	vmul.f32 v48, v47;
	v37 =	vadd.f32 v46, v37;
	v46 =	vld [tilespmem:$0x1FD60]  }
0x12c: {  	v41 =	vor.u32 v61, v0;
	v40 =	vor.u32 v1, v0;
	v1 =	vld [tilespmem:$0x1FDA0]  }
0x12d: {  	v4 =	vadd.f32 v39, v4;
	v39 =	vmul.f32 v53, v51;
	v29 =	vor.u32 v3, v0;
	v3 =	vld [tilespmem:$0x1FDC0]  }
0x12e: {  	v38 =	vmul.f32 v49, v51;
	v42 =	vor.u32 v58, v0;
	v28 =	vld.idx.msk [tilespmem:v27+s18+$0x0], $0xffff;
	v37 =	vadd.f32 v62, v37  }
0x12f: {  	v49 =	vor.u32 v18, v0;
	v4 =	vadd.f32 v39, v4;
	v39 =	vmul.f32 v55, v60;
	v55 =	vld.idx.msk [tilespmem:v45+s18+$0x0], $0xffff  }
0x130: {  	v37 =	vadd.f32 v38, v37;
	v38 =	vmul.f32 v52, v60;
	v60 =	vld [tilespmem:$0x1FD20]  }
0x131: {  	v51 =	vor.u32 v14, v0;
	v53 =	vld.idx.msk [tilespmem:v41+s18+$0x0], $0xffff  }
0x132: {  	v52 =	vor.u32 v12, v0;
	v48 =	vld.idx.msk [tilespmem:v40+s18+$0x0], $0xffff  }
0x133: {  	v47 =	vor.u32 v46, v0;
	v44 =	vor.u32 v1, v0;
	v1 =	vld.idx.msk [tilespmem:v42+s18+$0x0], $0xffff  }
0x134: {  	v37 =	vadd.f32 v38, v37;
	v38 =	vmul.f32 v54, v56;
	v56 =	vmul.f32 v50, v56;
	v50 =	vld.idx.msk [tilespmem:v49+s18+$0x0], $0xffff  }
0x135: {  	v4 =	vadd.f32 v39, v4;
	v35 =	vor.u32 v3, v0;
	v6 =	vld.idx.msk [tilespmem:v29+s18+$0x0], $0xffff;
	v0 =	vor.u32 v60, v0  }
0x136: {  	v37 =	vadd.f32 v38, v37;
	v38 =	vmul.f32 v43, v59;
	v43 =	vld.idx.msk [tilespmem:v51+s18+$0x0], $0xffff  }
0x137: {  	v39 =	vmul.f32 v5, v59;
	v4 =	vadd.f32 v56, v4;
	v56 =	vld.idx.msk [tilespmem:v52+s18+$0x0], $0xffff  }
0x138: {  	v59 =	vmul.f32 v63, v32;
	v32 =	vmul.f32 v33, v32;
	v33 =	vld.idx.msk [tilespmem:v52+s20+$0x0], $0xffff  }
0x139: {  	v54 =	vld.idx.msk [tilespmem:v47+s18+$0x0], $0xffff  }
0x13a: {  	v30 =	vmul.f32 v30, v26;
	v37 =	vadd.f32 v38, v37;
	v38 =	vld.idx.msk [tilespmem:v0+s18+$0x0], $0xffff  }
0x13b: {  	v26 =	vmul.f32 v31, v26;
	v4 =	vadd.f32 v39, v4;
	v31 =	vld.idx.msk [tilespmem:v0+s16+$0x0], $0xffff  }
0x13c: {  	v62 =	vld.idx.msk [tilespmem:v44+s18+$0x0], $0xffff;
	v30 =	vadd.f32 v30, v37  }
0x13d: {  	v4 =	vadd.f32 v26, v4;
	v26 =	vld.idx.msk [tilespmem:v52+s16+$0x0], $0xffff  }
0x13e: {  	v2 =	vmul.f32 v2, v34;
	v0 =	vld.idx.msk [tilespmem:v0+s20+$0x0], $0xffff;
	v30 =	vadd.f32 v59, v30  }
0x13f: {  	v37 =	vld.idx.msk [tilespmem:v51+s16+$0x0], $0xffff  }
0x140: {  	v3 =	vld.idx.msk [tilespmem:v35+s18+$0x0], $0xffff;
	v2 =	vadd.f32 v2, v30;
	v30 =	vmul.f32 v38, v31  }
0x141: {  	v63 =	vmul.f32 v36, v34;
	v4 =	vadd.f32 v32, v4;
	v59 =	vld.idx.msk [tilespmem:v49+s16+$0x0], $0xffff  }
0x142: {  	v52 =	vld.idx.msk [tilespmem:v51+s20+$0x0], $0xffff;
	v2 =	vadd.f32 v30, v2;
	v30 =	vmul.f32 v56, v26  }
0x143: {  	v4 =	vadd.f32 v63, v4;
	v63 =	vld.idx.msk [tilespmem:v47+s16+$0x0], $0xffff;
	v0 =	vmul.f32 v0, v31  }
0x144: {  	v31 =	vld.idx.msk [tilespmem:v49+s20+$0x0], $0xffff;
	v2 =	vadd.f32 v30, v2;
	v30 =	vmul.f32 v43, v37  }
0x145: {  	v49 =	vld.idx.msk [tilespmem:v45+s16+$0x0], $0xffff;
	v0 =	vadd.f32 v0, v4;
	v4 =	vmul.f32 v33, v26  }
0x146: {  	v26 =	vld.idx.msk [tilespmem:v47+s20+$0x0], $0xffff;
	v2 =	vadd.f32 v30, v2;
	v30 =	vmul.f32 v50, v59  }
0x147: {  	v0 =	vadd.f32 v4, v0;
	v4 =	vmul.f32 v52, v37;
	v52 =	vld.idx.msk [tilespmem:v42+s16+$0x0], $0xffff  }
0x148: {  	v51 =	vld.idx.msk [tilespmem:v45+s20+$0x0], $0xffff;
	v2 =	vadd.f32 v30, v2;
	v30 =	vmul.f32 v54, v63  }
0x149: {  	v0 =	vadd.f32 v4, v0;
	v4 =	vmul.f32 v31, v59;
	v54 =	vld.idx.msk [tilespmem:v41+s16+$0x0], $0xffff  }
0x14a: {  	v31 =	vld.idx.msk [tilespmem:v42+s20+$0x0], $0xffff;
	v2 =	vadd.f32 v30, v2;
	v30 =	vmul.f32 v55, v49  }
0x14b: {  	v0 =	vadd.f32 v4, v0;
	v4 =	vmul.f32 v26, v63;
	v55 =	vld.idx.msk [tilespmem:v44+s16+$0x0], $0xffff  }
0x14c: {  	v26 =	vld.idx.msk [tilespmem:v41+s20+$0x0], $0xffff;
	v1 =	vmul.f32 v1, v52;
	v2 =	vadd.f32 v30, v2  }
0x14d: {  	v0 =	vadd.f32 v4, v0;
	v4 =	vmul.f32 v51, v49;
	v30 =	vld.idx.msk [tilespmem:v40+s16+$0x0], $0xffff  }
0x14e: {  	v56 =	vld.idx.msk [tilespmem:v44+s20+$0x0], $0xffff;
	v1 =	vadd.f32 v1, v2;
	v2 =	vmul.f32 v53, v54  }
0x14f: {  	v59 =	vld.idx.msk [tilespmem:v35+s16+$0x0], $0xffff;
	v0 =	vadd.f32 v4, v0;
	v4 =	vmul.f32 v31, v52  }
0x150: {  	v31 =	vld.idx.msk [tilespmem:v40+s20+$0x0], $0xffff;
	v1 =	vadd.f32 v2, v1;
	v2 =	vmul.f32 v62, v55  }
0x151: {  	v0 =	vadd.f32 v4, v0;
	v4 =	vmul.f32 v26, v54;
	v62 =	vld.idx.msk [tilespmem:v29+s16+$0x0], $0xffff  }
0x152: {  	v26 =	vld.idx.msk [tilespmem:v35+s20+$0x0], $0xffff;
	v1 =	vadd.f32 v2, v1;
	v2 =	vmul.f32 v48, v30  }
0x153: {  	v63 =	vld.idx.msk [tilespmem:v27+s16+$0x0], $0xffff;
	v0 =	vadd.f32 v4, v0;
	v4 =	vmul.f32 v56, v55  }
0x154: {  	v8 =	vld.idx.msk [tilespmem:v25+s18+$0x0], $0xffff;
	v1 =	vadd.f32 v2, v1;
	v2 =	vmul.f32 v3, v59  }
0x155: {  	v0 =	vadd.f32 v4, v0;
	v4 =	vmul.f32 v31, v30;
	v30 =	vld.idx.msk [tilespmem:v25+s16+$0x0], $0xffff  }
0x156: {  	v24 =	vld.idx.msk [tilespmem:v23+s18+$0x0], $0xffff;
	v1 =	vadd.f32 v2, v1;
	v2 =	vmul.f32 v6, v62  }
0x157: {  	v0 =	vadd.f32 v4, v0;
	v4 =	vmul.f32 v26, v59;
	v26 =	vld.idx.msk [tilespmem:v23+s16+$0x0], $0xffff  }
0x158: {  	v22 =	vld.idx.msk [tilespmem:v21+s18+$0x0], $0xffff;
	v1 =	vadd.f32 v2, v1;
	v2 =	vmul.f32 v28, v63  }
0x159: {  	v28 =	vld.idx.msk [tilespmem:v21+s16+$0x0], $0xffff  }
0x15a: {  	v20 =	vld.idx.msk [tilespmem:v19+s18+$0x0], $0xffff;
	v1 =	vadd.f32 v2, v1;
	v2 =	vmul.f32 v8, v30  }
0x15b: {  	v3 =	vld.idx.msk [tilespmem:v19+s16+$0x0], $0xffff  }
0x15c: {  	v29 =	vld.idx.msk [tilespmem:v29+s20+$0x0], $0xffff;
	v1 =	vadd.f32 v2, v1;
	v2 =	vmul.f32 v24, v26  }
0x15d: {  	v24 =	vld.idx.msk [tilespmem:v17+s16+$0x0], $0xffff  }
0x15e: {  	v27 =	vld.idx.msk [tilespmem:v27+s20+$0x0], $0xffff;
	v1 =	vadd.f32 v2, v1;
	v2 =	vmul.f32 v22, v28  }
0x15f: {  	v22 =	vld.idx.msk [tilespmem:v15+s16+$0x0], $0xffff  }
0x160: {  	v25 =	vld.idx.msk [tilespmem:v25+s20+$0x0], $0xffff;
	v1 =	vadd.f32 v2, v1;
	v2 =	vmul.f32 v20, v3  }
0x161: {  	v0 =	vadd.f32 v4, v0;
	v4 =	vmul.f32 v29, v62  }
0x162: {  	v23 =	vld.idx.msk [tilespmem:v23+s20+$0x0], $0xffff;
	v1 =	vadd.f32 v2, v1;
	v2 =	vmul.f32 v10, v24  }
0x163: {  	v0 =	vadd.f32 v4, v0;
	v4 =	vmul.f32 v27, v63  }
0x164: {  	v21 =	vld.idx.msk [tilespmem:v21+s20+$0x0], $0xffff;
	v1 =	vadd.f32 v2, v1;
	v2 =	vmul.f32 v16, v22  }
0x165: {  	v0 =	vadd.f32 v4, v0;
	v4 =	vmul.f32 v25, v30;
	v20 =	vld.idx.msk [tilespmem:v13+s16+$0x0], $0xffff  }
0x166: {  	v1 =	vadd.f32 v2, v1;
	v2 =	vld [tilespmem:$0x1F710]  }
0x167: {  	v0 =	vadd.f32 v4, v0;
	v4 =	vmul.f32 v23, v26;
	_ =	sdelay $0x1  }
0x168: {  	v0 =	vadd.f32 v4, v0;
	v4 =	vmul.f32 v21, v28;
	_ =	sdelay $0x1  }
0x169: {  	v0 =	vadd.f32 v4, v0;
	v4 =	vld.idx.msk [tilespmem:v13+s20+$0x0], $0xffff;
	v2 =	vmul.f32 v2, v20  }
0x16a: {  	v13 =	vld.idx.msk [tilespmem:v11+s16+$0x0], $0xffff  }
0x16b: {  	v1 =	vadd.f32 v2, v1;
	v2 =	vld [tilespmem:$0x1F720];
	_ =	sdelay $0x4  }
0x16c: {  	v2 =	vmul.f32 v2, v13  }
0x16d: {  	v16 =	vld.idx.msk [tilespmem:v9+s16+$0x0], $0xffff  }
0x16e: {  	v1 =	vadd.f32 v2, v1;
	v2 =	vld [tilespmem:$0x1F740]  }
0x16f: {  	v19 =	vld.idx.msk [tilespmem:v19+s20+$0x0], $0xffff;
	_ =	sdelay $0x1  }
0x170: {  	v17 =	vld.idx.msk [tilespmem:v17+s20+$0x0], $0xffff  }
0x171: {  	v5 =	vld [tilespmem:$0x1F730]  }
0x172: {  	v15 =	vld.idx.msk [tilespmem:v15+s20+$0x0], $0xffff;
	v2 =	vmul.f32 v2, v16  }
0x173: {  	v6 =	vld.idx.msk [tilespmem:v7+s16+$0x0], $0xffff;
	v3 =	vmul.f32 v19, v3  }
0x174: {  	v1 =	vadd.f32 v2, v1;
	v2 =	vld [tilespmem:$0x1F760]  }
0x175: {  	v0 =	vadd.f32 v3, v0;
	v3 =	vmul.f32 v17, v24;
	_ =	sdelay $0x1  }
0x176: {  	v8 =	vld [tilespmem:$0x1F750];
	v0 =	vadd.f32 v3, v0;
	v3 =	vmul.f32 v15, v22  }
0x177: {  	v11 =	vld.idx.msk [tilespmem:v11+s20+$0x0], $0xffff  }
0x178: {  	v0 =	vadd.f32 v3, v0;
	v3 =	vmul.f32 v4, v20;
	v4 =	vld.idx.msk [tilespmem:v7+s20+$0x0], $0xffff;
	v2 =	vmul.f32 v2, v6  }
0x179: {  	v7 =	vld.idx.msk [tilespmem:v5+s16+$0x0], $0xffff  }
0x17a: {  	v1 =	vadd.f32 v2, v1;
	v2 =	vld [tilespmem:$0x1F780];
	_ =	sdelay $0x2  }
0x17b: {  	v9 =	vld.idx.msk [tilespmem:v9+s20+$0x0], $0xffff  }
0x17c: {  	v0 =	vadd.f32 v3, v0;
	v3 =	vmul.f32 v11, v13;
	v11 =	vld [tilespmem:$0x1F770]  }
0x17d: {  	v2 =	vmul.f32 v2, v7  }
0x17e: {  	v10 =	vld.idx.msk [tilespmem:v8+s16+$0x0], $0xffff  }
0x17f: {  	v1 =	vadd.f32 v2, v1;
	v2 =	vld [tilespmem:$0x1F790]  }
0x180: {  	v5 =	vld.idx.msk [tilespmem:v5+s20+$0x0], $0xffff  }
0x181: {  	v0 =	vadd.f32 v3, v0;
	v3 =	vmul.f32 v9, v16;
	_ =	sdelay $0x1  }
0x182: {  	s28 =	simm.s32 $0x10;
	v9 =	vld.idx.msk [tilespmem:v8+s20+$0x0], $0xffff;
	v0 =	vadd.f32 v3, v0;
	v3 =	vmul.f32 v4, v6  }
0x183: {  	v8 =	vld.idx.msk [tilespmem:v11+s16+$0x0], $0xffff;
	v6 =	vmov s28;
	v2 =	vmul.f32 v2, v10  }
0x184: {  	v0 =	vadd.f32 v3, v0;
	v3 =	vmul.f32 v5, v7;
	v5 =	vshll.u32 v6, $0x6;
	v6 =	vld [tilespmem:$0x1FEA0]  }
0x185: {  	v1 =	vadd.f32 v2, v1;
	v2 =	vld [tilespmem:$0x1F7A0]  }
0x186: {  	v4 =	vld.idx.msk [tilespmem:v11+s20+$0x0], $0xffff;
	_ =	sdelay $0x2  }
0x187: {  	v0 =	vadd.f32 v3, v0;
	v3 =	vmul.f32 v9, v10;
	v5 =	vor.u32 v6, v5  }
0x188: {  	v10 =	vand.u32 $0x3F80, v5;
	v5 =	vld [tilespmem:$0x1F7B0];
	v2 =	vmul.f32 v2, v8  }
0x189: {  	v0 =	vadd.f32 v3, v0;
	v3 =	vmul.f32 v4, v8  }
0x18a: {  	v1 =	vadd.f32 v2, v1  }
0x18b: {  	v0 =	vadd.f32 v3, v0;
	s28 =	simm.s32 $0x18900  }
0x18c: {  	s29 =	simm.s32 $0x18B00;
	[tilespmem:s28+$0x0] =	vst v1  }
0x18d: {  	v5 =	vor.u32 v5, v10;
	[tilespmem:s29+$0x0] =	vst v0;
	v0 =	vld [tilespmem:$0x1FE60];
	_ =	sdelay $0x3  }
0x18e: {  	v4 =	vld [tilespmem:$0x1F7C0]  }
0x18f: {  	v6 =	vor.u32 v0, v10;
	v0 =	vld.idx.msk [tilespmem:v5+s18+$0x0], $0xffff;
	_ =	sdelay $0x4  }
0x190: {  	v4 =	vor.u32 v4, v10;
	[tilespmem:$0x1F7E0] =	vst v0;
	v0 =	vld [tilespmem:$0x1FE50];
	_ =	sdelay $0x3  }
0x191: {  	v2 =	vld [tilespmem:$0x1FE90]  }
0x192: {  	[tilespmem:$0x1F7D0] =	vst v5;
	v5 =	vor.u32 v0, v10;
	v0 =	vld.idx.msk [tilespmem:v4+s18+$0x0], $0xffff;
	_ =	sdelay $0x4  }
0x193: {  	v2 =	vor.u32 v2, v10;
	[tilespmem:$0x1F800] =	vst v0;
	v0 =	vld [tilespmem:$0x1FE40];
	_ =	sdelay $0x3  }
0x194: {  	v3 =	vld [tilespmem:$0x1FE80]  }
0x195: {  	[tilespmem:$0x1F7F0] =	vst v4;
	v4 =	vor.u32 v0, v10;
	v0 =	vld.idx.msk [tilespmem:v2+s18+$0x0], $0xffff;
	_ =	sdelay $0x4  }
0x196: {  	v3 =	vor.u32 v3, v10;
	[tilespmem:$0x1F820] =	vst v0;
	v0 =	vld [tilespmem:$0x1FE30];
	_ =	sdelay $0x3  }
0x197: {  	v1 =	vld [tilespmem:$0x1FE70]  }
0x198: {  	[tilespmem:$0x1F810] =	vst v2;
	v2 =	vor.u32 v0, v10;
	v0 =	vld.idx.msk [tilespmem:v3+s18+$0x0], $0xffff;
	_ =	sdelay $0x4  }
0x199: {  	v1 =	vor.u32 v1, v10;
	[tilespmem:$0x1F840] =	vst v0;
	v0 =	vld [tilespmem:$0x1FE20];
	_ =	sdelay $0x4  }
0x19a: {  	[tilespmem:$0x1F830] =	vst v3;
	v3 =	vor.u32 v0, v10;
	v0 =	vld.idx.msk [tilespmem:v1+s18+$0x0], $0xffff;
	_ =	sdelay $0x4  }
0x19b: {  	[tilespmem:$0x1F860] =	vst v0;
	v0 =	vld [tilespmem:$0x1FE10];
	_ =	sdelay $0x4  }
0x19c: {  	[tilespmem:$0x1F850] =	vst v1;
	v1 =	vor.u32 v0, v10;
	v0 =	vld.idx.msk [tilespmem:v6+s18+$0x0], $0xffff;
	_ =	sdelay $0x4  }
0x19d: {  	[tilespmem:$0x1F880] =	vst v0;
	v0 =	vld [tilespmem:$0x1FE00];
	_ =	sdelay $0x4  }
0x19e: {  	[tilespmem:$0x1F870] =	vst v6;
	v6 =	vor.u32 v0, v10;
	v0 =	vld.idx.msk [tilespmem:v5+s18+$0x0], $0xffff;
	_ =	sdelay $0x4  }
0x19f: {  	[tilespmem:$0x1F8A0] =	vst v0;
	v0 =	vld [tilespmem:$0x1FDF0];
	_ =	sdelay $0x4  }
0x1a0: {  	[tilespmem:$0x1F890] =	vst v5;
	v5 =	vor.u32 v0, v10;
	v0 =	vld.idx.msk [tilespmem:v4+s18+$0x0], $0xffff;
	_ =	sdelay $0x4  }
0x1a1: {  	[tilespmem:$0x1F8C0] =	vst v0;
	v0 =	vld [tilespmem:$0x1FDE0];
	_ =	sdelay $0x4  }
0x1a2: {  	[tilespmem:$0x1F8B0] =	vst v4;
	v4 =	vor.u32 v0, v10;
	v0 =	vld.idx.msk [tilespmem:v2+s18+$0x0], $0xffff;
	_ =	sdelay $0x4  }
0x1a3: {  	[tilespmem:$0x1F8E0] =	vst v0;
	v0 =	vld [tilespmem:$0x1FDD0];
	_ =	sdelay $0x4  }
0x1a4: {  	[tilespmem:$0x1F8D0] =	vst v2;
	v2 =	vor.u32 v0, v10;
	v0 =	vld.idx.msk [tilespmem:v3+s18+$0x0], $0xffff;
	_ =	sdelay $0x4  }
0x1a5: {  	[tilespmem:$0x1F900] =	vst v0;
	v0 =	vld [tilespmem:$0x1FDC0];
	_ =	sdelay $0x4  }
0x1a6: {  	[tilespmem:$0x1F8F0] =	vst v3;
	v3 =	vor.u32 v0, v10;
	v0 =	vld.idx.msk [tilespmem:v1+s18+$0x0], $0xffff;
	_ =	sdelay $0x4  }
0x1a7: {  	[tilespmem:$0x1F920] =	vst v0;
	v0 =	vld [tilespmem:$0x1FDB0];
	_ =	sdelay $0x4  }
0x1a8: {  	[tilespmem:$0x1F910] =	vst v1;
	v1 =	vor.u32 v0, v10;
	v0 =	vld.idx.msk [tilespmem:v6+s18+$0x0], $0xffff;
	_ =	sdelay $0x4  }
0x1a9: {  	[tilespmem:$0x1F940] =	vst v0;
	v0 =	vld [tilespmem:$0x1FDA0];
	_ =	sdelay $0x4  }
0x1aa: {  	[tilespmem:$0x1F930] =	vst v6;
	v6 =	vor.u32 v0, v10;
	v0 =	vld.idx.msk [tilespmem:v5+s18+$0x0], $0xffff;
	_ =	sdelay $0x4  }
0x1ab: {  	[tilespmem:$0x1F960] =	vst v0;
	v0 =	vld.idx.msk [tilespmem:v4+s18+$0x0], $0xffff;
	_ =	sdelay $0x4  }
0x1ac: {  	[tilespmem:$0x1F980] =	vst v0;
	v0 =	vld.idx.msk [tilespmem:v2+s18+$0x0], $0xffff;
	_ =	sdelay $0x4  }
0x1ad: {  	[tilespmem:$0x1F9A0] =	vst v0;
	v0 =	vld.idx.msk [tilespmem:v3+s18+$0x0], $0xffff;
	_ =	sdelay $0x4  }
0x1ae: {  	[tilespmem:$0x1F9C0] =	vst v0;
	v0 =	vld.idx.msk [tilespmem:v1+s18+$0x0], $0xffff;
	_ =	sdelay $0x3  }
0x1af: {  	[tilespmem:$0x1F950] =	vst v5  }
0x1b0: {  	v5 =	vor.u32 v61, v10;
	[tilespmem:$0x1F9E0] =	vst v0;
	v0 =	vld.idx.msk [tilespmem:v6+s18+$0x0], $0xffff;
	_ =	sdelay $0x3  }
0x1b1: {  	[tilespmem:$0x1F970] =	vst v4  }
0x1b2: {  	v4 =	vor.u32 v58, v10;
	[tilespmem:$0x1FA00] =	vst v0;
	v0 =	vld.idx.msk [tilespmem:v5+s18+$0x0], $0xffff;
	_ =	sdelay $0x3  }
0x1b3: {  	[tilespmem:$0x1F990] =	vst v2  }
0x1b4: {  	v2 =	vor.u32 v57, v10;
	[tilespmem:$0x1FA20] =	vst v0;
	v0 =	vld.idx.msk [tilespmem:v4+s18+$0x0], $0xffff;
	_ =	sdelay $0x4  }
0x1b5: {  	[tilespmem:$0x1FA40] =	vst v0;
	v0 =	vld.idx.msk [tilespmem:v2+s18+$0x0], $0xffff;
	_ =	sdelay $0x3  }
0x1b6: {  	[tilespmem:$0x1F9B0] =	vst v3  }
0x1b7: {  	v3 =	vor.u32 v46, v10;
	[tilespmem:$0x1FA60] =	vst v0;
	v0 =	vld [tilespmem:$0x1FD10];
	_ =	sdelay $0x4  }
0x1b8: {  	[tilespmem:$0x1FA50] =	vst v2;
	v2 =	vor.u32 v0, v10;
	v0 =	vld.idx.msk [tilespmem:v3+s18+$0x0], $0xffff;
	_ =	sdelay $0x3  }
0x1b9: {  	[tilespmem:$0x1F9D0] =	vst v1  }
0x1ba: {  	v1 =	vor.u32 v18, v10;
	[tilespmem:$0x1FA80] =	vst v0;
	v0 =	vld [tilespmem:$0x1FD00];
	_ =	sdelay $0x4  }
0x1bb: {  	[tilespmem:$0x1FA70] =	vst v3;
	v3 =	vor.u32 v0, v10;
	v0 =	vld.idx.msk [tilespmem:v1+s18+$0x0], $0xffff;
	_ =	sdelay $0x3  }
0x1bc: {  	[tilespmem:$0x1F9F0] =	vst v6  }
0x1bd: {  	v6 =	vor.u32 v14, v10;
	[tilespmem:$0x1FAA0] =	vst v0;
	v0 =	vld [tilespmem:$0x1FCF0];
	_ =	sdelay $0x4  }
0x1be: {  	v58 =	vor.u32 v0, v10;
	v0 =	vld.idx.msk [tilespmem:v6+s18+$0x0], $0xffff;
	_ =	sdelay $0x3  }
0x1bf: {  	[tilespmem:$0x1FA10] =	vst v5  }
0x1c0: {  	v5 =	vor.u32 v12, v10;
	[tilespmem:$0x1FAC0] =	vst v0;
	v0 =	vld [tilespmem:$0x1FCE0];
	_ =	sdelay $0x4  }
0x1c1: {  	[tilespmem:$0x1FA30] =	vst v4;
	v4 =	vor.u32 v60, v10;
	v60 =	vor.u32 v0, v10;
	v0 =	vld.idx.msk [tilespmem:v5+s18+$0x0], $0xffff;
	_ =	sdelay $0x4  }
0x1c2: {  	[tilespmem:$0x1FAE0] =	vst v0;
	v0 =	vld [tilespmem:$0x1FCD0];
	_ =	sdelay $0x4  }
0x1c3: {  	v62 =	vor.u32 v0, v10;
	v0 =	vld.idx.msk [tilespmem:v4+s18+$0x0], $0xffff;
	_ =	sdelay $0x4  }
0x1c4: {  	[tilespmem:$0x1FB00] =	vst v0;
	v0 =	vld [tilespmem:$0x1FCC0];
	_ =	sdelay $0x4  }
0x1c5: {  	[tilespmem:$0x1FA90] =	vst v1;
	v1 =	vor.u32 v0, v10;
	v0 =	vld.idx.msk [tilespmem:v2+s18+$0x0], $0xffff;
	_ =	sdelay $0x4  }
0x1c6: {  	[tilespmem:$0x1FB20] =	vst v0;
	v0 =	vld [tilespmem:$0x1FCB0];
	_ =	sdelay $0x4  }
0x1c7: {  	[tilespmem:$0x1FAD0] =	vst v5;
	v5 =	vor.u32 v0, v10;
	v0 =	vld.idx.msk [tilespmem:v3+s18+$0x0], $0xffff;
	_ =	sdelay $0x4  }
0x1c8: {  	[tilespmem:$0x1FB40] =	vst v0;
	v0 =	vld [tilespmem:$0x1FCA0];
	_ =	sdelay $0x4  }
0x1c9: {  	v7 =	vor.u32 v0, v10;
	v0 =	vld.idx.msk [tilespmem:v58+s18+$0x0], $0xffff;
	_ =	sdelay $0x4  }
0x1ca: {  	[tilespmem:$0x1FB50] =	vst v0;
	v0 =	vld [tilespmem:$0x1FC90];
	_ =	sdelay $0x4  }
0x1cb: {  	v11 =	vor.u32 v0, v10;
	v0 =	vld.idx.msk [tilespmem:v60+s18+$0x0], $0xffff;
	_ =	sdelay $0x4  }
0x1cc: {  	[tilespmem:$0x1FB60] =	vst v0;
	v0 =	vld [tilespmem:$0x1FC80];
	_ =	sdelay $0x4  }
0x1cd: {  	v15 =	vor.u32 v0, v10;
	v0 =	vld.idx.msk [tilespmem:v62+s18+$0x0], $0xffff;
	_ =	sdelay $0x4  }
0x1ce: {  	[tilespmem:$0x1FB70] =	vst v0;
	v0 =	vld [tilespmem:$0x1FC70];
	_ =	sdelay $0x4  }
0x1cf: {  	v19 =	vor.u32 v0, v10;
	v0 =	vld.idx.msk [tilespmem:v1+s18+$0x0], $0xffff;
	_ =	sdelay $0x4  }
0x1d0: {  	[tilespmem:$0x1FB80] =	vst v0;
	v0 =	vld [tilespmem:$0x1FC60];
	_ =	sdelay $0x4  }
0x1d1: {  	v23 =	vor.u32 v0, v10;
	v0 =	vld.idx.msk [tilespmem:v5+s18+$0x0], $0xffff;
	_ =	sdelay $0x4  }
0x1d2: {  	[tilespmem:$0x1FB90] =	vst v0;
	v0 =	vld [tilespmem:$0x1FC50];
	_ =	sdelay $0x4  }
0x1d3: {  	v27 =	vor.u32 v0, v10;
	v0 =	vld.idx.msk [tilespmem:v7+s18+$0x0], $0xffff;
	_ =	sdelay $0x4  }
0x1d4: {  	[tilespmem:$0x1FBA0] =	vst v0;
	v0 =	vld [tilespmem:$0x1FC40];
	_ =	sdelay $0x4  }
0x1d5: {  	v31 =	vor.u32 v0, v10;
	v0 =	vld.idx.msk [tilespmem:v11+s18+$0x0], $0xffff;
	_ =	sdelay $0x4  }
0x1d6: {  	[tilespmem:$0x1FBB0] =	vst v0;
	v0 =	vld [tilespmem:$0x1FC30];
	_ =	sdelay $0x4  }
0x1d7: {  	v35 =	vor.u32 v0, v10;
	v0 =	vld.idx.msk [tilespmem:v15+s18+$0x0], $0xffff;
	_ =	sdelay $0x4  }
0x1d8: {  	[tilespmem:$0x1FBC0] =	vst v0;
	v0 =	vld [tilespmem:$0x1FC20];
	_ =	sdelay $0x4  }
0x1d9: {  	v39 =	vor.u32 v0, v10;
	v0 =	vld.idx.msk [tilespmem:v19+s18+$0x0], $0xffff;
	_ =	sdelay $0x4  }
0x1da: {  	[tilespmem:$0x1FBD0] =	vst v0;
	v0 =	vld [tilespmem:$0x1FC10];
	_ =	sdelay $0x4  }
0x1db: {  	v43 =	vor.u32 v0, v10;
	v0 =	vld.idx.msk [tilespmem:v23+s18+$0x0], $0xffff;
	_ =	sdelay $0x4  }
0x1dc: {  	[tilespmem:$0x1FBE0] =	vst v0;
	v0 =	vld [tilespmem:$0x1FFD0];
	_ =	sdelay $0x4  }
0x1dd: {  	v45 =	vor.u32 v0, v10;
	v0 =	vld.idx.msk [tilespmem:v27+s18+$0x0], $0xffff;
	_ =	sdelay $0x4  }
0x1de: {  	[tilespmem:$0x1FBF0] =	vst v0;
	v0 =	vld [tilespmem:$0x1FFC0];
	_ =	sdelay $0x2  }
0x1df: {  	[tilespmem:$0x1FB30] =	vst v3;
	v3 =	vld [tilespmem:$0x1FF50];
	_ =	sdelay $0x1  }
0x1e0: {  	v47 =	vor.u32 v0, v10;
	v0 =	vld.idx.msk [tilespmem:v31+s18+$0x0], $0xffff;
	_ =	sdelay $0x2  }
0x1e1: {  	v59 =	vor.u32 v3, v10;
	v3 =	vld [tilespmem:$0x1FF40];
	_ =	sdelay $0x1  }
0x1e2: {  	[tilespmem:$0x1FC00] =	vst v0;
	v0 =	vld [tilespmem:$0x1FFB0];
	_ =	sdelay $0x2  }
0x1e3: {  	v26 =	vor.u32 v3, v10;
	v3 =	vld [tilespmem:$0x1FF30];
	_ =	sdelay $0x1  }
0x1e4: {  	v8 =	vor.u32 v0, v10;
	v0 =	vld [tilespmem:$0x1FFA0]  }
0x1e5: {  	v9 =	vld [tilespmem:$0x1FEF0]  }
0x1e6: {  	[tilespmem:$0x1FAB0] =	vst v6;
	v6 =	vld [tilespmem:$0x1FF00]  }
0x1e7: {  	v28 =	vor.u32 v3, v10;
	v3 =	vld [tilespmem:$0x1FF20]  }
0x1e8: {  	v13 =	vld [tilespmem:$0x1FEC0]  }
0x1e9: {  	v51 =	vor.u32 v0, v10;
	v0 =	vld [tilespmem:$0x1FF90]  }
0x1ea: {  	v36 =	vor.u32 v9, v10;
	v9 =	vld [tilespmem:$0x1FEE0]  }
0x1eb: {  	v6 =	vor.u32 v6, v10  }
0x1ec: {  	v30 =	vor.u32 v3, v10;
	v3 =	vld [tilespmem:$0x1FF10]  }
0x1ed: {  	v40 =	vor.u32 v13, v10;
	v13 =	vld [tilespmem:$0x1FEB0]  }
0x1ee: {  	v14 =	vor.u32 v0, v10;
	v0 =	vld [tilespmem:$0x1FF80]  }
0x1ef: {  	v38 =	vor.u32 v9, v10;
	v9 =	vld [tilespmem:$0x1FED0]  }
0x1f0: {  	v34 =	vld.idx.msk [tilespmem:v6+s18+$0x0], $0xffff  }
0x1f1: {  	v22 =	vld.idx.msk [tilespmem:v59+s18+$0x0], $0xffff;
	v3 =	vor.u32 v3, v10  }
0x1f2: {  	v24 =	vld.idx.msk [tilespmem:v26+s18+$0x0], $0xffff  }
0x1f3: {  	v16 =	vor.u32 v0, v10;
	v0 =	vld [tilespmem:$0x1FF70]  }
0x1f4: {  	v61 =	vld.idx.msk [tilespmem:v28+s18+$0x0], $0xffff  }
0x1f5: {  	v63 =	vld.idx.msk [tilespmem:v30+s18+$0x0], $0xffff  }
0x1f6: {  	v32 =	vld.idx.msk [tilespmem:v3+s18+$0x0], $0xffff  }
0x1f7: {  	v33 =	vld.idx.msk [tilespmem:v35+s18+$0x0], $0xffff  }
0x1f8: {  	v18 =	vor.u32 v0, v10;
	v0 =	vld [tilespmem:$0x1FF60]  }
0x1f9: {  	v37 =	vld.idx.msk [tilespmem:v39+s18+$0x0], $0xffff  }
0x1fa: {  	v41 =	vld.idx.msk [tilespmem:v43+s18+$0x0], $0xffff  }
0x1fb: {  	[tilespmem:$0x1FB10] =	vst v2;
	v2 =	vld.idx.msk [tilespmem:v45+s18+$0x0], $0xffff  }
0x1fc: {  	[tilespmem:$0x1FAF0] =	vst v4;
	v4 =	vld.idx.msk [tilespmem:v47+s18+$0x0], $0xffff  }
0x1fd: {  	v49 =	vld.idx.msk [tilespmem:v51+s18+$0x0], $0xffff;
	v57 =	vor.u32 v0, v10  }
0x1fe: {  	v12 =	vld.idx.msk [tilespmem:v14+s18+$0x0], $0xffff  }
0x1ff: {  	v53 =	vld.idx.msk [tilespmem:v16+s18+$0x0], $0xffff  }
0x200: {  	v0 =	vld.idx.msk [tilespmem:v8+s18+$0x0], $0xffff  }
0x201: {  	v55 =	vld.idx.msk [tilespmem:v18+s18+$0x0], $0xffff  }
0x202: {  	s30 =	simm.s32 $0x20;
	v13 =	vor.u32 v13, v10;
	v9 =	vor.u32 v9, v10;
	v20 =	vld.idx.msk [tilespmem:v57+s18+$0x0], $0xffff  }
.LBB2_4:
0x203: {  	v17 =	vld [tilespmem:$0x1FFF0];
	_ =	sdelay $0x4  }
0x204: {  	v42 =	vor.u32 v17, v10;
	v17 =	vld [tilespmem:$0x1FFE0];
	_ =	sdelay $0x3  }
0x205: {  	v44 =	vld.idx.msk [tilespmem:v36+s18+$0x0], $0xffff  }
0x206: {  	v46 =	vld.idx.msk [tilespmem:v9+s18+$0x0], $0xffff;
	v10 =	vor.u32 v17, v10  }
0x207: {  	v21 =	vld.idx.msk [tilespmem:v40+s18+$0x0], $0xffff  }
0x208: {  	v48 =	vld.idx.msk [tilespmem:v13+s18+$0x0], $0xffff  }
0x209: {  	v54 =	vld.idx.msk [tilespmem:v13+s16+$0x0], $0xffff  }
0x20a: {  	v50 =	vld.idx.msk [tilespmem:v42+s18+$0x0], $0xffff  }
0x20b: {  	v25 =	vld.idx.msk [tilespmem:v10+s18+$0x0], $0xffff  }
0x20c: {  	v52 =	vld.idx.msk [tilespmem:v10+s16+$0x0], $0xffff  }
0x20d: {  	v10 =	vld.idx.msk [tilespmem:v10+s20+$0x0], $0xffff  }
0x20e: {  	v29 =	vld.idx.msk [tilespmem:v42+s16+$0x0], $0xffff  }
0x20f: {  	v42 =	vld.idx.msk [tilespmem:v42+s20+$0x0], $0xffff  }
0x210: {  	v13 =	vld.idx.msk [tilespmem:v13+s20+$0x0], $0xffff  }
0x211: {  	v56 =	vld.idx.msk [tilespmem:v40+s16+$0x0], $0xffff;
	v25 =	vmul.f32 v25, v52  }
0x212: {  	v40 =	vld.idx.msk [tilespmem:v40+s20+$0x0], $0xffff;
	v10 =	vmul.f32 v10, v52  }
0x213: {  	v17 =	vld.idx.msk [tilespmem:v38+s18+$0x0], $0xffff;
	v50 =	vmul.f32 v50, v29;
	v25 =	vadd.f32 $0.0e+00, v25  }
0x214: {  	v29 =	vmul.f32 v42, v29;
	v52 =	vld.idx.msk [tilespmem:v9+s16+$0x0], $0xffff;
	v10 =	vadd.f32 $0.0e+00, v10  }
0x215: {  	v42 =	vmul.f32 v48, v54;
	v9 =	vld.idx.msk [tilespmem:v9+s20+$0x0], $0xffff;
	v25 =	vadd.f32 v50, v25  }
0x216: {  	v13 =	vmul.f32 v13, v54;
	v48 =	vld.idx.msk [tilespmem:v38+s16+$0x0], $0xffff;
	v10 =	vadd.f32 v29, v10  }
0x217: {  	v21 =	vmul.f32 v21, v56;
	v29 =	vld.idx.msk [tilespmem:v38+s20+$0x0], $0xffff;
	v25 =	vadd.f32 v42, v25  }
0x218: {  	v38 =	vld.idx.msk [tilespmem:v36+s16+$0x0], $0xffff;
	v10 =	vadd.f32 v13, v10;
	v13 =	vmul.f32 v40, v56  }
0x219: {  	v36 =	vld.idx.msk [tilespmem:v36+s20+$0x0], $0xffff;
	v21 =	vadd.f32 v21, v25;
	v25 =	vmul.f32 v46, v52  }
0x21a: {  	v50 =	vld.idx.msk [tilespmem:v6+s16+$0x0], $0xffff;
	v9 =	vmul.f32 v9, v52;
	v10 =	vadd.f32 v13, v10  }
0x21b: {  	v17 =	vmul.f32 v17, v48;
	v6 =	vld.idx.msk [tilespmem:v6+s20+$0x0], $0xffff;
	v13 =	vadd.f32 v25, v21  }
0x21c: {  	v21 =	vld.idx.msk [tilespmem:v3+s16+$0x0], $0xffff;
	v9 =	vadd.f32 v9, v10;
	v10 =	vmul.f32 v29, v48  }
0x21d: {  	v3 =	vld.idx.msk [tilespmem:v3+s20+$0x0], $0xffff;
	v13 =	vadd.f32 v17, v13;
	v17 =	vmul.f32 v44, v38  }
0x21e: {  	v25 =	vld.idx.msk [tilespmem:v30+s16+$0x0], $0xffff;
	v9 =	vadd.f32 v10, v9;
	v10 =	vmul.f32 v36, v38  }
0x21f: {  	v29 =	vld.idx.msk [tilespmem:v30+s20+$0x0], $0xffff;
	v13 =	vadd.f32 v17, v13;
	v17 =	vmul.f32 v34, v50  }
0x220: {  	v6 =	vmul.f32 v6, v50;
	v30 =	vld.idx.msk [tilespmem:v28+s16+$0x0], $0xffff;
	v9 =	vadd.f32 v10, v9  }
0x221: {  	v10 =	vld.idx.msk [tilespmem:v28+s20+$0x0], $0xffff;
	v13 =	vadd.f32 v17, v13;
	v17 =	vmul.f32 v32, v21  }
0x222: {  	v28 =	vld.idx.msk [tilespmem:v26+s16+$0x0], $0xffff;
	v3 =	vmul.f32 v3, v21;
	v6 =	vadd.f32 v6, v9  }
0x223: {  	v9 =	vld.idx.msk [tilespmem:v26+s20+$0x0], $0xffff;
	v13 =	vadd.f32 v17, v13;
	v17 =	vmul.f32 v63, v25  }
0x224: {  	v21 =	vld.idx.msk [tilespmem:v59+s16+$0x0], $0xffff;
	v3 =	vadd.f32 v3, v6;
	v6 =	vmul.f32 v29, v25  }
0x225: {  	v25 =	vld.idx.msk [tilespmem:v59+s20+$0x0], $0xffff;
	v13 =	vadd.f32 v17, v13;
	v17 =	vmul.f32 v61, v30  }
0x226: {  	v26 =	vld.idx.msk [tilespmem:v57+s16+$0x0], $0xffff;
	v3 =	vadd.f32 v6, v3;
	v6 =	vmul.f32 v10, v30  }
0x227: {  	v10 =	vld.idx.msk [tilespmem:v57+s20+$0x0], $0xffff;
	v13 =	vadd.f32 v17, v13;
	v17 =	vmul.f32 v24, v28  }
0x228: {  	v24 =	vld.idx.msk [tilespmem:v18+s16+$0x0], $0xffff;
	v3 =	vadd.f32 v6, v3;
	v6 =	vmul.f32 v9, v28  }
0x229: {  	v9 =	vld.idx.msk [tilespmem:v18+s20+$0x0], $0xffff;
	v13 =	vadd.f32 v17, v13;
	v17 =	vmul.f32 v22, v21  }
0x22a: {  	v18 =	vld.idx.msk [tilespmem:v16+s16+$0x0], $0xffff;
	v3 =	vadd.f32 v6, v3;
	v6 =	vmul.f32 v25, v21  }
0x22b: {  	v13 =	vadd.f32 v17, v13;
	v17 =	vmul.f32 v20, v26  }
0x22c: {  	v20 =	vld.idx.msk [tilespmem:v14+s16+$0x0], $0xffff;
	v3 =	vadd.f32 v6, v3  }
0x22d: {  	v6 =	vmul.f32 v10, v26;
	v10 =	vld.idx.msk [tilespmem:v14+s20+$0x0], $0xffff;
	v14 =	vmul.f32 v55, v24;
	v13 =	vadd.f32 v17, v13  }
0x22e: {  	v17 =	vld.idx.msk [tilespmem:v51+s16+$0x0], $0xffff  }
0x22f: {  	v16 =	vld.idx.msk [tilespmem:v16+s20+$0x0], $0xffff;
	v13 =	vadd.f32 v14, v13;
	v14 =	vmul.f32 v53, v18  }
0x230: {  	v21 =	vld.idx.msk [tilespmem:v8+s16+$0x0], $0xffff  }
0x231: {  	v12 =	vmul.f32 v12, v20;
	v13 =	vadd.f32 v14, v13  }
0x232: {  	v3 =	vadd.f32 v6, v3;
	v6 =	vmul.f32 v9, v24;
	v14 =	vld.idx.msk [tilespmem:v47+s16+$0x0], $0xffff  }
0x233: {  	v12 =	vadd.f32 v12, v13;
	v13 =	vmul.f32 v49, v17  }
0x234: {  	v3 =	vadd.f32 v6, v3;
	v6 =	vmul.f32 v16, v18;
	v16 =	vld.idx.msk [tilespmem:v45+s16+$0x0], $0xffff  }
0x235: {  	v0 =	vmul.f32 v0, v21;
	v12 =	vadd.f32 v13, v12  }
0x236: {  	v13 =	vld.idx.msk [tilespmem:v43+s16+$0x0], $0xffff  }
0x237: {  	v9 =	vld.idx.msk [tilespmem:v51+s20+$0x0], $0xffff;
	v4 =	vmul.f32 v4, v14;
	v0 =	vadd.f32 v0, v12  }
0x238: {  	v12 =	vld.idx.msk [tilespmem:v39+s16+$0x0], $0xffff  }
0x239: {  	v8 =	vld.idx.msk [tilespmem:v8+s20+$0x0], $0xffff;
	v2 =	vmul.f32 v2, v16;
	v0 =	vadd.f32 v4, v0  }
0x23a: {  	v3 =	vadd.f32 v6, v3;
	v6 =	vmul.f32 v10, v20;
	v4 =	vld.idx.msk [tilespmem:v35+s16+$0x0], $0xffff  }
0x23b: {  	v10 =	vld.idx.msk [tilespmem:v47+s20+$0x0], $0xffff;
	v0 =	vadd.f32 v2, v0;
	v2 =	vmul.f32 v41, v13  }
0x23c: {  	v3 =	vadd.f32 v6, v3;
	v6 =	vmul.f32 v9, v17  }
0x23d: {  	v0 =	vadd.f32 v2, v0;
	v2 =	vmul.f32 v37, v12  }
0x23e: {  	v3 =	vadd.f32 v6, v3;
	v6 =	vmul.f32 v8, v21  }
0x23f: {  	v9 =	vld.idx.msk [tilespmem:v45+s20+$0x0], $0xffff;
	v0 =	vadd.f32 v2, v0;
	v2 =	vmul.f32 v33, v4  }
0x240: {  	v3 =	vadd.f32 v6, v3;
	v6 =	vmul.f32 v10, v14;
	v14 =	vld.idx.msk [tilespmem:v31+s16+$0x0], $0xffff  }
0x241: {  	v0 =	vadd.f32 v2, v0;
	v2 =	vld [tilespmem:$0x1FC00]  }
0x242: {  	v8 =	vld.idx.msk [tilespmem:v43+s20+$0x0], $0xffff;
	_ =	sdelay $0x2  }
0x243: {  	v3 =	vadd.f32 v6, v3;
	v6 =	vmul.f32 v9, v16  }
0x244: {  	v2 =	vmul.f32 v2, v14  }
0x245: {  	v3 =	vadd.f32 v6, v3;
	v6 =	vmul.f32 v8, v13;
	v13 =	vld.idx.msk [tilespmem:v27+s16+$0x0], $0xffff  }
0x246: {  	v0 =	vadd.f32 v2, v0;
	v2 =	vld [tilespmem:$0x1FBF0]  }
0x247: {  	v10 =	vld.idx.msk [tilespmem:v39+s20+$0x0], $0xffff;
	_ =	sdelay $0x3  }
0x248: {  	v2 =	vmul.f32 v2, v13  }
0x249: {  	v3 =	vadd.f32 v6, v3;
	v6 =	vmul.f32 v10, v12;
	v12 =	vld.idx.msk [tilespmem:v23+s16+$0x0], $0xffff  }
0x24a: {  	v0 =	vadd.f32 v2, v0;
	v2 =	vld [tilespmem:$0x1FBE0]  }
0x24b: {  	v9 =	vld.idx.msk [tilespmem:v35+s20+$0x0], $0xffff;
	_ =	sdelay $0x3  }
0x24c: {  	v2 =	vmul.f32 v2, v12  }
0x24d: {  	v4 =	vmul.f32 v9, v4;
	v9 =	vld.idx.msk [tilespmem:v19+s16+$0x0], $0xffff  }
0x24e: {  	v0 =	vadd.f32 v2, v0;
	v2 =	vld [tilespmem:$0x1FBD0]  }
0x24f: {  	v8 =	vld.idx.msk [tilespmem:v31+s20+$0x0], $0xffff;
	_ =	sdelay $0x2  }
0x250: {  	v3 =	vadd.f32 v6, v3  }
0x251: {  	v2 =	vmul.f32 v2, v9  }
0x252: {  	v3 =	vadd.f32 v4, v3;
	v4 =	vmul.f32 v8, v14;
	v14 =	vld.idx.msk [tilespmem:v15+s16+$0x0], $0xffff  }
0x253: {  	v0 =	vadd.f32 v2, v0;
	v2 =	vld [tilespmem:$0x1FBC0]  }
0x254: {  	v10 =	vld.idx.msk [tilespmem:v27+s20+$0x0], $0xffff;
	_ =	sdelay $0x3  }
0x255: {  	v6 =	vld.idx.msk [tilespmem:v23+s20+$0x0], $0xffff;
	v2 =	vmul.f32 v2, v14  }
0x256: {  	v3 =	vadd.f32 v4, v3;
	v4 =	vmul.f32 v10, v13;
	v13 =	vld.idx.msk [tilespmem:v11+s16+$0x0], $0xffff  }
0x257: {  	v0 =	vadd.f32 v2, v0;
	v2 =	vld [tilespmem:$0x1FBB0];
	_ =	sdelay $0x4  }
0x258: {  	v3 =	vadd.f32 v4, v3;
	v4 =	vmul.f32 v6, v12;
	v6 =	vld.idx.msk [tilespmem:v11+s20+$0x0], $0xffff;
	v2 =	vmul.f32 v2, v13  }
0x259: {  	v11 =	vld.idx.msk [tilespmem:v7+s16+$0x0], $0xffff  }
0x25a: {  	v0 =	vadd.f32 v2, v0;
	v2 =	vld [tilespmem:$0x1FBA0]  }
0x25b: {  	v8 =	vld.idx.msk [tilespmem:v19+s20+$0x0], $0xffff;
	_ =	sdelay $0x3  }
0x25c: {  	v2 =	vmul.f32 v2, v11  }
0x25d: {  	v3 =	vadd.f32 v4, v3;
	v4 =	vmul.f32 v8, v9;
	v8 =	vld.idx.msk [tilespmem:v5+s16+$0x0], $0xffff  }
0x25e: {  	v0 =	vadd.f32 v2, v0;
	v2 =	vld [tilespmem:$0x1FB90]  }
0x25f: {  	v10 =	vld.idx.msk [tilespmem:v15+s20+$0x0], $0xffff;
	_ =	sdelay $0x3  }
0x260: {  	v7 =	vld.idx.msk [tilespmem:v7+s20+$0x0], $0xffff;
	v2 =	vmul.f32 v2, v8  }
0x261: {  	v3 =	vadd.f32 v4, v3;
	v4 =	vmul.f32 v10, v14;
	v9 =	vld.idx.msk [tilespmem:v1+s16+$0x0], $0xffff  }
0x262: {  	v0 =	vadd.f32 v2, v0;
	v2 =	vld [tilespmem:$0x1FB80]  }
0x263: {  	v3 =	vadd.f32 v4, v3;
	v4 =	vmul.f32 v6, v13  }
0x264: {  	v5 =	vld.idx.msk [tilespmem:v5+s20+$0x0], $0xffff  }
0x265: {  	v3 =	vadd.f32 v4, v3;
	v4 =	vmul.f32 v7, v11;
	v11 =	vld [tilespmem:$0x1FB30]  }
0x266: {  	v6 =	vld.idx.msk [tilespmem:v62+s16+$0x0], $0xffff  }
0x267: {  	v1 =	vld.idx.msk [tilespmem:v1+s20+$0x0], $0xffff;
	v2 =	vmul.f32 v2, v9  }
0x268: {  	v7 =	vld.idx.msk [tilespmem:v62+s20+$0x0], $0xffff  }
0x269: {  	v0 =	vadd.f32 v2, v0;
	v2 =	vld [tilespmem:$0x1FB70]  }
0x26a: {  	v3 =	vadd.f32 v4, v3;
	v4 =	vmul.f32 v5, v8;
	_ =	sdelay $0x1  }
0x26b: {  	v3 =	vadd.f32 v4, v3;
	v1 =	vmul.f32 v1, v9  }
0x26c: {  	v9 =	vld.idx.msk [tilespmem:v11+s16+$0x0], $0xffff  }
0x26d: {  	v1 =	vadd.f32 v1, v3;
	v3 =	vmul.f32 v7, v6;
	v2 =	vmul.f32 v2, v6;
	v6 =	vld.idx.msk [tilespmem:v11+s20+$0x0], $0xffff  }
0x26e: {  	v11 =	vld [tilespmem:$0x1FB10];
	_ =	sdelay $0x2  }
0x26f: {  	v10 =	vld.idx.msk [tilespmem:v60+s16+$0x0], $0xffff  }
0x270: {  	v5 =	vld.idx.msk [tilespmem:v60+s20+$0x0], $0xffff;
	_ =	sdelay $0x1  }
0x271: {  	v0 =	vadd.f32 v2, v0;
	v2 =	vld [tilespmem:$0x1FB60];
	_ =	sdelay $0x1  }
0x272: {  	v7 =	vld.idx.msk [tilespmem:v11+s16+$0x0], $0xffff  }
0x273: {  	v1 =	vadd.f32 v3, v1;
	v3 =	vmul.f32 v5, v10;
	v5 =	vld.idx.msk [tilespmem:v11+s20+$0x0], $0xffff  }
0x274: {  	v11 =	vld [tilespmem:$0x1FAF0]  }
0x275: {  	v2 =	vmul.f32 v2, v10  }
0x276: {  	v8 =	vld.idx.msk [tilespmem:v58+s16+$0x0], $0xffff  }
0x277: {  	v0 =	vadd.f32 v2, v0;
	v2 =	vld [tilespmem:$0x1FB50]  }
0x278: {  	v4 =	vld.idx.msk [tilespmem:v58+s20+$0x0], $0xffff;
	_ =	sdelay $0x3  }
0x279: {  	v2 =	vmul.f32 v2, v8;
	v10 =	vld.idx.msk [tilespmem:v11+s16+$0x0], $0xffff  }
0x27a: {  	v1 =	vadd.f32 v3, v1;
	v3 =	vmul.f32 v4, v8;
	v4 =	vld.idx.msk [tilespmem:v11+s20+$0x0], $0xffff  }
0x27b: {  	v0 =	vadd.f32 v2, v0;
	v2 =	vld [tilespmem:$0x1FB40]  }
0x27c: {  	v11 =	vld [tilespmem:$0x1FAD0];
	_ =	sdelay $0x4  }
0x27d: {  	v2 =	vmul.f32 v2, v9;
	_ =	sdelay $0x1  }
0x27e: {  	v0 =	vadd.f32 v2, v0;
	v2 =	vld [tilespmem:$0x1FB20]  }
0x27f: {  	v8 =	vld.idx.msk [tilespmem:v11+s16+$0x0], $0xffff  }
0x280: {  	v1 =	vadd.f32 v3, v1;
	v3 =	vmul.f32 v6, v9;
	v6 =	vld.idx.msk [tilespmem:v11+s20+$0x0], $0xffff  }
0x281: {  	v11 =	vld [tilespmem:$0x1FAB0];
	_ =	sdelay $0x4  }
0x282: {  	v2 =	vmul.f32 v2, v7;
	_ =	sdelay $0x1  }
0x283: {  	v0 =	vadd.f32 v2, v0;
	v2 =	vld [tilespmem:$0x1FB00]  }
0x284: {  	v9 =	vld.idx.msk [tilespmem:v11+s16+$0x0], $0xffff  }
0x285: {  	v1 =	vadd.f32 v3, v1;
	v3 =	vmul.f32 v5, v7;
	v5 =	vld.idx.msk [tilespmem:v11+s20+$0x0], $0xffff  }
0x286: {  	v11 =	vld [tilespmem:$0x1FA90];
	_ =	sdelay $0x4  }
0x287: {  	v2 =	vmul.f32 v2, v10;
	_ =	sdelay $0x1  }
0x288: {  	v0 =	vadd.f32 v2, v0;
	v2 =	vld [tilespmem:$0x1FAE0]  }
0x289: {  	v7 =	vld.idx.msk [tilespmem:v11+s16+$0x0], $0xffff  }
0x28a: {  	v1 =	vadd.f32 v3, v1;
	v3 =	vmul.f32 v4, v10;
	v4 =	vld.idx.msk [tilespmem:v11+s20+$0x0], $0xffff  }
0x28b: {  	v11 =	vld [tilespmem:$0x1FA70];
	_ =	sdelay $0x4  }
0x28c: {  	v2 =	vmul.f32 v2, v8;
	_ =	sdelay $0x1  }
0x28d: {  	v0 =	vadd.f32 v2, v0;
	v2 =	vld [tilespmem:$0x1FAC0]  }
0x28e: {  	v10 =	vld.idx.msk [tilespmem:v11+s16+$0x0], $0xffff  }
0x28f: {  	v1 =	vadd.f32 v3, v1;
	v3 =	vmul.f32 v6, v8;
	v6 =	vld.idx.msk [tilespmem:v11+s20+$0x0], $0xffff  }
0x290: {  	v11 =	vld [tilespmem:$0x1FA50];
	_ =	sdelay $0x4  }
0x291: {  	v2 =	vmul.f32 v2, v9;
	_ =	sdelay $0x1  }
0x292: {  	v0 =	vadd.f32 v2, v0;
	v2 =	vld [tilespmem:$0x1FAA0]  }
0x293: {  	v8 =	vld.idx.msk [tilespmem:v11+s16+$0x0], $0xffff  }
0x294: {  	v1 =	vadd.f32 v3, v1;
	v3 =	vmul.f32 v5, v9;
	v5 =	vld.idx.msk [tilespmem:v11+s20+$0x0], $0xffff  }
0x295: {  	v11 =	vld [tilespmem:$0x1FA30];
	_ =	sdelay $0x4  }
0x296: {  	v2 =	vmul.f32 v2, v7;
	_ =	sdelay $0x1  }
0x297: {  	v0 =	vadd.f32 v2, v0;
	v2 =	vld [tilespmem:$0x1FA80]  }
0x298: {  	v9 =	vld.idx.msk [tilespmem:v11+s16+$0x0], $0xffff  }
0x299: {  	v1 =	vadd.f32 v3, v1;
	v3 =	vmul.f32 v4, v7;
	v4 =	vld.idx.msk [tilespmem:v11+s20+$0x0], $0xffff  }
0x29a: {  	v11 =	vld [tilespmem:$0x1FA10];
	_ =	sdelay $0x1  }
0x29b: {  	v2 =	vmul.f32 v2, v10;
	_ =	sdelay $0x1  }
0x29c: {  	v0 =	vadd.f32 v2, v0;
	v2 =	vld [tilespmem:$0x1FA60];
	_ =	sdelay $0x3  }
0x29d: {  	v7 =	vld.idx.msk [tilespmem:v11+s16+$0x0], $0xffff  }
0x29e: {  	v1 =	vadd.f32 v3, v1;
	v3 =	vmul.f32 v6, v10;
	v2 =	vmul.f32 v2, v8;
	v6 =	vld.idx.msk [tilespmem:v11+s20+$0x0], $0xffff  }
0x29f: {  	v11 =	vld [tilespmem:$0x1F9F0]  }
0x2a0: {  	v0 =	vadd.f32 v2, v0;
	v2 =	vld [tilespmem:$0x1FA40];
	_ =	sdelay $0x4  }
0x2a1: {  	v2 =	vmul.f32 v2, v9;
	_ =	sdelay $0x1  }
0x2a2: {  	v0 =	vadd.f32 v2, v0;
	v2 =	vld [tilespmem:$0x1FA20]  }
0x2a3: {  	v10 =	vld.idx.msk [tilespmem:v11+s16+$0x0], $0xffff  }
0x2a4: {  	v1 =	vadd.f32 v3, v1;
	v3 =	vmul.f32 v5, v8;
	v5 =	vld.idx.msk [tilespmem:v11+s20+$0x0], $0xffff  }
0x2a5: {  	v11 =	vld [tilespmem:$0x1F9D0];
	_ =	sdelay $0x4  }
0x2a6: {  	v2 =	vmul.f32 v2, v7;
	_ =	sdelay $0x1  }
0x2a7: {  	v0 =	vadd.f32 v2, v0;
	v2 =	vld [tilespmem:$0x1FA00]  }
0x2a8: {  	v8 =	vld.idx.msk [tilespmem:v11+s16+$0x0], $0xffff  }
0x2a9: {  	v1 =	vadd.f32 v3, v1;
	v3 =	vmul.f32 v4, v9;
	v4 =	vld.idx.msk [tilespmem:v11+s20+$0x0], $0xffff  }
0x2aa: {  	v11 =	vld [tilespmem:$0x1F9B0];
	_ =	sdelay $0x4  }
0x2ab: {  	v2 =	vmul.f32 v2, v10;
	_ =	sdelay $0x1  }
0x2ac: {  	v0 =	vadd.f32 v2, v0;
	v2 =	vld [tilespmem:$0x1F9E0]  }
0x2ad: {  	v9 =	vld.idx.msk [tilespmem:v11+s16+$0x0], $0xffff  }
0x2ae: {  	v1 =	vadd.f32 v3, v1;
	v3 =	vmul.f32 v6, v7;
	v6 =	vld.idx.msk [tilespmem:v11+s20+$0x0], $0xffff  }
0x2af: {  	v11 =	vld [tilespmem:$0x1F990];
	_ =	sdelay $0x4  }
0x2b0: {  	v2 =	vmul.f32 v2, v8;
	_ =	sdelay $0x1  }
0x2b1: {  	v0 =	vadd.f32 v2, v0;
	v2 =	vld [tilespmem:$0x1F9C0]  }
0x2b2: {  	v7 =	vld.idx.msk [tilespmem:v11+s16+$0x0], $0xffff  }
0x2b3: {  	v1 =	vadd.f32 v3, v1;
	v3 =	vmul.f32 v5, v10;
	v5 =	vld.idx.msk [tilespmem:v11+s20+$0x0], $0xffff  }
0x2b4: {  	v11 =	vld [tilespmem:$0x1F970];
	_ =	sdelay $0x4  }
0x2b5: {  	v2 =	vmul.f32 v2, v9;
	_ =	sdelay $0x1  }
0x2b6: {  	v0 =	vadd.f32 v2, v0;
	v2 =	vld [tilespmem:$0x1F9A0]  }
0x2b7: {  	v10 =	vld.idx.msk [tilespmem:v11+s16+$0x0], $0xffff  }
0x2b8: {  	v1 =	vadd.f32 v3, v1;
	v3 =	vmul.f32 v4, v8;
	v4 =	vld.idx.msk [tilespmem:v11+s20+$0x0], $0xffff  }
0x2b9: {  	v11 =	vld [tilespmem:$0x1F950];
	_ =	sdelay $0x4  }
0x2ba: {  	v2 =	vmul.f32 v2, v7;
	_ =	sdelay $0x1  }
0x2bb: {  	v0 =	vadd.f32 v2, v0;
	v2 =	vld [tilespmem:$0x1F980]  }
0x2bc: {  	v8 =	vld.idx.msk [tilespmem:v11+s16+$0x0], $0xffff  }
0x2bd: {  	v1 =	vadd.f32 v3, v1;
	v3 =	vmul.f32 v6, v9;
	v6 =	vld.idx.msk [tilespmem:v11+s20+$0x0], $0xffff  }
0x2be: {  	v11 =	vld [tilespmem:$0x1F930];
	_ =	sdelay $0x1  }
0x2bf: {  	v2 =	vmul.f32 v2, v10;
	_ =	sdelay $0x1  }
0x2c0: {  	v0 =	vadd.f32 v2, v0;
	v2 =	vld [tilespmem:$0x1F960];
	_ =	sdelay $0x3  }
0x2c1: {  	v9 =	vld.idx.msk [tilespmem:v11+s16+$0x0], $0xffff  }
0x2c2: {  	v1 =	vadd.f32 v3, v1;
	v3 =	vmul.f32 v5, v7;
	v2 =	vmul.f32 v2, v8;
	v5 =	vld.idx.msk [tilespmem:v11+s20+$0x0], $0xffff  }
0x2c3: {  	v11 =	vld [tilespmem:$0x1F910]  }
0x2c4: {  	v0 =	vadd.f32 v2, v0;
	v2 =	vld [tilespmem:$0x1F940];
	_ =	sdelay $0x4  }
0x2c5: {  	v2 =	vmul.f32 v2, v9;
	_ =	sdelay $0x1  }
0x2c6: {  	v0 =	vadd.f32 v2, v0;
	v2 =	vld [tilespmem:$0x1F920]  }
0x2c7: {  	v7 =	vld.idx.msk [tilespmem:v11+s16+$0x0], $0xffff  }
0x2c8: {  	v1 =	vadd.f32 v3, v1;
	v3 =	vmul.f32 v4, v10;
	v4 =	vld.idx.msk [tilespmem:v11+s20+$0x0], $0xffff  }
0x2c9: {  	v11 =	vld [tilespmem:$0x1F8F0];
	_ =	sdelay $0x4  }
0x2ca: {  	v2 =	vmul.f32 v2, v7;
	_ =	sdelay $0x1  }
0x2cb: {  	v0 =	vadd.f32 v2, v0;
	v2 =	vld [tilespmem:$0x1F900]  }
0x2cc: {  	v10 =	vld.idx.msk [tilespmem:v11+s16+$0x0], $0xffff  }
0x2cd: {  	v1 =	vadd.f32 v3, v1;
	v3 =	vmul.f32 v6, v8;
	v6 =	vld.idx.msk [tilespmem:v11+s20+$0x0], $0xffff  }
0x2ce: {  	v11 =	vld [tilespmem:$0x1F8D0];
	_ =	sdelay $0x4  }
0x2cf: {  	v2 =	vmul.f32 v2, v10;
	_ =	sdelay $0x1  }
0x2d0: {  	v0 =	vadd.f32 v2, v0;
	v2 =	vld [tilespmem:$0x1F8E0]  }
0x2d1: {  	v8 =	vld.idx.msk [tilespmem:v11+s16+$0x0], $0xffff  }
0x2d2: {  	v1 =	vadd.f32 v3, v1;
	v3 =	vmul.f32 v5, v9;
	v5 =	vld.idx.msk [tilespmem:v11+s20+$0x0], $0xffff  }
0x2d3: {  	v11 =	vld [tilespmem:$0x1F8B0];
	_ =	sdelay $0x4  }
0x2d4: {  	v2 =	vmul.f32 v2, v8;
	_ =	sdelay $0x1  }
0x2d5: {  	v0 =	vadd.f32 v2, v0;
	v2 =	vld [tilespmem:$0x1F8C0]  }
0x2d6: {  	v9 =	vld.idx.msk [tilespmem:v11+s16+$0x0], $0xffff  }
0x2d7: {  	v1 =	vadd.f32 v3, v1;
	v3 =	vmul.f32 v4, v7;
	v4 =	vld.idx.msk [tilespmem:v11+s20+$0x0], $0xffff  }
0x2d8: {  	v11 =	vld [tilespmem:$0x1F890];
	_ =	sdelay $0x4  }
0x2d9: {  	v2 =	vmul.f32 v2, v9;
	_ =	sdelay $0x1  }
0x2da: {  	v0 =	vadd.f32 v2, v0;
	v2 =	vld [tilespmem:$0x1F8A0]  }
0x2db: {  	v7 =	vld.idx.msk [tilespmem:v11+s16+$0x0], $0xffff  }
0x2dc: {  	v1 =	vadd.f32 v3, v1;
	v3 =	vmul.f32 v6, v10;
	v6 =	vld.idx.msk [tilespmem:v11+s20+$0x0], $0xffff  }
0x2dd: {  	v11 =	vld [tilespmem:$0x1F870];
	_ =	sdelay $0x4  }
0x2de: {  	v2 =	vmul.f32 v2, v7;
	_ =	sdelay $0x1  }
0x2df: {  	v0 =	vadd.f32 v2, v0;
	v2 =	vld [tilespmem:$0x1F880]  }
0x2e0: {  	v10 =	vld.idx.msk [tilespmem:v11+s16+$0x0], $0xffff  }
0x2e1: {  	v1 =	vadd.f32 v3, v1;
	v3 =	vmul.f32 v5, v8;
	v5 =	vld.idx.msk [tilespmem:v11+s20+$0x0], $0xffff  }
0x2e2: {  	v11 =	vld [tilespmem:$0x1F850];
	_ =	sdelay $0x4  }
0x2e3: {  	v2 =	vmul.f32 v2, v10;
	_ =	sdelay $0x1  }
0x2e4: {  	v0 =	vadd.f32 v2, v0;
	v2 =	vld [tilespmem:$0x1F860]  }
0x2e5: {  	v8 =	vld.idx.msk [tilespmem:v11+s16+$0x0], $0xffff  }
0x2e6: {  	v1 =	vadd.f32 v3, v1;
	v3 =	vmul.f32 v4, v9;
	v4 =	vld.idx.msk [tilespmem:v11+s20+$0x0], $0xffff  }
0x2e7: {  	v11 =	vld [tilespmem:$0x1F830];
	_ =	sdelay $0x4  }
0x2e8: {  	v2 =	vmul.f32 v2, v8;
	_ =	sdelay $0x1  }
0x2e9: {  	v0 =	vadd.f32 v2, v0;
	v2 =	vld [tilespmem:$0x1F840]  }
0x2ea: {  	v9 =	vld.idx.msk [tilespmem:v11+s16+$0x0], $0xffff  }
0x2eb: {  	v1 =	vadd.f32 v3, v1;
	v3 =	vmul.f32 v6, v7;
	v6 =	vld.idx.msk [tilespmem:v11+s20+$0x0], $0xffff  }
0x2ec: {  	v11 =	vld [tilespmem:$0x1F810];
	_ =	sdelay $0x4  }
0x2ed: {  	v2 =	vmul.f32 v2, v9;
	_ =	sdelay $0x1  }
0x2ee: {  	v0 =	vadd.f32 v2, v0;
	v2 =	vld [tilespmem:$0x1F820]  }
0x2ef: {  	v7 =	vld.idx.msk [tilespmem:v11+s16+$0x0], $0xffff  }
0x2f0: {  	v1 =	vadd.f32 v3, v1;
	v3 =	vmul.f32 v5, v10;
	v5 =	vld.idx.msk [tilespmem:v11+s20+$0x0], $0xffff  }
0x2f1: {  	v11 =	vld [tilespmem:$0x1F7F0];
	_ =	sdelay $0x4  }
0x2f2: {  	v2 =	vmul.f32 v2, v7;
	_ =	sdelay $0x1  }
0x2f3: {  	v0 =	vadd.f32 v2, v0;
	v2 =	vld [tilespmem:$0x1F800]  }
0x2f4: {  	v10 =	vld.idx.msk [tilespmem:v11+s16+$0x0], $0xffff  }
0x2f5: {  	v1 =	vadd.f32 v3, v1;
	v3 =	vmul.f32 v4, v8;
	v4 =	vld.idx.msk [tilespmem:v11+s20+$0x0], $0xffff  }
0x2f6: {  	v11 =	vld [tilespmem:$0x1F7D0];
	_ =	sdelay $0x4  }
0x2f7: {  	v2 =	vmul.f32 v2, v10;
	_ =	sdelay $0x1  }
0x2f8: {  	v0 =	vadd.f32 v2, v0;
	v2 =	vld [tilespmem:$0x1F7E0]  }
0x2f9: {  	v8 =	vld.idx.msk [tilespmem:v11+s16+$0x0], $0xffff;
	_ =	sdelay $0x2  }
0x2fa: {  	v1 =	vadd.f32 v3, v1;
	v3 =	vmul.f32 v6, v9;
	_ =	sdelay $0x1  }
0x2fb: {  	v1 =	vadd.f32 v3, v1;
	v3 =	vmul.f32 v5, v7;
	v2 =	vmul.f32 v2, v8  }
0x2fc: {  	v54 =	vld [tilespmem:$0x1FEA0]  }
0x2fd: {  	v1 =	vadd.f32 v3, v1;
	v3 =	vmul.f32 v4, v10;
	v4 =	vld [tilespmem:$0x1F7B0];
	v0 =	vadd.f32 v2, v0  }
0x2fe: {  	s28 =	sadd.s32 $0x10, s28;
	v6 =	vld.idx.msk [tilespmem:v11+s20+$0x0], $0xffff  }
0x2ff: {  	[tilespmem:s28+$0x0] =	vst v0;
	v0 =	vld [tilespmem:$0x1FE70]  }
0x300: {  	v9 =	vmov s30  }
0x301: {  	v5 =	vshll.u32 v9, $0x6  }
0x302: {  	v5 =	vor.u32 v54, v5  }
0x303: {  	v10 =	vand.u32 $0x3F80, v5;
	v1 =	vadd.f32 v3, v1  }
0x304: {  	v4 =	vor.u32 v4, v10;
	v3 =	vmul.f32 v6, v8;
	v6 =	vor.u32 v0, v10;
	v0 =	vld [tilespmem:$0x1FE60];
	_ =	sdelay $0x1  }
0x305: {  	v1 =	vadd.f32 v3, v1  }
0x306: {  	s29 =	sadd.s32 $0x10, s29  }
0x307: {  	v5 =	vld [tilespmem:$0x1F7C0];
	[tilespmem:s29+$0x0] =	vst v1  }
0x308: {  	v1 =	vor.u32 v0, v10;
	v0 =	vld.idx.msk [tilespmem:v4+s18+$0x0], $0xffff;
	_ =	sdelay $0x4  }
0x309: {  	v5 =	vor.u32 v5, v10;
	[tilespmem:$0x1F7E0] =	vst v0;
	v0 =	vld [tilespmem:$0x1FE50];
	_ =	sdelay $0x3  }
0x30a: {  	v2 =	vld [tilespmem:$0x1FE90]  }
0x30b: {  	[tilespmem:$0x1F7D0] =	vst v4;
	v4 =	vor.u32 v0, v10;
	v0 =	vld.idx.msk [tilespmem:v5+s18+$0x0], $0xffff;
	_ =	sdelay $0x4  }
0x30c: {  	v2 =	vor.u32 v2, v10;
	[tilespmem:$0x1F800] =	vst v0;
	v0 =	vld [tilespmem:$0x1FE40];
	_ =	sdelay $0x3  }
0x30d: {  	v3 =	vld [tilespmem:$0x1FE80]  }
0x30e: {  	[tilespmem:$0x1F7F0] =	vst v5;
	v5 =	vor.u32 v0, v10;
	v0 =	vld.idx.msk [tilespmem:v2+s18+$0x0], $0xffff;
	_ =	sdelay $0x4  }
0x30f: {  	v3 =	vor.u32 v3, v10;
	[tilespmem:$0x1F820] =	vst v0;
	v0 =	vld [tilespmem:$0x1FE30];
	_ =	sdelay $0x4  }
0x310: {  	[tilespmem:$0x1F810] =	vst v2;
	v2 =	vor.u32 v0, v10;
	v0 =	vld.idx.msk [tilespmem:v3+s18+$0x0], $0xffff;
	_ =	sdelay $0x4  }
0x311: {  	[tilespmem:$0x1F840] =	vst v0;
	v0 =	vld [tilespmem:$0x1FE20];
	_ =	sdelay $0x4  }
0x312: {  	[tilespmem:$0x1F830] =	vst v3;
	v3 =	vor.u32 v0, v10;
	v0 =	vld.idx.msk [tilespmem:v6+s18+$0x0], $0xffff;
	_ =	sdelay $0x4  }
0x313: {  	[tilespmem:$0x1F860] =	vst v0;
	v0 =	vld [tilespmem:$0x1FE10];
	_ =	sdelay $0x4  }
0x314: {  	[tilespmem:$0x1F850] =	vst v6;
	v6 =	vor.u32 v0, v10;
	v0 =	vld.idx.msk [tilespmem:v1+s18+$0x0], $0xffff;
	_ =	sdelay $0x4  }
0x315: {  	[tilespmem:$0x1F880] =	vst v0;
	v0 =	vld [tilespmem:$0x1FE00];
	_ =	sdelay $0x4  }
0x316: {  	[tilespmem:$0x1F870] =	vst v1;
	v1 =	vor.u32 v0, v10;
	v0 =	vld.idx.msk [tilespmem:v4+s18+$0x0], $0xffff;
	_ =	sdelay $0x4  }
0x317: {  	[tilespmem:$0x1F8A0] =	vst v0;
	v0 =	vld [tilespmem:$0x1FDF0];
	_ =	sdelay $0x4  }
0x318: {  	[tilespmem:$0x1F890] =	vst v4;
	v4 =	vor.u32 v0, v10;
	v0 =	vld.idx.msk [tilespmem:v5+s18+$0x0], $0xffff;
	_ =	sdelay $0x4  }
0x319: {  	[tilespmem:$0x1F8C0] =	vst v0;
	v0 =	vld [tilespmem:$0x1FDE0];
	_ =	sdelay $0x4  }
0x31a: {  	[tilespmem:$0x1F8B0] =	vst v5;
	v5 =	vor.u32 v0, v10;
	v0 =	vld.idx.msk [tilespmem:v2+s18+$0x0], $0xffff;
	_ =	sdelay $0x4  }
0x31b: {  	[tilespmem:$0x1F8E0] =	vst v0;
	v0 =	vld [tilespmem:$0x1FDD0];
	_ =	sdelay $0x4  }
0x31c: {  	[tilespmem:$0x1F8D0] =	vst v2;
	v2 =	vor.u32 v0, v10;
	v0 =	vld.idx.msk [tilespmem:v3+s18+$0x0], $0xffff;
	_ =	sdelay $0x4  }
0x31d: {  	[tilespmem:$0x1F900] =	vst v0;
	v0 =	vld [tilespmem:$0x1FDC0];
	_ =	sdelay $0x4  }
0x31e: {  	[tilespmem:$0x1F8F0] =	vst v3;
	v3 =	vor.u32 v0, v10;
	v0 =	vld.idx.msk [tilespmem:v6+s18+$0x0], $0xffff;
	_ =	sdelay $0x4  }
0x31f: {  	[tilespmem:$0x1F920] =	vst v0;
	v0 =	vld [tilespmem:$0x1FDB0];
	_ =	sdelay $0x4  }
0x320: {  	[tilespmem:$0x1F910] =	vst v6;
	v6 =	vor.u32 v0, v10;
	v0 =	vld.idx.msk [tilespmem:v1+s18+$0x0], $0xffff;
	_ =	sdelay $0x4  }
0x321: {  	[tilespmem:$0x1F940] =	vst v0;
	v0 =	vld [tilespmem:$0x1FDA0];
	_ =	sdelay $0x4  }
0x322: {  	[tilespmem:$0x1F930] =	vst v1;
	v1 =	vor.u32 v0, v10;
	v0 =	vld.idx.msk [tilespmem:v4+s18+$0x0], $0xffff;
	_ =	sdelay $0x4  }
0x323: {  	[tilespmem:$0x1F960] =	vst v0;
	v0 =	vld [tilespmem:$0x1FD90];
	_ =	sdelay $0x4  }
0x324: {  	[tilespmem:$0x1F950] =	vst v4;
	v4 =	vor.u32 v0, v10;
	v0 =	vld.idx.msk [tilespmem:v5+s18+$0x0], $0xffff;
	_ =	sdelay $0x4  }
0x325: {  	[tilespmem:$0x1F980] =	vst v0;
	v0 =	vld [tilespmem:$0x1FD80];
	_ =	sdelay $0x4  }
0x326: {  	[tilespmem:$0x1F970] =	vst v5;
	v5 =	vor.u32 v0, v10;
	v0 =	vld.idx.msk [tilespmem:v2+s18+$0x0], $0xffff;
	_ =	sdelay $0x4  }
0x327: {  	[tilespmem:$0x1F9A0] =	vst v0;
	v0 =	vld [tilespmem:$0x1FD70];
	_ =	sdelay $0x4  }
0x328: {  	[tilespmem:$0x1F990] =	vst v2;
	v2 =	vor.u32 v0, v10;
	v0 =	vld.idx.msk [tilespmem:v3+s18+$0x0], $0xffff;
	_ =	sdelay $0x4  }
0x329: {  	[tilespmem:$0x1F9C0] =	vst v0;
	v0 =	vld [tilespmem:$0x1FD60];
	_ =	sdelay $0x4  }
0x32a: {  	[tilespmem:$0x1F9B0] =	vst v3;
	v3 =	vor.u32 v0, v10;
	v0 =	vld.idx.msk [tilespmem:v6+s18+$0x0], $0xffff;
	_ =	sdelay $0x4  }
0x32b: {  	[tilespmem:$0x1F9E0] =	vst v0;
	v0 =	vld [tilespmem:$0x1FD50];
	_ =	sdelay $0x4  }
0x32c: {  	[tilespmem:$0x1F9D0] =	vst v6;
	v6 =	vor.u32 v0, v10;
	v0 =	vld.idx.msk [tilespmem:v1+s18+$0x0], $0xffff;
	_ =	sdelay $0x4  }
0x32d: {  	[tilespmem:$0x1FA00] =	vst v0;
	v0 =	vld [tilespmem:$0x1FD40];
	_ =	sdelay $0x4  }
0x32e: {  	[tilespmem:$0x1F9F0] =	vst v1;
	v1 =	vor.u32 v0, v10;
	v0 =	vld.idx.msk [tilespmem:v4+s18+$0x0], $0xffff;
	_ =	sdelay $0x4  }
0x32f: {  	[tilespmem:$0x1FA20] =	vst v0;
	v0 =	vld [tilespmem:$0x1FD30];
	_ =	sdelay $0x4  }
0x330: {  	[tilespmem:$0x1FA10] =	vst v4;
	v4 =	vor.u32 v0, v10;
	v0 =	vld.idx.msk [tilespmem:v5+s18+$0x0], $0xffff;
	_ =	sdelay $0x4  }
0x331: {  	[tilespmem:$0x1FA40] =	vst v0;
	v0 =	vld [tilespmem:$0x1FD20];
	_ =	sdelay $0x4  }
0x332: {  	[tilespmem:$0x1FA30] =	vst v5;
	v5 =	vor.u32 v0, v10;
	v0 =	vld.idx.msk [tilespmem:v2+s18+$0x0], $0xffff;
	_ =	sdelay $0x4  }
0x333: {  	[tilespmem:$0x1FA60] =	vst v0;
	v0 =	vld [tilespmem:$0x1FD10];
	_ =	sdelay $0x4  }
0x334: {  	[tilespmem:$0x1FA50] =	vst v2;
	v2 =	vor.u32 v0, v10;
	v0 =	vld.idx.msk [tilespmem:v3+s18+$0x0], $0xffff;
	_ =	sdelay $0x4  }
0x335: {  	[tilespmem:$0x1FA80] =	vst v0;
	v0 =	vld [tilespmem:$0x1FD00];
	_ =	sdelay $0x4  }
0x336: {  	[tilespmem:$0x1FA70] =	vst v3;
	v3 =	vor.u32 v0, v10;
	v0 =	vld.idx.msk [tilespmem:v6+s18+$0x0], $0xffff;
	_ =	sdelay $0x4  }
0x337: {  	[tilespmem:$0x1FAA0] =	vst v0;
	v0 =	vld [tilespmem:$0x1FCF0];
	_ =	sdelay $0x4  }
0x338: {  	v58 =	vor.u32 v0, v10;
	v0 =	vld.idx.msk [tilespmem:v1+s18+$0x0], $0xffff;
	_ =	sdelay $0x4  }
0x339: {  	[tilespmem:$0x1FAC0] =	vst v0;
	v0 =	vld [tilespmem:$0x1FCE0];
	_ =	sdelay $0x4  }
0x33a: {  	v60 =	vor.u32 v0, v10;
	v0 =	vld.idx.msk [tilespmem:v4+s18+$0x0], $0xffff;
	_ =	sdelay $0x4  }
0x33b: {  	[tilespmem:$0x1FAE0] =	vst v0;
	v0 =	vld [tilespmem:$0x1FCD0];
	_ =	sdelay $0x4  }
0x33c: {  	v62 =	vor.u32 v0, v10;
	v0 =	vld.idx.msk [tilespmem:v5+s18+$0x0], $0xffff;
	_ =	sdelay $0x4  }
0x33d: {  	[tilespmem:$0x1FB00] =	vst v0;
	v0 =	vld [tilespmem:$0x1FCC0];
	_ =	sdelay $0x4  }
0x33e: {  	[tilespmem:$0x1FAB0] =	vst v1;
	v1 =	vor.u32 v0, v10;
	v0 =	vld.idx.msk [tilespmem:v2+s18+$0x0], $0xffff;
	_ =	sdelay $0x4  }
0x33f: {  	[tilespmem:$0x1FB20] =	vst v0;
	v0 =	vld [tilespmem:$0x1FCB0];
	_ =	sdelay $0x4  }
0x340: {  	[tilespmem:$0x1FAF0] =	vst v5;
	v5 =	vor.u32 v0, v10;
	v0 =	vld.idx.msk [tilespmem:v3+s18+$0x0], $0xffff;
	_ =	sdelay $0x4  }
0x341: {  	[tilespmem:$0x1FB40] =	vst v0;
	v0 =	vld [tilespmem:$0x1FCA0];
	_ =	sdelay $0x4  }
0x342: {  	v7 =	vor.u32 v0, v10;
	v0 =	vld.idx.msk [tilespmem:v58+s18+$0x0], $0xffff;
	_ =	sdelay $0x4  }
0x343: {  	[tilespmem:$0x1FB50] =	vst v0;
	v0 =	vld [tilespmem:$0x1FC90];
	_ =	sdelay $0x4  }
0x344: {  	v11 =	vor.u32 v0, v10;
	v0 =	vld.idx.msk [tilespmem:v60+s18+$0x0], $0xffff;
	_ =	sdelay $0x4  }
0x345: {  	[tilespmem:$0x1FB60] =	vst v0;
	v0 =	vld [tilespmem:$0x1FC80];
	_ =	sdelay $0x4  }
0x346: {  	v15 =	vor.u32 v0, v10;
	v0 =	vld.idx.msk [tilespmem:v62+s18+$0x0], $0xffff;
	_ =	sdelay $0x4  }
0x347: {  	[tilespmem:$0x1FB70] =	vst v0;
	v0 =	vld [tilespmem:$0x1FC70];
	_ =	sdelay $0x4  }
0x348: {  	v19 =	vor.u32 v0, v10;
	v0 =	vld.idx.msk [tilespmem:v1+s18+$0x0], $0xffff;
	_ =	sdelay $0x4  }
0x349: {  	[tilespmem:$0x1FB80] =	vst v0;
	v0 =	vld [tilespmem:$0x1FC60];
	_ =	sdelay $0x4  }
0x34a: {  	v23 =	vor.u32 v0, v10;
	v0 =	vld.idx.msk [tilespmem:v5+s18+$0x0], $0xffff;
	_ =	sdelay $0x4  }
0x34b: {  	[tilespmem:$0x1FB90] =	vst v0;
	v0 =	vld [tilespmem:$0x1FC50];
	_ =	sdelay $0x4  }
0x34c: {  	v27 =	vor.u32 v0, v10;
	v0 =	vld.idx.msk [tilespmem:v7+s18+$0x0], $0xffff;
	_ =	sdelay $0x4  }
0x34d: {  	[tilespmem:$0x1FBA0] =	vst v0;
	v0 =	vld [tilespmem:$0x1FC40];
	_ =	sdelay $0x4  }
0x34e: {  	v31 =	vor.u32 v0, v10;
	v0 =	vld.idx.msk [tilespmem:v11+s18+$0x0], $0xffff;
	_ =	sdelay $0x4  }
0x34f: {  	[tilespmem:$0x1FBB0] =	vst v0;
	v0 =	vld [tilespmem:$0x1FC30];
	_ =	sdelay $0x4  }
0x350: {  	v35 =	vor.u32 v0, v10;
	v0 =	vld.idx.msk [tilespmem:v15+s18+$0x0], $0xffff;
	_ =	sdelay $0x4  }
0x351: {  	[tilespmem:$0x1FBC0] =	vst v0;
	v0 =	vld [tilespmem:$0x1FC20];
	_ =	sdelay $0x4  }
0x352: {  	v39 =	vor.u32 v0, v10;
	v0 =	vld.idx.msk [tilespmem:v19+s18+$0x0], $0xffff;
	_ =	sdelay $0x4  }
0x353: {  	[tilespmem:$0x1FBD0] =	vst v0;
	v0 =	vld [tilespmem:$0x1FC10];
	_ =	sdelay $0x4  }
0x354: {  	v43 =	vor.u32 v0, v10;
	v0 =	vld.idx.msk [tilespmem:v23+s18+$0x0], $0xffff;
	_ =	sdelay $0x4  }
0x355: {  	[tilespmem:$0x1FBE0] =	vst v0;
	v0 =	vld [tilespmem:$0x1FFD0];
	_ =	sdelay $0x4  }
0x356: {  	v45 =	vor.u32 v0, v10;
	v0 =	vld.idx.msk [tilespmem:v27+s18+$0x0], $0xffff;
	_ =	sdelay $0x4  }
0x357: {  	[tilespmem:$0x1FBF0] =	vst v0;
	v0 =	vld [tilespmem:$0x1FFC0];
	_ =	sdelay $0x2  }
0x358: {  	[tilespmem:$0x1FB30] =	vst v3;
	v3 =	vld [tilespmem:$0x1FF50];
	_ =	sdelay $0x1  }
0x359: {  	v47 =	vor.u32 v0, v10;
	v0 =	vld.idx.msk [tilespmem:v31+s18+$0x0], $0xffff;
	_ =	sdelay $0x2  }
0x35a: {  	v59 =	vor.u32 v3, v10;
	v3 =	vld [tilespmem:$0x1FF40];
	_ =	sdelay $0x1  }
0x35b: {  	[tilespmem:$0x1FC00] =	vst v0;
	v0 =	vld [tilespmem:$0x1FFB0];
	_ =	sdelay $0x2  }
0x35c: {  	v26 =	vor.u32 v3, v10;
	v3 =	vld [tilespmem:$0x1FF30];
	_ =	sdelay $0x1  }
0x35d: {  	v8 =	vor.u32 v0, v10;
	v0 =	vld [tilespmem:$0x1FFA0]  }
0x35e: {  	v9 =	vld [tilespmem:$0x1FEF0]  }
0x35f: {  	[tilespmem:$0x1FA90] =	vst v6;
	v6 =	vld [tilespmem:$0x1FF00]  }
0x360: {  	v28 =	vor.u32 v3, v10;
	v3 =	vld [tilespmem:$0x1FF20];
	_ =	sdelay $0x1  }
0x361: {  	v51 =	vor.u32 v0, v10;
	v0 =	vld [tilespmem:$0x1FF90]  }
0x362: {  	v36 =	vor.u32 v9, v10;
	v9 =	vld [tilespmem:$0x1FEE0]  }
0x363: {  	v56 =	vld [tilespmem:$0x1FEB0];
	v6 =	vor.u32 v6, v10  }
0x364: {  	v30 =	vor.u32 v3, v10;
	v3 =	vld [tilespmem:$0x1FF10]  }
0x365: {  	v13 =	vld [tilespmem:$0x1FEC0]  }
0x366: {  	v14 =	vor.u32 v0, v10;
	v0 =	vld [tilespmem:$0x1FF80]  }
0x367: {  	v38 =	vor.u32 v9, v10;
	v9 =	vld [tilespmem:$0x1FED0]  }
0x368: {  	v34 =	vld.idx.msk [tilespmem:v6+s18+$0x0], $0xffff  }
0x369: {  	v22 =	vld.idx.msk [tilespmem:v59+s18+$0x0], $0xffff;
	v3 =	vor.u32 v3, v10  }
0x36a: {  	v24 =	vld.idx.msk [tilespmem:v26+s18+$0x0], $0xffff  }
0x36b: {  	v16 =	vor.u32 v0, v10;
	v0 =	vld [tilespmem:$0x1FF70]  }
0x36c: {  	v61 =	vld.idx.msk [tilespmem:v28+s18+$0x0], $0xffff  }
0x36d: {  	v63 =	vld.idx.msk [tilespmem:v30+s18+$0x0], $0xffff  }
0x36e: {  	v32 =	vld.idx.msk [tilespmem:v3+s18+$0x0], $0xffff  }
0x36f: {  	v33 =	vld.idx.msk [tilespmem:v35+s18+$0x0], $0xffff  }
0x370: {  	v18 =	vor.u32 v0, v10;
	v0 =	vld [tilespmem:$0x1FF60]  }
0x371: {  	v37 =	vld.idx.msk [tilespmem:v39+s18+$0x0], $0xffff  }
0x372: {  	v41 =	vld.idx.msk [tilespmem:v43+s18+$0x0], $0xffff  }
0x373: {  	[tilespmem:$0x1FB10] =	vst v2;
	v2 =	vld.idx.msk [tilespmem:v45+s18+$0x0], $0xffff  }
0x374: {  	[tilespmem:$0x1FAD0] =	vst v4;
	v4 =	vld.idx.msk [tilespmem:v47+s18+$0x0], $0xffff  }
0x375: {  	p0 =	sne.s32 s30, $0xF0;
	v49 =	vld.idx.msk [tilespmem:v51+s18+$0x0], $0xffff;
	v57 =	vor.u32 v0, v10  }
.Ltmp1:
0x376: {  	v12 =	vld.idx.msk [tilespmem:v14+s18+$0x0], $0xffff;
	(pc) =	sbr.rel @p0 .LBB2_4-.Ltmp1, $4  }
0x377: {  	v53 =	vld.idx.msk [tilespmem:v16+s18+$0x0], $0xffff  }
0x378: {  	v0 =	vld.idx.msk [tilespmem:v8+s18+$0x0], $0xffff  }
0x379: {  	v55 =	vld.idx.msk [tilespmem:v18+s18+$0x0], $0xffff  }
0x37a: {  	s30 =	sadd.s32 $0x10, s30;
	v40 =	vor.u32 v13, v10;
	v13 =	vor.u32 v56, v10;
	v9 =	vor.u32 v9, v10;
	v20 =	vld.idx.msk [tilespmem:v57+s18+$0x0], $0xffff  }
0x37b: {  	v17 =	vld [tilespmem:$0x1FFE0];
	_ =	sdelay $0x2  }
0x37c: {  	v21 =	vld [tilespmem:$0x1FFF0];
	_ =	sdelay $0x1  }
0x37d: {  	v17 =	vor.u32 v17, v10  }
0x37e: {  	v44 =	vld.idx.msk [tilespmem:v13+s18+$0x0], $0xffff  }
0x37f: {  	v46 =	vld.idx.msk [tilespmem:v13+s16+$0x0], $0xffff  }
0x380: {  	v13 =	vld.idx.msk [tilespmem:v13+s20+$0x0], $0xffff;
	v50 =	vor.u32 v21, v10  }
0x381: {  	v48 =	vld.idx.msk [tilespmem:v40+s18+$0x0], $0xffff  }
0x382: {  	v52 =	vld.idx.msk [tilespmem:v17+s18+$0x0], $0xffff  }
0x383: {  	v25 =	vld.idx.msk [tilespmem:v17+s16+$0x0], $0xffff  }
0x384: {  	v17 =	vld.idx.msk [tilespmem:v17+s20+$0x0], $0xffff  }
0x385: {  	v29 =	vld.idx.msk [tilespmem:v50+s18+$0x0], $0xffff  }
0x386: {  	v42 =	vld.idx.msk [tilespmem:v50+s16+$0x0], $0xffff  }
0x387: {  	v10 =	vld.idx.msk [tilespmem:v50+s20+$0x0], $0xffff  }
0x388: {  	v50 =	vld.idx.msk [tilespmem:v40+s16+$0x0], $0xffff  }
0x389: {  	v40 =	vld.idx.msk [tilespmem:v40+s20+$0x0], $0xffff  }
0x38a: {  	v21 =	vmul.f32 v52, v25;
	v52 =	vld.idx.msk [tilespmem:v9+s18+$0x0], $0xffff  }
0x38b: {  	v17 =	vmul.f32 v17, v25;
	v25 =	vld.idx.msk [tilespmem:v9+s16+$0x0], $0xffff  }
0x38c: {  	v29 =	vmul.f32 v29, v42;
	v9 =	vld.idx.msk [tilespmem:v9+s20+$0x0], $0xffff;
	v21 =	vadd.f32 $0.0e+00, v21  }
0x38d: {  	v10 =	vmul.f32 v10, v42;
	v42 =	vld.idx.msk [tilespmem:v38+s18+$0x0], $0xffff;
	v17 =	vadd.f32 $0.0e+00, v17  }
0x38e: {  	v21 =	vadd.f32 v29, v21;
	v29 =	vmul.f32 v44, v46;
	v44 =	vld.idx.msk [tilespmem:v38+s16+$0x0], $0xffff  }
0x38f: {  	v10 =	vadd.f32 v10, v17;
	v17 =	vld.idx.msk [tilespmem:v38+s20+$0x0], $0xffff  }
0x390: {  	v38 =	vld.idx.msk [tilespmem:v36+s18+$0x0], $0xffff  }
0x391: {  	v13 =	vmul.f32 v13, v46;
	v46 =	vld.idx.msk [tilespmem:v36+s16+$0x0], $0xffff  }
0x392: {  	v48 =	vmul.f32 v48, v50;
	v9 =	vmul.f32 v9, v25;
	v21 =	vadd.f32 v29, v21;
	v29 =	vld.idx.msk [tilespmem:v16+s16+$0x0], $0xffff  }
0x393: {  	v10 =	vadd.f32 v13, v10;
	v13 =	vmul.f32 v40, v50;
	v50 =	vmul.f32 v52, v25;
	v25 =	vld [tilespmem:$0x1FBE0]  }
0x394: {  	v21 =	vadd.f32 v48, v21;
	v48 =	vld.idx.msk [tilespmem:v36+s20+$0x0], $0xffff  }
0x395: {  	v10 =	vadd.f32 v13, v10;
	v13 =	vld.idx.msk [tilespmem:v6+s16+$0x0], $0xffff  }
0x396: {  	v6 =	vld.idx.msk [tilespmem:v6+s20+$0x0], $0xffff  }
0x397: {  	v52 =	vmul.f32 v42, v44;
	v42 =	vld.idx.msk [tilespmem:v3+s16+$0x0], $0xffff  }
0x398: {  	v3 =	vld.idx.msk [tilespmem:v3+s20+$0x0], $0xffff  }
0x399: {  	v36 =	vmul.f32 v17, v44;
	v44 =	vmul.f32 v38, v46;
	v38 =	vld.idx.msk [tilespmem:v28+s20+$0x0], $0xffff  }
0x39a: {  	v17 =	vld.idx.msk [tilespmem:v27+s20+$0x0], $0xffff  }
0x39b: {  	v21 =	vadd.f32 v50, v21;
	v50 =	vld.idx.msk [tilespmem:v30+s20+$0x0], $0xffff  }
0x39c: {  	v9 =	vadd.f32 v9, v10;
	v46 =	vmul.f32 v48, v46;
	v48 =	vld.idx.msk [tilespmem:v30+s16+$0x0], $0xffff  }
0x39d: {  	v21 =	vadd.f32 v52, v21;
	v52 =	vmul.f32 v34, v13;
	v34 =	vld.idx.msk [tilespmem:v28+s16+$0x0], $0xffff  }
0x39e: {  	v9 =	vadd.f32 v36, v9;
	v30 =	vld.idx.msk [tilespmem:v16+s20+$0x0], $0xffff  }
0x39f: {  	v21 =	vadd.f32 v44, v21;
	v40 =	vmul.f32 v32, v42;
	v3 =	vmul.f32 v3, v42;
	v42 =	vld.idx.msk [tilespmem:v26+s16+$0x0], $0xffff  }
0x3a0: {  	v6 =	vmul.f32 v6, v13;
	v44 =	vld.idx.msk [tilespmem:v26+s20+$0x0], $0xffff;
	v9 =	vadd.f32 v46, v9  }
0x3a1: {  	v26 =	vld.idx.msk [tilespmem:v11+s20+$0x0], $0xffff;
	v36 =	vadd.f32 v52, v21  }
0x3a2: {  	v21 =	vld [tilespmem:$0x1FC00];
	v6 =	vadd.f32 v6, v9  }
0x3a3: {  	v13 =	vadd.f32 v40, v36;
	v46 =	vmul.f32 v63, v48;
	v52 =	vmul.f32 v61, v34;
	v61 =	vld.idx.msk [tilespmem:v57+s20+$0x0], $0xffff  }
0x3a4: {  	v3 =	vadd.f32 v3, v6;
	v6 =	vmul.f32 v50, v48;
	v48 =	vld.idx.msk [tilespmem:v59+s16+$0x0], $0xffff  }
0x3a5: {  	v50 =	vld.idx.msk [tilespmem:v59+s20+$0x0], $0xffff;
	v13 =	vadd.f32 v46, v13  }
0x3a6: {  	v59 =	vld.idx.msk [tilespmem:v57+s16+$0x0], $0xffff;
	v3 =	vadd.f32 v6, v3;
	v6 =	vmul.f32 v38, v34  }
0x3a7: {  	v63 =	vld.idx.msk [tilespmem:v18+s16+$0x0], $0xffff;
	v24 =	vmul.f32 v24, v42;
	v13 =	vadd.f32 v52, v13  }
0x3a8: {  	v36 =	vld.idx.msk [tilespmem:v14+s20+$0x0], $0xffff;
	v3 =	vadd.f32 v6, v3;
	v6 =	vmul.f32 v44, v42  }
0x3a9: {  	v13 =	vadd.f32 v24, v13;
	v24 =	vld.idx.msk [tilespmem:v18+s20+$0x0], $0xffff;
	v28 =	vmul.f32 v22, v48  }
0x3aa: {  	v40 =	vld.idx.msk [tilespmem:v51+s16+$0x0], $0xffff;
	v3 =	vadd.f32 v6, v3;
	v6 =	vmul.f32 v50, v48  }
0x3ab: {  	v57 =	vld.idx.msk [tilespmem:v39+s16+$0x0], $0xffff;
	v32 =	vmul.f32 v20, v59;
	v13 =	vadd.f32 v28, v13  }
0x3ac: {  	v34 =	vld.idx.msk [tilespmem:v14+s16+$0x0], $0xffff;
	v3 =	vadd.f32 v6, v3;
	v6 =	vmul.f32 v61, v59  }
0x3ad: {  	v46 =	vld.idx.msk [tilespmem:v8+s16+$0x0], $0xffff;
	v38 =	vmul.f32 v55, v63;
	v13 =	vadd.f32 v32, v13  }
0x3ae: {  	v8 =	vld.idx.msk [tilespmem:v8+s20+$0x0], $0xffff;
	v3 =	vadd.f32 v6, v3;
	v6 =	vmul.f32 v24, v63  }
0x3af: {  	v42 =	vld.idx.msk [tilespmem:v51+s20+$0x0], $0xffff;
	v44 =	vmul.f32 v53, v29;
	v13 =	vadd.f32 v38, v13  }
0x3b0: {  	v52 =	vld.idx.msk [tilespmem:v45+s16+$0x0], $0xffff;
	v3 =	vadd.f32 v6, v3;
	v6 =	vmul.f32 v30, v29  }
0x3b1: {  	v53 =	vld.idx.msk [tilespmem:v45+s20+$0x0], $0xffff;
	v12 =	vmul.f32 v12, v34;
	v13 =	vadd.f32 v44, v13  }
0x3b2: {  	v48 =	vld.idx.msk [tilespmem:v47+s16+$0x0], $0xffff;
	v3 =	vadd.f32 v6, v3;
	v6 =	vmul.f32 v36, v34  }
0x3b3: {  	v51 =	vmul.f32 v49, v40;
	v50 =	vld.idx.msk [tilespmem:v47+s20+$0x0], $0xffff;
	v12 =	vadd.f32 v12, v13  }
0x3b4: {  	v55 =	vld.idx.msk [tilespmem:v43+s20+$0x0], $0xffff;
	v3 =	vadd.f32 v6, v3;
	v6 =	vmul.f32 v42, v40  }
0x3b5: {  	v20 =	vld.idx.msk [tilespmem:v23+s20+$0x0], $0xffff;
	v0 =	vmul.f32 v0, v46;
	v12 =	vadd.f32 v51, v12  }
0x3b6: {  	v22 =	vld.idx.msk [tilespmem:v19+s20+$0x0], $0xffff;
	v3 =	vadd.f32 v6, v3;
	v6 =	vmul.f32 v8, v46  }
0x3b7: {  	v4 =	vmul.f32 v4, v48;
	v8 =	vld.idx.msk [tilespmem:v43+s16+$0x0], $0xffff;
	v0 =	vadd.f32 v0, v12  }
0x3b8: {  	v28 =	vld [tilespmem:$0x1FBC0];
	v3 =	vadd.f32 v6, v3;
	v6 =	vmul.f32 v50, v48  }
0x3b9: {  	v0 =	vadd.f32 v4, v0;
	v4 =	vld.idx.msk [tilespmem:v39+s20+$0x0], $0xffff  }
0x3ba: {  	v2 =	vmul.f32 v2, v52;
	v59 =	vld.idx.msk [tilespmem:v35+s16+$0x0], $0xffff;
	v3 =	vadd.f32 v6, v3;
	v6 =	vmul.f32 v53, v52  }
0x3bb: {  	v32 =	vld [tilespmem:$0x1FB80]  }
0x3bc: {  	v0 =	vadd.f32 v2, v0;
	v2 =	vld.idx.msk [tilespmem:v35+s20+$0x0], $0xffff;
	v3 =	vadd.f32 v6, v3;
	v6 =	vmul.f32 v55, v8  }
0x3bd: {  	v63 =	vld.idx.msk [tilespmem:v31+s20+$0x0], $0xffff  }
0x3be: {  	v61 =	vmul.f32 v41, v8;
	v8 =	vld.idx.msk [tilespmem:v31+s16+$0x0], $0xffff;
	v3 =	vadd.f32 v6, v3;
	v4 =	vmul.f32 v4, v57  }
0x3bf: {  	v6 =	vld.idx.msk [tilespmem:v27+s16+$0x0], $0xffff  }
0x3c0: {  	v16 =	vmul.f32 v37, v57;
	v0 =	vadd.f32 v61, v0;
	v3 =	vadd.f32 v4, v3;
	v4 =	vld.idx.msk [tilespmem:v23+s16+$0x0], $0xffff  }
0x3c1: {  	v2 =	vmul.f32 v2, v59;
	v23 =	vld [tilespmem:$0x1FBF0]  }
0x3c2: {  	v24 =	vld.idx.msk [tilespmem:v15+s20+$0x0], $0xffff;
	v18 =	vmul.f32 v33, v59;
	v0 =	vadd.f32 v16, v0  }
0x3c3: {  	v29 =	vld [tilespmem:$0x1FBB0];
	v2 =	vadd.f32 v2, v3;
	v3 =	vmul.f32 v63, v8  }
0x3c4: {  	v0 =	vadd.f32 v18, v0;
	v13 =	vmul.f32 v21, v8;
	v8 =	vld.idx.msk [tilespmem:v19+s16+$0x0], $0xffff  }
0x3c5: {  	v27 =	vld [tilespmem:$0x1FBD0];
	v2 =	vadd.f32 v3, v2;
	v3 =	vmul.f32 v17, v6  }
0x3c6: {  	v30 =	vld [tilespmem:$0x1FBA0];
	v0 =	vadd.f32 v13, v0;
	v13 =	vmul.f32 v23, v6  }
0x3c7: {  	v6 =	vld.idx.msk [tilespmem:v15+s16+$0x0], $0xffff;
	v2 =	vadd.f32 v3, v2;
	v3 =	vmul.f32 v20, v4  }
0x3c8: {  	v31 =	vld [tilespmem:$0x1FB90];
	v0 =	vadd.f32 v13, v0;
	v13 =	vmul.f32 v25, v4  }
0x3c9: {  	v4 =	vld.idx.msk [tilespmem:v11+s16+$0x0], $0xffff;
	v2 =	vadd.f32 v3, v2;
	v3 =	vmul.f32 v22, v8  }
0x3ca: {  	v11 =	vmul.f32 v27, v8;
	v8 =	vld.idx.msk [tilespmem:v7+s16+$0x0], $0xffff;
	v0 =	vadd.f32 v13, v0  }
0x3cb: {  	v7 =	vld.idx.msk [tilespmem:v7+s20+$0x0], $0xffff;
	v2 =	vadd.f32 v3, v2  }
0x3cc: {  	v3 =	vmul.f32 v24, v6;
	v0 =	vadd.f32 v11, v0;
	v11 =	vmul.f32 v28, v6;
	v6 =	vld.idx.msk [tilespmem:v5+s16+$0x0], $0xffff  }
0x3cd: {  	v5 =	vld.idx.msk [tilespmem:v5+s20+$0x0], $0xffff  }
0x3ce: {  	v10 =	vmul.f32 v29, v4;
	v2 =	vadd.f32 v3, v2;
	v3 =	vmul.f32 v26, v4;
	v4 =	vld.idx.msk [tilespmem:v1+s16+$0x0], $0xffff  }
0x3cf: {  	v1 =	vld.idx.msk [tilespmem:v1+s20+$0x0], $0xffff;
	v0 =	vadd.f32 v11, v0  }
0x3d0: {  	v2 =	vadd.f32 v3, v2;
	v3 =	vmul.f32 v7, v8;
	v7 =	vld.idx.msk [tilespmem:v62+s16+$0x0], $0xffff  }
0x3d1: {  	v9 =	vmul.f32 v30, v8;
	v8 =	vld.idx.msk [tilespmem:v62+s20+$0x0], $0xffff;
	v0 =	vadd.f32 v10, v0  }
0x3d2: {  	v2 =	vadd.f32 v3, v2;
	v3 =	vmul.f32 v5, v6;
	v5 =	vld.idx.msk [tilespmem:v60+s16+$0x0], $0xffff  }
0x3d3: {  	v0 =	vadd.f32 v9, v0;
	v9 =	vmul.f32 v31, v6;
	v6 =	vld.idx.msk [tilespmem:v60+s20+$0x0], $0xffff  }
0x3d4: {  	v1 =	vmul.f32 v1, v4;
	v2 =	vadd.f32 v3, v2;
	v3 =	vld.idx.msk [tilespmem:v58+s16+$0x0], $0xffff  }
0x3d5: {  	v0 =	vadd.f32 v9, v0;
	v9 =	vmul.f32 v32, v4;
	v4 =	vld.idx.msk [tilespmem:v58+s20+$0x0], $0xffff  }
0x3d6: {  	v1 =	vadd.f32 v1, v2;
	v2 =	vmul.f32 v8, v7;
	v8 =	vld [tilespmem:$0x1FB30];
	_ =	sdelay $0x1  }
0x3d7: {  	v1 =	vadd.f32 v2, v1;
	v2 =	vmul.f32 v6, v5;
	v6 =	vld [tilespmem:$0x1FB10]  }
0x3d8: {  	v33 =	vld [tilespmem:$0x1FB70]  }
0x3d9: {  	v1 =	vadd.f32 v2, v1;
	v2 =	vmul.f32 v4, v3;
	v4 =	vld [tilespmem:$0x1FAF0]  }
0x3da: {  	v34 =	vld [tilespmem:$0x1FB60];
	_ =	sdelay $0x1  }
0x3db: {  	v35 =	vld [tilespmem:$0x1FB50]  }
0x3dc: {  	v0 =	vadd.f32 v9, v0;
	v9 =	vmul.f32 v33, v7;
	v7 =	vld.idx.msk [tilespmem:v8+s16+$0x0], $0xffff  }
0x3dd: {  	v8 =	vld.idx.msk [tilespmem:v8+s20+$0x0], $0xffff  }
0x3de: {  	v0 =	vadd.f32 v9, v0;
	v9 =	vmul.f32 v34, v5;
	v5 =	vld.idx.msk [tilespmem:v6+s16+$0x0], $0xffff  }
0x3df: {  	v6 =	vld.idx.msk [tilespmem:v6+s20+$0x0], $0xffff  }
0x3e0: {  	v0 =	vadd.f32 v9, v0;
	v9 =	vmul.f32 v35, v3;
	v3 =	vld.idx.msk [tilespmem:v4+s16+$0x0], $0xffff  }
0x3e1: {  	v4 =	vld.idx.msk [tilespmem:v4+s20+$0x0], $0xffff  }
0x3e2: {  	v1 =	vadd.f32 v2, v1;
	v2 =	vmul.f32 v8, v7;
	v8 =	vld [tilespmem:$0x1FAD0];
	_ =	sdelay $0x1  }
0x3e3: {  	v1 =	vadd.f32 v2, v1;
	v2 =	vmul.f32 v6, v5;
	v6 =	vld [tilespmem:$0x1FAB0]  }
0x3e4: {  	v36 =	vld [tilespmem:$0x1FB40]  }
0x3e5: {  	v1 =	vadd.f32 v2, v1;
	v2 =	vmul.f32 v4, v3;
	v4 =	vld [tilespmem:$0x1FA90]  }
0x3e6: {  	v37 =	vld [tilespmem:$0x1FB20];
	_ =	sdelay $0x1  }
0x3e7: {  	v38 =	vld [tilespmem:$0x1FB00]  }
0x3e8: {  	v0 =	vadd.f32 v9, v0;
	v9 =	vmul.f32 v36, v7;
	v7 =	vld.idx.msk [tilespmem:v8+s16+$0x0], $0xffff  }
0x3e9: {  	v8 =	vld.idx.msk [tilespmem:v8+s20+$0x0], $0xffff  }
0x3ea: {  	v0 =	vadd.f32 v9, v0;
	v9 =	vmul.f32 v37, v5;
	v5 =	vld.idx.msk [tilespmem:v6+s16+$0x0], $0xffff  }
0x3eb: {  	v6 =	vld.idx.msk [tilespmem:v6+s20+$0x0], $0xffff  }
0x3ec: {  	v0 =	vadd.f32 v9, v0;
	v9 =	vmul.f32 v38, v3;
	v3 =	vld.idx.msk [tilespmem:v4+s16+$0x0], $0xffff  }
0x3ed: {  	v4 =	vld.idx.msk [tilespmem:v4+s20+$0x0], $0xffff  }
0x3ee: {  	v1 =	vadd.f32 v2, v1;
	v2 =	vmul.f32 v8, v7;
	v8 =	vld [tilespmem:$0x1FA70];
	_ =	sdelay $0x1  }
0x3ef: {  	v1 =	vadd.f32 v2, v1;
	v2 =	vmul.f32 v6, v5;
	v6 =	vld [tilespmem:$0x1FA50]  }
0x3f0: {  	v39 =	vld [tilespmem:$0x1FAE0]  }
0x3f1: {  	v1 =	vadd.f32 v2, v1;
	v2 =	vmul.f32 v4, v3;
	v4 =	vld [tilespmem:$0x1FA30]  }
0x3f2: {  	v40 =	vld [tilespmem:$0x1FAC0];
	_ =	sdelay $0x1  }
0x3f3: {  	v41 =	vld [tilespmem:$0x1FAA0]  }
0x3f4: {  	v0 =	vadd.f32 v9, v0;
	v9 =	vmul.f32 v39, v7;
	v7 =	vld.idx.msk [tilespmem:v8+s16+$0x0], $0xffff  }
0x3f5: {  	v8 =	vld.idx.msk [tilespmem:v8+s20+$0x0], $0xffff  }
0x3f6: {  	v0 =	vadd.f32 v9, v0;
	v9 =	vmul.f32 v40, v5;
	v5 =	vld.idx.msk [tilespmem:v6+s16+$0x0], $0xffff  }
0x3f7: {  	v6 =	vld.idx.msk [tilespmem:v6+s20+$0x0], $0xffff  }
0x3f8: {  	v0 =	vadd.f32 v9, v0;
	v9 =	vmul.f32 v41, v3;
	v3 =	vld.idx.msk [tilespmem:v4+s16+$0x0], $0xffff  }
0x3f9: {  	v4 =	vld.idx.msk [tilespmem:v4+s20+$0x0], $0xffff  }
0x3fa: {  	v1 =	vadd.f32 v2, v1;
	v2 =	vmul.f32 v8, v7;
	v8 =	vld [tilespmem:$0x1FA10];
	_ =	sdelay $0x1  }
0x3fb: {  	v1 =	vadd.f32 v2, v1;
	v2 =	vmul.f32 v6, v5;
	v6 =	vld [tilespmem:$0x1F9F0]  }
0x3fc: {  	v42 =	vld [tilespmem:$0x1FA80]  }
0x3fd: {  	v1 =	vadd.f32 v2, v1;
	v2 =	vmul.f32 v4, v3;
	v4 =	vld [tilespmem:$0x1F9D0]  }
0x3fe: {  	v43 =	vld [tilespmem:$0x1FA60];
	_ =	sdelay $0x1  }
0x3ff: {  	v44 =	vld [tilespmem:$0x1FA40]  }
0x400: {  	v0 =	vadd.f32 v9, v0;
	v9 =	vmul.f32 v42, v7;
	v7 =	vld.idx.msk [tilespmem:v8+s16+$0x0], $0xffff  }
0x401: {  	v8 =	vld.idx.msk [tilespmem:v8+s20+$0x0], $0xffff  }
0x402: {  	v0 =	vadd.f32 v9, v0;
	v9 =	vmul.f32 v43, v5;
	v5 =	vld.idx.msk [tilespmem:v6+s16+$0x0], $0xffff  }
0x403: {  	v6 =	vld.idx.msk [tilespmem:v6+s20+$0x0], $0xffff  }
0x404: {  	v0 =	vadd.f32 v9, v0;
	v9 =	vmul.f32 v44, v3;
	v3 =	vld.idx.msk [tilespmem:v4+s16+$0x0], $0xffff  }
0x405: {  	v4 =	vld.idx.msk [tilespmem:v4+s20+$0x0], $0xffff  }
0x406: {  	v1 =	vadd.f32 v2, v1;
	v2 =	vmul.f32 v8, v7;
	v8 =	vld [tilespmem:$0x1F9B0];
	_ =	sdelay $0x1  }
0x407: {  	v1 =	vadd.f32 v2, v1;
	v2 =	vmul.f32 v6, v5;
	v6 =	vld [tilespmem:$0x1F990]  }
0x408: {  	v45 =	vld [tilespmem:$0x1FA20]  }
0x409: {  	v1 =	vadd.f32 v2, v1;
	v2 =	vmul.f32 v4, v3;
	v4 =	vld [tilespmem:$0x1F970]  }
0x40a: {  	v46 =	vld [tilespmem:$0x1FA00];
	_ =	sdelay $0x1  }
0x40b: {  	v47 =	vld [tilespmem:$0x1F9E0]  }
0x40c: {  	v0 =	vadd.f32 v9, v0;
	v9 =	vmul.f32 v45, v7;
	v7 =	vld.idx.msk [tilespmem:v8+s16+$0x0], $0xffff  }
0x40d: {  	v8 =	vld.idx.msk [tilespmem:v8+s20+$0x0], $0xffff  }
0x40e: {  	v0 =	vadd.f32 v9, v0;
	v9 =	vmul.f32 v46, v5;
	v5 =	vld.idx.msk [tilespmem:v6+s16+$0x0], $0xffff  }
0x40f: {  	v6 =	vld.idx.msk [tilespmem:v6+s20+$0x0], $0xffff  }
0x410: {  	v0 =	vadd.f32 v9, v0;
	v9 =	vmul.f32 v47, v3;
	v3 =	vld.idx.msk [tilespmem:v4+s16+$0x0], $0xffff  }
0x411: {  	v4 =	vld.idx.msk [tilespmem:v4+s20+$0x0], $0xffff  }
0x412: {  	v1 =	vadd.f32 v2, v1;
	v2 =	vmul.f32 v8, v7;
	v8 =	vld [tilespmem:$0x1F950];
	_ =	sdelay $0x1  }
0x413: {  	v1 =	vadd.f32 v2, v1;
	v2 =	vmul.f32 v6, v5;
	v6 =	vld [tilespmem:$0x1F930]  }
0x414: {  	v48 =	vld [tilespmem:$0x1F9C0]  }
0x415: {  	v1 =	vadd.f32 v2, v1;
	v2 =	vmul.f32 v4, v3;
	v4 =	vld [tilespmem:$0x1F910]  }
0x416: {  	v49 =	vld [tilespmem:$0x1F9A0];
	_ =	sdelay $0x1  }
0x417: {  	v50 =	vld [tilespmem:$0x1F980]  }
0x418: {  	v0 =	vadd.f32 v9, v0;
	v9 =	vmul.f32 v48, v7;
	v7 =	vld.idx.msk [tilespmem:v8+s16+$0x0], $0xffff  }
0x419: {  	v8 =	vld.idx.msk [tilespmem:v8+s20+$0x0], $0xffff  }
0x41a: {  	v0 =	vadd.f32 v9, v0;
	v9 =	vmul.f32 v49, v5;
	v5 =	vld.idx.msk [tilespmem:v6+s16+$0x0], $0xffff  }
0x41b: {  	v6 =	vld.idx.msk [tilespmem:v6+s20+$0x0], $0xffff  }
0x41c: {  	v0 =	vadd.f32 v9, v0;
	v9 =	vmul.f32 v50, v3;
	v3 =	vld.idx.msk [tilespmem:v4+s16+$0x0], $0xffff  }
0x41d: {  	v4 =	vld.idx.msk [tilespmem:v4+s20+$0x0], $0xffff  }
0x41e: {  	v1 =	vadd.f32 v2, v1;
	v2 =	vmul.f32 v8, v7;
	v8 =	vld [tilespmem:$0x1F8F0];
	_ =	sdelay $0x1  }
0x41f: {  	v1 =	vadd.f32 v2, v1;
	v2 =	vmul.f32 v6, v5;
	v6 =	vld [tilespmem:$0x1F8D0]  }
0x420: {  	v51 =	vld [tilespmem:$0x1F960]  }
0x421: {  	v1 =	vadd.f32 v2, v1;
	v2 =	vmul.f32 v4, v3;
	v4 =	vld [tilespmem:$0x1F8B0]  }
0x422: {  	v52 =	vld [tilespmem:$0x1F940];
	_ =	sdelay $0x1  }
0x423: {  	v53 =	vld [tilespmem:$0x1F920]  }
0x424: {  	v0 =	vadd.f32 v9, v0;
	v9 =	vmul.f32 v51, v7;
	v7 =	vld.idx.msk [tilespmem:v8+s16+$0x0], $0xffff  }
0x425: {  	v8 =	vld.idx.msk [tilespmem:v8+s20+$0x0], $0xffff  }
0x426: {  	v0 =	vadd.f32 v9, v0;
	v9 =	vmul.f32 v52, v5;
	v5 =	vld.idx.msk [tilespmem:v6+s16+$0x0], $0xffff  }
0x427: {  	v6 =	vld.idx.msk [tilespmem:v6+s20+$0x0], $0xffff  }
0x428: {  	v0 =	vadd.f32 v9, v0;
	v9 =	vmul.f32 v53, v3;
	v3 =	vld.idx.msk [tilespmem:v4+s16+$0x0], $0xffff  }
0x429: {  	v4 =	vld.idx.msk [tilespmem:v4+s20+$0x0], $0xffff  }
0x42a: {  	v1 =	vadd.f32 v2, v1;
	v2 =	vmul.f32 v8, v7;
	v8 =	vld [tilespmem:$0x1F890];
	_ =	sdelay $0x1  }
0x42b: {  	v1 =	vadd.f32 v2, v1;
	v2 =	vmul.f32 v6, v5;
	v6 =	vld [tilespmem:$0x1F870]  }
0x42c: {  	v55 =	vld [tilespmem:$0x1F900]  }
0x42d: {  	v1 =	vadd.f32 v2, v1;
	v2 =	vmul.f32 v4, v3;
	v4 =	vld [tilespmem:$0x1F850]  }
0x42e: {  	v57 =	vld [tilespmem:$0x1F8E0];
	_ =	sdelay $0x1  }
0x42f: {  	v58 =	vld [tilespmem:$0x1F8C0]  }
0x430: {  	v0 =	vadd.f32 v9, v0;
	v9 =	vmul.f32 v55, v7;
	v7 =	vld.idx.msk [tilespmem:v8+s16+$0x0], $0xffff  }
0x431: {  	v8 =	vld.idx.msk [tilespmem:v8+s20+$0x0], $0xffff  }
0x432: {  	v0 =	vadd.f32 v9, v0;
	v9 =	vmul.f32 v57, v5;
	v5 =	vld.idx.msk [tilespmem:v6+s16+$0x0], $0xffff  }
0x433: {  	v6 =	vld.idx.msk [tilespmem:v6+s20+$0x0], $0xffff  }
0x434: {  	v0 =	vadd.f32 v9, v0;
	v9 =	vmul.f32 v58, v3;
	v3 =	vld.idx.msk [tilespmem:v4+s16+$0x0], $0xffff  }
0x435: {  	v4 =	vld.idx.msk [tilespmem:v4+s20+$0x0], $0xffff  }
0x436: {  	v1 =	vadd.f32 v2, v1;
	v2 =	vmul.f32 v8, v7;
	v8 =	vld [tilespmem:$0x1F830]  }
0x437: {  	v59 =	vld [tilespmem:$0x1F8A0]  }
0x438: {  	v1 =	vadd.f32 v2, v1;
	v2 =	vmul.f32 v6, v5;
	v6 =	vld [tilespmem:$0x1F810]  }
0x439: {  	v61 =	vld [tilespmem:$0x1F860]  }
0x43a: {  	v60 =	vld [tilespmem:$0x1F880]  }
0x43b: {  	v1 =	vadd.f32 v2, v1;
	v2 =	vmul.f32 v4, v3;
	v4 =	vld [tilespmem:$0x1F7F0]  }
0x43c: {  	v63 =	vld [tilespmem:$0x1F820]  }
0x43d: {  	v62 =	vld [tilespmem:$0x1F840];
	v0 =	vadd.f32 v9, v0;
	v9 =	vmul.f32 v59, v7  }
0x43e: {  	v7 =	vld.idx.msk [tilespmem:v8+s16+$0x0], $0xffff  }
0x43f: {  	v0 =	vadd.f32 v9, v0;
	v9 =	vmul.f32 v60, v5;
	v8 =	vld.idx.msk [tilespmem:v8+s20+$0x0], $0xffff  }
0x440: {  	v5 =	vld.idx.msk [tilespmem:v6+s16+$0x0], $0xffff  }
0x441: {  	v0 =	vadd.f32 v9, v0;
	v9 =	vmul.f32 v61, v3;
	v6 =	vld.idx.msk [tilespmem:v6+s20+$0x0], $0xffff;
	_ =	sdelay $0x1  }
0x442: {  	v0 =	vadd.f32 v9, v0;
	v3 =	vld.idx.msk [tilespmem:v4+s16+$0x0], $0xffff;
	v9 =	vmul.f32 v62, v7  }
0x443: {  	v1 =	vadd.f32 v2, v1;
	v2 =	vmul.f32 v8, v7;
	v8 =	vld [tilespmem:$0x1F7D0]  }
0x444: {  	v4 =	vld.idx.msk [tilespmem:v4+s20+$0x0], $0xffff;
	v0 =	vadd.f32 v9, v0  }
0x445: {  	v9 =	vmul.f32 v63, v5;
	v1 =	vadd.f32 v2, v1;
	v2 =	vmul.f32 v6, v5;
	v5 =	vld [tilespmem:$0x1F800];
	_ =	sdelay $0x4  }
0x446: {  	v1 =	vadd.f32 v2, v1;
	v2 =	vmul.f32 v4, v3;
	v5 =	vmul.f32 v5, v3;
	v3 =	vld [tilespmem:$0x1F7E0]  }
0x447: {  	v7 =	vld.idx.msk [tilespmem:v8+s16+$0x0], $0xffff  }
0x448: {  	v8 =	vld.idx.msk [tilespmem:v8+s20+$0x0], $0xffff;
	_ =	sdelay $0x1  }
0x449: {  	v0 =	vadd.f32 v9, v0;
	_ =	sdelay $0x1  }
0x44a: {  	v0 =	vadd.f32 v5, v0;
	v3 =	vmul.f32 v3, v7  }
0x44b: {  	v1 =	vadd.f32 v2, v1;
	v2 =	vmul.f32 v8, v7  }
0x44c: {  	v0 =	vadd.f32 v3, v0  }
0x44d: {  	s28 =	sadd.s32 $0x10, s28;
	v1 =	vadd.f32 v2, v1  }
0x44e: {  	v6 =	vld [tilespmem:$0x1FFE0];
	[tilespmem:s28+$0x0] =	vst v0;
	s28 =	sadd.s32 $0x10, s29  }
0x44f: {  	v7 =	vld [tilespmem:$0x1FFF0];
	[tilespmem:s28+$0x0] =	vst v1;
	s28 =	simm.s32 $0x0  }
0x450: {  	v1 =	vld [tilespmem:s28+$0x500]  }
0x451: {  	v2 =	vld [tilespmem:s28+$0x100]  }
0x452: {  	s29 =	simm.s32 $0x40;
	v0 =	vld [tilespmem:s28+$0x300]  }
.LBB2_6:
0x453: {  	p0 =	sne.s32 s29, $0x3C0  }
.Ltmp2:
0x454: {  	_ = 	snop;
	(pc) =	sbr.rel @p0 .LBB2_6-.Ltmp2, $4  }
0x455: {  	s30 =	sshra.s32 s29, $0x2;
	v3 =	vshll.u32 v1, $0x1  }
0x456: {  	v1 =	vld [tilespmem:s30+$0x500];
	v4 =	vshll.u32 v2, $0x1;
	[tilespmem:s28+$0x800] =	vst v3  }
0x457: {  	v2 =	vld [tilespmem:s30+$0x100];
	[tilespmem:s28+$0x600] =	vst v4;
	v3 =	vshll.u32 v0, $0x1  }
0x458: {  	s29 =	sadd.s32 $0x40, s29;
	v0 =	vld [tilespmem:s30+$0x300];
	[tilespmem:s28+$0x700] =	vst v3;
	s28 =	smov.u32 s30  }
0x459: {  	_ =	sdelay $0x1  }
0x45a: {  	v1 =	vshll.u32 v1, $0x1  }
0x45b: {  	v2 =	vshll.u32 v2, $0x1;
	[tilespmem:s28+$0x800] =	vst v1  }
0x45c: {  	[tilespmem:s28+$0x600] =	vst v2;
	v0 =	vshll.u32 v0, $0x1  }
0x45d: {  	[tilespmem:s28+$0x700] =	vst v0  }
0x45e: {  	[tilespmem:s16], [sflag:$0x1] =	stream.indirect.gather [hbm4b:s3+s14], $0x40, s15, s14, $0xb8;
	[tilespmem:$0x18D00] =	vst v63  }
0x45f: {  	_ = 	snop  }
0x460: {  	[tilespmem:s18], [sflag:$0x2] =	stream.indirect.gather [hbm4b:s4+s14], $0x40, s17, s14, $0xb8;
	[tilespmem:$0x18D00] =	vst v63  }
0x461: {  	_ = 	snop  }
0x462: {  	[tilespmem:s20], [sflag:$0x3] =	stream.indirect.gather [hbm4b:s4+s14], $0x40, s19, s14, $0xb8;
	[tilespmem:$0x18D00] =	vst v63  }
0x463: {  	_ =	swait.ge [sflag:s21], $0x4000  }
0x464: {  	[sflag:s21] =	ssyncset.done $0x0  }
0x465: {  	[sflag:s21] =	ssyncadd.s32 $0xFFFFC000  }
0x466: {  	_ =	swait.ge [sflag:s22], $0x4000  }
0x467: {  	s28 =	simm.s32 $0x0;
	v1 =	vld [tilespmem:$0x1FFC0]  }
0x468: {  	v0 =	vmov s28  }
0x469: {  	v0 =	vshll.u32 v0, $0x6;
	[sflag:s22] =	ssyncset.done $0x0  }
0x46a: {  	v0 =	vor.u32 v54, v0;
	[sflag:s22] =	ssyncadd.s32 $0xFFFFC000  }
0x46b: {  	v3 =	vand.u32 $0x3F80, v0;
	v0 =	vld [tilespmem:$0x1FFD0];
	_ =	swait.ge [sflag:s23], $0x4000  }
0x46c: {  	v5 =	vor.u32 v1, v3;
	v1 =	vld [tilespmem:$0x1FFB0];
	_ =	sdelay $0x4  }
0x46d: {  	v14 =	vor.u32 v1, v3;
	v1 =	vld [tilespmem:$0x1FFA0];
	_ =	sdelay $0x4  }
0x46e: {  	v17 =	vor.u32 v1, v3;
	v1 =	vld [tilespmem:$0x1FF90];
	_ =	sdelay $0x4  }
0x46f: {  	v0 =	vor.u32 v0, v3;
	v15 =	vor.u32 v1, v3;
	v1 =	vld [tilespmem:$0x1FF80];
	_ =	sdelay $0x2  }
0x470: {  	[sflag:s23] =	ssyncset.done $0x0  }
0x471: {  	[sflag:s23] =	ssyncadd.s32 $0xFFFFC000  }
0x472: {  	v13 =	vor.u32 v1, v3;
	v1 =	vld.idx.msk [tilespmem:v0+s18+$0x0], $0xffff;
	_ =	sdelay $0x4  }
0x473: {  	[tilespmem:$0x1F0D0] =	vst v1;
	v1 =	vld [tilespmem:$0x1FF70];
	_ =	sdelay $0x4  }
0x474: {  	v18 =	vor.u32 v1, v3;
	v1 =	vld.idx.msk [tilespmem:v5+s18+$0x0], $0xffff;
	_ =	sdelay $0x4  }
0x475: {  	[tilespmem:$0x1F0C0] =	vst v1;
	v1 =	vld [tilespmem:$0x1FF60];
	_ =	sdelay $0x4  }
0x476: {  	v19 =	vor.u32 v1, v3;
	v1 =	vld.idx.msk [tilespmem:v14+s18+$0x0], $0xffff;
	_ =	sdelay $0x4  }
0x477: {  	[tilespmem:$0x1F0B0] =	vst v1;
	v1 =	vld [tilespmem:$0x1FF50];
	_ =	sdelay $0x4  }
0x478: {  	v20 =	vor.u32 v1, v3;
	v1 =	vld.idx.msk [tilespmem:v17+s18+$0x0], $0xffff;
	_ =	sdelay $0x4  }
0x479: {  	[tilespmem:$0x1F0A0] =	vst v1;
	v1 =	vld [tilespmem:$0x1FF40];
	_ =	sdelay $0x4  }
0x47a: {  	v21 =	vor.u32 v1, v3;
	v1 =	vld.idx.msk [tilespmem:v15+s18+$0x0], $0xffff;
	_ =	sdelay $0x4  }
0x47b: {  	[tilespmem:$0x1F090] =	vst v1;
	v1 =	vld [tilespmem:$0x1FF30];
	_ =	sdelay $0x4  }
0x47c: {  	v22 =	vor.u32 v1, v3;
	v1 =	vld.idx.msk [tilespmem:v13+s18+$0x0], $0xffff;
	_ =	sdelay $0x4  }
0x47d: {  	[tilespmem:$0x1F080] =	vst v1;
	v1 =	vld [tilespmem:$0x1FF20]  }
0x47e: {  	v30 =	vor.u32 v56, v3  }
0x47f: {  	v31 =	vor.u32 v7, v3  }
0x480: {  	v32 =	vor.u32 v6, v3;
	_ =	sdelay $0x1  }
0x481: {  	v23 =	vor.u32 v1, v3;
	v1 =	vld.idx.msk [tilespmem:v18+s18+$0x0], $0xffff  }
0x482: {  	v34 =	vld.idx.msk [tilespmem:v30+s18+$0x0], $0xffff  }
0x483: {  	v37 =	vld.idx.msk [tilespmem:v31+s18+$0x0], $0xffff  }
0x484: {  	v40 =	vld.idx.msk [tilespmem:v32+s18+$0x0], $0xffff  }
0x485: {  	v41 =	vld.idx.msk [tilespmem:v32+s16+$0x0], $0xffff  }
0x486: {  	[tilespmem:$0x1F070] =	vst v1;
	v1 =	vld [tilespmem:$0x1FF10]  }
0x487: {  	v47 =	vld.idx.msk [tilespmem:v30+s16+$0x0], $0xffff  }
0x488: {  	v48 =	vld.idx.msk [tilespmem:v30+s20+$0x0], $0xffff  }
0x489: {  	v7 =	vld.idx.msk [tilespmem:v18+s16+$0x0], $0xffff  }
0x48a: {  	v16 =	vld.idx.msk [tilespmem:v18+s20+$0x0], $0xffff  }
0x48b: {  	v24 =	vor.u32 v1, v3;
	v1 =	vld.idx.msk [tilespmem:v19+s18+$0x0], $0xffff  }
0x48c: {  	v6 =	vld.idx.msk [tilespmem:v19+s16+$0x0], $0xffff  }
0x48d: {  	v12 =	vld.idx.msk [tilespmem:v19+s20+$0x0], $0xffff  }
0x48e: {  	v2 =	vld.idx.msk [tilespmem:v21+s16+$0x0], $0xffff  }
0x48f: {  	v10 =	vld.idx.msk [tilespmem:v21+s20+$0x0], $0xffff  }
0x490: {  	[tilespmem:$0x1F060] =	vst v1;
	v1 =	vld [tilespmem:$0x1FF00]  }
0x491: {  	v36 =	vld.idx.msk [tilespmem:v22+s18+$0x0], $0xffff  }
0x492: {  	v9 =	vld.idx.msk [tilespmem:v22+s20+$0x0], $0xffff  }
0x493: {  	v18 =	vld [tilespmem:$0x1FC10]  }
0x494: {  	v46 =	vld.idx.msk [tilespmem:v23+s18+$0x0], $0xffff  }
0x495: {  	v25 =	vor.u32 v1, v3;
	v1 =	vld.idx.msk [tilespmem:v20+s18+$0x0], $0xffff  }
0x496: {  	v62 =	vld.idx.msk [tilespmem:v23+s16+$0x0], $0xffff  }
0x497: {  	v63 =	vld.idx.msk [tilespmem:v23+s20+$0x0], $0xffff  }
0x498: {  	v23 =	vld.idx.msk [tilespmem:v5+s20+$0x0], $0xffff  }
0x499: {  	v19 =	vld.idx.msk [tilespmem:v14+s16+$0x0], $0xffff  }
0x49a: {  	[tilespmem:$0x1F050] =	vst v1;
	v1 =	vld [tilespmem:$0x1FEF0]  }
0x49b: {  	v44 =	vld.idx.msk [tilespmem:v24+s18+$0x0], $0xffff  }
0x49c: {  	v60 =	vld.idx.msk [tilespmem:v24+s16+$0x0], $0xffff  }
0x49d: {  	v61 =	vld.idx.msk [tilespmem:v24+s20+$0x0], $0xffff  }
0x49e: {  	v43 =	vld.idx.msk [tilespmem:v25+s18+$0x0], $0xffff  }
0x49f: {  	v26 =	vor.u32 v1, v3;
	v1 =	vld.idx.msk [tilespmem:v21+s18+$0x0], $0xffff  }
0x4a0: {  	v58 =	vld.idx.msk [tilespmem:v25+s16+$0x0], $0xffff  }
0x4a1: {  	v59 =	vld.idx.msk [tilespmem:v25+s20+$0x0], $0xffff  }
0x4a2: {  	v21 =	vld.idx.msk [tilespmem:v14+s20+$0x0], $0xffff  }
0x4a3: {  	v14 =	vld.idx.msk [tilespmem:v5+s16+$0x0], $0xffff  }
0x4a4: {  	[tilespmem:$0x1F040] =	vst v1;
	v1 =	vld [tilespmem:$0x1FEE0]  }
0x4a5: {  	v25 =	vor.u32 v18, v3;
	v5 =	vld [tilespmem:$0x1FC20]  }
0x4a6: {  	v24 =	vld.idx.msk [tilespmem:v0+s20+$0x0], $0xffff  }
0x4a7: {  	v18 =	vld.idx.msk [tilespmem:v0+s16+$0x0], $0xffff  }
0x4a8: {  	v0 =	vld [tilespmem:$0x1FC30]  }
0x4a9: {  	v27 =	vor.u32 v1, v3;
	v1 =	vld [tilespmem:$0x1FED0]  }
0x4aa: {  	v30 =	vld.idx.msk [tilespmem:v25+s20+$0x0], $0xffff;
	v5 =	vor.u32 v5, v3  }
0x4ab: {  	v39 =	vld.idx.msk [tilespmem:v26+s18+$0x0], $0xffff  }
0x4ac: {  	v56 =	vld.idx.msk [tilespmem:v26+s16+$0x0], $0xffff  }
0x4ad: {  	v57 =	vld.idx.msk [tilespmem:v26+s20+$0x0], $0xffff  }
0x4ae: {  	v28 =	vor.u32 v1, v3;
	v1 =	vld [tilespmem:$0x1FEC0]  }
0x4af: {  	v26 =	vld.idx.msk [tilespmem:v5+s16+$0x0], $0xffff  }
0x4b0: {  	v38 =	vld.idx.msk [tilespmem:v27+s18+$0x0], $0xffff  }
0x4b1: {  	v53 =	vld.idx.msk [tilespmem:v27+s16+$0x0], $0xffff  }
0x4b2: {  	v54 =	vld.idx.msk [tilespmem:v27+s20+$0x0], $0xffff  }
0x4b3: {  	v29 =	vor.u32 v1, v3;
	v35 =	vld.idx.msk [tilespmem:v28+s18+$0x0], $0xffff  }
0x4b4: {  	v51 =	vld.idx.msk [tilespmem:v28+s16+$0x0], $0xffff  }
0x4b5: {  	v52 =	vld.idx.msk [tilespmem:v28+s20+$0x0], $0xffff  }
0x4b6: {  	v1 =	vld.idx.msk [tilespmem:v22+s16+$0x0], $0xffff  }
0x4b7: {  	v28 =	vld.idx.msk [tilespmem:v25+s18+$0x0], $0xffff  }
0x4b8: {  	v33 =	vld.idx.msk [tilespmem:v29+s18+$0x0], $0xffff  }
0x4b9: {  	v49 =	vld.idx.msk [tilespmem:v29+s16+$0x0], $0xffff  }
0x4ba: {  	v50 =	vld.idx.msk [tilespmem:v29+s20+$0x0], $0xffff;
	v29 =	vor.u32 v0, v3  }
0x4bb: {  	v22 =	vld.idx.msk [tilespmem:v25+s16+$0x0], $0xffff  }
0x4bc: {  	v25 =	vld.idx.msk [tilespmem:v5+s18+$0x0], $0xffff  }
0x4bd: {  	v0 =	vld [tilespmem:$0x1FC40]  }
0x4be: {  	v5 =	vld.idx.msk [tilespmem:v5+s20+$0x0], $0xffff  }
0x4bf: {  	v27 =	vld.idx.msk [tilespmem:v29+s18+$0x0], $0xffff  }
0x4c0: {  	v32 =	vld.idx.msk [tilespmem:v32+s20+$0x0], $0xffff  }
0x4c1: {  	v42 =	vld.idx.msk [tilespmem:v31+s16+$0x0], $0xffff  }
0x4c2: {  	v45 =	vld.idx.msk [tilespmem:v31+s20+$0x0], $0xffff;
	v0 =	vor.u32 v0, v3  }
0x4c3: {  	[tilespmem:$0x1F0E0] =	vst v5  }
0x4c4: {  	v5 =	vmul.f32 v40, v41;
	[tilespmem:$0x1F0F0] =	vst v27;
	v27 =	vld [tilespmem:$0x1FC50]  }
0x4c5: {  	v32 =	vmul.f32 v32, v41  }
0x4c6: {  	v37 =	vmul.f32 v37, v42;
	v5 =	vadd.f32 $0.0e+00, v5;
	v31 =	vld.idx.msk [tilespmem:v29+s20+$0x0], $0xffff  }
0x4c7: {  	v41 =	vmul.f32 v45, v42;
	v42 =	vadd.f32 $0.0e+00, v32;
	v32 =	vld.idx.msk [tilespmem:v0+s16+$0x0], $0xffff  }
0x4c8: {  	v34 =	vmul.f32 v34, v47;
	v5 =	vadd.f32 v37, v5;
	v37 =	vld.idx.msk [tilespmem:v0+s20+$0x0], $0xffff  }
0x4c9: {  	v40 =	vor.u32 v27, v3;
	v27 =	vld.idx.msk [tilespmem:v29+s16+$0x0], $0xffff  }
0x4ca: {  	v29 =	vld.idx.msk [tilespmem:v0+s18+$0x0], $0xffff;
	v0 =	vadd.f32 v34, v5;
	v5 =	vmul.f32 v33, v49  }
0x4cb: {  	v45 =	vld [tilespmem:$0x1FC60]  }
0x4cc: {  	v0 =	vadd.f32 v5, v0;
	v5 =	vmul.f32 v35, v51;
	_ =	sdelay $0x1  }
0x4cd: {  	v0 =	vadd.f32 v5, v0;
	v5 =	vmul.f32 v38, v53  }
0x4ce: {  	v48 =	vmul.f32 v48, v47;
	v41 =	vadd.f32 v41, v42;
	v49 =	vmul.f32 v50, v49;
	v50 =	vld [tilespmem:$0x1FC70]  }
0x4cf: {  	v45 =	vor.u32 v45, v3;
	v0 =	vadd.f32 v5, v0;
	v5 =	vmul.f32 v39, v56  }
0x4d0: {  	v41 =	vadd.f32 v48, v41  }
0x4d1: {  	v0 =	vadd.f32 v5, v0;
	v5 =	vmul.f32 v43, v58  }
0x4d2: {  	v42 =	vmul.f32 v52, v51;
	v41 =	vadd.f32 v49, v41  }
0x4d3: {  	v47 =	vor.u32 v50, v3;
	v0 =	vadd.f32 v5, v0;
	v5 =	vmul.f32 v44, v60  }
0x4d4: {  	v35 =	vld.idx.msk [tilespmem:v45+s18+$0x0], $0xffff;
	v41 =	vadd.f32 v42, v41;
	v53 =	vmul.f32 v54, v53  }
0x4d5: {  	v38 =	vld.idx.msk [tilespmem:v45+s16+$0x0], $0xffff;
	v0 =	vadd.f32 v5, v0;
	v5 =	vmul.f32 v46, v62  }
0x4d6: {  	v42 =	vld.idx.msk [tilespmem:v45+s20+$0x0], $0xffff;
	v54 =	vmul.f32 v57, v56;
	v49 =	vadd.f32 v53, v41  }
0x4d7: {  	v0 =	vadd.f32 v5, v0;
	v5 =	vld [tilespmem:$0x1F7C0]  }
0x4d8: {  	v57 =	vadd.f32 v54, v49;
	v58 =	vmul.f32 v59, v58;
	v39 =	vld.idx.msk [tilespmem:v47+s18+$0x0], $0xffff  }
0x4d9: {  	v41 =	vld.idx.msk [tilespmem:v47+s16+$0x0], $0xffff  }
0x4da: {  	v61 =	vmul.f32 v61, v60;
	v45 =	vld.idx.msk [tilespmem:v47+s20+$0x0], $0xffff;
	v47 =	vadd.f32 v58, v57;
	_ =	sdelay $0x1  }
0x4db: {  	v63 =	vmul.f32 v63, v62;
	v49 =	vadd.f32 v61, v47;
	v62 =	vor.u32 v5, v3;
	v5 =	vld [tilespmem:$0x1FE90];
	_ =	sdelay $0x1  }
0x4dc: {  	v36 =	vmul.f32 v36, v1;
	v1 =	vmul.f32 v9, v1;
	v49 =	vadd.f32 v63, v49  }
0x4dd: {  	v60 =	vld [tilespmem:$0x1F7B0]  }
0x4de: {  	v49 =	vadd.f32 v1, v49;
	v1 =	vld [tilespmem:$0x1FCC0]  }
0x4df: {  	v63 =	vor.u32 v5, v3;
	v5 =	vld [tilespmem:$0x1F040];
	_ =	sdelay $0x3  }
0x4e0: {  	v4 =	vld.idx.msk [tilespmem:v20+s16+$0x0], $0xffff;
	v61 =	vor.u32 v60, v3  }
0x4e1: {  	v9 =	vmul.f32 v5, v2;
	v2 =	vmul.f32 v10, v2;
	v10 =	vor.u32 v1, v3;
	v1 =	vld [tilespmem:$0x1F050];
	_ =	sdelay $0x2  }
0x4e2: {  	v0 =	vadd.f32 v36, v0;
	_ =	sdelay $0x1  }
0x4e3: {  	v0 =	vadd.f32 v9, v0;
	v9 =	vmul.f32 v1, v4;
	v1 =	vld.idx.msk [tilespmem:v61+s18+$0x0], $0xffff;
	_ =	sdelay $0x4  }
0x4e4: {  	[tilespmem:$0x1F1E0] =	vst v1;
	v1 =	vld [tilespmem:$0x1FCB0];
	_ =	sdelay $0x4  }
0x4e5: {  	v58 =	vor.u32 v1, v3;
	v1 =	vld.idx.msk [tilespmem:v62+s18+$0x0], $0xffff;
	_ =	sdelay $0x4  }
0x4e6: {  	[tilespmem:$0x1F1D0] =	vst v1;
	v1 =	vld [tilespmem:$0x1F060];
	_ =	sdelay $0x4  }
0x4e7: {  	v0 =	vadd.f32 v9, v0;
	v9 =	vmul.f32 v1, v6;
	v1 =	vld.idx.msk [tilespmem:v63+s18+$0x0], $0xffff;
	_ =	sdelay $0x4  }
0x4e8: {  	[tilespmem:$0x1F1C0] =	vst v1;
	v1 =	vld [tilespmem:$0x1F070];
	_ =	sdelay $0x2  }
0x4e9: {  	v8 =	vld.idx.msk [tilespmem:v13+s16+$0x0], $0xffff  }
0x4ea: {  	v11 =	vld.idx.msk [tilespmem:v20+s20+$0x0], $0xffff  }
0x4eb: {  	v0 =	vadd.f32 v9, v0;
	v9 =	vmul.f32 v1, v7;
	v1 =	vld [tilespmem:$0x1F080];
	_ =	sdelay $0x3  }
0x4ec: {  	v11 =	vmul.f32 v11, v4;
	v49 =	vadd.f32 v2, v49  }
0x4ed: {  	v0 =	vadd.f32 v9, v0;
	v9 =	vmul.f32 v1, v8;
	v1 =	vld [tilespmem:$0x1FE80]  }
0x4ee: {  	v11 =	vadd.f32 v11, v49;
	v6 =	vmul.f32 v12, v6;
	_ =	sdelay $0x1  }
0x4ef: {  	v6 =	vadd.f32 v6, v11;
	v7 =	vmul.f32 v16, v7;
	_ =	sdelay $0x1  }
0x4f0: {  	v6 =	vadd.f32 v7, v6;
	v7 =	vor.u32 v1, v3;
	v1 =	vld [tilespmem:$0x1FE70];
	_ =	sdelay $0x2  }
0x4f1: {  	v20 =	vld.idx.msk [tilespmem:v13+s20+$0x0], $0xffff  }
0x4f2: {  	v13 =	vld.idx.msk [tilespmem:v15+s16+$0x0], $0xffff  }
0x4f3: {  	v0 =	vadd.f32 v9, v0;
	v9 =	vor.u32 v1, v3;
	v1 =	vld [tilespmem:$0x1F090];
	_ =	sdelay $0x4  }
0x4f4: {  	v12 =	vmul.f32 v1, v13;
	v1 =	vld [tilespmem:$0x1FE60];
	_ =	sdelay $0x3  }
0x4f5: {  	v55 =	vld.idx.msk [tilespmem:v15+s20+$0x0], $0xffff  }
0x4f6: {  	v11 =	vor.u32 v1, v3;
	v1 =	vld [tilespmem:$0x1FE50];
	_ =	sdelay $0x2  }
0x4f7: {  	v8 =	vmul.f32 v20, v8  }
0x4f8: {  	v15 =	vld.idx.msk [tilespmem:v17+s16+$0x0], $0xffff  }
0x4f9: {  	v6 =	vadd.f32 v8, v6;
	v8 =	vmul.f32 v55, v13;
	v13 =	vor.u32 v1, v3;
	v1 =	vld [tilespmem:$0x1F0A0]  }
0x4fa: {  	v17 =	vld.idx.msk [tilespmem:v17+s20+$0x0], $0xffff  }
0x4fb: {  	v54 =	vld.idx.msk [tilespmem:v10+s18+$0x0], $0xffff  }
0x4fc: {  	[tilespmem:$0x1F1B0] =	vst v61;
	v61 =	vld.idx.msk [tilespmem:v10+s16+$0x0], $0xffff  }
0x4fd: {  	v55 =	vld.idx.msk [tilespmem:v10+s20+$0x0], $0xffff  }
0x4fe: {  	v10 =	vmul.f32 v1, v15;
	v1 =	vld [tilespmem:$0x1FE40];
	_ =	sdelay $0x4  }
0x4ff: {  	v0 =	vadd.f32 v12, v0;
	v12 =	vmul.f32 v17, v15;
	v15 =	vor.u32 v1, v3;
	v1 =	vld [tilespmem:$0x1FE30];
	_ =	sdelay $0x4  }
0x500: {  	v17 =	vor.u32 v1, v3;
	v1 =	vld [tilespmem:$0x1F0B0];
	_ =	sdelay $0x4  }
0x501: {  	v16 =	vmul.f32 v1, v19;
	v1 =	vld.idx.msk [tilespmem:v7+s18+$0x0], $0xffff;
	_ =	sdelay $0x4  }
0x502: {  	[tilespmem:$0x1F1A0] =	vst v1;
	v1 =	vld [tilespmem:$0x1FE20];
	_ =	sdelay $0x2  }
0x503: {  	v52 =	vld [tilespmem:$0x1FC80];
	_ =	sdelay $0x1  }
0x504: {  	v20 =	vmul.f32 v21, v19;
	v19 =	vor.u32 v1, v3;
	v1 =	vld.idx.msk [tilespmem:v9+s18+$0x0], $0xffff;
	_ =	sdelay $0x1  }
0x505: {  	v28 =	vmul.f32 v28, v22;
	v30 =	vmul.f32 v30, v22;
	v22 =	vld [tilespmem:$0x1FD60]  }
0x506: {  	v48 =	vor.u32 v52, v3;
	v33 =	vld.idx.msk [tilespmem:v40+s18+$0x0], $0xffff  }
0x507: {  	v56 =	vld [tilespmem:$0x1FC90]  }
0x508: {  	[tilespmem:$0x1F180] =	vst v1;
	v1 =	vld [tilespmem:$0x1F0C0]  }
0x509: {  	v34 =	vld.idx.msk [tilespmem:v40+s16+$0x0], $0xffff  }
0x50a: {  	v40 =	vld.idx.msk [tilespmem:v40+s20+$0x0], $0xffff  }
0x50b: {  	v43 =	vld.idx.msk [tilespmem:v48+s18+$0x0], $0xffff;
	v0 =	vadd.f32 v10, v0  }
0x50c: {  	v59 =	vld [tilespmem:$0x1FCA0];
	v51 =	vor.u32 v56, v3  }
0x50d: {  	v0 =	vadd.f32 v16, v0;
	v16 =	vmul.f32 v1, v14;
	v1 =	vld [tilespmem:$0x1FE10]  }
0x50e: {  	v44 =	vld.idx.msk [tilespmem:v48+s16+$0x0], $0xffff  }
0x50f: {  	v48 =	vld.idx.msk [tilespmem:v48+s20+$0x0], $0xffff  }
0x510: {  	v56 =	vld [tilespmem:$0x1FDA0]  }
0x511: {  	v46 =	vld.idx.msk [tilespmem:v51+s18+$0x0], $0xffff  }
0x512: {  	v21 =	vor.u32 v1, v3;
	v1 =	vld.idx.msk [tilespmem:v11+s18+$0x0], $0xffff  }
0x513: {  	v2 =	vld.idx.msk [tilespmem:v17+s18+$0x0], $0xffff  }
0x514: {  	v53 =	vor.u32 v59, v3;
	v47 =	vld.idx.msk [tilespmem:v51+s16+$0x0], $0xffff  }
0x515: {  	v5 =	vld [tilespmem:$0x1FCD0]  }
0x516: {  	v50 =	vld.idx.msk [tilespmem:v51+s20+$0x0], $0xffff  }
0x517: {  	v6 =	vadd.f32 v8, v6;
	[tilespmem:$0x1F160] =	vst v1;
	v1 =	vld [tilespmem:$0x1FE00]  }
0x518: {  	[tilespmem:$0x1F130] =	vst v2;
	v2 =	vld [tilespmem:$0x1FCF0]  }
0x519: {  	v51 =	vld.idx.msk [tilespmem:v53+s18+$0x0], $0xffff;
	v6 =	vadd.f32 v12, v6  }
0x51a: {  	v52 =	vld.idx.msk [tilespmem:v53+s16+$0x0], $0xffff;
	v36 =	vor.u32 v5, v3  }
0x51b: {  	v53 =	vld.idx.msk [tilespmem:v53+s20+$0x0], $0xffff;
	v6 =	vadd.f32 v20, v6;
	v20 =	vmul.f32 v23, v14  }
0x51c: {  	v23 =	vor.u32 v1, v3;
	v1 =	vld.idx.msk [tilespmem:v13+s18+$0x0], $0xffff  }
0x51d: {  	v6 =	vadd.f32 v20, v6;
	v20 =	vor.u32 v2, v3;
	v2 =	vld.idx.msk [tilespmem:v21+s18+$0x0], $0xffff  }
0x51e: {  	v5 =	vld [tilespmem:$0x1FDF0]  }
0x51f: {  	v49 =	vld.idx.msk [tilespmem:v36+s18+$0x0], $0xffff  }
0x520: {  	[tilespmem:$0x1F190] =	vst v62;
	v62 =	vld.idx.msk [tilespmem:v36+s16+$0x0], $0xffff  }
0x521: {  	[tilespmem:$0x1F150] =	vst v1;
	v1 =	vld [tilespmem:$0x1F0D0]  }
0x522: {  	[tilespmem:$0x1F110] =	vst v2;
	v2 =	vld.idx.msk [tilespmem:v23+s18+$0x0], $0xffff  }
0x523: {  	v36 =	vld.idx.msk [tilespmem:v36+s20+$0x0], $0xffff  }
0x524: {  	v59 =	vld.idx.msk [tilespmem:v58+s18+$0x0], $0xffff  }
0x525: {  	v60 =	vld.idx.msk [tilespmem:v58+s16+$0x0], $0xffff  }
0x526: {  	v0 =	vadd.f32 v16, v0;
	v57 =	vmul.f32 v1, v18;
	v1 =	vld.idx.msk [tilespmem:v15+s18+$0x0], $0xffff  }
0x527: {  	[tilespmem:$0x1F100] =	vst v2;
	v2 =	vld [tilespmem:$0x1F0E0]  }
0x528: {  	[tilespmem:$0x1F170] =	vst v63;
	v63 =	vadd.f32 v57, v0;
	v0 =	vld.idx.msk [tilespmem:v19+s18+$0x0], $0xffff  }
0x529: {  	v24 =	vmul.f32 v24, v18;
	v58 =	vld.idx.msk [tilespmem:v58+s20+$0x0], $0xffff  }
0x52a: {  	v12 =	vld [tilespmem:$0x1FD20]  }
0x52b: {  	v6 =	vadd.f32 v24, v6;
	[tilespmem:$0x1F140] =	vst v1;
	v1 =	vld [tilespmem:$0x1FD00]  }
0x52c: {  	v25 =	vmul.f32 v25, v26;
	v26 =	vmul.f32 v2, v26;
	v2 =	vld [tilespmem:$0x1F0F0]  }
0x52d: {  	v6 =	vadd.f32 v30, v6;
	[tilespmem:$0x1F120] =	vst v0;
	v0 =	vld [tilespmem:$0x1FCE0]  }
0x52e: {  	v24 =	vld [tilespmem:$0x1FD70]  }
0x52f: {  	v4 =	vld.idx.msk [tilespmem:v20+s18+$0x0], $0xffff;
	v6 =	vadd.f32 v26, v6;
	v26 =	vmul.f32 v31, v27  }
0x530: {  	v14 =	vld [tilespmem:$0x1FD30];
	v28 =	vadd.f32 v28, v63  }
0x531: {  	v16 =	vld [tilespmem:$0x1FD40];
	v6 =	vadd.f32 v26, v6;
	v26 =	vmul.f32 v37, v32;
	v1 =	vor.u32 v1, v3  }
0x532: {  	v18 =	vld [tilespmem:$0x1FD50];
	v25 =	vadd.f32 v25, v28;
	v28 =	vmul.f32 v2, v27;
	v0 =	vor.u32 v0, v3  }
0x533: {  	v57 =	vld [tilespmem:$0x1FDB0];
	v6 =	vadd.f32 v26, v6;
	v26 =	vmul.f32 v40, v34  }
0x534: {  	v27 =	vadd.f32 v28, v25;
	v25 =	vor.u32 v5, v3;
	v5 =	vld [tilespmem:$0x1FDE0]  }
0x535: {  	v6 =	vadd.f32 v26, v6;
	v26 =	vld [tilespmem:$0x1FD80]  }
0x536: {  	v63 =	vld.idx.msk [tilespmem:v1+s18+$0x0], $0xffff  }
0x537: {  	v30 =	vld.idx.msk [tilespmem:v0+s18+$0x0], $0xffff  }
0x538: {  	v28 =	vmul.f32 v29, v32;
	v2 =	vld.idx.msk [tilespmem:v0+s16+$0x0], $0xffff  }
0x539: {  	v32 =	vld.idx.msk [tilespmem:v0+s20+$0x0], $0xffff  }
0x53a: {  	v0 =	vadd.f32 v28, v27;
	v28 =	vmul.f32 v33, v34;
	v33 =	vld.idx.msk [tilespmem:v20+s16+$0x0], $0xffff  }
0x53b: {  	v42 =	vmul.f32 v42, v38;
	v27 =	vor.u32 v5, v3;
	v5 =	vld [tilespmem:$0x1FDD0]  }
0x53c: {  	v20 =	vld.idx.msk [tilespmem:v20+s20+$0x0], $0xffff;
	v0 =	vadd.f32 v28, v0;
	v28 =	vmul.f32 v35, v38  }
0x53d: {  	v39 =	vmul.f32 v39, v41;
	v45 =	vmul.f32 v45, v41;
	v6 =	vadd.f32 v42, v6;
	v34 =	vld.idx.msk [tilespmem:v1+s16+$0x0], $0xffff  }
0x53e: {  	v41 =	vmul.f32 v43, v44;
	v1 =	vld.idx.msk [tilespmem:v1+s20+$0x0], $0xffff;
	v42 =	vor.u32 v26, v3;
	v0 =	vadd.f32 v28, v0  }
0x53f: {  	v48 =	vmul.f32 v48, v44;
	v43 =	vor.u32 v24, v3;
	v10 =	vld.idx.msk [tilespmem:v25+s18+$0x0], $0xffff;
	v6 =	vadd.f32 v45, v6  }
0x540: {  	v45 =	vor.u32 v22, v3;
	v28 =	vld [tilespmem:$0x1FD90];
	v39 =	vadd.f32 v39, v0  }
0x541: {  	v6 =	vadd.f32 v48, v6;
	v35 =	vmul.f32 v50, v47;
	v29 =	vor.u32 v5, v3;
	v5 =	vld [tilespmem:$0x1FDC0]  }
0x542: {  	v38 =	vor.u32 v56, v3;
	v8 =	vld.idx.msk [tilespmem:v27+s18+$0x0], $0xffff;
	v39 =	vadd.f32 v41, v39;
	v41 =	vmul.f32 v46, v47  }
0x543: {  	v37 =	vor.u32 v57, v3;
	v6 =	vadd.f32 v35, v6;
	v35 =	vmul.f32 v53, v52;
	v53 =	vld.idx.msk [tilespmem:v42+s18+$0x0], $0xffff  }
0x544: {  	v50 =	vor.u32 v16, v3;
	v0 =	vld.idx.msk [tilespmem:v43+s18+$0x0], $0xffff;
	v39 =	vadd.f32 v41, v39;
	v41 =	vmul.f32 v51, v52  }
0x545: {  	v6 =	vadd.f32 v35, v6;
	v35 =	vmul.f32 v58, v60;
	v58 =	vld.idx.msk [tilespmem:v45+s18+$0x0], $0xffff  }
0x546: {  	v40 =	vor.u32 v28, v3;
	v39 =	vadd.f32 v41, v39;
	v41 =	vmul.f32 v59, v60;
	v60 =	vld [tilespmem:$0x1FD10]  }
0x547: {  	v48 =	vld.idx.msk [tilespmem:v38+s18+$0x0], $0xffff;
	v47 =	vor.u32 v18, v3  }
0x548: {  	v46 =	vld.idx.msk [tilespmem:v37+s18+$0x0], $0xffff;
	v31 =	vor.u32 v5, v3  }
0x549: {  	v6 =	vadd.f32 v35, v6;
	v35 =	vmul.f32 v55, v61;
	v55 =	vld.idx.msk [tilespmem:v50+s18+$0x0], $0xffff;
	v52 =	vor.u32 v14, v3  }
0x54a: {  	v5 =	vld.idx.msk [tilespmem:v29+s18+$0x0], $0xffff;
	v59 =	vor.u32 v12, v3  }
0x54b: {  	v51 =	vld.idx.msk [tilespmem:v40+s18+$0x0], $0xffff;
	v3 =	vor.u32 v60, v3  }
0x54c: {  	v39 =	vadd.f32 v41, v39;
	v41 =	vmul.f32 v54, v61;
	v54 =	vld.idx.msk [tilespmem:v47+s18+$0x0], $0xffff  }
0x54d: {  	v44 =	vld.idx.msk [tilespmem:v31+s18+$0x0], $0xffff  }
0x54e: {  	v61 =	vmul.f32 v49, v62;
	v49 =	vld.idx.msk [tilespmem:v52+s18+$0x0], $0xffff;
	v39 =	vadd.f32 v41, v39  }
0x54f: {  	v6 =	vadd.f32 v35, v6;
	v62 =	vmul.f32 v36, v62;
	v36 =	vld.idx.msk [tilespmem:v59+s18+$0x0], $0xffff  }
0x550: {  	v30 =	vmul.f32 v30, v2;
	v39 =	vadd.f32 v61, v39;
	v41 =	vld.idx.msk [tilespmem:v3+s18+$0x0], $0xffff  }
0x551: {  	v2 =	vmul.f32 v32, v2;
	v6 =	vadd.f32 v62, v6;
	v61 =	vld.idx.msk [tilespmem:v3+s16+$0x0], $0xffff  }
0x552: {  	v4 =	vmul.f32 v4, v33;
	v30 =	vadd.f32 v30, v39;
	v3 =	vld.idx.msk [tilespmem:v3+s20+$0x0], $0xffff  }
0x553: {  	v20 =	vmul.f32 v20, v33;
	v2 =	vadd.f32 v2, v6;
	v6 =	vld.idx.msk [tilespmem:v59+s16+$0x0], $0xffff  }
0x554: {  	v62 =	vld.idx.msk [tilespmem:v59+s20+$0x0], $0xffff;
	v4 =	vadd.f32 v4, v30;
	v30 =	vmul.f32 v63, v34  }
0x555: {  	v1 =	vmul.f32 v1, v34;
	v39 =	vld.idx.msk [tilespmem:v52+s16+$0x0], $0xffff;
	v2 =	vadd.f32 v20, v2  }
0x556: {  	v20 =	vld.idx.msk [tilespmem:v52+s20+$0x0], $0xffff;
	v4 =	vadd.f32 v30, v4;
	v30 =	vmul.f32 v41, v61  }
0x557: {  	v1 =	vadd.f32 v1, v2;
	v41 =	vld.idx.msk [tilespmem:v50+s16+$0x0], $0xffff;
	v2 =	vmul.f32 v3, v61  }
0x558: {  	v3 =	vld.idx.msk [tilespmem:v50+s20+$0x0], $0xffff;
	v4 =	vadd.f32 v30, v4;
	v30 =	vmul.f32 v36, v6  }
0x559: {  	v50 =	vld.idx.msk [tilespmem:v47+s16+$0x0], $0xffff;
	v1 =	vadd.f32 v2, v1;
	v2 =	vmul.f32 v62, v6  }
0x55a: {  	v6 =	vld.idx.msk [tilespmem:v47+s20+$0x0], $0xffff;
	v4 =	vadd.f32 v30, v4;
	v30 =	vmul.f32 v49, v39  }
0x55b: {  	v52 =	vld.idx.msk [tilespmem:v45+s16+$0x0], $0xffff;
	v1 =	vadd.f32 v2, v1;
	v2 =	vmul.f32 v20, v39  }
0x55c: {  	v20 =	vld.idx.msk [tilespmem:v45+s20+$0x0], $0xffff;
	v4 =	vadd.f32 v30, v4;
	v30 =	vmul.f32 v55, v41  }
0x55d: {  	v55 =	vld.idx.msk [tilespmem:v43+s16+$0x0], $0xffff;
	v1 =	vadd.f32 v2, v1;
	v2 =	vmul.f32 v3, v41  }
0x55e: {  	v3 =	vld.idx.msk [tilespmem:v43+s20+$0x0], $0xffff;
	v4 =	vadd.f32 v30, v4;
	v30 =	vmul.f32 v54, v50  }
0x55f: {  	v59 =	vld.idx.msk [tilespmem:v42+s16+$0x0], $0xffff;
	v1 =	vadd.f32 v2, v1;
	v2 =	vmul.f32 v6, v50  }
0x560: {  	v6 =	vld.idx.msk [tilespmem:v42+s20+$0x0], $0xffff;
	v4 =	vadd.f32 v30, v4;
	v30 =	vmul.f32 v58, v52  }
0x561: {  	v61 =	vld.idx.msk [tilespmem:v40+s16+$0x0], $0xffff;
	v1 =	vadd.f32 v2, v1;
	v2 =	vmul.f32 v20, v52  }
0x562: {  	v20 =	vld.idx.msk [tilespmem:v40+s20+$0x0], $0xffff;
	v0 =	vmul.f32 v0, v55;
	v4 =	vadd.f32 v30, v4  }
0x563: {  	v30 =	vld.idx.msk [tilespmem:v38+s16+$0x0], $0xffff;
	v1 =	vadd.f32 v2, v1;
	v2 =	vmul.f32 v3, v55  }
0x564: {  	v3 =	vld.idx.msk [tilespmem:v38+s20+$0x0], $0xffff;
	v0 =	vadd.f32 v0, v4;
	v4 =	vmul.f32 v53, v59  }
0x565: {  	v62 =	vld.idx.msk [tilespmem:v37+s16+$0x0], $0xffff;
	v1 =	vadd.f32 v2, v1;
	v2 =	vmul.f32 v6, v59  }
0x566: {  	v63 =	vld.idx.msk [tilespmem:v31+s16+$0x0], $0xffff;
	v0 =	vadd.f32 v4, v0;
	v4 =	vmul.f32 v51, v61  }
0x567: {  	v6 =	vld.idx.msk [tilespmem:v37+s20+$0x0], $0xffff;
	v1 =	vadd.f32 v2, v1;
	v2 =	vmul.f32 v20, v61  }
0x568: {  	v20 =	vld.idx.msk [tilespmem:v31+s20+$0x0], $0xffff;
	v0 =	vadd.f32 v4, v0;
	v4 =	vmul.f32 v48, v30  }
0x569: {  	v31 =	vld.idx.msk [tilespmem:v29+s16+$0x0], $0xffff;
	v1 =	vadd.f32 v2, v1;
	v2 =	vmul.f32 v3, v30  }
0x56a: {  	v3 =	vld.idx.msk [tilespmem:v29+s20+$0x0], $0xffff;
	v0 =	vadd.f32 v4, v0;
	v4 =	vmul.f32 v46, v62  }
0x56b: {  	v29 =	vld.idx.msk [tilespmem:v27+s16+$0x0], $0xffff;
	v1 =	vadd.f32 v2, v1  }
0x56c: {  	v2 =	vmul.f32 v6, v62;
	v6 =	vld.idx.msk [tilespmem:v27+s20+$0x0], $0xffff;
	v0 =	vadd.f32 v4, v0;
	v4 =	vmul.f32 v44, v63  }
0x56d: {  	v27 =	vld.idx.msk [tilespmem:v25+s16+$0x0], $0xffff  }
0x56e: {  	v0 =	vadd.f32 v4, v0;
	v4 =	vmul.f32 v5, v31;
	_ =	sdelay $0x1  }
0x56f: {  	v0 =	vadd.f32 v4, v0;
	v4 =	vmul.f32 v8, v29;
	_ =	sdelay $0x1  }
0x570: {  	v0 =	vadd.f32 v4, v0;
	v4 =	vmul.f32 v10, v27  }
0x571: {  	v5 =	vld.idx.msk [tilespmem:v23+s16+$0x0], $0xffff  }
0x572: {  	v0 =	vadd.f32 v4, v0;
	v4 =	vld [tilespmem:$0x1F100];
	_ =	sdelay $0x2  }
0x573: {  	v1 =	vadd.f32 v2, v1;
	v2 =	vmul.f32 v20, v63;
	_ =	sdelay $0x1  }
0x574: {  	v1 =	vadd.f32 v2, v1;
	v2 =	vmul.f32 v3, v31;
	v3 =	vld.idx.msk [tilespmem:v23+s20+$0x0], $0xffff;
	v4 =	vmul.f32 v4, v5  }
0x575: {  	v23 =	vld.idx.msk [tilespmem:v21+s16+$0x0], $0xffff  }
0x576: {  	v0 =	vadd.f32 v4, v0;
	v4 =	vld [tilespmem:$0x1F110];
	_ =	sdelay $0x4  }
0x577: {  	v1 =	vadd.f32 v2, v1;
	v2 =	vmul.f32 v6, v29;
	v6 =	vld.idx.msk [tilespmem:v21+s20+$0x0], $0xffff;
	v4 =	vmul.f32 v4, v23  }
0x578: {  	v21 =	vld.idx.msk [tilespmem:v19+s16+$0x0], $0xffff  }
0x579: {  	v0 =	vadd.f32 v4, v0;
	v4 =	vld [tilespmem:$0x1F120]  }
0x57a: {  	v20 =	vld.idx.msk [tilespmem:v25+s20+$0x0], $0xffff;
	_ =	sdelay $0x3  }
0x57b: {  	v4 =	vmul.f32 v4, v21  }
0x57c: {  	v1 =	vadd.f32 v2, v1;
	v2 =	vmul.f32 v20, v27;
	v20 =	vld.idx.msk [tilespmem:v17+s16+$0x0], $0xffff  }
0x57d: {  	v0 =	vadd.f32 v4, v0;
	v4 =	vld [tilespmem:$0x1F130];
	_ =	sdelay $0x4  }
0x57e: {  	v4 =	vmul.f32 v4, v20  }
0x57f: {  	v1 =	vadd.f32 v2, v1;
	v2 =	vmul.f32 v3, v5;
	v5 =	vld.idx.msk [tilespmem:v15+s16+$0x0], $0xffff  }
0x580: {  	v0 =	vadd.f32 v4, v0;
	v4 =	vld [tilespmem:$0x1F140];
	_ =	sdelay $0x4  }
0x581: {  	v4 =	vmul.f32 v4, v5  }
0x582: {  	v8 =	vld.idx.msk [tilespmem:v13+s16+$0x0], $0xffff  }
0x583: {  	v0 =	vadd.f32 v4, v0;
	v4 =	vld [tilespmem:$0x1F150];
	_ =	sdelay $0x2  }
0x584: {  	v19 =	vld.idx.msk [tilespmem:v19+s20+$0x0], $0xffff  }
0x585: {  	v3 =	vld.idx.msk [tilespmem:v17+s20+$0x0], $0xffff  }
0x586: {  	v1 =	vadd.f32 v2, v1;
	v2 =	vmul.f32 v6, v23;
	v6 =	vld.idx.msk [tilespmem:v15+s20+$0x0], $0xffff;
	v4 =	vmul.f32 v4, v8  }
0x587: {  	v15 =	vld.idx.msk [tilespmem:v11+s16+$0x0], $0xffff  }
0x588: {  	v0 =	vadd.f32 v4, v0;
	v4 =	vld [tilespmem:$0x1F160];
	_ =	sdelay $0x1  }
0x589: {  	v13 =	vld.idx.msk [tilespmem:v13+s20+$0x0], $0xffff;
	v1 =	vadd.f32 v2, v1;
	v2 =	vmul.f32 v19, v21  }
0x58a: {  	v10 =	vld [tilespmem:$0x1F190]  }
0x58b: {  	v1 =	vadd.f32 v2, v1;
	v2 =	vmul.f32 v3, v20;
	v3 =	vld.idx.msk [tilespmem:v11+s20+$0x0], $0xffff  }
0x58c: {  	v11 =	vld.idx.msk [tilespmem:v9+s16+$0x0], $0xffff;
	v4 =	vmul.f32 v4, v15  }
0x58d: {  	v1 =	vadd.f32 v2, v1;
	v2 =	vmul.f32 v6, v5;
	v5 =	vld.idx.msk [tilespmem:v9+s20+$0x0], $0xffff  }
0x58e: {  	v0 =	vadd.f32 v4, v0;
	v4 =	vld [tilespmem:$0x1F180]  }
0x58f: {  	v9 =	vld [tilespmem:$0x1F170];
	_ =	sdelay $0x2  }
0x590: {  	v1 =	vadd.f32 v2, v1;
	v2 =	vmul.f32 v13, v8  }
0x591: {  	v6 =	vld.idx.msk [tilespmem:v7+s16+$0x0], $0xffff;
	v4 =	vmul.f32 v4, v11  }
0x592: {  	v7 =	vld.idx.msk [tilespmem:v7+s20+$0x0], $0xffff;
	v1 =	vadd.f32 v2, v1;
	v2 =	vmul.f32 v3, v15  }
0x593: {  	v0 =	vadd.f32 v4, v0;
	v4 =	vld [tilespmem:$0x1F1A0]  }
0x594: {  	v1 =	vadd.f32 v2, v1;
	v2 =	vmul.f32 v5, v11;
	v5 =	vld.idx.msk [tilespmem:v10+s20+$0x0], $0xffff  }
0x595: {  	v8 =	vld.idx.msk [tilespmem:v9+s16+$0x0], $0xffff  }
0x596: {  	v3 =	vld.idx.msk [tilespmem:v9+s20+$0x0], $0xffff  }
0x597: {  	v9 =	vld.idx.msk [tilespmem:v10+s16+$0x0], $0xffff  }
0x598: {  	v10 =	vld [tilespmem:$0x1F1B0];
	v4 =	vmul.f32 v4, v6;
	_ =	sdelay $0x1  }
0x599: {  	v0 =	vadd.f32 v4, v0;
	v4 =	vld [tilespmem:$0x1F1C0]  }
0x59a: {  	s28 =	simm.s32 $0x10;
	v1 =	vadd.f32 v2, v1;
	v2 =	vmul.f32 v7, v6  }
0x59b: {  	v7 =	vmov s28  }
0x59c: {  	v1 =	vadd.f32 v2, v1;
	v2 =	vmul.f32 v3, v8;
	v3 =	vshll.u32 v7, $0x6;
	v7 =	vld [tilespmem:$0x1FEA0];
	_ =	sdelay $0x1  }
0x59d: {  	v4 =	vmul.f32 v4, v8  }
0x59e: {  	v11 =	vld.idx.msk [tilespmem:v10+s16+$0x0], $0xffff  }
0x59f: {  	v0 =	vadd.f32 v4, v0;
	v4 =	vld [tilespmem:$0x1F1D0]  }
0x5a0: {  	v3 =	vor.u32 v7, v3;
	v6 =	vld.idx.msk [tilespmem:v10+s20+$0x0], $0xffff  }
0x5a1: {  	v10 =	vand.u32 $0x3F80, v3;
	v3 =	vld [tilespmem:$0x1F1E0];
	_ =	sdelay $0x2  }
0x5a2: {  	v4 =	vmul.f32 v4, v9;
	_ =	sdelay $0x1  }
0x5a3: {  	v3 =	vmul.f32 v3, v11;
	v0 =	vadd.f32 v4, v0;
	_ =	sdelay $0x1  }
0x5a4: {  	v0 =	vadd.f32 v3, v0  }
0x5a5: {  	s28 =	simm.s32 $0x18A00;
	v4 =	vld [tilespmem:$0x1F7B0]  }
0x5a6: {  	[tilespmem:s28+$0x0] =	vst v0;
	v0 =	vld [tilespmem:$0x1FE70];
	_ =	sdelay $0x1  }
0x5a7: {  	v1 =	vadd.f32 v2, v1;
	v2 =	vmul.f32 v5, v9;
	_ =	sdelay $0x1  }
0x5a8: {  	v1 =	vadd.f32 v2, v1  }
0x5a9: {  	v2 =	vmul.f32 v6, v11;
	v5 =	vor.u32 v4, v10;
	v6 =	vor.u32 v0, v10;
	v0 =	vld [tilespmem:$0x1FE60];
	_ =	sdelay $0x1  }
0x5aa: {  	v1 =	vadd.f32 v2, v1  }
0x5ab: {  	s29 =	simm.s32 $0x18C00  }
0x5ac: {  	v4 =	vld [tilespmem:$0x1F7C0];
	[tilespmem:s29+$0x0] =	vst v1  }
0x5ad: {  	v1 =	vor.u32 v0, v10;
	v0 =	vld.idx.msk [tilespmem:v5+s18+$0x0], $0xffff;
	_ =	sdelay $0x4  }
0x5ae: {  	v4 =	vor.u32 v4, v10;
	[tilespmem:$0x1F200] =	vst v0;
	v0 =	vld [tilespmem:$0x1FE50];
	_ =	sdelay $0x3  }
0x5af: {  	v3 =	vld [tilespmem:$0x1FE90]  }
0x5b0: {  	[tilespmem:$0x1F1F0] =	vst v5;
	v5 =	vor.u32 v0, v10;
	v0 =	vld.idx.msk [tilespmem:v4+s18+$0x0], $0xffff;
	_ =	sdelay $0x4  }
0x5b1: {  	v3 =	vor.u32 v3, v10;
	[tilespmem:$0x1F220] =	vst v0;
	v0 =	vld [tilespmem:$0x1FE40];
	_ =	sdelay $0x3  }
0x5b2: {  	v2 =	vld [tilespmem:$0x1FE80]  }
0x5b3: {  	[tilespmem:$0x1F210] =	vst v4;
	v4 =	vor.u32 v0, v10;
	v0 =	vld.idx.msk [tilespmem:v3+s18+$0x0], $0xffff;
	_ =	sdelay $0x4  }
0x5b4: {  	v2 =	vor.u32 v2, v10;
	[tilespmem:$0x1F240] =	vst v0;
	v0 =	vld [tilespmem:$0x1FE30];
	_ =	sdelay $0x4  }
0x5b5: {  	[tilespmem:$0x1F230] =	vst v3;
	v3 =	vor.u32 v0, v10;
	v0 =	vld.idx.msk [tilespmem:v2+s18+$0x0], $0xffff;
	_ =	sdelay $0x4  }
0x5b6: {  	[tilespmem:$0x1F260] =	vst v0;
	v0 =	vld [tilespmem:$0x1FE20];
	_ =	sdelay $0x4  }
0x5b7: {  	[tilespmem:$0x1F250] =	vst v2;
	v2 =	vor.u32 v0, v10;
	v0 =	vld.idx.msk [tilespmem:v6+s18+$0x0], $0xffff;
	_ =	sdelay $0x4  }
0x5b8: {  	[tilespmem:$0x1F280] =	vst v0;
	v0 =	vld [tilespmem:$0x1FE10];
	_ =	sdelay $0x4  }
0x5b9: {  	[tilespmem:$0x1F270] =	vst v6;
	v6 =	vor.u32 v0, v10;
	v0 =	vld.idx.msk [tilespmem:v1+s18+$0x0], $0xffff;
	_ =	sdelay $0x4  }
0x5ba: {  	[tilespmem:$0x1F2A0] =	vst v0;
	v0 =	vld [tilespmem:$0x1FE00];
	_ =	sdelay $0x4  }
0x5bb: {  	[tilespmem:$0x1F290] =	vst v1;
	v1 =	vor.u32 v0, v10;
	v0 =	vld.idx.msk [tilespmem:v5+s18+$0x0], $0xffff;
	_ =	sdelay $0x4  }
0x5bc: {  	[tilespmem:$0x1F2C0] =	vst v0;
	v0 =	vld [tilespmem:$0x1FDF0];
	_ =	sdelay $0x4  }
0x5bd: {  	[tilespmem:$0x1F2B0] =	vst v5;
	v5 =	vor.u32 v0, v10;
	v0 =	vld.idx.msk [tilespmem:v4+s18+$0x0], $0xffff;
	_ =	sdelay $0x4  }
0x5be: {  	[tilespmem:$0x1F2E0] =	vst v0;
	v0 =	vld [tilespmem:$0x1FDE0];
	_ =	sdelay $0x4  }
0x5bf: {  	[tilespmem:$0x1F2D0] =	vst v4;
	v4 =	vor.u32 v0, v10;
	v0 =	vld.idx.msk [tilespmem:v3+s18+$0x0], $0xffff;
	_ =	sdelay $0x4  }
0x5c0: {  	[tilespmem:$0x1F300] =	vst v0;
	v0 =	vld [tilespmem:$0x1FDD0];
	_ =	sdelay $0x4  }
0x5c1: {  	[tilespmem:$0x1F2F0] =	vst v3;
	v3 =	vor.u32 v0, v10;
	v0 =	vld.idx.msk [tilespmem:v2+s18+$0x0], $0xffff;
	_ =	sdelay $0x4  }
0x5c2: {  	[tilespmem:$0x1F320] =	vst v0;
	v0 =	vld [tilespmem:$0x1FDC0];
	_ =	sdelay $0x4  }
0x5c3: {  	[tilespmem:$0x1F310] =	vst v2;
	v2 =	vor.u32 v0, v10;
	v0 =	vld.idx.msk [tilespmem:v6+s18+$0x0], $0xffff;
	_ =	sdelay $0x4  }
0x5c4: {  	[tilespmem:$0x1F340] =	vst v0;
	v0 =	vld.idx.msk [tilespmem:v1+s18+$0x0], $0xffff;
	_ =	sdelay $0x4  }
0x5c5: {  	[tilespmem:$0x1F360] =	vst v0;
	v0 =	vld.idx.msk [tilespmem:v5+s18+$0x0], $0xffff;
	_ =	sdelay $0x4  }
0x5c6: {  	[tilespmem:$0x1F380] =	vst v0;
	v0 =	vld.idx.msk [tilespmem:v4+s18+$0x0], $0xffff;
	_ =	sdelay $0x4  }
0x5c7: {  	[tilespmem:$0x1F3A0] =	vst v0;
	v0 =	vld.idx.msk [tilespmem:v3+s18+$0x0], $0xffff;
	_ =	sdelay $0x3  }
0x5c8: {  	[tilespmem:$0x1F330] =	vst v6  }
0x5c9: {  	v6 =	vor.u32 v57, v10;
	[tilespmem:$0x1F3C0] =	vst v0;
	v0 =	vld.idx.msk [tilespmem:v2+s18+$0x0], $0xffff;
	_ =	sdelay $0x3  }
0x5ca: {  	[tilespmem:$0x1F350] =	vst v1  }
0x5cb: {  	v1 =	vor.u32 v56, v10;
	[tilespmem:$0x1F3E0] =	vst v0;
	v0 =	vld.idx.msk [tilespmem:v6+s18+$0x0], $0xffff;
	_ =	sdelay $0x3  }
0x5cc: {  	[tilespmem:$0x1F370] =	vst v5  }
0x5cd: {  	v5 =	vor.u32 v28, v10;
	[tilespmem:$0x1F400] =	vst v0;
	v0 =	vld.idx.msk [tilespmem:v1+s18+$0x0], $0xffff;
	_ =	sdelay $0x3  }
0x5ce: {  	[tilespmem:$0x1F390] =	vst v4  }
0x5cf: {  	v4 =	vor.u32 v26, v10;
	[tilespmem:$0x1F420] =	vst v0;
	v0 =	vld.idx.msk [tilespmem:v5+s18+$0x0], $0xffff;
	_ =	sdelay $0x3  }
0x5d0: {  	[tilespmem:$0x1F3B0] =	vst v3  }
0x5d1: {  	v3 =	vor.u32 v24, v10;
	[tilespmem:$0x1F440] =	vst v0;
	v0 =	vld.idx.msk [tilespmem:v4+s18+$0x0], $0xffff;
	_ =	sdelay $0x3  }
0x5d2: {  	[tilespmem:$0x1F3D0] =	vst v2  }
0x5d3: {  	v2 =	vor.u32 v22, v10;
	[tilespmem:$0x1F460] =	vst v0;
	v0 =	vld.idx.msk [tilespmem:v3+s18+$0x0], $0xffff;
	_ =	sdelay $0x4  }
0x5d4: {  	[tilespmem:$0x1F480] =	vst v0;
	v0 =	vld.idx.msk [tilespmem:v2+s18+$0x0], $0xffff;
	_ =	sdelay $0x3  }
0x5d5: {  	[tilespmem:$0x1F3F0] =	vst v6  }
0x5d6: {  	v6 =	vor.u32 v18, v10;
	[tilespmem:$0x1F4A0] =	vst v0;
	v0 =	vld [tilespmem:$0x1FD00];
	_ =	sdelay $0x4  }
0x5d7: {  	[tilespmem:$0x1F490] =	vst v2;
	v2 =	vor.u32 v0, v10;
	v0 =	vld.idx.msk [tilespmem:v6+s18+$0x0], $0xffff;
	_ =	sdelay $0x3  }
0x5d8: {  	[tilespmem:$0x1F410] =	vst v1  }
0x5d9: {  	v1 =	vor.u32 v16, v10;
	[tilespmem:$0x1F4C0] =	vst v0;
	v0 =	vld [tilespmem:$0x1FCF0];
	_ =	sdelay $0x4  }
0x5da: {  	v58 =	vor.u32 v0, v10;
	v0 =	vld.idx.msk [tilespmem:v1+s18+$0x0], $0xffff;
	_ =	sdelay $0x3  }
0x5db: {  	[tilespmem:$0x1F430] =	vst v5  }
0x5dc: {  	v5 =	vor.u32 v14, v10;
	[tilespmem:$0x1F4E0] =	vst v0;
	v0 =	vld [tilespmem:$0x1FCE0];
	_ =	sdelay $0x4  }
0x5dd: {  	[tilespmem:$0x1F470] =	vst v3;
	v3 =	vor.u32 v60, v10;
	v60 =	vor.u32 v0, v10;
	v0 =	vld.idx.msk [tilespmem:v5+s18+$0x0], $0xffff;
	_ =	sdelay $0x3  }
0x5de: {  	[tilespmem:$0x1F450] =	vst v4  }
0x5df: {  	v4 =	vor.u32 v12, v10;
	[tilespmem:$0x1F500] =	vst v0;
	v0 =	vld [tilespmem:$0x1FCD0];
	_ =	sdelay $0x4  }
0x5e0: {  	v62 =	vor.u32 v0, v10;
	v0 =	vld.idx.msk [tilespmem:v4+s18+$0x0], $0xffff;
	_ =	sdelay $0x4  }
0x5e1: {  	[tilespmem:$0x1F520] =	vst v0;
	v0 =	vld [tilespmem:$0x1FCC0];
	_ =	sdelay $0x4  }
0x5e2: {  	[tilespmem:$0x1F4D0] =	vst v1;
	v1 =	vor.u32 v0, v10;
	v0 =	vld.idx.msk [tilespmem:v3+s18+$0x0], $0xffff;
	_ =	sdelay $0x4  }
0x5e3: {  	[tilespmem:$0x1F540] =	vst v0;
	v0 =	vld [tilespmem:$0x1FCB0];
	_ =	sdelay $0x4  }
0x5e4: {  	[tilespmem:$0x1F4F0] =	vst v5;
	v5 =	vor.u32 v0, v10;
	v0 =	vld.idx.msk [tilespmem:v2+s18+$0x0], $0xffff;
	_ =	sdelay $0x4  }
0x5e5: {  	[tilespmem:$0x1F560] =	vst v0;
	v0 =	vld [tilespmem:$0x1FCA0];
	_ =	sdelay $0x4  }
0x5e6: {  	v7 =	vor.u32 v0, v10;
	v0 =	vld.idx.msk [tilespmem:v58+s18+$0x0], $0xffff;
	_ =	sdelay $0x4  }
0x5e7: {  	[tilespmem:$0x1F570] =	vst v0;
	v0 =	vld [tilespmem:$0x1FC90];
	_ =	sdelay $0x4  }
0x5e8: {  	v11 =	vor.u32 v0, v10;
	v0 =	vld.idx.msk [tilespmem:v60+s18+$0x0], $0xffff;
	_ =	sdelay $0x4  }
0x5e9: {  	[tilespmem:$0x1F580] =	vst v0;
	v0 =	vld [tilespmem:$0x1FC80];
	_ =	sdelay $0x4  }
0x5ea: {  	v15 =	vor.u32 v0, v10;
	v0 =	vld.idx.msk [tilespmem:v62+s18+$0x0], $0xffff;
	_ =	sdelay $0x4  }
0x5eb: {  	[tilespmem:$0x1F590] =	vst v0;
	v0 =	vld [tilespmem:$0x1FC70];
	_ =	sdelay $0x4  }
0x5ec: {  	v19 =	vor.u32 v0, v10;
	v0 =	vld.idx.msk [tilespmem:v1+s18+$0x0], $0xffff;
	_ =	sdelay $0x4  }
0x5ed: {  	[tilespmem:$0x1F5A0] =	vst v0;
	v0 =	vld [tilespmem:$0x1FC60];
	_ =	sdelay $0x4  }
0x5ee: {  	v23 =	vor.u32 v0, v10;
	v0 =	vld.idx.msk [tilespmem:v5+s18+$0x0], $0xffff;
	_ =	sdelay $0x4  }
0x5ef: {  	[tilespmem:$0x1F5B0] =	vst v0;
	v0 =	vld [tilespmem:$0x1FC50];
	_ =	sdelay $0x4  }
0x5f0: {  	v27 =	vor.u32 v0, v10;
	v0 =	vld.idx.msk [tilespmem:v7+s18+$0x0], $0xffff;
	_ =	sdelay $0x4  }
0x5f1: {  	[tilespmem:$0x1F5C0] =	vst v0;
	v0 =	vld [tilespmem:$0x1FC40];
	_ =	sdelay $0x4  }
0x5f2: {  	v31 =	vor.u32 v0, v10;
	v0 =	vld.idx.msk [tilespmem:v11+s18+$0x0], $0xffff;
	_ =	sdelay $0x4  }
0x5f3: {  	[tilespmem:$0x1F5D0] =	vst v0;
	v0 =	vld [tilespmem:$0x1FC30];
	_ =	sdelay $0x4  }
0x5f4: {  	v35 =	vor.u32 v0, v10;
	v0 =	vld.idx.msk [tilespmem:v15+s18+$0x0], $0xffff;
	_ =	sdelay $0x4  }
0x5f5: {  	[tilespmem:$0x1F5E0] =	vst v0;
	v0 =	vld [tilespmem:$0x1FC20];
	_ =	sdelay $0x4  }
0x5f6: {  	v39 =	vor.u32 v0, v10;
	v0 =	vld.idx.msk [tilespmem:v19+s18+$0x0], $0xffff;
	_ =	sdelay $0x4  }
0x5f7: {  	[tilespmem:$0x1F5F0] =	vst v0;
	v0 =	vld [tilespmem:$0x1FC10];
	_ =	sdelay $0x4  }
0x5f8: {  	v43 =	vor.u32 v0, v10;
	v0 =	vld.idx.msk [tilespmem:v23+s18+$0x0], $0xffff;
	_ =	sdelay $0x4  }
0x5f9: {  	[tilespmem:$0x1F600] =	vst v0;
	v0 =	vld [tilespmem:$0x1FFD0];
	_ =	sdelay $0x4  }
0x5fa: {  	v45 =	vor.u32 v0, v10;
	v0 =	vld.idx.msk [tilespmem:v27+s18+$0x0], $0xffff;
	_ =	sdelay $0x4  }
0x5fb: {  	[tilespmem:$0x1F610] =	vst v0;
	v0 =	vld [tilespmem:$0x1FFC0];
	_ =	sdelay $0x2  }
0x5fc: {  	[tilespmem:$0x1F530] =	vst v3;
	v3 =	vld [tilespmem:$0x1FF50];
	_ =	sdelay $0x1  }
0x5fd: {  	v47 =	vor.u32 v0, v10;
	v0 =	vld.idx.msk [tilespmem:v31+s18+$0x0], $0xffff;
	_ =	sdelay $0x2  }
0x5fe: {  	v59 =	vor.u32 v3, v10;
	v3 =	vld [tilespmem:$0x1FF40];
	_ =	sdelay $0x1  }
0x5ff: {  	[tilespmem:$0x1F620] =	vst v0;
	v0 =	vld [tilespmem:$0x1FFB0];
	_ =	sdelay $0x2  }
0x600: {  	v26 =	vor.u32 v3, v10;
	v3 =	vld [tilespmem:$0x1FF30];
	_ =	sdelay $0x1  }
0x601: {  	v8 =	vor.u32 v0, v10;
	v0 =	vld [tilespmem:$0x1FFA0]  }
0x602: {  	v9 =	vld [tilespmem:$0x1FEF0]  }
0x603: {  	[tilespmem:$0x1F4B0] =	vst v6;
	v6 =	vld [tilespmem:$0x1FF00]  }
0x604: {  	v28 =	vor.u32 v3, v10;
	v3 =	vld [tilespmem:$0x1FF20]  }
0x605: {  	v13 =	vld [tilespmem:$0x1FEC0]  }
0x606: {  	v51 =	vor.u32 v0, v10;
	v0 =	vld [tilespmem:$0x1FF90]  }
0x607: {  	v36 =	vor.u32 v9, v10;
	v9 =	vld [tilespmem:$0x1FEE0]  }
0x608: {  	v6 =	vor.u32 v6, v10  }
0x609: {  	v30 =	vor.u32 v3, v10;
	v3 =	vld [tilespmem:$0x1FF10]  }
0x60a: {  	v40 =	vor.u32 v13, v10;
	v13 =	vld [tilespmem:$0x1FEB0]  }
0x60b: {  	v14 =	vor.u32 v0, v10;
	v0 =	vld [tilespmem:$0x1FF80]  }
0x60c: {  	v38 =	vor.u32 v9, v10;
	v9 =	vld [tilespmem:$0x1FED0]  }
0x60d: {  	v34 =	vld.idx.msk [tilespmem:v6+s18+$0x0], $0xffff  }
0x60e: {  	v22 =	vld.idx.msk [tilespmem:v59+s18+$0x0], $0xffff;
	v3 =	vor.u32 v3, v10  }
0x60f: {  	v24 =	vld.idx.msk [tilespmem:v26+s18+$0x0], $0xffff  }
0x610: {  	v16 =	vor.u32 v0, v10;
	v0 =	vld [tilespmem:$0x1FF70]  }
0x611: {  	v61 =	vld.idx.msk [tilespmem:v28+s18+$0x0], $0xffff  }
0x612: {  	v63 =	vld.idx.msk [tilespmem:v30+s18+$0x0], $0xffff  }
0x613: {  	v32 =	vld.idx.msk [tilespmem:v3+s18+$0x0], $0xffff  }
0x614: {  	v33 =	vld.idx.msk [tilespmem:v35+s18+$0x0], $0xffff  }
0x615: {  	v18 =	vor.u32 v0, v10;
	v0 =	vld [tilespmem:$0x1FF60]  }
0x616: {  	v37 =	vld.idx.msk [tilespmem:v39+s18+$0x0], $0xffff  }
0x617: {  	v41 =	vld.idx.msk [tilespmem:v43+s18+$0x0], $0xffff  }
0x618: {  	[tilespmem:$0x1F550] =	vst v2;
	v2 =	vld.idx.msk [tilespmem:v45+s18+$0x0], $0xffff  }
0x619: {  	[tilespmem:$0x1F510] =	vst v4;
	v4 =	vld.idx.msk [tilespmem:v47+s18+$0x0], $0xffff  }
0x61a: {  	v49 =	vld.idx.msk [tilespmem:v51+s18+$0x0], $0xffff;
	v57 =	vor.u32 v0, v10  }
0x61b: {  	v12 =	vld.idx.msk [tilespmem:v14+s18+$0x0], $0xffff  }
0x61c: {  	v53 =	vld.idx.msk [tilespmem:v16+s18+$0x0], $0xffff  }
0x61d: {  	v0 =	vld.idx.msk [tilespmem:v8+s18+$0x0], $0xffff  }
0x61e: {  	v55 =	vld.idx.msk [tilespmem:v18+s18+$0x0], $0xffff  }
0x61f: {  	s30 =	simm.s32 $0x20;
	v13 =	vor.u32 v13, v10;
	v9 =	vor.u32 v9, v10;
	v20 =	vld.idx.msk [tilespmem:v57+s18+$0x0], $0xffff  }
.LBB2_8:
0x620: {  	v17 =	vld [tilespmem:$0x1FFF0];
	_ =	sdelay $0x4  }
0x621: {  	v42 =	vor.u32 v17, v10;
	v17 =	vld [tilespmem:$0x1FFE0];
	_ =	sdelay $0x3  }
0x622: {  	v44 =	vld.idx.msk [tilespmem:v36+s18+$0x0], $0xffff  }
0x623: {  	v46 =	vld.idx.msk [tilespmem:v9+s18+$0x0], $0xffff;
	v10 =	vor.u32 v17, v10  }
0x624: {  	v21 =	vld.idx.msk [tilespmem:v40+s18+$0x0], $0xffff  }
0x625: {  	v48 =	vld.idx.msk [tilespmem:v13+s18+$0x0], $0xffff  }
0x626: {  	v54 =	vld.idx.msk [tilespmem:v13+s16+$0x0], $0xffff  }
0x627: {  	v50 =	vld.idx.msk [tilespmem:v42+s18+$0x0], $0xffff  }
0x628: {  	v25 =	vld.idx.msk [tilespmem:v10+s18+$0x0], $0xffff  }
0x629: {  	v52 =	vld.idx.msk [tilespmem:v10+s16+$0x0], $0xffff  }
0x62a: {  	v10 =	vld.idx.msk [tilespmem:v10+s20+$0x0], $0xffff  }
0x62b: {  	v29 =	vld.idx.msk [tilespmem:v42+s16+$0x0], $0xffff  }
0x62c: {  	v42 =	vld.idx.msk [tilespmem:v42+s20+$0x0], $0xffff  }
0x62d: {  	v13 =	vld.idx.msk [tilespmem:v13+s20+$0x0], $0xffff  }
0x62e: {  	v56 =	vld.idx.msk [tilespmem:v40+s16+$0x0], $0xffff;
	v25 =	vmul.f32 v25, v52  }
0x62f: {  	v40 =	vld.idx.msk [tilespmem:v40+s20+$0x0], $0xffff;
	v10 =	vmul.f32 v10, v52  }
0x630: {  	v17 =	vld.idx.msk [tilespmem:v38+s18+$0x0], $0xffff;
	v50 =	vmul.f32 v50, v29;
	v25 =	vadd.f32 $0.0e+00, v25  }
0x631: {  	v29 =	vmul.f32 v42, v29;
	v52 =	vld.idx.msk [tilespmem:v9+s16+$0x0], $0xffff;
	v10 =	vadd.f32 $0.0e+00, v10  }
0x632: {  	v42 =	vmul.f32 v48, v54;
	v9 =	vld.idx.msk [tilespmem:v9+s20+$0x0], $0xffff;
	v25 =	vadd.f32 v50, v25  }
0x633: {  	v13 =	vmul.f32 v13, v54;
	v48 =	vld.idx.msk [tilespmem:v38+s16+$0x0], $0xffff;
	v10 =	vadd.f32 v29, v10  }
0x634: {  	v21 =	vmul.f32 v21, v56;
	v29 =	vld.idx.msk [tilespmem:v38+s20+$0x0], $0xffff;
	v25 =	vadd.f32 v42, v25  }
0x635: {  	v38 =	vld.idx.msk [tilespmem:v36+s16+$0x0], $0xffff;
	v10 =	vadd.f32 v13, v10;
	v13 =	vmul.f32 v40, v56  }
0x636: {  	v36 =	vld.idx.msk [tilespmem:v36+s20+$0x0], $0xffff;
	v21 =	vadd.f32 v21, v25;
	v25 =	vmul.f32 v46, v52  }
0x637: {  	v50 =	vld.idx.msk [tilespmem:v6+s16+$0x0], $0xffff;
	v9 =	vmul.f32 v9, v52;
	v10 =	vadd.f32 v13, v10  }
0x638: {  	v17 =	vmul.f32 v17, v48;
	v6 =	vld.idx.msk [tilespmem:v6+s20+$0x0], $0xffff;
	v13 =	vadd.f32 v25, v21  }
0x639: {  	v21 =	vld.idx.msk [tilespmem:v3+s16+$0x0], $0xffff;
	v9 =	vadd.f32 v9, v10;
	v10 =	vmul.f32 v29, v48  }
0x63a: {  	v3 =	vld.idx.msk [tilespmem:v3+s20+$0x0], $0xffff;
	v13 =	vadd.f32 v17, v13;
	v17 =	vmul.f32 v44, v38  }
0x63b: {  	v25 =	vld.idx.msk [tilespmem:v30+s16+$0x0], $0xffff;
	v9 =	vadd.f32 v10, v9;
	v10 =	vmul.f32 v36, v38  }
0x63c: {  	v29 =	vld.idx.msk [tilespmem:v30+s20+$0x0], $0xffff;
	v13 =	vadd.f32 v17, v13;
	v17 =	vmul.f32 v34, v50  }
0x63d: {  	v6 =	vmul.f32 v6, v50;
	v30 =	vld.idx.msk [tilespmem:v28+s16+$0x0], $0xffff;
	v9 =	vadd.f32 v10, v9  }
0x63e: {  	v10 =	vld.idx.msk [tilespmem:v28+s20+$0x0], $0xffff;
	v13 =	vadd.f32 v17, v13;
	v17 =	vmul.f32 v32, v21  }
0x63f: {  	v28 =	vld.idx.msk [tilespmem:v26+s16+$0x0], $0xffff;
	v3 =	vmul.f32 v3, v21;
	v6 =	vadd.f32 v6, v9  }
0x640: {  	v9 =	vld.idx.msk [tilespmem:v26+s20+$0x0], $0xffff;
	v13 =	vadd.f32 v17, v13;
	v17 =	vmul.f32 v63, v25  }
0x641: {  	v21 =	vld.idx.msk [tilespmem:v59+s16+$0x0], $0xffff;
	v3 =	vadd.f32 v3, v6;
	v6 =	vmul.f32 v29, v25  }
0x642: {  	v25 =	vld.idx.msk [tilespmem:v59+s20+$0x0], $0xffff;
	v13 =	vadd.f32 v17, v13;
	v17 =	vmul.f32 v61, v30  }
0x643: {  	v26 =	vld.idx.msk [tilespmem:v57+s16+$0x0], $0xffff;
	v3 =	vadd.f32 v6, v3;
	v6 =	vmul.f32 v10, v30  }
0x644: {  	v10 =	vld.idx.msk [tilespmem:v57+s20+$0x0], $0xffff;
	v13 =	vadd.f32 v17, v13;
	v17 =	vmul.f32 v24, v28  }
0x645: {  	v24 =	vld.idx.msk [tilespmem:v18+s16+$0x0], $0xffff;
	v3 =	vadd.f32 v6, v3;
	v6 =	vmul.f32 v9, v28  }
0x646: {  	v9 =	vld.idx.msk [tilespmem:v18+s20+$0x0], $0xffff;
	v13 =	vadd.f32 v17, v13;
	v17 =	vmul.f32 v22, v21  }
0x647: {  	v18 =	vld.idx.msk [tilespmem:v16+s16+$0x0], $0xffff;
	v3 =	vadd.f32 v6, v3;
	v6 =	vmul.f32 v25, v21  }
0x648: {  	v13 =	vadd.f32 v17, v13;
	v17 =	vmul.f32 v20, v26  }
0x649: {  	v20 =	vld.idx.msk [tilespmem:v14+s16+$0x0], $0xffff;
	v3 =	vadd.f32 v6, v3  }
0x64a: {  	v6 =	vmul.f32 v10, v26;
	v10 =	vld.idx.msk [tilespmem:v14+s20+$0x0], $0xffff;
	v14 =	vmul.f32 v55, v24;
	v13 =	vadd.f32 v17, v13  }
0x64b: {  	v17 =	vld.idx.msk [tilespmem:v51+s16+$0x0], $0xffff  }
0x64c: {  	v16 =	vld.idx.msk [tilespmem:v16+s20+$0x0], $0xffff;
	v13 =	vadd.f32 v14, v13;
	v14 =	vmul.f32 v53, v18  }
0x64d: {  	v21 =	vld.idx.msk [tilespmem:v8+s16+$0x0], $0xffff  }
0x64e: {  	v12 =	vmul.f32 v12, v20;
	v13 =	vadd.f32 v14, v13  }
0x64f: {  	v3 =	vadd.f32 v6, v3;
	v6 =	vmul.f32 v9, v24;
	v14 =	vld.idx.msk [tilespmem:v47+s16+$0x0], $0xffff  }
0x650: {  	v12 =	vadd.f32 v12, v13;
	v13 =	vmul.f32 v49, v17  }
0x651: {  	v3 =	vadd.f32 v6, v3;
	v6 =	vmul.f32 v16, v18;
	v16 =	vld.idx.msk [tilespmem:v45+s16+$0x0], $0xffff  }
0x652: {  	v0 =	vmul.f32 v0, v21;
	v12 =	vadd.f32 v13, v12  }
0x653: {  	v13 =	vld.idx.msk [tilespmem:v43+s16+$0x0], $0xffff  }
0x654: {  	v9 =	vld.idx.msk [tilespmem:v51+s20+$0x0], $0xffff;
	v4 =	vmul.f32 v4, v14;
	v0 =	vadd.f32 v0, v12  }
0x655: {  	v12 =	vld.idx.msk [tilespmem:v39+s16+$0x0], $0xffff  }
0x656: {  	v8 =	vld.idx.msk [tilespmem:v8+s20+$0x0], $0xffff;
	v2 =	vmul.f32 v2, v16;
	v0 =	vadd.f32 v4, v0  }
0x657: {  	v3 =	vadd.f32 v6, v3;
	v6 =	vmul.f32 v10, v20;
	v4 =	vld.idx.msk [tilespmem:v35+s16+$0x0], $0xffff  }
0x658: {  	v10 =	vld.idx.msk [tilespmem:v47+s20+$0x0], $0xffff;
	v0 =	vadd.f32 v2, v0;
	v2 =	vmul.f32 v41, v13  }
0x659: {  	v3 =	vadd.f32 v6, v3;
	v6 =	vmul.f32 v9, v17  }
0x65a: {  	v0 =	vadd.f32 v2, v0;
	v2 =	vmul.f32 v37, v12  }
0x65b: {  	v3 =	vadd.f32 v6, v3;
	v6 =	vmul.f32 v8, v21  }
0x65c: {  	v9 =	vld.idx.msk [tilespmem:v45+s20+$0x0], $0xffff;
	v0 =	vadd.f32 v2, v0;
	v2 =	vmul.f32 v33, v4  }
0x65d: {  	v3 =	vadd.f32 v6, v3;
	v6 =	vmul.f32 v10, v14;
	v14 =	vld.idx.msk [tilespmem:v31+s16+$0x0], $0xffff  }
0x65e: {  	v0 =	vadd.f32 v2, v0;
	v2 =	vld [tilespmem:$0x1F620]  }
0x65f: {  	v8 =	vld.idx.msk [tilespmem:v43+s20+$0x0], $0xffff;
	_ =	sdelay $0x2  }
0x660: {  	v3 =	vadd.f32 v6, v3;
	v6 =	vmul.f32 v9, v16  }
0x661: {  	v2 =	vmul.f32 v2, v14  }
0x662: {  	v3 =	vadd.f32 v6, v3;
	v6 =	vmul.f32 v8, v13;
	v13 =	vld.idx.msk [tilespmem:v27+s16+$0x0], $0xffff  }
0x663: {  	v0 =	vadd.f32 v2, v0;
	v2 =	vld [tilespmem:$0x1F610]  }
0x664: {  	v10 =	vld.idx.msk [tilespmem:v39+s20+$0x0], $0xffff;
	_ =	sdelay $0x3  }
0x665: {  	v2 =	vmul.f32 v2, v13  }
0x666: {  	v3 =	vadd.f32 v6, v3;
	v6 =	vmul.f32 v10, v12;
	v12 =	vld.idx.msk [tilespmem:v23+s16+$0x0], $0xffff  }
0x667: {  	v0 =	vadd.f32 v2, v0;
	v2 =	vld [tilespmem:$0x1F600]  }
0x668: {  	v9 =	vld.idx.msk [tilespmem:v35+s20+$0x0], $0xffff;
	_ =	sdelay $0x3  }
0x669: {  	v2 =	vmul.f32 v2, v12  }
0x66a: {  	v4 =	vmul.f32 v9, v4;
	v9 =	vld.idx.msk [tilespmem:v19+s16+$0x0], $0xffff  }
0x66b: {  	v0 =	vadd.f32 v2, v0;
	v2 =	vld [tilespmem:$0x1F5F0]  }
0x66c: {  	v8 =	vld.idx.msk [tilespmem:v31+s20+$0x0], $0xffff;
	_ =	sdelay $0x2  }
0x66d: {  	v3 =	vadd.f32 v6, v3  }
0x66e: {  	v2 =	vmul.f32 v2, v9  }
0x66f: {  	v3 =	vadd.f32 v4, v3;
	v4 =	vmul.f32 v8, v14;
	v14 =	vld.idx.msk [tilespmem:v15+s16+$0x0], $0xffff  }
0x670: {  	v0 =	vadd.f32 v2, v0;
	v2 =	vld [tilespmem:$0x1F5E0]  }
0x671: {  	v10 =	vld.idx.msk [tilespmem:v27+s20+$0x0], $0xffff;
	_ =	sdelay $0x3  }
0x672: {  	v6 =	vld.idx.msk [tilespmem:v23+s20+$0x0], $0xffff;
	v2 =	vmul.f32 v2, v14  }
0x673: {  	v3 =	vadd.f32 v4, v3;
	v4 =	vmul.f32 v10, v13;
	v13 =	vld.idx.msk [tilespmem:v11+s16+$0x0], $0xffff  }
0x674: {  	v0 =	vadd.f32 v2, v0;
	v2 =	vld [tilespmem:$0x1F5D0];
	_ =	sdelay $0x4  }
0x675: {  	v3 =	vadd.f32 v4, v3;
	v4 =	vmul.f32 v6, v12;
	v6 =	vld.idx.msk [tilespmem:v11+s20+$0x0], $0xffff;
	v2 =	vmul.f32 v2, v13  }
0x676: {  	v11 =	vld.idx.msk [tilespmem:v7+s16+$0x0], $0xffff  }
0x677: {  	v0 =	vadd.f32 v2, v0;
	v2 =	vld [tilespmem:$0x1F5C0]  }
0x678: {  	v8 =	vld.idx.msk [tilespmem:v19+s20+$0x0], $0xffff;
	_ =	sdelay $0x3  }
0x679: {  	v2 =	vmul.f32 v2, v11  }
0x67a: {  	v3 =	vadd.f32 v4, v3;
	v4 =	vmul.f32 v8, v9;
	v8 =	vld.idx.msk [tilespmem:v5+s16+$0x0], $0xffff  }
0x67b: {  	v0 =	vadd.f32 v2, v0;
	v2 =	vld [tilespmem:$0x1F5B0]  }
0x67c: {  	v10 =	vld.idx.msk [tilespmem:v15+s20+$0x0], $0xffff;
	_ =	sdelay $0x3  }
0x67d: {  	v7 =	vld.idx.msk [tilespmem:v7+s20+$0x0], $0xffff;
	v2 =	vmul.f32 v2, v8  }
0x67e: {  	v3 =	vadd.f32 v4, v3;
	v4 =	vmul.f32 v10, v14;
	v9 =	vld.idx.msk [tilespmem:v1+s16+$0x0], $0xffff  }
0x67f: {  	v0 =	vadd.f32 v2, v0;
	v2 =	vld [tilespmem:$0x1F5A0]  }
0x680: {  	v3 =	vadd.f32 v4, v3;
	v4 =	vmul.f32 v6, v13  }
0x681: {  	v5 =	vld.idx.msk [tilespmem:v5+s20+$0x0], $0xffff  }
0x682: {  	v3 =	vadd.f32 v4, v3;
	v4 =	vmul.f32 v7, v11;
	v11 =	vld [tilespmem:$0x1F550]  }
0x683: {  	v6 =	vld.idx.msk [tilespmem:v62+s16+$0x0], $0xffff  }
0x684: {  	v1 =	vld.idx.msk [tilespmem:v1+s20+$0x0], $0xffff;
	v2 =	vmul.f32 v2, v9  }
0x685: {  	v7 =	vld.idx.msk [tilespmem:v62+s20+$0x0], $0xffff  }
0x686: {  	v0 =	vadd.f32 v2, v0;
	v2 =	vld [tilespmem:$0x1F590]  }
0x687: {  	v3 =	vadd.f32 v4, v3;
	v4 =	vmul.f32 v5, v8;
	_ =	sdelay $0x1  }
0x688: {  	v3 =	vadd.f32 v4, v3;
	v1 =	vmul.f32 v1, v9  }
0x689: {  	v9 =	vld.idx.msk [tilespmem:v11+s16+$0x0], $0xffff  }
0x68a: {  	v1 =	vadd.f32 v1, v3;
	v3 =	vmul.f32 v7, v6;
	v2 =	vmul.f32 v2, v6;
	v6 =	vld.idx.msk [tilespmem:v11+s20+$0x0], $0xffff  }
0x68b: {  	v11 =	vld [tilespmem:$0x1F530];
	_ =	sdelay $0x2  }
0x68c: {  	v10 =	vld.idx.msk [tilespmem:v60+s16+$0x0], $0xffff  }
0x68d: {  	v5 =	vld.idx.msk [tilespmem:v60+s20+$0x0], $0xffff;
	_ =	sdelay $0x1  }
0x68e: {  	v0 =	vadd.f32 v2, v0;
	v2 =	vld [tilespmem:$0x1F580];
	_ =	sdelay $0x1  }
0x68f: {  	v7 =	vld.idx.msk [tilespmem:v11+s16+$0x0], $0xffff  }
0x690: {  	v1 =	vadd.f32 v3, v1;
	v3 =	vmul.f32 v5, v10;
	v5 =	vld.idx.msk [tilespmem:v11+s20+$0x0], $0xffff  }
0x691: {  	v11 =	vld [tilespmem:$0x1F510]  }
0x692: {  	v2 =	vmul.f32 v2, v10  }
0x693: {  	v8 =	vld.idx.msk [tilespmem:v58+s16+$0x0], $0xffff  }
0x694: {  	v0 =	vadd.f32 v2, v0;
	v2 =	vld [tilespmem:$0x1F570]  }
0x695: {  	v4 =	vld.idx.msk [tilespmem:v58+s20+$0x0], $0xffff;
	_ =	sdelay $0x3  }
0x696: {  	v2 =	vmul.f32 v2, v8;
	v10 =	vld.idx.msk [tilespmem:v11+s16+$0x0], $0xffff  }
0x697: {  	v1 =	vadd.f32 v3, v1;
	v3 =	vmul.f32 v4, v8;
	v4 =	vld.idx.msk [tilespmem:v11+s20+$0x0], $0xffff  }
0x698: {  	v0 =	vadd.f32 v2, v0;
	v2 =	vld [tilespmem:$0x1F560]  }
0x699: {  	v11 =	vld [tilespmem:$0x1F4F0];
	_ =	sdelay $0x4  }
0x69a: {  	v2 =	vmul.f32 v2, v9;
	_ =	sdelay $0x1  }
0x69b: {  	v0 =	vadd.f32 v2, v0;
	v2 =	vld [tilespmem:$0x1F540]  }
0x69c: {  	v8 =	vld.idx.msk [tilespmem:v11+s16+$0x0], $0xffff  }
0x69d: {  	v1 =	vadd.f32 v3, v1;
	v3 =	vmul.f32 v6, v9;
	v6 =	vld.idx.msk [tilespmem:v11+s20+$0x0], $0xffff  }
0x69e: {  	v11 =	vld [tilespmem:$0x1F4D0];
	_ =	sdelay $0x4  }
0x69f: {  	v2 =	vmul.f32 v2, v7;
	_ =	sdelay $0x1  }
0x6a0: {  	v0 =	vadd.f32 v2, v0;
	v2 =	vld [tilespmem:$0x1F520]  }
0x6a1: {  	v9 =	vld.idx.msk [tilespmem:v11+s16+$0x0], $0xffff  }
0x6a2: {  	v1 =	vadd.f32 v3, v1;
	v3 =	vmul.f32 v5, v7;
	v5 =	vld.idx.msk [tilespmem:v11+s20+$0x0], $0xffff  }
0x6a3: {  	v11 =	vld [tilespmem:$0x1F4B0];
	_ =	sdelay $0x4  }
0x6a4: {  	v2 =	vmul.f32 v2, v10;
	_ =	sdelay $0x1  }
0x6a5: {  	v0 =	vadd.f32 v2, v0;
	v2 =	vld [tilespmem:$0x1F500]  }
0x6a6: {  	v7 =	vld.idx.msk [tilespmem:v11+s16+$0x0], $0xffff  }
0x6a7: {  	v1 =	vadd.f32 v3, v1;
	v3 =	vmul.f32 v4, v10;
	v4 =	vld.idx.msk [tilespmem:v11+s20+$0x0], $0xffff  }
0x6a8: {  	v11 =	vld [tilespmem:$0x1F490];
	_ =	sdelay $0x4  }
0x6a9: {  	v2 =	vmul.f32 v2, v8;
	_ =	sdelay $0x1  }
0x6aa: {  	v0 =	vadd.f32 v2, v0;
	v2 =	vld [tilespmem:$0x1F4E0]  }
0x6ab: {  	v10 =	vld.idx.msk [tilespmem:v11+s16+$0x0], $0xffff  }
0x6ac: {  	v1 =	vadd.f32 v3, v1;
	v3 =	vmul.f32 v6, v8;
	v6 =	vld.idx.msk [tilespmem:v11+s20+$0x0], $0xffff  }
0x6ad: {  	v11 =	vld [tilespmem:$0x1F470];
	_ =	sdelay $0x4  }
0x6ae: {  	v2 =	vmul.f32 v2, v9;
	_ =	sdelay $0x1  }
0x6af: {  	v0 =	vadd.f32 v2, v0;
	v2 =	vld [tilespmem:$0x1F4C0]  }
0x6b0: {  	v8 =	vld.idx.msk [tilespmem:v11+s16+$0x0], $0xffff  }
0x6b1: {  	v1 =	vadd.f32 v3, v1;
	v3 =	vmul.f32 v5, v9;
	v5 =	vld.idx.msk [tilespmem:v11+s20+$0x0], $0xffff  }
0x6b2: {  	v11 =	vld [tilespmem:$0x1F450];
	_ =	sdelay $0x4  }
0x6b3: {  	v2 =	vmul.f32 v2, v7;
	_ =	sdelay $0x1  }
0x6b4: {  	v0 =	vadd.f32 v2, v0;
	v2 =	vld [tilespmem:$0x1F4A0]  }
0x6b5: {  	v9 =	vld.idx.msk [tilespmem:v11+s16+$0x0], $0xffff  }
0x6b6: {  	v1 =	vadd.f32 v3, v1;
	v3 =	vmul.f32 v4, v7;
	v4 =	vld.idx.msk [tilespmem:v11+s20+$0x0], $0xffff  }
0x6b7: {  	v11 =	vld [tilespmem:$0x1F430];
	_ =	sdelay $0x1  }
0x6b8: {  	v2 =	vmul.f32 v2, v10;
	_ =	sdelay $0x1  }
0x6b9: {  	v0 =	vadd.f32 v2, v0;
	v2 =	vld [tilespmem:$0x1F480];
	_ =	sdelay $0x3  }
0x6ba: {  	v7 =	vld.idx.msk [tilespmem:v11+s16+$0x0], $0xffff  }
0x6bb: {  	v1 =	vadd.f32 v3, v1;
	v3 =	vmul.f32 v6, v10;
	v2 =	vmul.f32 v2, v8;
	v6 =	vld.idx.msk [tilespmem:v11+s20+$0x0], $0xffff  }
0x6bc: {  	v11 =	vld [tilespmem:$0x1F410]  }
0x6bd: {  	v0 =	vadd.f32 v2, v0;
	v2 =	vld [tilespmem:$0x1F460];
	_ =	sdelay $0x4  }
0x6be: {  	v2 =	vmul.f32 v2, v9;
	_ =	sdelay $0x1  }
0x6bf: {  	v0 =	vadd.f32 v2, v0;
	v2 =	vld [tilespmem:$0x1F440]  }
0x6c0: {  	v10 =	vld.idx.msk [tilespmem:v11+s16+$0x0], $0xffff  }
0x6c1: {  	v1 =	vadd.f32 v3, v1;
	v3 =	vmul.f32 v5, v8;
	v5 =	vld.idx.msk [tilespmem:v11+s20+$0x0], $0xffff  }
0x6c2: {  	v11 =	vld [tilespmem:$0x1F3F0];
	_ =	sdelay $0x4  }
0x6c3: {  	v2 =	vmul.f32 v2, v7;
	_ =	sdelay $0x1  }
0x6c4: {  	v0 =	vadd.f32 v2, v0;
	v2 =	vld [tilespmem:$0x1F420]  }
0x6c5: {  	v8 =	vld.idx.msk [tilespmem:v11+s16+$0x0], $0xffff  }
0x6c6: {  	v1 =	vadd.f32 v3, v1;
	v3 =	vmul.f32 v4, v9;
	v4 =	vld.idx.msk [tilespmem:v11+s20+$0x0], $0xffff  }
0x6c7: {  	v11 =	vld [tilespmem:$0x1F3D0];
	_ =	sdelay $0x4  }
0x6c8: {  	v2 =	vmul.f32 v2, v10;
	_ =	sdelay $0x1  }
0x6c9: {  	v0 =	vadd.f32 v2, v0;
	v2 =	vld [tilespmem:$0x1F400]  }
0x6ca: {  	v9 =	vld.idx.msk [tilespmem:v11+s16+$0x0], $0xffff  }
0x6cb: {  	v1 =	vadd.f32 v3, v1;
	v3 =	vmul.f32 v6, v7;
	v6 =	vld.idx.msk [tilespmem:v11+s20+$0x0], $0xffff  }
0x6cc: {  	v11 =	vld [tilespmem:$0x1F3B0];
	_ =	sdelay $0x4  }
0x6cd: {  	v2 =	vmul.f32 v2, v8;
	_ =	sdelay $0x1  }
0x6ce: {  	v0 =	vadd.f32 v2, v0;
	v2 =	vld [tilespmem:$0x1F3E0]  }
0x6cf: {  	v7 =	vld.idx.msk [tilespmem:v11+s16+$0x0], $0xffff  }
0x6d0: {  	v1 =	vadd.f32 v3, v1;
	v3 =	vmul.f32 v5, v10;
	v5 =	vld.idx.msk [tilespmem:v11+s20+$0x0], $0xffff  }
0x6d1: {  	v11 =	vld [tilespmem:$0x1F390];
	_ =	sdelay $0x4  }
0x6d2: {  	v2 =	vmul.f32 v2, v9;
	_ =	sdelay $0x1  }
0x6d3: {  	v0 =	vadd.f32 v2, v0;
	v2 =	vld [tilespmem:$0x1F3C0]  }
0x6d4: {  	v10 =	vld.idx.msk [tilespmem:v11+s16+$0x0], $0xffff  }
0x6d5: {  	v1 =	vadd.f32 v3, v1;
	v3 =	vmul.f32 v4, v8;
	v4 =	vld.idx.msk [tilespmem:v11+s20+$0x0], $0xffff  }
0x6d6: {  	v11 =	vld [tilespmem:$0x1F370];
	_ =	sdelay $0x4  }
0x6d7: {  	v2 =	vmul.f32 v2, v7;
	_ =	sdelay $0x1  }
0x6d8: {  	v0 =	vadd.f32 v2, v0;
	v2 =	vld [tilespmem:$0x1F3A0]  }
0x6d9: {  	v8 =	vld.idx.msk [tilespmem:v11+s16+$0x0], $0xffff  }
0x6da: {  	v1 =	vadd.f32 v3, v1;
	v3 =	vmul.f32 v6, v9;
	v6 =	vld.idx.msk [tilespmem:v11+s20+$0x0], $0xffff  }
0x6db: {  	v11 =	vld [tilespmem:$0x1F350];
	_ =	sdelay $0x1  }
0x6dc: {  	v2 =	vmul.f32 v2, v10;
	_ =	sdelay $0x1  }
0x6dd: {  	v0 =	vadd.f32 v2, v0;
	v2 =	vld [tilespmem:$0x1F380];
	_ =	sdelay $0x3  }
0x6de: {  	v9 =	vld.idx.msk [tilespmem:v11+s16+$0x0], $0xffff  }
0x6df: {  	v1 =	vadd.f32 v3, v1;
	v3 =	vmul.f32 v5, v7;
	v2 =	vmul.f32 v2, v8;
	v5 =	vld.idx.msk [tilespmem:v11+s20+$0x0], $0xffff  }
0x6e0: {  	v11 =	vld [tilespmem:$0x1F330]  }
0x6e1: {  	v0 =	vadd.f32 v2, v0;
	v2 =	vld [tilespmem:$0x1F360];
	_ =	sdelay $0x4  }
0x6e2: {  	v2 =	vmul.f32 v2, v9;
	_ =	sdelay $0x1  }
0x6e3: {  	v0 =	vadd.f32 v2, v0;
	v2 =	vld [tilespmem:$0x1F340]  }
0x6e4: {  	v7 =	vld.idx.msk [tilespmem:v11+s16+$0x0], $0xffff  }
0x6e5: {  	v1 =	vadd.f32 v3, v1;
	v3 =	vmul.f32 v4, v10;
	v4 =	vld.idx.msk [tilespmem:v11+s20+$0x0], $0xffff  }
0x6e6: {  	v11 =	vld [tilespmem:$0x1F310];
	_ =	sdelay $0x4  }
0x6e7: {  	v2 =	vmul.f32 v2, v7;
	_ =	sdelay $0x1  }
0x6e8: {  	v0 =	vadd.f32 v2, v0;
	v2 =	vld [tilespmem:$0x1F320]  }
0x6e9: {  	v10 =	vld.idx.msk [tilespmem:v11+s16+$0x0], $0xffff  }
0x6ea: {  	v1 =	vadd.f32 v3, v1;
	v3 =	vmul.f32 v6, v8;
	v6 =	vld.idx.msk [tilespmem:v11+s20+$0x0], $0xffff  }
0x6eb: {  	v11 =	vld [tilespmem:$0x1F2F0];
	_ =	sdelay $0x4  }
0x6ec: {  	v2 =	vmul.f32 v2, v10;
	_ =	sdelay $0x1  }
0x6ed: {  	v0 =	vadd.f32 v2, v0;
	v2 =	vld [tilespmem:$0x1F300]  }
0x6ee: {  	v8 =	vld.idx.msk [tilespmem:v11+s16+$0x0], $0xffff  }
0x6ef: {  	v1 =	vadd.f32 v3, v1;
	v3 =	vmul.f32 v5, v9;
	v5 =	vld.idx.msk [tilespmem:v11+s20+$0x0], $0xffff  }
0x6f0: {  	v11 =	vld [tilespmem:$0x1F2D0];
	_ =	sdelay $0x4  }
0x6f1: {  	v2 =	vmul.f32 v2, v8;
	_ =	sdelay $0x1  }
0x6f2: {  	v0 =	vadd.f32 v2, v0;
	v2 =	vld [tilespmem:$0x1F2E0]  }
0x6f3: {  	v9 =	vld.idx.msk [tilespmem:v11+s16+$0x0], $0xffff  }
0x6f4: {  	v1 =	vadd.f32 v3, v1;
	v3 =	vmul.f32 v4, v7;
	v4 =	vld.idx.msk [tilespmem:v11+s20+$0x0], $0xffff  }
0x6f5: {  	v11 =	vld [tilespmem:$0x1F2B0];
	_ =	sdelay $0x4  }
0x6f6: {  	v2 =	vmul.f32 v2, v9;
	_ =	sdelay $0x1  }
0x6f7: {  	v0 =	vadd.f32 v2, v0;
	v2 =	vld [tilespmem:$0x1F2C0]  }
0x6f8: {  	v7 =	vld.idx.msk [tilespmem:v11+s16+$0x0], $0xffff  }
0x6f9: {  	v1 =	vadd.f32 v3, v1;
	v3 =	vmul.f32 v6, v10;
	v6 =	vld.idx.msk [tilespmem:v11+s20+$0x0], $0xffff  }
0x6fa: {  	v11 =	vld [tilespmem:$0x1F290];
	_ =	sdelay $0x4  }
0x6fb: {  	v2 =	vmul.f32 v2, v7;
	_ =	sdelay $0x1  }
0x6fc: {  	v0 =	vadd.f32 v2, v0;
	v2 =	vld [tilespmem:$0x1F2A0]  }
0x6fd: {  	v10 =	vld.idx.msk [tilespmem:v11+s16+$0x0], $0xffff  }
0x6fe: {  	v1 =	vadd.f32 v3, v1;
	v3 =	vmul.f32 v5, v8;
	v5 =	vld.idx.msk [tilespmem:v11+s20+$0x0], $0xffff  }
0x6ff: {  	v11 =	vld [tilespmem:$0x1F270];
	_ =	sdelay $0x4  }
0x700: {  	v2 =	vmul.f32 v2, v10;
	_ =	sdelay $0x1  }
0x701: {  	v0 =	vadd.f32 v2, v0;
	v2 =	vld [tilespmem:$0x1F280]  }
0x702: {  	v8 =	vld.idx.msk [tilespmem:v11+s16+$0x0], $0xffff  }
0x703: {  	v1 =	vadd.f32 v3, v1;
	v3 =	vmul.f32 v4, v9;
	v4 =	vld.idx.msk [tilespmem:v11+s20+$0x0], $0xffff  }
0x704: {  	v11 =	vld [tilespmem:$0x1F250];
	_ =	sdelay $0x4  }
0x705: {  	v2 =	vmul.f32 v2, v8;
	_ =	sdelay $0x1  }
0x706: {  	v0 =	vadd.f32 v2, v0;
	v2 =	vld [tilespmem:$0x1F260]  }
0x707: {  	v9 =	vld.idx.msk [tilespmem:v11+s16+$0x0], $0xffff  }
0x708: {  	v1 =	vadd.f32 v3, v1;
	v3 =	vmul.f32 v6, v7;
	v6 =	vld.idx.msk [tilespmem:v11+s20+$0x0], $0xffff  }
0x709: {  	v11 =	vld [tilespmem:$0x1F230];
	_ =	sdelay $0x4  }
0x70a: {  	v2 =	vmul.f32 v2, v9;
	_ =	sdelay $0x1  }
0x70b: {  	v0 =	vadd.f32 v2, v0;
	v2 =	vld [tilespmem:$0x1F240]  }
0x70c: {  	v7 =	vld.idx.msk [tilespmem:v11+s16+$0x0], $0xffff  }
0x70d: {  	v1 =	vadd.f32 v3, v1;
	v3 =	vmul.f32 v5, v10;
	v5 =	vld.idx.msk [tilespmem:v11+s20+$0x0], $0xffff  }
0x70e: {  	v11 =	vld [tilespmem:$0x1F210];
	_ =	sdelay $0x4  }
0x70f: {  	v2 =	vmul.f32 v2, v7;
	_ =	sdelay $0x1  }
0x710: {  	v0 =	vadd.f32 v2, v0;
	v2 =	vld [tilespmem:$0x1F220]  }
0x711: {  	v10 =	vld.idx.msk [tilespmem:v11+s16+$0x0], $0xffff  }
0x712: {  	v1 =	vadd.f32 v3, v1;
	v3 =	vmul.f32 v4, v8;
	v4 =	vld.idx.msk [tilespmem:v11+s20+$0x0], $0xffff  }
0x713: {  	v11 =	vld [tilespmem:$0x1F1F0];
	_ =	sdelay $0x4  }
0x714: {  	v2 =	vmul.f32 v2, v10;
	_ =	sdelay $0x1  }
0x715: {  	v0 =	vadd.f32 v2, v0;
	v2 =	vld [tilespmem:$0x1F200]  }
0x716: {  	v8 =	vld.idx.msk [tilespmem:v11+s16+$0x0], $0xffff;
	_ =	sdelay $0x2  }
0x717: {  	v1 =	vadd.f32 v3, v1;
	v3 =	vmul.f32 v6, v9;
	_ =	sdelay $0x1  }
0x718: {  	v1 =	vadd.f32 v3, v1;
	v3 =	vmul.f32 v5, v7;
	v2 =	vmul.f32 v2, v8  }
0x719: {  	v54 =	vld [tilespmem:$0x1FEA0]  }
0x71a: {  	v1 =	vadd.f32 v3, v1;
	v3 =	vmul.f32 v4, v10;
	v4 =	vld [tilespmem:$0x1F7B0];
	v0 =	vadd.f32 v2, v0  }
0x71b: {  	s28 =	sadd.s32 $0x10, s28;
	v6 =	vld.idx.msk [tilespmem:v11+s20+$0x0], $0xffff  }
0x71c: {  	[tilespmem:s28+$0x0] =	vst v0;
	v0 =	vld [tilespmem:$0x1FE70]  }
0x71d: {  	v9 =	vmov s30  }
0x71e: {  	v5 =	vshll.u32 v9, $0x6  }
0x71f: {  	v5 =	vor.u32 v54, v5  }
0x720: {  	v10 =	vand.u32 $0x3F80, v5;
	v1 =	vadd.f32 v3, v1  }
0x721: {  	v5 =	vor.u32 v4, v10;
	v3 =	vmul.f32 v6, v8;
	v6 =	vor.u32 v0, v10;
	v0 =	vld [tilespmem:$0x1FE60];
	_ =	sdelay $0x1  }
0x722: {  	v1 =	vadd.f32 v3, v1  }
0x723: {  	s29 =	sadd.s32 $0x10, s29  }
0x724: {  	v4 =	vld [tilespmem:$0x1F7C0];
	[tilespmem:s29+$0x0] =	vst v1  }
0x725: {  	v1 =	vor.u32 v0, v10;
	v0 =	vld.idx.msk [tilespmem:v5+s18+$0x0], $0xffff;
	_ =	sdelay $0x4  }
0x726: {  	v4 =	vor.u32 v4, v10;
	[tilespmem:$0x1F200] =	vst v0;
	v0 =	vld [tilespmem:$0x1FE50];
	_ =	sdelay $0x3  }
0x727: {  	v2 =	vld [tilespmem:$0x1FE90]  }
0x728: {  	[tilespmem:$0x1F1F0] =	vst v5;
	v5 =	vor.u32 v0, v10;
	v0 =	vld.idx.msk [tilespmem:v4+s18+$0x0], $0xffff;
	_ =	sdelay $0x4  }
0x729: {  	v2 =	vor.u32 v2, v10;
	[tilespmem:$0x1F220] =	vst v0;
	v0 =	vld [tilespmem:$0x1FE40];
	_ =	sdelay $0x3  }
0x72a: {  	v3 =	vld [tilespmem:$0x1FE80]  }
0x72b: {  	[tilespmem:$0x1F210] =	vst v4;
	v4 =	vor.u32 v0, v10;
	v0 =	vld.idx.msk [tilespmem:v2+s18+$0x0], $0xffff;
	_ =	sdelay $0x4  }
0x72c: {  	v3 =	vor.u32 v3, v10;
	[tilespmem:$0x1F240] =	vst v0;
	v0 =	vld [tilespmem:$0x1FE30];
	_ =	sdelay $0x4  }
0x72d: {  	[tilespmem:$0x1F230] =	vst v2;
	v2 =	vor.u32 v0, v10;
	v0 =	vld.idx.msk [tilespmem:v3+s18+$0x0], $0xffff;
	_ =	sdelay $0x4  }
0x72e: {  	[tilespmem:$0x1F260] =	vst v0;
	v0 =	vld [tilespmem:$0x1FE20];
	_ =	sdelay $0x4  }
0x72f: {  	[tilespmem:$0x1F250] =	vst v3;
	v3 =	vor.u32 v0, v10;
	v0 =	vld.idx.msk [tilespmem:v6+s18+$0x0], $0xffff;
	_ =	sdelay $0x4  }
0x730: {  	[tilespmem:$0x1F280] =	vst v0;
	v0 =	vld [tilespmem:$0x1FE10];
	_ =	sdelay $0x4  }
0x731: {  	[tilespmem:$0x1F270] =	vst v6;
	v6 =	vor.u32 v0, v10;
	v0 =	vld.idx.msk [tilespmem:v1+s18+$0x0], $0xffff;
	_ =	sdelay $0x4  }
0x732: {  	[tilespmem:$0x1F2A0] =	vst v0;
	v0 =	vld [tilespmem:$0x1FE00];
	_ =	sdelay $0x4  }
0x733: {  	[tilespmem:$0x1F290] =	vst v1;
	v1 =	vor.u32 v0, v10;
	v0 =	vld.idx.msk [tilespmem:v5+s18+$0x0], $0xffff;
	_ =	sdelay $0x4  }
0x734: {  	[tilespmem:$0x1F2C0] =	vst v0;
	v0 =	vld [tilespmem:$0x1FDF0];
	_ =	sdelay $0x4  }
0x735: {  	[tilespmem:$0x1F2B0] =	vst v5;
	v5 =	vor.u32 v0, v10;
	v0 =	vld.idx.msk [tilespmem:v4+s18+$0x0], $0xffff;
	_ =	sdelay $0x4  }
0x736: {  	[tilespmem:$0x1F2E0] =	vst v0;
	v0 =	vld [tilespmem:$0x1FDE0];
	_ =	sdelay $0x4  }
0x737: {  	[tilespmem:$0x1F2D0] =	vst v4;
	v4 =	vor.u32 v0, v10;
	v0 =	vld.idx.msk [tilespmem:v2+s18+$0x0], $0xffff;
	_ =	sdelay $0x4  }
0x738: {  	[tilespmem:$0x1F300] =	vst v0;
	v0 =	vld [tilespmem:$0x1FDD0];
	_ =	sdelay $0x4  }
0x739: {  	[tilespmem:$0x1F2F0] =	vst v2;
	v2 =	vor.u32 v0, v10;
	v0 =	vld.idx.msk [tilespmem:v3+s18+$0x0], $0xffff;
	_ =	sdelay $0x4  }
0x73a: {  	[tilespmem:$0x1F320] =	vst v0;
	v0 =	vld [tilespmem:$0x1FDC0];
	_ =	sdelay $0x4  }
0x73b: {  	[tilespmem:$0x1F310] =	vst v3;
	v3 =	vor.u32 v0, v10;
	v0 =	vld.idx.msk [tilespmem:v6+s18+$0x0], $0xffff;
	_ =	sdelay $0x4  }
0x73c: {  	[tilespmem:$0x1F340] =	vst v0;
	v0 =	vld [tilespmem:$0x1FDB0];
	_ =	sdelay $0x4  }
0x73d: {  	[tilespmem:$0x1F330] =	vst v6;
	v6 =	vor.u32 v0, v10;
	v0 =	vld.idx.msk [tilespmem:v1+s18+$0x0], $0xffff;
	_ =	sdelay $0x4  }
0x73e: {  	[tilespmem:$0x1F360] =	vst v0;
	v0 =	vld [tilespmem:$0x1FDA0];
	_ =	sdelay $0x4  }
0x73f: {  	[tilespmem:$0x1F350] =	vst v1;
	v1 =	vor.u32 v0, v10;
	v0 =	vld.idx.msk [tilespmem:v5+s18+$0x0], $0xffff;
	_ =	sdelay $0x4  }
0x740: {  	[tilespmem:$0x1F380] =	vst v0;
	v0 =	vld [tilespmem:$0x1FD90];
	_ =	sdelay $0x4  }
0x741: {  	[tilespmem:$0x1F370] =	vst v5;
	v5 =	vor.u32 v0, v10;
	v0 =	vld.idx.msk [tilespmem:v4+s18+$0x0], $0xffff;
	_ =	sdelay $0x4  }
0x742: {  	[tilespmem:$0x1F3A0] =	vst v0;
	v0 =	vld [tilespmem:$0x1FD80];
	_ =	sdelay $0x4  }
0x743: {  	[tilespmem:$0x1F390] =	vst v4;
	v4 =	vor.u32 v0, v10;
	v0 =	vld.idx.msk [tilespmem:v2+s18+$0x0], $0xffff;
	_ =	sdelay $0x4  }
0x744: {  	[tilespmem:$0x1F3C0] =	vst v0;
	v0 =	vld [tilespmem:$0x1FD70];
	_ =	sdelay $0x4  }
0x745: {  	[tilespmem:$0x1F3B0] =	vst v2;
	v2 =	vor.u32 v0, v10;
	v0 =	vld.idx.msk [tilespmem:v3+s18+$0x0], $0xffff;
	_ =	sdelay $0x4  }
0x746: {  	[tilespmem:$0x1F3E0] =	vst v0;
	v0 =	vld [tilespmem:$0x1FD60];
	_ =	sdelay $0x4  }
0x747: {  	[tilespmem:$0x1F3D0] =	vst v3;
	v3 =	vor.u32 v0, v10;
	v0 =	vld.idx.msk [tilespmem:v6+s18+$0x0], $0xffff;
	_ =	sdelay $0x4  }
0x748: {  	[tilespmem:$0x1F400] =	vst v0;
	v0 =	vld [tilespmem:$0x1FD50];
	_ =	sdelay $0x4  }
0x749: {  	[tilespmem:$0x1F3F0] =	vst v6;
	v6 =	vor.u32 v0, v10;
	v0 =	vld.idx.msk [tilespmem:v1+s18+$0x0], $0xffff;
	_ =	sdelay $0x4  }
0x74a: {  	[tilespmem:$0x1F420] =	vst v0;
	v0 =	vld [tilespmem:$0x1FD40];
	_ =	sdelay $0x4  }
0x74b: {  	[tilespmem:$0x1F410] =	vst v1;
	v1 =	vor.u32 v0, v10;
	v0 =	vld.idx.msk [tilespmem:v5+s18+$0x0], $0xffff;
	_ =	sdelay $0x4  }
0x74c: {  	[tilespmem:$0x1F440] =	vst v0;
	v0 =	vld [tilespmem:$0x1FD30];
	_ =	sdelay $0x4  }
0x74d: {  	[tilespmem:$0x1F430] =	vst v5;
	v5 =	vor.u32 v0, v10;
	v0 =	vld.idx.msk [tilespmem:v4+s18+$0x0], $0xffff;
	_ =	sdelay $0x4  }
0x74e: {  	[tilespmem:$0x1F460] =	vst v0;
	v0 =	vld [tilespmem:$0x1FD20];
	_ =	sdelay $0x4  }
0x74f: {  	[tilespmem:$0x1F450] =	vst v4;
	v4 =	vor.u32 v0, v10;
	v0 =	vld.idx.msk [tilespmem:v2+s18+$0x0], $0xffff;
	_ =	sdelay $0x4  }
0x750: {  	[tilespmem:$0x1F480] =	vst v0;
	v0 =	vld [tilespmem:$0x1FD10];
	_ =	sdelay $0x4  }
0x751: {  	[tilespmem:$0x1F470] =	vst v2;
	v2 =	vor.u32 v0, v10;
	v0 =	vld.idx.msk [tilespmem:v3+s18+$0x0], $0xffff;
	_ =	sdelay $0x4  }
0x752: {  	[tilespmem:$0x1F4A0] =	vst v0;
	v0 =	vld [tilespmem:$0x1FD00];
	_ =	sdelay $0x4  }
0x753: {  	[tilespmem:$0x1F490] =	vst v3;
	v3 =	vor.u32 v0, v10;
	v0 =	vld.idx.msk [tilespmem:v6+s18+$0x0], $0xffff;
	_ =	sdelay $0x4  }
0x754: {  	[tilespmem:$0x1F4C0] =	vst v0;
	v0 =	vld [tilespmem:$0x1FCF0];
	_ =	sdelay $0x4  }
0x755: {  	v58 =	vor.u32 v0, v10;
	v0 =	vld.idx.msk [tilespmem:v1+s18+$0x0], $0xffff;
	_ =	sdelay $0x4  }
0x756: {  	[tilespmem:$0x1F4E0] =	vst v0;
	v0 =	vld [tilespmem:$0x1FCE0];
	_ =	sdelay $0x4  }
0x757: {  	v60 =	vor.u32 v0, v10;
	v0 =	vld.idx.msk [tilespmem:v5+s18+$0x0], $0xffff;
	_ =	sdelay $0x4  }
0x758: {  	[tilespmem:$0x1F500] =	vst v0;
	v0 =	vld [tilespmem:$0x1FCD0];
	_ =	sdelay $0x4  }
0x759: {  	v62 =	vor.u32 v0, v10;
	v0 =	vld.idx.msk [tilespmem:v4+s18+$0x0], $0xffff;
	_ =	sdelay $0x4  }
0x75a: {  	[tilespmem:$0x1F520] =	vst v0;
	v0 =	vld [tilespmem:$0x1FCC0];
	_ =	sdelay $0x4  }
0x75b: {  	[tilespmem:$0x1F4D0] =	vst v1;
	v1 =	vor.u32 v0, v10;
	v0 =	vld.idx.msk [tilespmem:v2+s18+$0x0], $0xffff;
	_ =	sdelay $0x4  }
0x75c: {  	[tilespmem:$0x1F540] =	vst v0;
	v0 =	vld [tilespmem:$0x1FCB0];
	_ =	sdelay $0x4  }
0x75d: {  	[tilespmem:$0x1F4F0] =	vst v5;
	v5 =	vor.u32 v0, v10;
	v0 =	vld.idx.msk [tilespmem:v3+s18+$0x0], $0xffff;
	_ =	sdelay $0x4  }
0x75e: {  	[tilespmem:$0x1F560] =	vst v0;
	v0 =	vld [tilespmem:$0x1FCA0];
	_ =	sdelay $0x4  }
0x75f: {  	v7 =	vor.u32 v0, v10;
	v0 =	vld.idx.msk [tilespmem:v58+s18+$0x0], $0xffff;
	_ =	sdelay $0x4  }
0x760: {  	[tilespmem:$0x1F570] =	vst v0;
	v0 =	vld [tilespmem:$0x1FC90];
	_ =	sdelay $0x4  }
0x761: {  	v11 =	vor.u32 v0, v10;
	v0 =	vld.idx.msk [tilespmem:v60+s18+$0x0], $0xffff;
	_ =	sdelay $0x4  }
0x762: {  	[tilespmem:$0x1F580] =	vst v0;
	v0 =	vld [tilespmem:$0x1FC80];
	_ =	sdelay $0x4  }
0x763: {  	v15 =	vor.u32 v0, v10;
	v0 =	vld.idx.msk [tilespmem:v62+s18+$0x0], $0xffff;
	_ =	sdelay $0x4  }
0x764: {  	[tilespmem:$0x1F590] =	vst v0;
	v0 =	vld [tilespmem:$0x1FC70];
	_ =	sdelay $0x4  }
0x765: {  	v19 =	vor.u32 v0, v10;
	v0 =	vld.idx.msk [tilespmem:v1+s18+$0x0], $0xffff;
	_ =	sdelay $0x4  }
0x766: {  	[tilespmem:$0x1F5A0] =	vst v0;
	v0 =	vld [tilespmem:$0x1FC60];
	_ =	sdelay $0x4  }
0x767: {  	v23 =	vor.u32 v0, v10;
	v0 =	vld.idx.msk [tilespmem:v5+s18+$0x0], $0xffff;
	_ =	sdelay $0x4  }
0x768: {  	[tilespmem:$0x1F5B0] =	vst v0;
	v0 =	vld [tilespmem:$0x1FC50];
	_ =	sdelay $0x4  }
0x769: {  	v27 =	vor.u32 v0, v10;
	v0 =	vld.idx.msk [tilespmem:v7+s18+$0x0], $0xffff;
	_ =	sdelay $0x4  }
0x76a: {  	[tilespmem:$0x1F5C0] =	vst v0;
	v0 =	vld [tilespmem:$0x1FC40];
	_ =	sdelay $0x4  }
0x76b: {  	v31 =	vor.u32 v0, v10;
	v0 =	vld.idx.msk [tilespmem:v11+s18+$0x0], $0xffff;
	_ =	sdelay $0x4  }
0x76c: {  	[tilespmem:$0x1F5D0] =	vst v0;
	v0 =	vld [tilespmem:$0x1FC30];
	_ =	sdelay $0x4  }
0x76d: {  	v35 =	vor.u32 v0, v10;
	v0 =	vld.idx.msk [tilespmem:v15+s18+$0x0], $0xffff;
	_ =	sdelay $0x4  }
0x76e: {  	[tilespmem:$0x1F5E0] =	vst v0;
	v0 =	vld [tilespmem:$0x1FC20];
	_ =	sdelay $0x4  }
0x76f: {  	v39 =	vor.u32 v0, v10;
	v0 =	vld.idx.msk [tilespmem:v19+s18+$0x0], $0xffff;
	_ =	sdelay $0x4  }
0x770: {  	[tilespmem:$0x1F5F0] =	vst v0;
	v0 =	vld [tilespmem:$0x1FC10];
	_ =	sdelay $0x4  }
0x771: {  	v43 =	vor.u32 v0, v10;
	v0 =	vld.idx.msk [tilespmem:v23+s18+$0x0], $0xffff;
	_ =	sdelay $0x4  }
0x772: {  	[tilespmem:$0x1F600] =	vst v0;
	v0 =	vld [tilespmem:$0x1FFD0];
	_ =	sdelay $0x4  }
0x773: {  	v45 =	vor.u32 v0, v10;
	v0 =	vld.idx.msk [tilespmem:v27+s18+$0x0], $0xffff;
	_ =	sdelay $0x4  }
0x774: {  	[tilespmem:$0x1F610] =	vst v0;
	v0 =	vld [tilespmem:$0x1FFC0];
	_ =	sdelay $0x2  }
0x775: {  	[tilespmem:$0x1F550] =	vst v3;
	v3 =	vld [tilespmem:$0x1FF50];
	_ =	sdelay $0x1  }
0x776: {  	v47 =	vor.u32 v0, v10;
	v0 =	vld.idx.msk [tilespmem:v31+s18+$0x0], $0xffff;
	_ =	sdelay $0x2  }
0x777: {  	v59 =	vor.u32 v3, v10;
	v3 =	vld [tilespmem:$0x1FF40];
	_ =	sdelay $0x1  }
0x778: {  	[tilespmem:$0x1F620] =	vst v0;
	v0 =	vld [tilespmem:$0x1FFB0];
	_ =	sdelay $0x2  }
0x779: {  	v26 =	vor.u32 v3, v10;
	v3 =	vld [tilespmem:$0x1FF30];
	_ =	sdelay $0x1  }
0x77a: {  	v8 =	vor.u32 v0, v10;
	v0 =	vld [tilespmem:$0x1FFA0]  }
0x77b: {  	v9 =	vld [tilespmem:$0x1FEF0]  }
0x77c: {  	[tilespmem:$0x1F4B0] =	vst v6;
	v6 =	vld [tilespmem:$0x1FF00]  }
0x77d: {  	v28 =	vor.u32 v3, v10;
	v3 =	vld [tilespmem:$0x1FF20];
	_ =	sdelay $0x1  }
0x77e: {  	v51 =	vor.u32 v0, v10;
	v0 =	vld [tilespmem:$0x1FF90]  }
0x77f: {  	v36 =	vor.u32 v9, v10;
	v9 =	vld [tilespmem:$0x1FEE0]  }
0x780: {  	v56 =	vld [tilespmem:$0x1FEB0];
	v6 =	vor.u32 v6, v10  }
0x781: {  	v30 =	vor.u32 v3, v10;
	v3 =	vld [tilespmem:$0x1FF10]  }
0x782: {  	v13 =	vld [tilespmem:$0x1FEC0]  }
0x783: {  	v14 =	vor.u32 v0, v10;
	v0 =	vld [tilespmem:$0x1FF80]  }
0x784: {  	v38 =	vor.u32 v9, v10;
	v9 =	vld [tilespmem:$0x1FED0]  }
0x785: {  	v34 =	vld.idx.msk [tilespmem:v6+s18+$0x0], $0xffff  }
0x786: {  	v22 =	vld.idx.msk [tilespmem:v59+s18+$0x0], $0xffff;
	v3 =	vor.u32 v3, v10  }
0x787: {  	v24 =	vld.idx.msk [tilespmem:v26+s18+$0x0], $0xffff  }
0x788: {  	v16 =	vor.u32 v0, v10;
	v0 =	vld [tilespmem:$0x1FF70]  }
0x789: {  	v61 =	vld.idx.msk [tilespmem:v28+s18+$0x0], $0xffff  }
0x78a: {  	v63 =	vld.idx.msk [tilespmem:v30+s18+$0x0], $0xffff  }
0x78b: {  	v32 =	vld.idx.msk [tilespmem:v3+s18+$0x0], $0xffff  }
0x78c: {  	v33 =	vld.idx.msk [tilespmem:v35+s18+$0x0], $0xffff  }
0x78d: {  	v18 =	vor.u32 v0, v10;
	v0 =	vld [tilespmem:$0x1FF60]  }
0x78e: {  	v37 =	vld.idx.msk [tilespmem:v39+s18+$0x0], $0xffff  }
0x78f: {  	v41 =	vld.idx.msk [tilespmem:v43+s18+$0x0], $0xffff  }
0x790: {  	[tilespmem:$0x1F530] =	vst v2;
	v2 =	vld.idx.msk [tilespmem:v45+s18+$0x0], $0xffff  }
0x791: {  	[tilespmem:$0x1F510] =	vst v4;
	v4 =	vld.idx.msk [tilespmem:v47+s18+$0x0], $0xffff  }
0x792: {  	p0 =	sne.s32 s30, $0xF0;
	v49 =	vld.idx.msk [tilespmem:v51+s18+$0x0], $0xffff;
	v57 =	vor.u32 v0, v10  }
.Ltmp3:
0x793: {  	v12 =	vld.idx.msk [tilespmem:v14+s18+$0x0], $0xffff;
	(pc) =	sbr.rel @p0 .LBB2_8-.Ltmp3, $4  }
0x794: {  	v53 =	vld.idx.msk [tilespmem:v16+s18+$0x0], $0xffff  }
0x795: {  	v0 =	vld.idx.msk [tilespmem:v8+s18+$0x0], $0xffff  }
0x796: {  	v55 =	vld.idx.msk [tilespmem:v18+s18+$0x0], $0xffff  }
0x797: {  	s30 =	sadd.s32 $0x10, s30;
	v40 =	vor.u32 v13, v10;
	v13 =	vor.u32 v56, v10;
	v9 =	vor.u32 v9, v10;
	v20 =	vld.idx.msk [tilespmem:v57+s18+$0x0], $0xffff  }
0x798: {  	v17 =	vld [tilespmem:$0x1FFE0];
	_ =	sdelay $0x2  }
0x799: {  	v21 =	vld [tilespmem:$0x1FFF0];
	_ =	sdelay $0x1  }
0x79a: {  	v44 =	vld.idx.msk [tilespmem:v13+s18+$0x0], $0xffff;
	v17 =	vor.u32 v17, v10  }
0x79b: {  	v46 =	vld.idx.msk [tilespmem:v13+s16+$0x0], $0xffff  }
0x79c: {  	v13 =	vld.idx.msk [tilespmem:v13+s20+$0x0], $0xffff  }
0x79d: {  	v48 =	vld.idx.msk [tilespmem:v40+s18+$0x0], $0xffff;
	v10 =	vor.u32 v21, v10  }
0x79e: {  	v50 =	vld.idx.msk [tilespmem:v40+s16+$0x0], $0xffff  }
0x79f: {  	v21 =	vld.idx.msk [tilespmem:v17+s18+$0x0], $0xffff  }
0x7a0: {  	v25 =	vld.idx.msk [tilespmem:v17+s16+$0x0], $0xffff  }
0x7a1: {  	v17 =	vld.idx.msk [tilespmem:v17+s20+$0x0], $0xffff  }
0x7a2: {  	v29 =	vld.idx.msk [tilespmem:v10+s18+$0x0], $0xffff  }
0x7a3: {  	v42 =	vld.idx.msk [tilespmem:v10+s16+$0x0], $0xffff  }
0x7a4: {  	v10 =	vld.idx.msk [tilespmem:v10+s20+$0x0], $0xffff  }
0x7a5: {  	v40 =	vld.idx.msk [tilespmem:v40+s20+$0x0], $0xffff  }
0x7a6: {  	v52 =	vld.idx.msk [tilespmem:v9+s18+$0x0], $0xffff;
	v21 =	vmul.f32 v21, v25  }
0x7a7: {  	v17 =	vmul.f32 v17, v25;
	v25 =	vld.idx.msk [tilespmem:v9+s16+$0x0], $0xffff  }
0x7a8: {  	v29 =	vmul.f32 v29, v42;
	v9 =	vld.idx.msk [tilespmem:v9+s20+$0x0], $0xffff;
	v21 =	vadd.f32 $0.0e+00, v21  }
0x7a9: {  	v10 =	vmul.f32 v10, v42;
	v42 =	vld.idx.msk [tilespmem:v38+s18+$0x0], $0xffff;
	v17 =	vadd.f32 $0.0e+00, v17  }
0x7aa: {  	v21 =	vadd.f32 v29, v21;
	v29 =	vmul.f32 v44, v46;
	v44 =	vld.idx.msk [tilespmem:v38+s16+$0x0], $0xffff  }
0x7ab: {  	v13 =	vmul.f32 v13, v46;
	v10 =	vadd.f32 v10, v17;
	v17 =	vld.idx.msk [tilespmem:v38+s20+$0x0], $0xffff  }
0x7ac: {  	v46 =	vmul.f32 v48, v50;
	v38 =	vld.idx.msk [tilespmem:v36+s18+$0x0], $0xffff;
	v21 =	vadd.f32 v29, v21  }
0x7ad: {  	v48 =	vld.idx.msk [tilespmem:v36+s16+$0x0], $0xffff;
	v10 =	vadd.f32 v13, v10;
	v13 =	vmul.f32 v40, v50  }
0x7ae: {  	v50 =	vld.idx.msk [tilespmem:v36+s20+$0x0], $0xffff;
	v21 =	vadd.f32 v46, v21;
	v46 =	vmul.f32 v52, v25  }
0x7af: {  	v9 =	vmul.f32 v9, v25;
	v10 =	vadd.f32 v13, v10;
	v13 =	vld.idx.msk [tilespmem:v6+s16+$0x0], $0xffff  }
0x7b0: {  	v6 =	vld.idx.msk [tilespmem:v6+s20+$0x0], $0xffff;
	v25 =	vmul.f32 v42, v44;
	v21 =	vadd.f32 v46, v21  }
0x7b1: {  	v9 =	vadd.f32 v9, v10;
	v10 =	vmul.f32 v17, v44;
	v17 =	vld.idx.msk [tilespmem:v3+s16+$0x0], $0xffff  }
0x7b2: {  	v3 =	vld.idx.msk [tilespmem:v3+s20+$0x0], $0xffff;
	v21 =	vadd.f32 v25, v21;
	v25 =	vmul.f32 v38, v48  }
0x7b3: {  	v9 =	vadd.f32 v10, v9;
	v10 =	vmul.f32 v50, v48;
	v48 =	vld.idx.msk [tilespmem:v30+s16+$0x0], $0xffff  }
0x7b4: {  	v50 =	vmul.f32 v34, v13;
	v21 =	vadd.f32 v25, v21;
	v25 =	vld.idx.msk [tilespmem:v30+s20+$0x0], $0xffff  }
0x7b5: {  	v6 =	vmul.f32 v6, v13;
	v9 =	vadd.f32 v10, v9;
	v10 =	vld.idx.msk [tilespmem:v28+s16+$0x0], $0xffff  }
0x7b6: {  	v52 =	vmul.f32 v32, v17;
	v13 =	vadd.f32 v50, v21;
	v21 =	vld.idx.msk [tilespmem:v28+s20+$0x0], $0xffff  }
0x7b7: {  	v3 =	vmul.f32 v3, v17;
	v6 =	vadd.f32 v6, v9;
	v9 =	vld.idx.msk [tilespmem:v26+s16+$0x0], $0xffff  }
0x7b8: {  	v17 =	vld.idx.msk [tilespmem:v26+s20+$0x0], $0xffff;
	v26 =	vmul.f32 v63, v48;
	v13 =	vadd.f32 v52, v13  }
0x7b9: {  	v3 =	vadd.f32 v3, v6;
	v6 =	vmul.f32 v25, v48;
	v25 =	vld.idx.msk [tilespmem:v59+s16+$0x0], $0xffff  }
0x7ba: {  	v63 =	vmul.f32 v61, v10;
	v13 =	vadd.f32 v26, v13;
	v26 =	vld.idx.msk [tilespmem:v59+s20+$0x0], $0xffff  }
0x7bb: {  	v3 =	vadd.f32 v6, v3;
	v6 =	vmul.f32 v21, v10;
	v10 =	vld.idx.msk [tilespmem:v57+s16+$0x0], $0xffff  }
0x7bc: {  	v21 =	vld.idx.msk [tilespmem:v57+s20+$0x0], $0xffff;
	v24 =	vmul.f32 v24, v9;
	v13 =	vadd.f32 v63, v13  }
0x7bd: {  	v3 =	vadd.f32 v6, v3;
	v6 =	vmul.f32 v17, v9;
	v9 =	vld.idx.msk [tilespmem:v18+s16+$0x0], $0xffff  }
0x7be: {  	v17 =	vld.idx.msk [tilespmem:v18+s20+$0x0], $0xffff;
	v13 =	vadd.f32 v24, v13;
	v18 =	vmul.f32 v22, v25  }
0x7bf: {  	v22 =	vld.idx.msk [tilespmem:v16+s16+$0x0], $0xffff;
	v3 =	vadd.f32 v6, v3;
	v6 =	vmul.f32 v26, v25  }
0x7c0: {  	v16 =	vld.idx.msk [tilespmem:v16+s20+$0x0], $0xffff;
	v13 =	vadd.f32 v18, v13;
	v18 =	vmul.f32 v20, v10  }
0x7c1: {  	v3 =	vadd.f32 v6, v3;
	v6 =	vmul.f32 v21, v10;
	v10 =	vld.idx.msk [tilespmem:v14+s16+$0x0], $0xffff  }
0x7c2: {  	v14 =	vld.idx.msk [tilespmem:v14+s20+$0x0], $0xffff;
	v13 =	vadd.f32 v18, v13;
	v18 =	vmul.f32 v55, v9  }
0x7c3: {  	v3 =	vadd.f32 v6, v3;
	v6 =	vmul.f32 v17, v9;
	v9 =	vld.idx.msk [tilespmem:v51+s16+$0x0], $0xffff  }
0x7c4: {  	v17 =	vld.idx.msk [tilespmem:v51+s20+$0x0], $0xffff;
	v13 =	vadd.f32 v18, v13;
	v18 =	vmul.f32 v53, v22  }
0x7c5: {  	v3 =	vadd.f32 v6, v3;
	v6 =	vmul.f32 v16, v22;
	v16 =	vld.idx.msk [tilespmem:v8+s16+$0x0], $0xffff  }
0x7c6: {  	v8 =	vld.idx.msk [tilespmem:v8+s20+$0x0], $0xffff;
	v13 =	vadd.f32 v18, v13;
	v12 =	vmul.f32 v12, v10  }
0x7c7: {  	v3 =	vadd.f32 v6, v3;
	v6 =	vmul.f32 v14, v10;
	v10 =	vld.idx.msk [tilespmem:v47+s16+$0x0], $0xffff  }
0x7c8: {  	v12 =	vadd.f32 v12, v13;
	v13 =	vld.idx.msk [tilespmem:v47+s20+$0x0], $0xffff;
	v14 =	vmul.f32 v49, v9  }
0x7c9: {  	v3 =	vadd.f32 v6, v3;
	v6 =	vmul.f32 v17, v9;
	v9 =	vld.idx.msk [tilespmem:v45+s16+$0x0], $0xffff  }
0x7ca: {  	v12 =	vadd.f32 v14, v12;
	v14 =	vld.idx.msk [tilespmem:v45+s20+$0x0], $0xffff;
	v0 =	vmul.f32 v0, v16  }
0x7cb: {  	v3 =	vadd.f32 v6, v3;
	v6 =	vmul.f32 v8, v16;
	v8 =	vld.idx.msk [tilespmem:v43+s16+$0x0], $0xffff  }
0x7cc: {  	v0 =	vadd.f32 v0, v12;
	v4 =	vmul.f32 v4, v10  }
0x7cd: {  	v3 =	vadd.f32 v6, v3;
	v6 =	vmul.f32 v13, v10;
	v10 =	vld.idx.msk [tilespmem:v39+s16+$0x0], $0xffff  }
0x7ce: {  	v0 =	vadd.f32 v4, v0;
	v2 =	vmul.f32 v2, v9  }
0x7cf: {  	v3 =	vadd.f32 v6, v3;
	v6 =	vmul.f32 v14, v9;
	v9 =	vld.idx.msk [tilespmem:v35+s16+$0x0], $0xffff  }
0x7d0: {  	v12 =	vld.idx.msk [tilespmem:v43+s20+$0x0], $0xffff;
	v0 =	vadd.f32 v2, v0;
	v13 =	vmul.f32 v41, v8;
	_ =	sdelay $0x1  }
0x7d1: {  	v0 =	vadd.f32 v13, v0;
	v13 =	vmul.f32 v37, v10;
	_ =	sdelay $0x1  }
0x7d2: {  	v0 =	vadd.f32 v13, v0;
	v13 =	vmul.f32 v33, v9  }
0x7d3: {  	v3 =	vadd.f32 v6, v3;
	v6 =	vmul.f32 v12, v8;
	v8 =	vld.idx.msk [tilespmem:v31+s16+$0x0], $0xffff  }
0x7d4: {  	v0 =	vadd.f32 v13, v0;
	v13 =	vld [tilespmem:$0x1F620];
	_ =	sdelay $0x3  }
0x7d5: {  	v29 =	vld.idx.msk [tilespmem:v35+s20+$0x0], $0xffff  }
0x7d6: {  	v4 =	vld.idx.msk [tilespmem:v39+s20+$0x0], $0xffff;
	v13 =	vmul.f32 v13, v8  }
0x7d7: {  	v3 =	vadd.f32 v6, v3;
	v6 =	vld.idx.msk [tilespmem:v27+s16+$0x0], $0xffff  }
0x7d8: {  	v0 =	vadd.f32 v13, v0;
	v13 =	vld [tilespmem:$0x1F610];
	_ =	sdelay $0x1  }
0x7d9: {  	v12 =	vld.idx.msk [tilespmem:v31+s20+$0x0], $0xffff  }
0x7da: {  	v4 =	vmul.f32 v4, v10  }
0x7db: {  	v10 =	vld.idx.msk [tilespmem:v27+s20+$0x0], $0xffff  }
0x7dc: {  	v2 =	vmul.f32 v29, v9;
	v9 =	vld.idx.msk [tilespmem:v23+s20+$0x0], $0xffff;
	v3 =	vadd.f32 v4, v3;
	v13 =	vmul.f32 v13, v6  }
0x7dd: {  	v4 =	vld.idx.msk [tilespmem:v23+s16+$0x0], $0xffff  }
0x7de: {  	v2 =	vadd.f32 v2, v3;
	v3 =	vmul.f32 v12, v8;
	v0 =	vadd.f32 v13, v0;
	v13 =	vld [tilespmem:$0x1F600];
	_ =	sdelay $0x1  }
0x7df: {  	v2 =	vadd.f32 v3, v2;
	v3 =	vmul.f32 v10, v6  }
0x7e0: {  	v8 =	vld.idx.msk [tilespmem:v19+s16+$0x0], $0xffff  }
0x7e1: {  	v2 =	vadd.f32 v3, v2;
	v3 =	vmul.f32 v9, v4;
	v9 =	vld.idx.msk [tilespmem:v11+s20+$0x0], $0xffff  }
0x7e2: {  	v13 =	vmul.f32 v13, v4;
	v4 =	vld.idx.msk [tilespmem:v11+s16+$0x0], $0xffff  }
0x7e3: {  	v11 =	vld [tilespmem:$0x1F5F0];
	_ =	sdelay $0x1  }
0x7e4: {  	v12 =	vld.idx.msk [tilespmem:v19+s20+$0x0], $0xffff  }
0x7e5: {  	v10 =	vld.idx.msk [tilespmem:v15+s20+$0x0], $0xffff  }
0x7e6: {  	v6 =	vld.idx.msk [tilespmem:v15+s16+$0x0], $0xffff  }
0x7e7: {  	v0 =	vadd.f32 v13, v0;
	v11 =	vmul.f32 v11, v8;
	_ =	sdelay $0x1  }
0x7e8: {  	v2 =	vadd.f32 v3, v2;
	v3 =	vmul.f32 v12, v8;
	v0 =	vadd.f32 v11, v0;
	v11 =	vld [tilespmem:$0x1F5E0];
	_ =	sdelay $0x1  }
0x7e9: {  	v2 =	vadd.f32 v3, v2;
	v3 =	vmul.f32 v10, v6;
	v10 =	vld [tilespmem:$0x1F5D0]  }
0x7ea: {  	v8 =	vld.idx.msk [tilespmem:v7+s16+$0x0], $0xffff  }
0x7eb: {  	v2 =	vadd.f32 v3, v2;
	v3 =	vmul.f32 v9, v4;
	v9 =	vld [tilespmem:$0x1F5C0]  }
0x7ec: {  	v11 =	vmul.f32 v11, v6;
	_ =	sdelay $0x1  }
0x7ed: {  	v10 =	vmul.f32 v10, v4;
	v0 =	vadd.f32 v11, v0;
	_ =	sdelay $0x1  }
0x7ee: {  	v9 =	vmul.f32 v9, v8;
	v0 =	vadd.f32 v10, v0  }
0x7ef: {  	v6 =	vld.idx.msk [tilespmem:v5+s16+$0x0], $0xffff  }
0x7f0: {  	v0 =	vadd.f32 v9, v0;
	v9 =	vld [tilespmem:$0x1F5B0];
	_ =	sdelay $0x4  }
0x7f1: {  	v9 =	vmul.f32 v9, v6  }
0x7f2: {  	v4 =	vld.idx.msk [tilespmem:v1+s16+$0x0], $0xffff  }
0x7f3: {  	v0 =	vadd.f32 v9, v0;
	v9 =	vld [tilespmem:$0x1F5A0]  }
0x7f4: {  	v7 =	vld.idx.msk [tilespmem:v7+s20+$0x0], $0xffff;
	_ =	sdelay $0x3  }
0x7f5: {  	v9 =	vmul.f32 v9, v4  }
0x7f6: {  	v2 =	vadd.f32 v3, v2;
	v3 =	vmul.f32 v7, v8;
	v7 =	vld.idx.msk [tilespmem:v62+s16+$0x0], $0xffff  }
0x7f7: {  	v0 =	vadd.f32 v9, v0;
	v9 =	vld [tilespmem:$0x1F590]  }
0x7f8: {  	v5 =	vld.idx.msk [tilespmem:v5+s20+$0x0], $0xffff;
	_ =	sdelay $0x3  }
0x7f9: {  	v8 =	vld.idx.msk [tilespmem:v62+s20+$0x0], $0xffff;
	v9 =	vmul.f32 v9, v7  }
0x7fa: {  	v2 =	vadd.f32 v3, v2;
	v3 =	vmul.f32 v5, v6;
	v5 =	vld.idx.msk [tilespmem:v60+s16+$0x0], $0xffff  }
0x7fb: {  	v0 =	vadd.f32 v9, v0;
	v9 =	vld [tilespmem:$0x1F580];
	_ =	sdelay $0x2  }
0x7fc: {  	v30 =	vld.idx.msk [tilespmem:v1+s20+$0x0], $0xffff  }
0x7fd: {  	v31 =	vmul.f32 v8, v7;
	v8 =	vld [tilespmem:$0x1F550]  }
0x7fe: {  	v2 =	vadd.f32 v3, v2;
	v3 =	vld.idx.msk [tilespmem:v58+s16+$0x0], $0xffff;
	v9 =	vmul.f32 v9, v5  }
0x7ff: {  	v6 =	vld.idx.msk [tilespmem:v60+s20+$0x0], $0xffff  }
0x800: {  	v0 =	vadd.f32 v9, v0;
	v9 =	vld [tilespmem:$0x1F570];
	_ =	sdelay $0x3  }
0x801: {  	v32 =	vmul.f32 v6, v5;
	v6 =	vld [tilespmem:$0x1F530]  }
0x802: {  	v1 =	vmul.f32 v30, v4;
	v4 =	vld.idx.msk [tilespmem:v58+s20+$0x0], $0xffff;
	v9 =	vmul.f32 v9, v3  }
0x803: {  	v7 =	vld.idx.msk [tilespmem:v8+s16+$0x0], $0xffff  }
0x804: {  	v0 =	vadd.f32 v9, v0;
	v9 =	vld [tilespmem:$0x1F560];
	_ =	sdelay $0x3  }
0x805: {  	v33 =	vmul.f32 v4, v3;
	v4 =	vld [tilespmem:$0x1F510]  }
0x806: {  	v8 =	vld.idx.msk [tilespmem:v8+s20+$0x0], $0xffff;
	v9 =	vmul.f32 v9, v7  }
0x807: {  	v5 =	vld.idx.msk [tilespmem:v6+s16+$0x0], $0xffff  }
0x808: {  	v0 =	vadd.f32 v9, v0;
	v9 =	vld [tilespmem:$0x1F540];
	_ =	sdelay $0x3  }
0x809: {  	v34 =	vmul.f32 v8, v7;
	v8 =	vld [tilespmem:$0x1F4F0]  }
0x80a: {  	v6 =	vld.idx.msk [tilespmem:v6+s20+$0x0], $0xffff;
	v9 =	vmul.f32 v9, v5  }
0x80b: {  	v3 =	vld.idx.msk [tilespmem:v4+s16+$0x0], $0xffff  }
0x80c: {  	v0 =	vadd.f32 v9, v0;
	v9 =	vld [tilespmem:$0x1F520];
	_ =	sdelay $0x3  }
0x80d: {  	v35 =	vmul.f32 v6, v5;
	v6 =	vld [tilespmem:$0x1F4D0]  }
0x80e: {  	v4 =	vld.idx.msk [tilespmem:v4+s20+$0x0], $0xffff;
	v9 =	vmul.f32 v9, v3  }
0x80f: {  	v7 =	vld.idx.msk [tilespmem:v8+s16+$0x0], $0xffff  }
0x810: {  	v0 =	vadd.f32 v9, v0;
	v9 =	vld [tilespmem:$0x1F500];
	_ =	sdelay $0x3  }
0x811: {  	v36 =	vmul.f32 v4, v3;
	v4 =	vld [tilespmem:$0x1F4B0]  }
0x812: {  	v8 =	vld.idx.msk [tilespmem:v8+s20+$0x0], $0xffff;
	v9 =	vmul.f32 v9, v7  }
0x813: {  	v5 =	vld.idx.msk [tilespmem:v6+s16+$0x0], $0xffff  }
0x814: {  	v0 =	vadd.f32 v9, v0;
	v9 =	vld [tilespmem:$0x1F4E0];
	_ =	sdelay $0x3  }
0x815: {  	v37 =	vmul.f32 v8, v7;
	v8 =	vld [tilespmem:$0x1F490]  }
0x816: {  	v6 =	vld.idx.msk [tilespmem:v6+s20+$0x0], $0xffff;
	v9 =	vmul.f32 v9, v5  }
0x817: {  	v3 =	vld.idx.msk [tilespmem:v4+s16+$0x0], $0xffff  }
0x818: {  	v0 =	vadd.f32 v9, v0;
	v9 =	vld [tilespmem:$0x1F4C0];
	_ =	sdelay $0x3  }
0x819: {  	v38 =	vmul.f32 v6, v5;
	v6 =	vld [tilespmem:$0x1F470]  }
0x81a: {  	v4 =	vld.idx.msk [tilespmem:v4+s20+$0x0], $0xffff;
	v9 =	vmul.f32 v9, v3  }
0x81b: {  	v7 =	vld.idx.msk [tilespmem:v8+s16+$0x0], $0xffff  }
0x81c: {  	v0 =	vadd.f32 v9, v0;
	v9 =	vld [tilespmem:$0x1F4A0];
	_ =	sdelay $0x3  }
0x81d: {  	v39 =	vmul.f32 v4, v3;
	v4 =	vld [tilespmem:$0x1F450]  }
0x81e: {  	v8 =	vld.idx.msk [tilespmem:v8+s20+$0x0], $0xffff;
	v9 =	vmul.f32 v9, v7  }
0x81f: {  	v5 =	vld.idx.msk [tilespmem:v6+s16+$0x0], $0xffff  }
0x820: {  	v0 =	vadd.f32 v9, v0;
	v9 =	vld [tilespmem:$0x1F480];
	_ =	sdelay $0x3  }
0x821: {  	v40 =	vmul.f32 v8, v7;
	v8 =	vld [tilespmem:$0x1F430]  }
0x822: {  	v6 =	vld.idx.msk [tilespmem:v6+s20+$0x0], $0xffff;
	v9 =	vmul.f32 v9, v5  }
0x823: {  	v3 =	vld.idx.msk [tilespmem:v4+s16+$0x0], $0xffff  }
0x824: {  	v0 =	vadd.f32 v9, v0;
	v9 =	vld [tilespmem:$0x1F460];
	_ =	sdelay $0x3  }
0x825: {  	v41 =	vmul.f32 v6, v5;
	v6 =	vld [tilespmem:$0x1F410]  }
0x826: {  	v4 =	vld.idx.msk [tilespmem:v4+s20+$0x0], $0xffff;
	v9 =	vmul.f32 v9, v3  }
0x827: {  	v7 =	vld.idx.msk [tilespmem:v8+s16+$0x0], $0xffff  }
0x828: {  	v0 =	vadd.f32 v9, v0;
	v9 =	vld [tilespmem:$0x1F440];
	_ =	sdelay $0x3  }
0x829: {  	v42 =	vmul.f32 v4, v3;
	v4 =	vld [tilespmem:$0x1F3F0]  }
0x82a: {  	v8 =	vld.idx.msk [tilespmem:v8+s20+$0x0], $0xffff;
	v9 =	vmul.f32 v9, v7  }
0x82b: {  	v5 =	vld.idx.msk [tilespmem:v6+s16+$0x0], $0xffff  }
0x82c: {  	v0 =	vadd.f32 v9, v0;
	v9 =	vld [tilespmem:$0x1F420];
	_ =	sdelay $0x3  }
0x82d: {  	v43 =	vmul.f32 v8, v7;
	v8 =	vld [tilespmem:$0x1F3D0]  }
0x82e: {  	v6 =	vld.idx.msk [tilespmem:v6+s20+$0x0], $0xffff;
	v9 =	vmul.f32 v9, v5  }
0x82f: {  	v3 =	vld.idx.msk [tilespmem:v4+s16+$0x0], $0xffff  }
0x830: {  	v0 =	vadd.f32 v9, v0;
	v9 =	vld [tilespmem:$0x1F400];
	_ =	sdelay $0x3  }
0x831: {  	v44 =	vmul.f32 v6, v5;
	v6 =	vld [tilespmem:$0x1F3B0]  }
0x832: {  	v4 =	vld.idx.msk [tilespmem:v4+s20+$0x0], $0xffff;
	v9 =	vmul.f32 v9, v3  }
0x833: {  	v7 =	vld.idx.msk [tilespmem:v8+s16+$0x0], $0xffff  }
0x834: {  	v0 =	vadd.f32 v9, v0;
	v9 =	vld [tilespmem:$0x1F3E0];
	_ =	sdelay $0x3  }
0x835: {  	v45 =	vmul.f32 v4, v3;
	v4 =	vld [tilespmem:$0x1F390]  }
0x836: {  	v8 =	vld.idx.msk [tilespmem:v8+s20+$0x0], $0xffff;
	v9 =	vmul.f32 v9, v7  }
0x837: {  	v5 =	vld.idx.msk [tilespmem:v6+s16+$0x0], $0xffff  }
0x838: {  	v0 =	vadd.f32 v9, v0;
	v9 =	vld [tilespmem:$0x1F3C0];
	_ =	sdelay $0x3  }
0x839: {  	v46 =	vmul.f32 v8, v7;
	v8 =	vld [tilespmem:$0x1F370]  }
0x83a: {  	v6 =	vld.idx.msk [tilespmem:v6+s20+$0x0], $0xffff;
	v9 =	vmul.f32 v9, v5  }
0x83b: {  	v3 =	vld.idx.msk [tilespmem:v4+s16+$0x0], $0xffff  }
0x83c: {  	v0 =	vadd.f32 v9, v0;
	v9 =	vld [tilespmem:$0x1F3A0];
	_ =	sdelay $0x3  }
0x83d: {  	v47 =	vmul.f32 v6, v5;
	v6 =	vld [tilespmem:$0x1F350]  }
0x83e: {  	v4 =	vld.idx.msk [tilespmem:v4+s20+$0x0], $0xffff;
	v9 =	vmul.f32 v9, v3  }
0x83f: {  	v7 =	vld.idx.msk [tilespmem:v8+s16+$0x0], $0xffff  }
0x840: {  	v0 =	vadd.f32 v9, v0;
	v9 =	vld [tilespmem:$0x1F380];
	_ =	sdelay $0x3  }
0x841: {  	v48 =	vmul.f32 v4, v3;
	v4 =	vld [tilespmem:$0x1F330]  }
0x842: {  	v8 =	vld.idx.msk [tilespmem:v8+s20+$0x0], $0xffff;
	v9 =	vmul.f32 v9, v7  }
0x843: {  	v5 =	vld.idx.msk [tilespmem:v6+s16+$0x0], $0xffff  }
0x844: {  	v0 =	vadd.f32 v9, v0;
	v9 =	vld [tilespmem:$0x1F360];
	_ =	sdelay $0x3  }
0x845: {  	v49 =	vmul.f32 v8, v7;
	v8 =	vld [tilespmem:$0x1F310]  }
0x846: {  	v6 =	vld.idx.msk [tilespmem:v6+s20+$0x0], $0xffff;
	v9 =	vmul.f32 v9, v5  }
0x847: {  	v3 =	vld.idx.msk [tilespmem:v4+s16+$0x0], $0xffff  }
0x848: {  	v0 =	vadd.f32 v9, v0;
	v9 =	vld [tilespmem:$0x1F340];
	_ =	sdelay $0x3  }
0x849: {  	v50 =	vmul.f32 v6, v5;
	v6 =	vld [tilespmem:$0x1F2F0]  }
0x84a: {  	v4 =	vld.idx.msk [tilespmem:v4+s20+$0x0], $0xffff;
	v9 =	vmul.f32 v9, v3  }
0x84b: {  	v7 =	vld.idx.msk [tilespmem:v8+s16+$0x0], $0xffff  }
0x84c: {  	v0 =	vadd.f32 v9, v0;
	v9 =	vld [tilespmem:$0x1F320];
	_ =	sdelay $0x3  }
0x84d: {  	v51 =	vmul.f32 v4, v3;
	v4 =	vld [tilespmem:$0x1F2D0]  }
0x84e: {  	v1 =	vadd.f32 v1, v2;
	v8 =	vld.idx.msk [tilespmem:v8+s20+$0x0], $0xffff;
	v9 =	vmul.f32 v9, v7  }
0x84f: {  	v5 =	vld.idx.msk [tilespmem:v6+s16+$0x0], $0xffff  }
0x850: {  	v1 =	vadd.f32 v31, v1;
	v0 =	vadd.f32 v9, v0;
	v9 =	vld [tilespmem:$0x1F300];
	_ =	sdelay $0x1  }
0x851: {  	v1 =	vadd.f32 v32, v1;
	_ =	sdelay $0x1  }
0x852: {  	v1 =	vadd.f32 v33, v1;
	v52 =	vmul.f32 v8, v7;
	v8 =	vld [tilespmem:$0x1F2B0]  }
0x853: {  	v6 =	vld.idx.msk [tilespmem:v6+s20+$0x0], $0xffff;
	v9 =	vmul.f32 v9, v5  }
0x854: {  	v1 =	vadd.f32 v34, v1;
	v3 =	vld.idx.msk [tilespmem:v4+s16+$0x0], $0xffff  }
0x855: {  	v0 =	vadd.f32 v9, v0;
	v9 =	vld [tilespmem:$0x1F2E0]  }
0x856: {  	v1 =	vadd.f32 v35, v1;
	_ =	sdelay $0x1  }
0x857: {  	v1 =	vadd.f32 v36, v1  }
0x858: {  	v53 =	vmul.f32 v6, v5;
	v6 =	vld [tilespmem:$0x1F290]  }
0x859: {  	v1 =	vadd.f32 v37, v1;
	v4 =	vld.idx.msk [tilespmem:v4+s20+$0x0], $0xffff;
	v9 =	vmul.f32 v9, v3  }
0x85a: {  	v7 =	vld.idx.msk [tilespmem:v8+s16+$0x0], $0xffff  }
0x85b: {  	v1 =	vadd.f32 v38, v1;
	v0 =	vadd.f32 v9, v0;
	v9 =	vld [tilespmem:$0x1F2C0];
	_ =	sdelay $0x1  }
0x85c: {  	v1 =	vadd.f32 v39, v1;
	_ =	sdelay $0x1  }
0x85d: {  	v1 =	vadd.f32 v40, v1;
	v55 =	vmul.f32 v4, v3;
	v4 =	vld [tilespmem:$0x1F270]  }
0x85e: {  	v8 =	vld.idx.msk [tilespmem:v8+s20+$0x0], $0xffff;
	v9 =	vmul.f32 v9, v7  }
0x85f: {  	v1 =	vadd.f32 v41, v1;
	v5 =	vld.idx.msk [tilespmem:v6+s16+$0x0], $0xffff  }
0x860: {  	v0 =	vadd.f32 v9, v0;
	v9 =	vld [tilespmem:$0x1F2A0]  }
0x861: {  	v1 =	vadd.f32 v42, v1;
	_ =	sdelay $0x1  }
0x862: {  	v1 =	vadd.f32 v43, v1  }
0x863: {  	v57 =	vmul.f32 v8, v7;
	v8 =	vld [tilespmem:$0x1F250]  }
0x864: {  	v1 =	vadd.f32 v44, v1;
	v6 =	vld.idx.msk [tilespmem:v6+s20+$0x0], $0xffff;
	v9 =	vmul.f32 v9, v5  }
0x865: {  	v3 =	vld.idx.msk [tilespmem:v4+s16+$0x0], $0xffff  }
0x866: {  	v1 =	vadd.f32 v45, v1;
	v0 =	vadd.f32 v9, v0;
	v9 =	vld [tilespmem:$0x1F280];
	_ =	sdelay $0x1  }
0x867: {  	v1 =	vadd.f32 v46, v1  }
0x868: {  	v58 =	vmul.f32 v6, v5;
	v6 =	vld [tilespmem:$0x1F230]  }
0x869: {  	v1 =	vadd.f32 v47, v1;
	v4 =	vld.idx.msk [tilespmem:v4+s20+$0x0], $0xffff  }
0x86a: {  	v9 =	vmul.f32 v9, v3  }
0x86b: {  	v1 =	vadd.f32 v48, v1;
	v7 =	vld.idx.msk [tilespmem:v8+s16+$0x0], $0xffff  }
0x86c: {  	v0 =	vadd.f32 v9, v0;
	v9 =	vld [tilespmem:$0x1F260]  }
0x86d: {  	v1 =	vadd.f32 v49, v1  }
0x86e: {  	v59 =	vmul.f32 v4, v3;
	v4 =	vld [tilespmem:$0x1F210]  }
0x86f: {  	v1 =	vadd.f32 v50, v1;
	v8 =	vld.idx.msk [tilespmem:v8+s20+$0x0], $0xffff;
	_ =	sdelay $0x1  }
0x870: {  	v1 =	vadd.f32 v51, v1;
	v5 =	vld.idx.msk [tilespmem:v6+s16+$0x0], $0xffff;
	v9 =	vmul.f32 v9, v7  }
0x871: {  	v6 =	vld.idx.msk [tilespmem:v6+s20+$0x0], $0xffff  }
0x872: {  	v1 =	vadd.f32 v52, v1;
	v0 =	vadd.f32 v9, v0;
	v9 =	vld [tilespmem:$0x1F240]  }
0x873: {  	v60 =	vmul.f32 v8, v7;
	v8 =	vld [tilespmem:$0x1F1F0]  }
0x874: {  	v1 =	vadd.f32 v53, v1  }
0x875: {  	v3 =	vld.idx.msk [tilespmem:v4+s16+$0x0], $0xffff  }
0x876: {  	v1 =	vadd.f32 v55, v1;
	v4 =	vld.idx.msk [tilespmem:v4+s20+$0x0], $0xffff  }
0x877: {  	v61 =	vmul.f32 v6, v5;
	v9 =	vmul.f32 v9, v5;
	v5 =	vld [tilespmem:$0x1F220]  }
0x878: {  	v1 =	vadd.f32 v57, v1;
	_ =	sdelay $0x1  }
0x879: {  	v1 =	vadd.f32 v58, v1  }
0x87a: {  	v7 =	vld.idx.msk [tilespmem:v8+s16+$0x0], $0xffff  }
0x87b: {  	v1 =	vadd.f32 v59, v1;
	v62 =	vmul.f32 v4, v3;
	v5 =	vmul.f32 v5, v3;
	v3 =	vld [tilespmem:$0x1F200]  }
0x87c: {  	v8 =	vld.idx.msk [tilespmem:v8+s20+$0x0], $0xffff  }
0x87d: {  	v1 =	vadd.f32 v60, v1  }
0x87e: {  	v0 =	vadd.f32 v9, v0  }
0x87f: {  	v1 =	vadd.f32 v61, v1  }
0x880: {  	v0 =	vadd.f32 v5, v0;
	v3 =	vmul.f32 v3, v7  }
0x881: {  	v1 =	vadd.f32 v62, v1;
	v63 =	vmul.f32 v8, v7  }
0x882: {  	v0 =	vadd.f32 v3, v0  }
0x883: {  	s28 =	sadd.s32 $0x10, s28;
	v1 =	vadd.f32 v63, v1  }
0x884: {  	s31 =	sadd.s32 $0x10, s29;
	[tilespmem:s28+$0x0] =	vst v0  }
0x885: {  	[tilespmem:s31+$0x0] =	vst v1  }
0x886: {  	[hbm4b:s8+s1] =	stream.linear.scatter [tilespmem:s24], [sflag:$0x4], $0x200, $0x38;
	[tilespmem:$0x18D00] =	vst v63  }
0x887: {  	_ =	swait.ge [sflag:s11], $0x200  }
0x888: {  	[sflag:s11] =	ssyncset.done $0x0  }
0x889: {  	[sflag:s11] =	ssyncadd.s32 $0xFFFFFE00  }
0x88a: {  	[hbm4b:s9+s1] =	stream.linear.scatter [tilespmem:s25], [sflag:$0x4], $0x200, $0x38;
	[tilespmem:$0x18D00] =	vst v63  }
0x88b: {  	_ =	swait.ge [sflag:s11], $0x200  }
0x88c: {  	v5 =	vld [tilespmem:$0x1FFE0]  }
0x88d: {  	v50 =	vld [tilespmem:$0x1FFF0]  }
0x88e: {  	v55 =	vld [tilespmem:$0x1FEC0]  }
0x88f: {  	v7 =	vld [tilespmem:$0x1FED0]  }
0x890: {  	v8 =	vld [tilespmem:$0x1FEE0]  }
0x891: {  	v9 =	vld [tilespmem:$0x1FEF0]  }
0x892: {  	v10 =	vld [tilespmem:$0x1FF00]  }
0x893: {  	v11 =	vld [tilespmem:$0x1FF10]  }
0x894: {  	v23 =	vld [tilespmem:$0x1FF20]  }
0x895: {  	v22 =	vld [tilespmem:$0x1FF30]  }
0x896: {  	v24 =	vld [tilespmem:$0x1FF40]  }
0x897: {  	v20 =	vld [tilespmem:$0x1FF50]  }
0x898: {  	v19 =	vld [tilespmem:$0x1FF60]  }
0x899: {  	s26 =	sadd.s32 $0x1, s26;
	v18 =	vld [tilespmem:$0x1FF70]  }
0x89a: {  	p0 =	sne.s32 s26, s10;
	v26 =	vld [tilespmem:$0x1FF80]  }
.Ltmp4:
0x89b: {  	v16 =	vld [tilespmem:$0x1FF90];
	(pc) =	sbr.rel @p0 .LBB2_1-.Ltmp4, $4  }
0x89c: {  	v13 =	vld [tilespmem:$0x1FFA0]  }
0x89d: {  	v15 =	vld [tilespmem:$0x1FFB0]  }
0x89e: {  	[sflag:s11] =	ssyncset.done $0x0;
	v12 =	vld [tilespmem:$0x1FFC0]  }
0x89f: {  	v14 =	vld [tilespmem:$0x1FFD0];
	[sflag:s11] =	ssyncadd.s32 $0xFFFFFE00  }
0x8a0: {  	_ =	sfence.sel $0x180000  }
0x8a1: {  	[bflag:$0x0] =	sbarrier.arrive $0xFFFF  }
0x8a2: {  	p0 =	sne.s32 s2, $0x0;
	_ =	strace $0x90000047  }
0x8a3: {  	s0 =	sadd.s32 @!p0 $0x100000, s0;
	[bflag:$0x2] =	sbarrier.arrive $0xFFFF  }
0x8a4: {  	[sflag:s0] =	ssyncadd.tile.s32 @!p0 $0x1;
	_ =	shalt  }
.Lfunc_end2:
_tile_overlayer_lowered:
.L_overlay_start_2:
0x8a5: {  	(tag) =	ssettag $0x2  }
0x8a6: {  	s0 =	rddreg [dreg:$0x0];
	s2 =	stileid.u32  }
0x8a7: {  	s1 =	rddreg [dreg:$0x1];
	p0 =	sne.s32 s2, $0x0  }
0x8a8: {  	s3 =	rddreg [dreg:$0x2];
	[bflag:$0x3] =	sbarrier.arrive $0xFFFF;
	s2 =	simm.s32 @!p0 $0x1C04  }
0x8a9: {  	[timem:s3], [sflag:s2] =	dma.local @!p0 [hbm:s0], s1  }
0x8aa: {  	s0 =	simm.s32 @!p0 $0x4  }
0x8ab: {  	_ =	swait.ge @!p0 [sflag:s0], s1  }
0x8ac: {  	s1 =	ssub.s32 @!p0 $0x0, s1;
	[sflag:s0] =	ssyncset.done @!p0 $0x0  }
0x8ad: {  	[sflag:s0] =	ssyncadd.s32 @!p0 s1  }
0x8ae: {  	[bflag:$0x3] =	sbarrier.arrive $0xFFFF  }
0x8af: {  	_ =	shalt  }

</sc_bundles>
